<compile_context>
chip_gen: v7x
topology: tpu7x:2x2x1
jax: 0.10.2.dev20260603
libtpu: 0.0.44.dev20260713+nightly
codegen_flags: <defaults>
</compile_context>

<pallas_src>
import functools

import jax
import jax.numpy as jnp
from jax import lax
from jax.experimental import pallas as pl
from jax.experimental.pallas import tpu as pltpu
from jax.experimental.pallas import tpu_sc as plsc

N = 10000
E = 320000
D = 128
DH = D // 2
CAT = 4 * D

NC = 2
NS = 16
NW = NC * NS

CH = 128
K = 8
KB = 4
E2 = 327680
RPW = E2 // (NW * CH)
RPT = E2 // (NS * CH)
GROUPS_D = RPW // K
NGRP = RPT // KB

NPAD = 10112
LT = NPAD // NS
WCH = 104
WREM = LT - 6 * WCH
DEGW = 8

BR = 1000



def _sc_mesh():
    return plsc.VectorSubcoreMesh(
        core_axis_name="c", subcore_axis_name="s", num_cores=NC, num_subcores=NS
    )


@functools.cache
def _sc_degree_kernel():
    return functools.partial(
        pl.kernel,
        out_type=jax.ShapeDtypeStruct((NC, N, DEGW), jnp.float32),
        mesh=_sc_mesh(),
        compiler_params=pltpu.CompilerParams(use_tc_tiling_on_sc=False),
        scratch_types=[
            pltpu.VMEM((K, CH), jnp.int32),
            pltpu.VMEM((CH, DEGW), jnp.float32),
            pltpu.VMEM((CH, DEGW), jnp.float32),
            pltpu.VMEM_SHARED((NPAD, DEGW), jnp.float32),
            pltpu.SemaphoreType.DMA,
        ],
    )(_sc_degree_body)


def _sc_degree_body(const_hbm, dst2_hbm, out_hbm, didx, ones, stage, acc, sem):
    cid = lax.axis_index("c")
    sid = lax.axis_index("s")
    eid = cid * NS + sid

    pltpu.sync_copy(const_hbm.at[0], ones)
    pltpu.sync_copy(const_hbm.at[1], stage)

    def zero_chunk(z, _):
        pltpu.sync_copy(stage.at[pl.ds(0, WCH), :],
                        acc.at[pl.ds(sid * LT + z * WCH, WCH), :])
        return 0

    lax.fori_loop(0, LT // WCH, zero_chunk, 0)
    pltpu.sync_copy(stage.at[pl.ds(0, WREM), :],
                    acc.at[pl.ds(sid * LT + (LT // WCH) * WCH, WREM), :])
    plsc.subcore_barrier()

    def group(g, _):
        row0 = eid * RPW + g * K
        pltpu.sync_copy(dst2_hbm.at[pl.ds(row0, K), :], didx)
        cps = [
            pltpu.async_copy(ones, acc.at[didx.at[k]], sem, add=True)
            for k in range(K)
        ]
        for c in cps:
            c.wait()
        return 0

    lax.fori_loop(0, GROUPS_D, group, 0)
    plsc.subcore_barrier()

    nch = lax.select(sid == NS - 1, (N - (NS - 1) * LT) // WCH, LT // WCH)

    def write_chunk(z, _):
        r0 = sid * LT + z * WCH
        pltpu.sync_copy(acc.at[pl.ds(r0, WCH), :], stage.at[pl.ds(0, WCH), :])
        pltpu.sync_copy(stage.at[pl.ds(0, WCH), :], out_hbm.at[cid, pl.ds(r0, WCH), :])
        return 0

    lax.fori_loop(0, nch, write_chunk, 0)

    @pl.when(sid < NS - 1)
    def _():
        r0 = sid * LT + 6 * WCH
        pltpu.sync_copy(acc.at[pl.ds(r0, WREM), :], stage.at[pl.ds(0, WREM), :])
        pltpu.sync_copy(stage.at[pl.ds(0, WREM), :], out_hbm.at[cid, pl.ds(r0, WREM), :])


@functools.cache
def _sc_aggregate_kernel():
    return functools.partial(
        pl.kernel,
        out_type=jax.ShapeDtypeStruct((NC, N, DH), jnp.float32),
        mesh=_sc_mesh(),
        compiler_params=pltpu.CompilerParams(use_tc_tiling_on_sc=False),
        scratch_types=[
            pltpu.VMEM((2, K, CH), jnp.int32),
            pltpu.VMEM((2, K, CH), jnp.int32),
            pltpu.VMEM((KB, CH, DH), jnp.float32),
            pltpu.VMEM((KB, CH, DH), jnp.float32),
            pltpu.VMEM((CH, DH), jnp.float32),
            pltpu.VMEM_SHARED((NPAD, DH), jnp.float32),
            pltpu.SemaphoreType.DMA,
            pltpu.SemaphoreType.DMA,
        ],
    )(_sc_aggregate_body)


def _sc_aggregate_body(mpa_hbm, mpb_hbm, src2_hbm, dst2_hbm, out_hbm,
                       sidx, didx, rows_a, rows_b, stage, acc, sem, ssem):
    cid = lax.axis_index("c")
    sid = lax.axis_index("s")

    def zero_row(r, _):
        def zero_col(c, _):
            stage[r, pl.ds(c * 16, 16)] = jnp.zeros((16,), jnp.float32)
            return 0

        lax.fori_loop(0, DH // 16, zero_col, 0)
        return 0

    lax.fori_loop(0, CH, zero_row, 0)

    def zero_chunk(z, _):
        pltpu.sync_copy(stage.at[pl.ds(0, WCH), :],
                        acc.at[pl.ds(sid * LT + z * WCH, WCH), :])
        return 0

    lax.fori_loop(0, LT // WCH, zero_chunk, 0)
    pltpu.sync_copy(stage.at[pl.ds(0, WREM), :],
                    acc.at[pl.ds(sid * LT + (LT // WCH) * WCH, WREM), :])
    plsc.subcore_barrier()

    def make_pipeline(mp_hbm):
        NBODY = RPT // K

        def run():
            pltpu.sync_copy(src2_hbm.at[pl.ds(sid * RPT, K), :], sidx.at[0])
            pltpu.sync_copy(dst2_hbm.at[pl.ds(sid * RPT, K), :], didx.at[0])

            def body(t, _):
                slot = t % 2
                ag = [
                    pltpu.async_copy(mp_hbm.at[sidx.at[slot, k]], rows_a.at[k], sem)
                    for k in range(KB)
                ]
                for c in ag:
                    c.wait()

                @pl.when(t > 0)
                def _():
                    for k in range(KB):
                        pltpu.make_async_copy(
                            rows_b.at[k],
                            acc.at[didx.at[(t + 1) % 2, KB + k]],
                            ssem,
                        ).wait()

                a_sc = [
                    pltpu.async_copy(rows_a.at[k], acc.at[didx.at[slot, k]], ssem, add=True)
                    for k in range(KB)
                ]
                bg = [
                    pltpu.async_copy(mp_hbm.at[sidx.at[slot, KB + k]], rows_b.at[k], sem)
                    for k in range(KB)
                ]
                for c in bg:
                    c.wait()

                @pl.when(t < NBODY - 1)
                def _():
                    row0 = sid * RPT + (t + 1) * K
                    pltpu.sync_copy(src2_hbm.at[pl.ds(row0, K), :], sidx.at[(t + 1) % 2])
                    pltpu.sync_copy(dst2_hbm.at[pl.ds(row0, K), :], didx.at[(t + 1) % 2])

                for c in a_sc:
                    c.wait()
                for k in range(KB):
                    pltpu.async_copy(rows_b.at[k], acc.at[didx.at[slot, KB + k]], ssem, add=True)
                return 0

            lax.fori_loop(0, NBODY, body, 0)
            for k in range(KB):
                pltpu.make_async_copy(
                    rows_b.at[k],
                    acc.at[didx.at[(NBODY - 1) % 2, KB + k]],
                    ssem,
                ).wait()

        return run

    @pl.when(cid == 0)
    def _():
        make_pipeline(mpa_hbm)()

    @pl.when(cid == 1)
    def _():
        make_pipeline(mpb_hbm)()

    plsc.subcore_barrier()

    nch = lax.select(sid == NS - 1, (N - (NS - 1) * LT) // WCH, LT // WCH)

    def write_chunk(z, _):
        r0 = sid * LT + z * WCH
        pltpu.sync_copy(acc.at[pl.ds(r0, WCH), :], stage.at[pl.ds(0, WCH), :])
        pltpu.sync_copy(stage.at[pl.ds(0, WCH), :], out_hbm.at[cid, pl.ds(r0, WCH), :])
        return 0

    lax.fori_loop(0, nch, write_chunk, 0)

    @pl.when(sid < NS - 1)
    def _():
        r0 = sid * LT + 6 * WCH
        pltpu.sync_copy(acc.at[pl.ds(r0, WREM), :], stage.at[pl.ds(0, WREM), :])
        pltpu.sync_copy(stage.at[pl.ds(0, WREM), :], out_hbm.at[cid, pl.ds(r0, WREM), :])



def _first(x, w1, degp):
    def body(x_ref, w_ref, dg_ref, dv_ref, ma_ref, mb_ref):
        dv = lax.rsqrt(dg_ref[0] + dg_ref[1] + 1.0)
        dv_ref[...] = dv
        m = jnp.dot(x_ref[...], w_ref[...], preferred_element_type=jnp.float32) * dv[:, 0:1]
        ma_ref[...] = m[:, :DH]
        mb_ref[...] = m[:, DH:]

    return pl.pallas_call(
        body,
        grid=(N // BR,),
        in_specs=[
            pl.BlockSpec((BR, D), lambda i: (i, 0)),
            pl.BlockSpec((D, D), lambda i: (0, 0)),
            pl.BlockSpec((NC, BR, DEGW), lambda i: (0, i, 0)),
        ],
        out_specs=[
            pl.BlockSpec((BR, DEGW), lambda i: (i, 0)),
            pl.BlockSpec((BR, DH), lambda i: (i, 0)),
            pl.BlockSpec((BR, DH), lambda i: (i, 0)),
        ],
        out_shape=[
            jax.ShapeDtypeStruct((N, DEGW), jnp.float32),
            jax.ShapeDtypeStruct((N, DH), jnp.float32),
            jax.ShapeDtypeStruct((N, DH), jnp.float32),
        ],
    )(x, w1, degp)


def _mid(aggp, ma, mb, dinv, b, w):
    def body(a_ref, ma_ref, mb_ref, dv_ref, b_ref, w_ref, h_ref, mna_ref, mnb_ref):
        dv = dv_ref[:, 0:1]
        agg = jnp.concatenate([a_ref[0] + ma_ref[...], a_ref[1] + mb_ref[...]], axis=1)
        h = dv * agg + b_ref[...]
        h_ref[...] = h
        mn = jnp.dot(dv * h, w_ref[...], preferred_element_type=jnp.float32)
        mna_ref[...] = mn[:, :DH]
        mnb_ref[...] = mn[:, DH:]

    return pl.pallas_call(
        body,
        grid=(N // BR,),
        in_specs=[
            pl.BlockSpec((NC, BR, DH), lambda i: (0, i, 0)),
            pl.BlockSpec((BR, DH), lambda i: (i, 0)),
            pl.BlockSpec((BR, DH), lambda i: (i, 0)),
            pl.BlockSpec((BR, DEGW), lambda i: (i, 0)),
            pl.BlockSpec((1, D), lambda i: (0, 0)),
            pl.BlockSpec((D, D), lambda i: (0, 0)),
        ],
        out_specs=[
            pl.BlockSpec((BR, D), lambda i: (i, 0)),
            pl.BlockSpec((BR, DH), lambda i: (i, 0)),
            pl.BlockSpec((BR, DH), lambda i: (i, 0)),
        ],
        out_shape=[
            jax.ShapeDtypeStruct((N, D), jnp.float32),
            jax.ShapeDtypeStruct((N, DH), jnp.float32),
            jax.ShapeDtypeStruct((N, DH), jnp.float32),
        ],
    )(aggp, ma, mb, dinv, b, w)


def _final(x, hs, wp, bp):
    def body(x_ref, hs_ref, wp_ref, bp_ref, o_ref):
        acc = jnp.dot(x_ref[...], wp_ref[0:D], preferred_element_type=jnp.float32)
        acc = acc + jnp.dot(hs_ref[0], wp_ref[D:2 * D], preferred_element_type=jnp.float32)
        acc = acc + jnp.dot(hs_ref[1], wp_ref[2 * D:3 * D], preferred_element_type=jnp.float32)
        acc = acc + jnp.dot(hs_ref[2], wp_ref[3 * D:4 * D], preferred_element_type=jnp.float32)
        o_ref[...] = acc + bp_ref[...]

    return pl.pallas_call(
        body,
        grid=(N // BR,),
        in_specs=[
            pl.BlockSpec((BR, D), lambda i: (i, 0)),
            pl.BlockSpec((3, BR, D), lambda i: (0, i, 0)),
            pl.BlockSpec((CAT, D), lambda i: (0, 0)),
            pl.BlockSpec((1, D), lambda i: (0, 0)),
        ],
        out_specs=pl.BlockSpec((BR, D), lambda i: (i, 0)),
        out_shape=jax.ShapeDtypeStruct((N, D), jnp.float32),
    )(x, hs, wp, bp)



def kernel(x, edge_index, W1, b1, W2, b2, W3, b3, Wp, bp):
    pad = E2 - E
    pad_ar = jnp.arange(pad, dtype=jnp.int32)
    src = jnp.concatenate([edge_index[0], pad_ar % N])
    dst = jnp.concatenate([edge_index[1], N + pad_ar % (NPAD - N)])
    src2 = src.reshape(E2 // CH, CH)
    dst2 = dst.reshape(E2 // CH, CH)
    b1r = b1.reshape(1, D)
    b2r = b2.reshape(1, D)
    b3r = b3.reshape(1, D)
    bpr = bp.reshape(1, D)

    sc_degree = _sc_degree_kernel()
    sc_aggregate = _sc_aggregate_kernel()

    const = jnp.stack([jnp.ones((CH, DEGW), jnp.float32),
                       jnp.zeros((CH, DEGW), jnp.float32)])
    degp = sc_degree(const, dst2)
    dinv, m1a, m1b = _first(x, W1, degp)

    wnext = jnp.stack([W2, W3, jnp.zeros_like(W3)])
    bstack = jnp.stack([b1r, b2r, b3r])

    def step(carry, xs):
        ma, mb = carry
        wn, bk = xs
        a = sc_aggregate(ma, mb, src2, dst2)
        h, mna, mnb = _mid(a, ma, mb, dinv, bk, wn)
        return (mna, mnb), h

    _, hs = lax.scan(step, (m1a, m1b), (wnext, bstack))
    return _final(x, hs, Wp, bpr)

# --- scband reference (transcript-rebuilt; emitter-appended) ---
"""Pipeline reference for scband-node-embedder-16192026706029 (READ-ONLY COPY).

The authoritative reference and input builder live on the scoring server;
editing this copy changes nothing except your own understanding.
"""

import jax, jax.numpy as jnp
import numpy as np

N = 10000
E = 320000
D_FEAT = 128
HIDDEN = 128
EMB = 128
NUM_CONVS = 3
CAT_DIM = D_FEAT + NUM_CONVS * HIDDEN  # jump_mode='cat', no preprocess


def _glorot(key, fan_in, fan_out):
    lim = float(np.sqrt(6.0 / (fan_in + fan_out)))
    return jax.random.uniform(key, (fan_in, fan_out), jnp.float32, -lim, lim)


def setup_inputs(seed: int = 0) -> dict:
    key = jax.random.key(seed)
    ks = jax.random.split(key, 10)
    x = jax.random.normal(ks[0], (N, D_FEAT), dtype=jnp.float32)
    edge_index = jax.random.randint(ks[1], (2, E), 0, N).astype(jnp.int32)
    W1 = _glorot(ks[2], D_FEAT, HIDDEN)
    b1 = jnp.zeros((HIDDEN,), jnp.float32)
    W2 = _glorot(ks[3], HIDDEN, HIDDEN)
    b2 = jnp.zeros((HIDDEN,), jnp.float32)
    W3 = _glorot(ks[4], HIDDEN, HIDDEN)
    b3 = jnp.zeros((HIDDEN,), jnp.float32)
    Wp = _glorot(ks[5], CAT_DIM, EMB)
    bp = jnp.zeros((EMB,), jnp.float32)
    return {"x": x, "edge_index": edge_index, "W1": W1, "b1": b1, "W2": W2, "b2": b2, "W3": W3, "b3": b3, "Wp": Wp, "bp": bp}


def reference(x, edge_index, W1, b1, W2, b2, W3, b3, Wp, bp):
    # GCNConv semantics: add self-loops, symmetric deg^-1/2 normalization,
    # linear transform, scatter-add aggregation, bias. No nonlinearity
    # between convs (NodeEmbedder.forward applies none). Dropout p=0.0 is identity.
    src = edge_index[0]
    dst = edge_index[1]
    loop = jnp.arange(N, dtype=src.dtype)
    src_f = jnp.concatenate([src, loop])
    dst_f = jnp.concatenate([dst, loop])
    deg = jnp.zeros((N,), jnp.float32).at[dst_f].add(1.0)
    dinv = jnp.where(deg > 0, jax.lax.rsqrt(deg), 0.0)
    norm = dinv[src_f] * dinv[dst_f]

    def conv(h, W, b):
        hw = h @ W
        msg = jnp.take(hw, src_f, axis=0) * norm[:, None]
        agg = jax.ops.segment_sum(msg, dst_f, num_segments=N)
        return agg + b

    h1 = conv(x, W1, b1)
    h2 = conv(h1, W2, b2)
    h3 = conv(h2, W3, b3)
    # JumpingKnowledge(mode='cat'): concat [X, h1, h2, h3]
    cat = jnp.concatenate([x, h1, h2, h3], axis=1)
    # postprocess MLP (num_layers=1 -> single linear CAT_DIM -> EMB)
    out = cat @ Wp + bp
    return out

if __name__ == "__main__":
    import jax
    _d = setup_inputs()
    print(jax.jit(kernel)(*tuple(_d.values())))

</pallas_src>

<mosaic_0001>
#map = affine_map<(d0, d1) -> (0, 0, 0)>
#map1 = affine_map<(d0, d1) -> (0, 0)>
module attributes {stable_mosaic.version = 14 : i64} {
  func.func @_sc_degree_body(%arg0: i32, %arg1: i32, %arg2: memref<2x128x8xf32, #tpu.memory_space<hbm>>, %arg3: memref<2560x128xi32, #tpu.memory_space<hbm>>, %arg4: memref<2x10000x8xf32, #tpu.memory_space<hbm>>, %arg5: memref<8x128xi32, #tpu.memory_space<vmem>>, %arg6: memref<128x8xf32, #tpu.memory_space<vmem>>, %arg7: memref<128x8xf32, #tpu.memory_space<vmem>>, %arg8: memref<10112x8xf32, #tpu.memory_space<vmem_shared>>, %arg9: memref<!tpu.dma_semaphore, #tpu.memory_space<semaphore_mem>>) attributes {dimension_semantics = [#tpu.dimension_semantics<core_parallel>, #tpu.dimension_semantics<subcore_parallel>], iteration_bounds = array<i64: 2, 16>, scalar_prefetch = 0 : i64, scratch_operands = 5 : i64, tpu.core_type = #tpu.core_type<sc_vector_subcore>, window_params = [{transform_indices = #map}, {transform_indices = #map1}, {transform_indices = #map}]} {
    %mul3A = arith.constant 16 : i32
    %mul3A_0 = arith.muli %arg0, %mul3A : i32
    %add3A = arith.addi %mul3A_0, %arg1 : i32
    %run_scoped3A = arith.constant 0 : i32
    "tpu.region"() ({
      %run_scoped3A_36 = tpu.sem_alloc : memref<!tpu.dma_semaphore, #tpu.memory_space<semaphore_mem>>
      %dma_start3A = arith.constant 0 : i32
      %dma_start3A_37 = arith.constant 0 : i32
      %dma_start3A_38 = tpu.memref_slice %arg2[%run_scoped3A, %dma_start3A, %dma_start3A_37] : memref<2x128x8xf32, #tpu.memory_space<hbm>> -> memref<1x128x8xf32, #tpu.memory_space<hbm>>
      %dma_start3A_39 = tpu.memref_squeeze %dma_start3A_38 : memref<1x128x8xf32, #tpu.memory_space<hbm>> -> memref<128x8xf32, #tpu.memory_space<hbm>>
      %dma_start3A_40 = arith.constant 0 : i32
      %dma_start3A_41 = arith.constant 0 : i32
      %dma_start3A_42 = tpu.memref_slice %arg2[%run_scoped3A, %dma_start3A_40, %dma_start3A_41] : memref<2x128x8xf32, #tpu.memory_space<hbm>> -> memref<1x128x8xf32, #tpu.memory_space<hbm>>
      %dma_start3A_43 = tpu.memref_squeeze %dma_start3A_42 : memref<1x128x8xf32, #tpu.memory_space<hbm>> -> memref<128x8xf32, #tpu.memory_space<hbm>>
      tpu.enqueue_dma source(%dma_start3A_43 : memref<128x8xf32, #tpu.memory_space<hbm>>) target(%arg6 : memref<128x8xf32, #tpu.memory_space<vmem>>) target_semaphore(%run_scoped3A_36 : memref<!tpu.dma_semaphore, #tpu.memory_space<semaphore_mem>>)
      %dma_wait3A = arith.constant 0 : i32
      %dma_wait3A_44 = arith.constant 0 : i32
      %dma_wait3A_45 = tpu.memref_slice %arg2[%run_scoped3A, %dma_wait3A, %dma_wait3A_44] : memref<2x128x8xf32, #tpu.memory_space<hbm>> -> memref<1x128x8xf32, #tpu.memory_space<hbm>>
      %dma_wait3A_46 = tpu.memref_squeeze %dma_wait3A_45 : memref<1x128x8xf32, #tpu.memory_space<hbm>> -> memref<128x8xf32, #tpu.memory_space<hbm>>
      %dma_wait3A_47 = arith.constant 0 : i32
      %dma_wait3A_48 = arith.constant 0 : i32
      %dma_wait3A_49 = tpu.memref_slice %arg2[%run_scoped3A, %dma_wait3A_47, %dma_wait3A_48] : memref<2x128x8xf32, #tpu.memory_space<hbm>> -> memref<1x128x8xf32, #tpu.memory_space<hbm>>
      %dma_wait3A_50 = tpu.memref_squeeze %dma_wait3A_49 : memref<1x128x8xf32, #tpu.memory_space<hbm>> -> memref<128x8xf32, #tpu.memory_space<hbm>>
      tpu.wait_dma2 semaphore(%run_scoped3A_36 : memref<!tpu.dma_semaphore, #tpu.memory_space<semaphore_mem>>) src(%dma_wait3A_50 : memref<128x8xf32, #tpu.memory_space<hbm>>) dst(%arg6 : memref<128x8xf32, #tpu.memory_space<vmem>>)
      tpu.yield
    }) : () -> ()
    %run_scoped3A_1 = arith.constant 1 : i32
    "tpu.region"() ({
      %run_scoped3A_36 = tpu.sem_alloc : memref<!tpu.dma_semaphore, #tpu.memory_space<semaphore_mem>>
      %dma_start3A = arith.constant 0 : i32
      %dma_start3A_37 = arith.constant 0 : i32
      %dma_start3A_38 = tpu.memref_slice %arg2[%run_scoped3A_1, %dma_start3A, %dma_start3A_37] : memref<2x128x8xf32, #tpu.memory_space<hbm>> -> memref<1x128x8xf32, #tpu.memory_space<hbm>>
      %dma_start3A_39 = tpu.memref_squeeze %dma_start3A_38 : memref<1x128x8xf32, #tpu.memory_space<hbm>> -> memref<128x8xf32, #tpu.memory_space<hbm>>
      %dma_start3A_40 = arith.constant 0 : i32
      %dma_start3A_41 = arith.constant 0 : i32
      %dma_start3A_42 = tpu.memref_slice %arg2[%run_scoped3A_1, %dma_start3A_40, %dma_start3A_41] : memref<2x128x8xf32, #tpu.memory_space<hbm>> -> memref<1x128x8xf32, #tpu.memory_space<hbm>>
      %dma_start3A_43 = tpu.memref_squeeze %dma_start3A_42 : memref<1x128x8xf32, #tpu.memory_space<hbm>> -> memref<128x8xf32, #tpu.memory_space<hbm>>
      tpu.enqueue_dma source(%dma_start3A_43 : memref<128x8xf32, #tpu.memory_space<hbm>>) target(%arg7 : memref<128x8xf32, #tpu.memory_space<vmem>>) target_semaphore(%run_scoped3A_36 : memref<!tpu.dma_semaphore, #tpu.memory_space<semaphore_mem>>)
      %dma_wait3A = arith.constant 0 : i32
      %dma_wait3A_44 = arith.constant 0 : i32
      %dma_wait3A_45 = tpu.memref_slice %arg2[%run_scoped3A_1, %dma_wait3A, %dma_wait3A_44] : memref<2x128x8xf32, #tpu.memory_space<hbm>> -> memref<1x128x8xf32, #tpu.memory_space<hbm>>
      %dma_wait3A_46 = tpu.memref_squeeze %dma_wait3A_45 : memref<1x128x8xf32, #tpu.memory_space<hbm>> -> memref<128x8xf32, #tpu.memory_space<hbm>>
      %dma_wait3A_47 = arith.constant 0 : i32
      %dma_wait3A_48 = arith.constant 0 : i32
      %dma_wait3A_49 = tpu.memref_slice %arg2[%run_scoped3A_1, %dma_wait3A_47, %dma_wait3A_48] : memref<2x128x8xf32, #tpu.memory_space<hbm>> -> memref<1x128x8xf32, #tpu.memory_space<hbm>>
      %dma_wait3A_50 = tpu.memref_squeeze %dma_wait3A_49 : memref<1x128x8xf32, #tpu.memory_space<hbm>> -> memref<128x8xf32, #tpu.memory_space<hbm>>
      tpu.wait_dma2 semaphore(%run_scoped3A_36 : memref<!tpu.dma_semaphore, #tpu.memory_space<semaphore_mem>>) src(%dma_wait3A_50 : memref<128x8xf32, #tpu.memory_space<hbm>>) dst(%arg7 : memref<128x8xf32, #tpu.memory_space<vmem>>)
      tpu.yield
    }) : () -> ()
    %scan3A = arith.constant 0 : i32
    %scan3A_2 = arith.constant 0 : i32
    %scan3A_3 = arith.constant 6 : i32
    %scan3A_4 = arith.addi %scan3A_2, %scan3A_3 : i32
    %scan3A_5 = arith.constant 1 : i32
    %scan3A_6 = scf.for %scan3A_36 = %scan3A_2 to %scan3A_4 step %scan3A_5 iter_args(%scan3A_37 = %scan3A) -> (i32)  : i32 {
      %mul3A_38 = arith.constant 632 : i32
      %mul3A_39 = arith.muli %arg1, %mul3A_38 : i32
      %mul3A_40 = arith.constant 104 : i32
      %mul3A_41 = arith.muli %scan3A_36, %mul3A_40 : i32
      %add3A_42 = arith.addi %mul3A_39, %mul3A_41 : i32
      "tpu.region"() ({
        %run_scoped3A_44 = tpu.sem_alloc : memref<!tpu.dma_semaphore, #tpu.memory_space<semaphore_mem>>
        %dma_start3A = arith.constant 0 : i32
        %dma_start3A_45 = arith.constant 0 : i32
        %dma_start3A_46 = tpu.memref_slice %arg7[%dma_start3A, %dma_start3A_45] : memref<128x8xf32, #tpu.memory_space<vmem>> -> memref<104x8xf32, #tpu.memory_space<vmem>>
        %dma_start3A_47 = arith.constant 0 : i32
        %dma_start3A_48 = tpu.memref_slice %arg8[%add3A_42, %dma_start3A_47] : memref<10112x8xf32, #tpu.memory_space<vmem_shared>> -> memref<104x8xf32, #tpu.memory_space<vmem_shared>>
        %dma_start3A_49 = arith.constant 0 : i32
        %dma_start3A_50 = tpu.memref_slice %arg8[%add3A_42, %dma_start3A_49] : memref<10112x8xf32, #tpu.memory_space<vmem_shared>> -> memref<104x8xf32, #tpu.memory_space<vmem_shared>>
        %dma_start3A_51 = arith.constant 0 : i32
        %dma_start3A_52 = arith.constant 0 : i32
        %dma_start3A_53 = tpu.memref_slice %arg7[%dma_start3A_51, %dma_start3A_52] : memref<128x8xf32, #tpu.memory_space<vmem>> -> memref<104x8xf32, #tpu.memory_space<vmem>>
        tpu.enqueue_dma source(%dma_start3A_53 : memref<104x8xf32, #tpu.memory_space<vmem>>) target(%dma_start3A_50 : memref<104x8xf32, #tpu.memory_space<vmem_shared>>) target_semaphore(%run_scoped3A_44 : memref<!tpu.dma_semaphore, #tpu.memory_space<semaphore_mem>>)
        %dma_wait3A = arith.constant 0 : i32
        %dma_wait3A_54 = arith.constant 0 : i32
        %dma_wait3A_55 = tpu.memref_slice %arg7[%dma_wait3A, %dma_wait3A_54] : memref<128x8xf32, #tpu.memory_space<vmem>> -> memref<104x8xf32, #tpu.memory_space<vmem>>
        %dma_wait3A_56 = arith.constant 0 : i32
        %dma_wait3A_57 = tpu.memref_slice %arg8[%add3A_42, %dma_wait3A_56] : memref<10112x8xf32, #tpu.memory_space<vmem_shared>> -> memref<104x8xf32, #tpu.memory_space<vmem_shared>>
        %dma_wait3A_58 = arith.constant 0 : i32
        %dma_wait3A_59 = tpu.memref_slice %arg8[%add3A_42, %dma_wait3A_58] : memref<10112x8xf32, #tpu.memory_space<vmem_shared>> -> memref<104x8xf32, #tpu.memory_space<vmem_shared>>
        %dma_wait3A_60 = arith.constant 0 : i32
        %dma_wait3A_61 = arith.constant 0 : i32
        %dma_wait3A_62 = tpu.memref_slice %arg7[%dma_wait3A_60, %dma_wait3A_61] : memref<128x8xf32, #tpu.memory_space<vmem>> -> memref<104x8xf32, #tpu.memory_space<vmem>>
        tpu.wait_dma2 semaphore(%run_scoped3A_44 : memref<!tpu.dma_semaphore, #tpu.memory_space<semaphore_mem>>) src(%dma_wait3A_62 : memref<104x8xf32, #tpu.memory_space<vmem>>) dst(%dma_wait3A_59 : memref<104x8xf32, #tpu.memory_space<vmem_shared>>)
        tpu.yield
      }) : () -> ()
      %scan3A_43 = arith.constant 0 : i32
      scf.yield %scan3A_43 : i32
    }
    %scan3A_7 = arith.constant 6 : i32
    %mul3A_8 = arith.constant 632 : i32
    %mul3A_9 = arith.muli %arg1, %mul3A_8 : i32
    %add3A_10 = arith.constant 624 : i32
    %add3A_11 = arith.addi %mul3A_9, %add3A_10 : i32
    "tpu.region"() ({
      %run_scoped3A_36 = tpu.sem_alloc : memref<!tpu.dma_semaphore, #tpu.memory_space<semaphore_mem>>
      %dma_start3A = arith.constant 0 : i32
      %dma_start3A_37 = arith.constant 0 : i32
      %dma_start3A_38 = tpu.memref_slice %arg7[%dma_start3A, %dma_start3A_37] : memref<128x8xf32, #tpu.memory_space<vmem>> -> memref<8x8xf32, #tpu.memory_space<vmem>>
      %dma_start3A_39 = arith.constant 0 : i32
      %dma_start3A_40 = tpu.memref_slice %arg8[%add3A_11, %dma_start3A_39] : memref<10112x8xf32, #tpu.memory_space<vmem_shared>> -> memref<8x8xf32, #tpu.memory_space<vmem_shared>>
      %dma_start3A_41 = arith.constant 0 : i32
      %dma_start3A_42 = tpu.memref_slice %arg8[%add3A_11, %dma_start3A_41] : memref<10112x8xf32, #tpu.memory_space<vmem_shared>> -> memref<8x8xf32, #tpu.memory_space<vmem_shared>>
      %dma_start3A_43 = arith.constant 0 : i32
      %dma_start3A_44 = arith.constant 0 : i32
      %dma_start3A_45 = tpu.memref_slice %arg7[%dma_start3A_43, %dma_start3A_44] : memref<128x8xf32, #tpu.memory_space<vmem>> -> memref<8x8xf32, #tpu.memory_space<vmem>>
      tpu.enqueue_dma source(%dma_start3A_45 : memref<8x8xf32, #tpu.memory_space<vmem>>) target(%dma_start3A_42 : memref<8x8xf32, #tpu.memory_space<vmem_shared>>) target_semaphore(%run_scoped3A_36 : memref<!tpu.dma_semaphore, #tpu.memory_space<semaphore_mem>>)
      %dma_wait3A = arith.constant 0 : i32
      %dma_wait3A_46 = arith.constant 0 : i32
      %dma_wait3A_47 = tpu.memref_slice %arg7[%dma_wait3A, %dma_wait3A_46] : memref<128x8xf32, #tpu.memory_space<vmem>> -> memref<8x8xf32, #tpu.memory_space<vmem>>
      %dma_wait3A_48 = arith.constant 0 : i32
      %dma_wait3A_49 = tpu.memref_slice %arg8[%add3A_11, %dma_wait3A_48] : memref<10112x8xf32, #tpu.memory_space<vmem_shared>> -> memref<8x8xf32, #tpu.memory_space<vmem_shared>>
      %dma_wait3A_50 = arith.constant 0 : i32
      %dma_wait3A_51 = tpu.memref_slice %arg8[%add3A_11, %dma_wait3A_50] : memref<10112x8xf32, #tpu.memory_space<vmem_shared>> -> memref<8x8xf32, #tpu.memory_space<vmem_shared>>
      %dma_wait3A_52 = arith.constant 0 : i32
      %dma_wait3A_53 = arith.constant 0 : i32
      %dma_wait3A_54 = tpu.memref_slice %arg7[%dma_wait3A_52, %dma_wait3A_53] : memref<128x8xf32, #tpu.memory_space<vmem>> -> memref<8x8xf32, #tpu.memory_space<vmem>>
      tpu.wait_dma2 semaphore(%run_scoped3A_36 : memref<!tpu.dma_semaphore, #tpu.memory_space<semaphore_mem>>) src(%dma_wait3A_54 : memref<8x8xf32, #tpu.memory_space<vmem>>) dst(%dma_wait3A_51 : memref<8x8xf32, #tpu.memory_space<vmem_shared>>)
      tpu.yield
    }) : () -> ()
    %barrier3A = arith.constant 0 : index
    tpu.barrier barrier_id(%barrier3A)
    %scan3A_12 = arith.constant 0 : i32
    %scan3A_13 = arith.constant 0 : i32
    %scan3A_14 = arith.constant 10 : i32
    %scan3A_15 = arith.addi %scan3A_13, %scan3A_14 : i32
    %scan3A_16 = arith.constant 1 : i32
    %scan3A_17 = scf.for %scan3A_36 = %scan3A_13 to %scan3A_15 step %scan3A_16 iter_args(%scan3A_37 = %scan3A_12) -> (i32)  : i32 {
      %mul3A_38 = arith.constant 80 : i32
      %mul3A_39 = arith.muli %add3A, %mul3A_38 : i32
      %mul3A_40 = arith.constant 8 : i32
      %mul3A_41 = arith.muli %scan3A_36, %mul3A_40 : i32
      %add3A_42 = arith.addi %mul3A_39, %mul3A_41 : i32
      "tpu.region"() ({
        %run_scoped3A_154 = tpu.sem_alloc : memref<!tpu.dma_semaphore, #tpu.memory_space<semaphore_mem>>
        %dma_start3A_155 = arith.constant 0 : i32
        %dma_start3A_156 = tpu.memref_slice %arg3[%add3A_42, %dma_start3A_155] : memref<2560x128xi32, #tpu.memory_space<hbm>> -> memref<8x128xi32, #tpu.memory_space<hbm>>
        %dma_start3A_157 = arith.constant 0 : i32
        %dma_start3A_158 = tpu.memref_slice %arg3[%add3A_42, %dma_start3A_157] : memref<2560x128xi32, #tpu.memory_space<hbm>> -> memref<8x128xi32, #tpu.memory_space<hbm>>
        tpu.enqueue_dma source(%dma_start3A_158 : memref<8x128xi32, #tpu.memory_space<hbm>>) target(%arg5 : memref<8x128xi32, #tpu.memory_space<vmem>>) target_semaphore(%run_scoped3A_154 : memref<!tpu.dma_semaphore, #tpu.memory_space<semaphore_mem>>)
        %dma_wait3A_159 = arith.constant 0 : i32
        %dma_wait3A_160 = tpu.memref_slice %arg3[%add3A_42, %dma_wait3A_159] : memref<2560x128xi32, #tpu.memory_space<hbm>> -> memref<8x128xi32, #tpu.memory_space<hbm>>
        %dma_wait3A_161 = arith.constant 0 : i32
        %dma_wait3A_162 = tpu.memref_slice %arg3[%add3A_42, %dma_wait3A_161] : memref<2560x128xi32, #tpu.memory_space<hbm>> -> memref<8x128xi32, #tpu.memory_space<hbm>>
        tpu.wait_dma2 semaphore(%run_scoped3A_154 : memref<!tpu.dma_semaphore, #tpu.memory_space<semaphore_mem>>) src(%dma_wait3A_162 : memref<8x128xi32, #tpu.memory_space<hbm>>) dst(%arg5 : memref<8x128xi32, #tpu.memory_space<vmem>>)
        tpu.yield
      }) : () -> ()
      %dma_start3A = arith.constant 0 : i32
      %dma_start3A_43 = arith.constant 0 : i32
      %dma_start3A_44 = tpu.memref_slice %arg5[%dma_start3A, %dma_start3A_43] : memref<8x128xi32, #tpu.memory_space<vmem>> -> memref<1x128xi32, #tpu.memory_space<vmem>>
      %dma_start3A_45 = tpu.memref_squeeze %dma_start3A_44 : memref<1x128xi32, #tpu.memory_space<vmem>> -> memref<128xi32, #tpu.memory_space<vmem>>
      %dma_start3A_46 = arith.constant 0 : i32
      %dma_start3A_47 = arith.constant 0 : i32
      %dma_start3A_48 = tpu.memref_slice %arg8[%dma_start3A_46, %dma_start3A_47] : memref<10112x8xf32, #tpu.memory_space<vmem_shared>> -> memref<10112x8xf32, #tpu.memory_space<vmem_shared>>
      tpu.enqueue_indirect_dma source(%arg6 : memref<128x8xf32, #tpu.memory_space<vmem>>) target(%dma_start3A_48 : memref<10112x8xf32, #tpu.memory_space<vmem_shared>>) offsets(%dma_start3A_45 : memref<128xi32, #tpu.memory_space<vmem>>) semaphore(%arg9 : memref<!tpu.dma_semaphore, #tpu.memory_space<semaphore_mem>>) {add = true}
      %dma_start3A_49 = arith.constant 1 : i32
      %dma_start3A_50 = arith.constant 0 : i32
      %dma_start3A_51 = tpu.memref_slice %arg5[%dma_start3A_49, %dma_start3A_50] : memref<8x128xi32, #tpu.memory_space<vmem>> -> memref<1x128xi32, #tpu.memory_space<vmem>>
      %dma_start3A_52 = tpu.memref_squeeze %dma_start3A_51 : memref<1x128xi32, #tpu.memory_space<vmem>> -> memref<128xi32, #tpu.memory_space<vmem>>
      %dma_start3A_53 = arith.constant 0 : i32
      %dma_start3A_54 = arith.constant 0 : i32
      %dma_start3A_55 = tpu.memref_slice %arg8[%dma_start3A_53, %dma_start3A_54] : memref<10112x8xf32, #tpu.memory_space<vmem_shared>> -> memref<10112x8xf32, #tpu.memory_space<vmem_shared>>
      tpu.enqueue_indirect_dma source(%arg6 : memref<128x8xf32, #tpu.memory_space<vmem>>) target(%dma_start3A_55 : memref<10112x8xf32, #tpu.memory_space<vmem_shared>>) offsets(%dma_start3A_52 : memref<128xi32, #tpu.memory_space<vmem>>) semaphore(%arg9 : memref<!tpu.dma_semaphore, #tpu.memory_space<semaphore_mem>>) {add = true}
      %dma_start3A_56 = arith.constant 2 : i32
      %dma_start3A_57 = arith.constant 0 : i32
      %dma_start3A_58 = tpu.memref_slice %arg5[%dma_start3A_56, %dma_start3A_57] : memref<8x128xi32, #tpu.memory_space<vmem>> -> memref<1x128xi32, #tpu.memory_space<vmem>>
      %dma_start3A_59 = tpu.memref_squeeze %dma_start3A_58 : memref<1x128xi32, #tpu.memory_space<vmem>> -> memref<128xi32, #tpu.memory_space<vmem>>
      %dma_start3A_60 = arith.constant 0 : i32
      %dma_start3A_61 = arith.constant 0 : i32
      %dma_start3A_62 = tpu.memref_slice %arg8[%dma_start3A_60, %dma_start3A_61] : memref<10112x8xf32, #tpu.memory_space<vmem_shared>> -> memref<10112x8xf32, #tpu.memory_space<vmem_shared>>
      tpu.enqueue_indirect_dma source(%arg6 : memref<128x8xf32, #tpu.memory_space<vmem>>) target(%dma_start3A_62 : memref<10112x8xf32, #tpu.memory_space<vmem_shared>>) offsets(%dma_start3A_59 : memref<128xi32, #tpu.memory_space<vmem>>) semaphore(%arg9 : memref<!tpu.dma_semaphore, #tpu.memory_space<semaphore_mem>>) {add = true}
      %dma_start3A_63 = arith.constant 3 : i32
      %dma_start3A_64 = arith.constant 0 : i32
      %dma_start3A_65 = tpu.memref_slice %arg5[%dma_start3A_63, %dma_start3A_64] : memref<8x128xi32, #tpu.memory_space<vmem>> -> memref<1x128xi32, #tpu.memory_space<vmem>>
      %dma_start3A_66 = tpu.memref_squeeze %dma_start3A_65 : memref<1x128xi32, #tpu.memory_space<vmem>> -> memref<128xi32, #tpu.memory_space<vmem>>
      %dma_start3A_67 = arith.constant 0 : i32
      %dma_start3A_68 = arith.constant 0 : i32
      %dma_start3A_69 = tpu.memref_slice %arg8[%dma_start3A_67, %dma_start3A_68] : memref<10112x8xf32, #tpu.memory_space<vmem_shared>> -> memref<10112x8xf32, #tpu.memory_space<vmem_shared>>
      tpu.enqueue_indirect_dma source(%arg6 : memref<128x8xf32, #tpu.memory_space<vmem>>) target(%dma_start3A_69 : memref<10112x8xf32, #tpu.memory_space<vmem_shared>>) offsets(%dma_start3A_66 : memref<128xi32, #tpu.memory_space<vmem>>) semaphore(%arg9 : memref<!tpu.dma_semaphore, #tpu.memory_space<semaphore_mem>>) {add = true}
      %dma_start3A_70 = arith.constant 4 : i32
      %dma_start3A_71 = arith.constant 0 : i32
      %dma_start3A_72 = tpu.memref_slice %arg5[%dma_start3A_70, %dma_start3A_71] : memref<8x128xi32, #tpu.memory_space<vmem>> -> memref<1x128xi32, #tpu.memory_space<vmem>>
      %dma_start3A_73 = tpu.memref_squeeze %dma_start3A_72 : memref<1x128xi32, #tpu.memory_space<vmem>> -> memref<128xi32, #tpu.memory_space<vmem>>
      %dma_start3A_74 = arith.constant 0 : i32
      %dma_start3A_75 = arith.constant 0 : i32
      %dma_start3A_76 = tpu.memref_slice %arg8[%dma_start3A_74, %dma_start3A_75] : memref<10112x8xf32, #tpu.memory_space<vmem_shared>> -> memref<10112x8xf32, #tpu.memory_space<vmem_shared>>
      tpu.enqueue_indirect_dma source(%arg6 : memref<128x8xf32, #tpu.memory_space<vmem>>) target(%dma_start3A_76 : memref<10112x8xf32, #tpu.memory_space<vmem_shared>>) offsets(%dma_start3A_73 : memref<128xi32, #tpu.memory_space<vmem>>) semaphore(%arg9 : memref<!tpu.dma_semaphore, #tpu.memory_space<semaphore_mem>>) {add = true}
      %dma_start3A_77 = arith.constant 5 : i32
      %dma_start3A_78 = arith.constant 0 : i32
      %dma_start3A_79 = tpu.memref_slice %arg5[%dma_start3A_77, %dma_start3A_78] : memref<8x128xi32, #tpu.memory_space<vmem>> -> memref<1x128xi32, #tpu.memory_space<vmem>>
      %dma_start3A_80 = tpu.memref_squeeze %dma_start3A_79 : memref<1x128xi32, #tpu.memory_space<vmem>> -> memref<128xi32, #tpu.memory_space<vmem>>
      %dma_start3A_81 = arith.constant 0 : i32
      %dma_start3A_82 = arith.constant 0 : i32
      %dma_start3A_83 = tpu.memref_slice %arg8[%dma_start3A_81, %dma_start3A_82] : memref<10112x8xf32, #tpu.memory_space<vmem_shared>> -> memref<10112x8xf32, #tpu.memory_space<vmem_shared>>
      tpu.enqueue_indirect_dma source(%arg6 : memref<128x8xf32, #tpu.memory_space<vmem>>) target(%dma_start3A_83 : memref<10112x8xf32, #tpu.memory_space<vmem_shared>>) offsets(%dma_start3A_80 : memref<128xi32, #tpu.memory_space<vmem>>) semaphore(%arg9 : memref<!tpu.dma_semaphore, #tpu.memory_space<semaphore_mem>>) {add = true}
      %dma_start3A_84 = arith.constant 6 : i32
      %dma_start3A_85 = arith.constant 0 : i32
      %dma_start3A_86 = tpu.memref_slice %arg5[%dma_start3A_84, %dma_start3A_85] : memref<8x128xi32, #tpu.memory_space<vmem>> -> memref<1x128xi32, #tpu.memory_space<vmem>>
      %dma_start3A_87 = tpu.memref_squeeze %dma_start3A_86 : memref<1x128xi32, #tpu.memory_space<vmem>> -> memref<128xi32, #tpu.memory_space<vmem>>
      %dma_start3A_88 = arith.constant 0 : i32
      %dma_start3A_89 = arith.constant 0 : i32
      %dma_start3A_90 = tpu.memref_slice %arg8[%dma_start3A_88, %dma_start3A_89] : memref<10112x8xf32, #tpu.memory_space<vmem_shared>> -> memref<10112x8xf32, #tpu.memory_space<vmem_shared>>
      tpu.enqueue_indirect_dma source(%arg6 : memref<128x8xf32, #tpu.memory_space<vmem>>) target(%dma_start3A_90 : memref<10112x8xf32, #tpu.memory_space<vmem_shared>>) offsets(%dma_start3A_87 : memref<128xi32, #tpu.memory_space<vmem>>) semaphore(%arg9 : memref<!tpu.dma_semaphore, #tpu.memory_space<semaphore_mem>>) {add = true}
      %dma_start3A_91 = arith.constant 7 : i32
      %dma_start3A_92 = arith.constant 0 : i32
      %dma_start3A_93 = tpu.memref_slice %arg5[%dma_start3A_91, %dma_start3A_92] : memref<8x128xi32, #tpu.memory_space<vmem>> -> memref<1x128xi32, #tpu.memory_space<vmem>>
      %dma_start3A_94 = tpu.memref_squeeze %dma_start3A_93 : memref<1x128xi32, #tpu.memory_space<vmem>> -> memref<128xi32, #tpu.memory_space<vmem>>
      %dma_start3A_95 = arith.constant 0 : i32
      %dma_start3A_96 = arith.constant 0 : i32
      %dma_start3A_97 = tpu.memref_slice %arg8[%dma_start3A_95, %dma_start3A_96] : memref<10112x8xf32, #tpu.memory_space<vmem_shared>> -> memref<10112x8xf32, #tpu.memory_space<vmem_shared>>
      tpu.enqueue_indirect_dma source(%arg6 : memref<128x8xf32, #tpu.memory_space<vmem>>) target(%dma_start3A_97 : memref<10112x8xf32, #tpu.memory_space<vmem_shared>>) offsets(%dma_start3A_94 : memref<128xi32, #tpu.memory_space<vmem>>) semaphore(%arg9 : memref<!tpu.dma_semaphore, #tpu.memory_space<semaphore_mem>>) {add = true}
      %dma_wait3A = arith.constant 0 : i32
      %dma_wait3A_98 = arith.constant 0 : i32
      %dma_wait3A_99 = tpu.memref_slice %arg5[%dma_wait3A, %dma_wait3A_98] : memref<8x128xi32, #tpu.memory_space<vmem>> -> memref<1x128xi32, #tpu.memory_space<vmem>>
      %dma_wait3A_100 = tpu.memref_squeeze %dma_wait3A_99 : memref<1x128xi32, #tpu.memory_space<vmem>> -> memref<128xi32, #tpu.memory_space<vmem>>
      %dma_wait3A_101 = arith.constant 0 : i32
      %dma_wait3A_102 = arith.constant 0 : i32
      %dma_wait3A_103 = tpu.memref_slice %arg8[%dma_wait3A_101, %dma_wait3A_102] : memref<10112x8xf32, #tpu.memory_space<vmem_shared>> -> memref<10112x8xf32, #tpu.memory_space<vmem_shared>>
      tpu.wait_indirect_dma semaphore(%arg9 : memref<!tpu.dma_semaphore, #tpu.memory_space<semaphore_mem>>) src(%arg6 : memref<128x8xf32, #tpu.memory_space<vmem>>) dst(%dma_wait3A_103 : memref<10112x8xf32, #tpu.memory_space<vmem_shared>>)
      %dma_wait3A_104 = arith.constant 1 : i32
      %dma_wait3A_105 = arith.constant 0 : i32
      %dma_wait3A_106 = tpu.memref_slice %arg5[%dma_wait3A_104, %dma_wait3A_105] : memref<8x128xi32, #tpu.memory_space<vmem>> -> memref<1x128xi32, #tpu.memory_space<vmem>>
      %dma_wait3A_107 = tpu.memref_squeeze %dma_wait3A_106 : memref<1x128xi32, #tpu.memory_space<vmem>> -> memref<128xi32, #tpu.memory_space<vmem>>
      %dma_wait3A_108 = arith.constant 0 : i32
      %dma_wait3A_109 = arith.constant 0 : i32
      %dma_wait3A_110 = tpu.memref_slice %arg8[%dma_wait3A_108, %dma_wait3A_109] : memref<10112x8xf32, #tpu.memory_space<vmem_shared>> -> memref<10112x8xf32, #tpu.memory_space<vmem_shared>>
      tpu.wait_indirect_dma semaphore(%arg9 : memref<!tpu.dma_semaphore, #tpu.memory_space<semaphore_mem>>) src(%arg6 : memref<128x8xf32, #tpu.memory_space<vmem>>) dst(%dma_wait3A_110 : memref<10112x8xf32, #tpu.memory_space<vmem_shared>>)
      %dma_wait3A_111 = arith.constant 2 : i32
      %dma_wait3A_112 = arith.constant 0 : i32
      %dma_wait3A_113 = tpu.memref_slice %arg5[%dma_wait3A_111, %dma_wait3A_112] : memref<8x128xi32, #tpu.memory_space<vmem>> -> memref<1x128xi32, #tpu.memory_space<vmem>>
      %dma_wait3A_114 = tpu.memref_squeeze %dma_wait3A_113 : memref<1x128xi32, #tpu.memory_space<vmem>> -> memref<128xi32, #tpu.memory_space<vmem>>
      %dma_wait3A_115 = arith.constant 0 : i32
      %dma_wait3A_116 = arith.constant 0 : i32
      %dma_wait3A_117 = tpu.memref_slice %arg8[%dma_wait3A_115, %dma_wait3A_116] : memref<10112x8xf32, #tpu.memory_space<vmem_shared>> -> memref<10112x8xf32, #tpu.memory_space<vmem_shared>>
      tpu.wait_indirect_dma semaphore(%arg9 : memref<!tpu.dma_semaphore, #tpu.memory_space<semaphore_mem>>) src(%arg6 : memref<128x8xf32, #tpu.memory_space<vmem>>) dst(%dma_wait3A_117 : memref<10112x8xf32, #tpu.memory_space<vmem_shared>>)
      %dma_wait3A_118 = arith.constant 3 : i32
      %dma_wait3A_119 = arith.constant 0 : i32
      %dma_wait3A_120 = tpu.memref_slice %arg5[%dma_wait3A_118, %dma_wait3A_119] : memref<8x128xi32, #tpu.memory_space<vmem>> -> memref<1x128xi32, #tpu.memory_space<vmem>>
      %dma_wait3A_121 = tpu.memref_squeeze %dma_wait3A_120 : memref<1x128xi32, #tpu.memory_space<vmem>> -> memref<128xi32, #tpu.memory_space<vmem>>
      %dma_wait3A_122 = arith.constant 0 : i32
      %dma_wait3A_123 = arith.constant 0 : i32
      %dma_wait3A_124 = tpu.memref_slice %arg8[%dma_wait3A_122, %dma_wait3A_123] : memref<10112x8xf32, #tpu.memory_space<vmem_shared>> -> memref<10112x8xf32, #tpu.memory_space<vmem_shared>>
      tpu.wait_indirect_dma semaphore(%arg9 : memref<!tpu.dma_semaphore, #tpu.memory_space<semaphore_mem>>) src(%arg6 : memref<128x8xf32, #tpu.memory_space<vmem>>) dst(%dma_wait3A_124 : memref<10112x8xf32, #tpu.memory_space<vmem_shared>>)
      %dma_wait3A_125 = arith.constant 4 : i32
      %dma_wait3A_126 = arith.constant 0 : i32
      %dma_wait3A_127 = tpu.memref_slice %arg5[%dma_wait3A_125, %dma_wait3A_126] : memref<8x128xi32, #tpu.memory_space<vmem>> -> memref<1x128xi32, #tpu.memory_space<vmem>>
      %dma_wait3A_128 = tpu.memref_squeeze %dma_wait3A_127 : memref<1x128xi32, #tpu.memory_space<vmem>> -> memref<128xi32, #tpu.memory_space<vmem>>
      %dma_wait3A_129 = arith.constant 0 : i32
      %dma_wait3A_130 = arith.constant 0 : i32
      %dma_wait3A_131 = tpu.memref_slice %arg8[%dma_wait3A_129, %dma_wait3A_130] : memref<10112x8xf32, #tpu.memory_space<vmem_shared>> -> memref<10112x8xf32, #tpu.memory_space<vmem_shared>>
      tpu.wait_indirect_dma semaphore(%arg9 : memref<!tpu.dma_semaphore, #tpu.memory_space<semaphore_mem>>) src(%arg6 : memref<128x8xf32, #tpu.memory_space<vmem>>) dst(%dma_wait3A_131 : memref<10112x8xf32, #tpu.memory_space<vmem_shared>>)
      %dma_wait3A_132 = arith.constant 5 : i32
      %dma_wait3A_133 = arith.constant 0 : i32
      %dma_wait3A_134 = tpu.memref_slice %arg5[%dma_wait3A_132, %dma_wait3A_133] : memref<8x128xi32, #tpu.memory_space<vmem>> -> memref<1x128xi32, #tpu.memory_space<vmem>>
      %dma_wait3A_135 = tpu.memref_squeeze %dma_wait3A_134 : memref<1x128xi32, #tpu.memory_space<vmem>> -> memref<128xi32, #tpu.memory_space<vmem>>
      %dma_wait3A_136 = arith.constant 0 : i32
      %dma_wait3A_137 = arith.constant 0 : i32
      %dma_wait3A_138 = tpu.memref_slice %arg8[%dma_wait3A_136, %dma_wait3A_137] : memref<10112x8xf32, #tpu.memory_space<vmem_shared>> -> memref<10112x8xf32, #tpu.memory_space<vmem_shared>>
      tpu.wait_indirect_dma semaphore(%arg9 : memref<!tpu.dma_semaphore, #tpu.memory_space<semaphore_mem>>) src(%arg6 : memref<128x8xf32, #tpu.memory_space<vmem>>) dst(%dma_wait3A_138 : memref<10112x8xf32, #tpu.memory_space<vmem_shared>>)
      %dma_wait3A_139 = arith.constant 6 : i32
      %dma_wait3A_140 = arith.constant 0 : i32
      %dma_wait3A_141 = tpu.memref_slice %arg5[%dma_wait3A_139, %dma_wait3A_140] : memref<8x128xi32, #tpu.memory_space<vmem>> -> memref<1x128xi32, #tpu.memory_space<vmem>>
      %dma_wait3A_142 = tpu.memref_squeeze %dma_wait3A_141 : memref<1x128xi32, #tpu.memory_space<vmem>> -> memref<128xi32, #tpu.memory_space<vmem>>
      %dma_wait3A_143 = arith.constant 0 : i32
      %dma_wait3A_144 = arith.constant 0 : i32
      %dma_wait3A_145 = tpu.memref_slice %arg8[%dma_wait3A_143, %dma_wait3A_144] : memref<10112x8xf32, #tpu.memory_space<vmem_shared>> -> memref<10112x8xf32, #tpu.memory_space<vmem_shared>>
      tpu.wait_indirect_dma semaphore(%arg9 : memref<!tpu.dma_semaphore, #tpu.memory_space<semaphore_mem>>) src(%arg6 : memref<128x8xf32, #tpu.memory_space<vmem>>) dst(%dma_wait3A_145 : memref<10112x8xf32, #tpu.memory_space<vmem_shared>>)
      %dma_wait3A_146 = arith.constant 7 : i32
      %dma_wait3A_147 = arith.constant 0 : i32
      %dma_wait3A_148 = tpu.memref_slice %arg5[%dma_wait3A_146, %dma_wait3A_147] : memref<8x128xi32, #tpu.memory_space<vmem>> -> memref<1x128xi32, #tpu.memory_space<vmem>>
      %dma_wait3A_149 = tpu.memref_squeeze %dma_wait3A_148 : memref<1x128xi32, #tpu.memory_space<vmem>> -> memref<128xi32, #tpu.memory_space<vmem>>
      %dma_wait3A_150 = arith.constant 0 : i32
      %dma_wait3A_151 = arith.constant 0 : i32
      %dma_wait3A_152 = tpu.memref_slice %arg8[%dma_wait3A_150, %dma_wait3A_151] : memref<10112x8xf32, #tpu.memory_space<vmem_shared>> -> memref<10112x8xf32, #tpu.memory_space<vmem_shared>>
      tpu.wait_indirect_dma semaphore(%arg9 : memref<!tpu.dma_semaphore, #tpu.memory_space<semaphore_mem>>) src(%arg6 : memref<128x8xf32, #tpu.memory_space<vmem>>) dst(%dma_wait3A_152 : memref<10112x8xf32, #tpu.memory_space<vmem_shared>>)
      %scan3A_153 = arith.constant 0 : i32
      scf.yield %scan3A_153 : i32
    }
    %scan3A_18 = arith.constant 10 : i32
    %barrier3A_19 = arith.constant 0 : index
    tpu.barrier barrier_id(%barrier3A_19)
    %eq3A = arith.constant 15 : i32
    %eq3A_20 = arith.cmpi eq, %arg1, %eq3A : i32
    %select_n3A = arith.constant 6 : i32
    %select_n3A_21 = arith.constant 5 : i32
    %select_n3A_22 = arith.select %eq3A_20, %select_n3A_21, %select_n3A : i32
    %while3A = arith.constant 0 : i32
    %while3A_23 = arith.constant 0 : i32
    %while3A_24 = arith.subi %select_n3A_22, %while3A : i32
    %while3A_25 = arith.addi %while3A, %while3A_24 : i32
    %while3A_26 = arith.constant 1 : i32
    %while3A_27 = arith.divsi %while3A_24, %while3A_26 : i32
    %while3A_28 = arith.muli %while3A_27, %while3A_26 : i32
    %while3A_29 = arith.addi %while3A, %while3A_28 : i32
    %while3A_30 = arith.constant 1 : i32
    %while3A_31 = scf.for %while3A_36 = %while3A to %while3A_29 step %while3A_30 iter_args(%while3A_37 = %while3A_23) -> (i32)  : i32 {
      %mul3A_38 = arith.constant 632 : i32
      %mul3A_39 = arith.muli %arg1, %mul3A_38 : i32
      %mul3A_40 = arith.constant 104 : i32
      %mul3A_41 = arith.muli %while3A_36, %mul3A_40 : i32
      %add3A_42 = arith.addi %mul3A_39, %mul3A_41 : i32
      "tpu.region"() ({
        %run_scoped3A_44 = tpu.sem_alloc : memref<!tpu.dma_semaphore, #tpu.memory_space<semaphore_mem>>
        %dma_start3A = arith.constant 0 : i32
        %dma_start3A_45 = arith.constant 0 : i32
        %dma_start3A_46 = tpu.memref_slice %arg7[%dma_start3A, %dma_start3A_45] : memref<128x8xf32, #tpu.memory_space<vmem>> -> memref<104x8xf32, #tpu.memory_space<vmem>>
        %dma_start3A_47 = arith.constant 0 : i32
        %dma_start3A_48 = tpu.memref_slice %arg8[%add3A_42, %dma_start3A_47] : memref<10112x8xf32, #tpu.memory_space<vmem_shared>> -> memref<104x8xf32, #tpu.memory_space<vmem_shared>>
        %dma_start3A_49 = arith.constant 0 : i32
        %dma_start3A_50 = arith.constant 0 : i32
        %dma_start3A_51 = tpu.memref_slice %arg7[%dma_start3A_49, %dma_start3A_50] : memref<128x8xf32, #tpu.memory_space<vmem>> -> memref<104x8xf32, #tpu.memory_space<vmem>>
        %dma_start3A_52 = arith.constant 0 : i32
        %dma_start3A_53 = tpu.memref_slice %arg8[%add3A_42, %dma_start3A_52] : memref<10112x8xf32, #tpu.memory_space<vmem_shared>> -> memref<104x8xf32, #tpu.memory_space<vmem_shared>>
        tpu.enqueue_dma source(%dma_start3A_53 : memref<104x8xf32, #tpu.memory_space<vmem_shared>>) target(%dma_start3A_51 : memref<104x8xf32, #tpu.memory_space<vmem>>) target_semaphore(%run_scoped3A_44 : memref<!tpu.dma_semaphore, #tpu.memory_space<semaphore_mem>>)
        %dma_wait3A = arith.constant 0 : i32
        %dma_wait3A_54 = arith.constant 0 : i32
        %dma_wait3A_55 = tpu.memref_slice %arg7[%dma_wait3A, %dma_wait3A_54] : memref<128x8xf32, #tpu.memory_space<vmem>> -> memref<104x8xf32, #tpu.memory_space<vmem>>
        %dma_wait3A_56 = arith.constant 0 : i32
        %dma_wait3A_57 = tpu.memref_slice %arg8[%add3A_42, %dma_wait3A_56] : memref<10112x8xf32, #tpu.memory_space<vmem_shared>> -> memref<104x8xf32, #tpu.memory_space<vmem_shared>>
        %dma_wait3A_58 = arith.constant 0 : i32
        %dma_wait3A_59 = arith.constant 0 : i32
        %dma_wait3A_60 = tpu.memref_slice %arg7[%dma_wait3A_58, %dma_wait3A_59] : memref<128x8xf32, #tpu.memory_space<vmem>> -> memref<104x8xf32, #tpu.memory_space<vmem>>
        %dma_wait3A_61 = arith.constant 0 : i32
        %dma_wait3A_62 = tpu.memref_slice %arg8[%add3A_42, %dma_wait3A_61] : memref<10112x8xf32, #tpu.memory_space<vmem_shared>> -> memref<104x8xf32, #tpu.memory_space<vmem_shared>>
        tpu.wait_dma2 semaphore(%run_scoped3A_44 : memref<!tpu.dma_semaphore, #tpu.memory_space<semaphore_mem>>) src(%dma_wait3A_62 : memref<104x8xf32, #tpu.memory_space<vmem_shared>>) dst(%dma_wait3A_60 : memref<104x8xf32, #tpu.memory_space<vmem>>)
        tpu.yield
      }) : () -> ()
      "tpu.region"() ({
        %run_scoped3A_44 = tpu.sem_alloc : memref<!tpu.dma_semaphore, #tpu.memory_space<semaphore_mem>>
        %dma_start3A = arith.constant 0 : i32
        %dma_start3A_45 = arith.constant 0 : i32
        %dma_start3A_46 = tpu.memref_slice %arg7[%dma_start3A, %dma_start3A_45] : memref<128x8xf32, #tpu.memory_space<vmem>> -> memref<104x8xf32, #tpu.memory_space<vmem>>
        %dma_start3A_47 = arith.constant 0 : i32
        %dma_start3A_48 = tpu.memref_slice %arg4[%arg0, %add3A_42, %dma_start3A_47] : memref<2x10000x8xf32, #tpu.memory_space<hbm>> -> memref<1x104x8xf32, #tpu.memory_space<hbm>>
        %dma_start3A_49 = tpu.memref_squeeze %dma_start3A_48 : memref<1x104x8xf32, #tpu.memory_space<hbm>> -> memref<104x8xf32, #tpu.memory_space<hbm>>
        %dma_start3A_50 = arith.constant 0 : i32
        %dma_start3A_51 = tpu.memref_slice %arg4[%arg0, %add3A_42, %dma_start3A_50] : memref<2x10000x8xf32, #tpu.memory_space<hbm>> -> memref<1x104x8xf32, #tpu.memory_space<hbm>>
        %dma_start3A_52 = tpu.memref_squeeze %dma_start3A_51 : memref<1x104x8xf32, #tpu.memory_space<hbm>> -> memref<104x8xf32, #tpu.memory_space<hbm>>
        %dma_start3A_53 = arith.constant 0 : i32
        %dma_start3A_54 = arith.constant 0 : i32
        %dma_start3A_55 = tpu.memref_slice %arg7[%dma_start3A_53, %dma_start3A_54] : memref<128x8xf32, #tpu.memory_space<vmem>> -> memref<104x8xf32, #tpu.memory_space<vmem>>
        tpu.enqueue_dma source(%dma_start3A_55 : memref<104x8xf32, #tpu.memory_space<vmem>>) target(%dma_start3A_52 : memref<104x8xf32, #tpu.memory_space<hbm>>) target_semaphore(%run_scoped3A_44 : memref<!tpu.dma_semaphore, #tpu.memory_space<semaphore_mem>>)
        %dma_wait3A = arith.constant 0 : i32
        %dma_wait3A_56 = arith.constant 0 : i32
        %dma_wait3A_57 = tpu.memref_slice %arg7[%dma_wait3A, %dma_wait3A_56] : memref<128x8xf32, #tpu.memory_space<vmem>> -> memref<104x8xf32, #tpu.memory_space<vmem>>
        %dma_wait3A_58 = arith.constant 0 : i32
        %dma_wait3A_59 = tpu.memref_slice %arg4[%arg0, %add3A_42, %dma_wait3A_58] : memref<2x10000x8xf32, #tpu.memory_space<hbm>> -> memref<1x104x8xf32, #tpu.memory_space<hbm>>
        %dma_wait3A_60 = tpu.memref_squeeze %dma_wait3A_59 : memref<1x104x8xf32, #tpu.memory_space<hbm>> -> memref<104x8xf32, #tpu.memory_space<hbm>>
        %dma_wait3A_61 = arith.constant 0 : i32
        %dma_wait3A_62 = tpu.memref_slice %arg4[%arg0, %add3A_42, %dma_wait3A_61] : memref<2x10000x8xf32, #tpu.memory_space<hbm>> -> memref<1x104x8xf32, #tpu.memory_space<hbm>>
        %dma_wait3A_63 = tpu.memref_squeeze %dma_wait3A_62 : memref<1x104x8xf32, #tpu.memory_space<hbm>> -> memref<104x8xf32, #tpu.memory_space<hbm>>
        %dma_wait3A_64 = arith.constant 0 : i32
        %dma_wait3A_65 = arith.constant 0 : i32
        %dma_wait3A_66 = tpu.memref_slice %arg7[%dma_wait3A_64, %dma_wait3A_65] : memref<128x8xf32, #tpu.memory_space<vmem>> -> memref<104x8xf32, #tpu.memory_space<vmem>>
        tpu.wait_dma2 semaphore(%run_scoped3A_44 : memref<!tpu.dma_semaphore, #tpu.memory_space<semaphore_mem>>) src(%dma_wait3A_66 : memref<104x8xf32, #tpu.memory_space<vmem>>) dst(%dma_wait3A_63 : memref<104x8xf32, #tpu.memory_space<hbm>>)
        tpu.yield
      }) : () -> ()
      %while3A_43 = arith.constant 0 : i32
      scf.yield %while3A_43 : i32
    }
    %while3A_32 = arith.constant 1 : i32
    %while3A_33 = scf.for %while3A_36 = %while3A_29 to %while3A_25 step %while3A_32 iter_args(%while3A_37 = %while3A_31) -> (i32)  : i32 {
      %mul3A_38 = arith.constant 632 : i32
      %mul3A_39 = arith.muli %arg1, %mul3A_38 : i32
      %mul3A_40 = arith.constant 104 : i32
      %mul3A_41 = arith.muli %while3A_36, %mul3A_40 : i32
      %add3A_42 = arith.addi %mul3A_39, %mul3A_41 : i32
      "tpu.region"() ({
        %run_scoped3A_44 = tpu.sem_alloc : memref<!tpu.dma_semaphore, #tpu.memory_space<semaphore_mem>>
        %dma_start3A = arith.constant 0 : i32
        %dma_start3A_45 = arith.constant 0 : i32
        %dma_start3A_46 = tpu.memref_slice %arg7[%dma_start3A, %dma_start3A_45] : memref<128x8xf32, #tpu.memory_space<vmem>> -> memref<104x8xf32, #tpu.memory_space<vmem>>
        %dma_start3A_47 = arith.constant 0 : i32
        %dma_start3A_48 = tpu.memref_slice %arg8[%add3A_42, %dma_start3A_47] : memref<10112x8xf32, #tpu.memory_space<vmem_shared>> -> memref<104x8xf32, #tpu.memory_space<vmem_shared>>
        %dma_start3A_49 = arith.constant 0 : i32
        %dma_start3A_50 = arith.constant 0 : i32
        %dma_start3A_51 = tpu.memref_slice %arg7[%dma_start3A_49, %dma_start3A_50] : memref<128x8xf32, #tpu.memory_space<vmem>> -> memref<104x8xf32, #tpu.memory_space<vmem>>
        %dma_start3A_52 = arith.constant 0 : i32
        %dma_start3A_53 = tpu.memref_slice %arg8[%add3A_42, %dma_start3A_52] : memref<10112x8xf32, #tpu.memory_space<vmem_shared>> -> memref<104x8xf32, #tpu.memory_space<vmem_shared>>
        tpu.enqueue_dma source(%dma_start3A_53 : memref<104x8xf32, #tpu.memory_space<vmem_shared>>) target(%dma_start3A_51 : memref<104x8xf32, #tpu.memory_space<vmem>>) target_semaphore(%run_scoped3A_44 : memref<!tpu.dma_semaphore, #tpu.memory_space<semaphore_mem>>)
        %dma_wait3A = arith.constant 0 : i32
        %dma_wait3A_54 = arith.constant 0 : i32
        %dma_wait3A_55 = tpu.memref_slice %arg7[%dma_wait3A, %dma_wait3A_54] : memref<128x8xf32, #tpu.memory_space<vmem>> -> memref<104x8xf32, #tpu.memory_space<vmem>>
        %dma_wait3A_56 = arith.constant 0 : i32
        %dma_wait3A_57 = tpu.memref_slice %arg8[%add3A_42, %dma_wait3A_56] : memref<10112x8xf32, #tpu.memory_space<vmem_shared>> -> memref<104x8xf32, #tpu.memory_space<vmem_shared>>
        %dma_wait3A_58 = arith.constant 0 : i32
        %dma_wait3A_59 = arith.constant 0 : i32
        %dma_wait3A_60 = tpu.memref_slice %arg7[%dma_wait3A_58, %dma_wait3A_59] : memref<128x8xf32, #tpu.memory_space<vmem>> -> memref<104x8xf32, #tpu.memory_space<vmem>>
        %dma_wait3A_61 = arith.constant 0 : i32
        %dma_wait3A_62 = tpu.memref_slice %arg8[%add3A_42, %dma_wait3A_61] : memref<10112x8xf32, #tpu.memory_space<vmem_shared>> -> memref<104x8xf32, #tpu.memory_space<vmem_shared>>
        tpu.wait_dma2 semaphore(%run_scoped3A_44 : memref<!tpu.dma_semaphore, #tpu.memory_space<semaphore_mem>>) src(%dma_wait3A_62 : memref<104x8xf32, #tpu.memory_space<vmem_shared>>) dst(%dma_wait3A_60 : memref<104x8xf32, #tpu.memory_space<vmem>>)
        tpu.yield
      }) : () -> ()
      "tpu.region"() ({
        %run_scoped3A_44 = tpu.sem_alloc : memref<!tpu.dma_semaphore, #tpu.memory_space<semaphore_mem>>
        %dma_start3A = arith.constant 0 : i32
        %dma_start3A_45 = arith.constant 0 : i32
        %dma_start3A_46 = tpu.memref_slice %arg7[%dma_start3A, %dma_start3A_45] : memref<128x8xf32, #tpu.memory_space<vmem>> -> memref<104x8xf32, #tpu.memory_space<vmem>>
        %dma_start3A_47 = arith.constant 0 : i32
        %dma_start3A_48 = tpu.memref_slice %arg4[%arg0, %add3A_42, %dma_start3A_47] : memref<2x10000x8xf32, #tpu.memory_space<hbm>> -> memref<1x104x8xf32, #tpu.memory_space<hbm>>
        %dma_start3A_49 = tpu.memref_squeeze %dma_start3A_48 : memref<1x104x8xf32, #tpu.memory_space<hbm>> -> memref<104x8xf32, #tpu.memory_space<hbm>>
        %dma_start3A_50 = arith.constant 0 : i32
        %dma_start3A_51 = tpu.memref_slice %arg4[%arg0, %add3A_42, %dma_start3A_50] : memref<2x10000x8xf32, #tpu.memory_space<hbm>> -> memref<1x104x8xf32, #tpu.memory_space<hbm>>
        %dma_start3A_52 = tpu.memref_squeeze %dma_start3A_51 : memref<1x104x8xf32, #tpu.memory_space<hbm>> -> memref<104x8xf32, #tpu.memory_space<hbm>>
        %dma_start3A_53 = arith.constant 0 : i32
        %dma_start3A_54 = arith.constant 0 : i32
        %dma_start3A_55 = tpu.memref_slice %arg7[%dma_start3A_53, %dma_start3A_54] : memref<128x8xf32, #tpu.memory_space<vmem>> -> memref<104x8xf32, #tpu.memory_space<vmem>>
        tpu.enqueue_dma source(%dma_start3A_55 : memref<104x8xf32, #tpu.memory_space<vmem>>) target(%dma_start3A_52 : memref<104x8xf32, #tpu.memory_space<hbm>>) target_semaphore(%run_scoped3A_44 : memref<!tpu.dma_semaphore, #tpu.memory_space<semaphore_mem>>)
        %dma_wait3A = arith.constant 0 : i32
        %dma_wait3A_56 = arith.constant 0 : i32
        %dma_wait3A_57 = tpu.memref_slice %arg7[%dma_wait3A, %dma_wait3A_56] : memref<128x8xf32, #tpu.memory_space<vmem>> -> memref<104x8xf32, #tpu.memory_space<vmem>>
        %dma_wait3A_58 = arith.constant 0 : i32
        %dma_wait3A_59 = tpu.memref_slice %arg4[%arg0, %add3A_42, %dma_wait3A_58] : memref<2x10000x8xf32, #tpu.memory_space<hbm>> -> memref<1x104x8xf32, #tpu.memory_space<hbm>>
        %dma_wait3A_60 = tpu.memref_squeeze %dma_wait3A_59 : memref<1x104x8xf32, #tpu.memory_space<hbm>> -> memref<104x8xf32, #tpu.memory_space<hbm>>
        %dma_wait3A_61 = arith.constant 0 : i32
        %dma_wait3A_62 = tpu.memref_slice %arg4[%arg0, %add3A_42, %dma_wait3A_61] : memref<2x10000x8xf32, #tpu.memory_space<hbm>> -> memref<1x104x8xf32, #tpu.memory_space<hbm>>
        %dma_wait3A_63 = tpu.memref_squeeze %dma_wait3A_62 : memref<1x104x8xf32, #tpu.memory_space<hbm>> -> memref<104x8xf32, #tpu.memory_space<hbm>>
        %dma_wait3A_64 = arith.constant 0 : i32
        %dma_wait3A_65 = arith.constant 0 : i32
        %dma_wait3A_66 = tpu.memref_slice %arg7[%dma_wait3A_64, %dma_wait3A_65] : memref<128x8xf32, #tpu.memory_space<vmem>> -> memref<104x8xf32, #tpu.memory_space<vmem>>
        tpu.wait_dma2 semaphore(%run_scoped3A_44 : memref<!tpu.dma_semaphore, #tpu.memory_space<semaphore_mem>>) src(%dma_wait3A_66 : memref<104x8xf32, #tpu.memory_space<vmem>>) dst(%dma_wait3A_63 : memref<104x8xf32, #tpu.memory_space<hbm>>)
        tpu.yield
      }) : () -> ()
      %while3A_43 = arith.constant 0 : i32
      scf.yield %while3A_43 : i32
    }
    %lt3A = arith.constant 15 : i32
    %lt3A_34 = arith.cmpi slt, %arg1, %lt3A : i32
    %convert_element_type3A = arith.extui %lt3A_34 : i1 to i32
    %cond3A = arith.constant 0 : i32
    %cond3A_35 = arith.cmpi ne, %convert_element_type3A, %cond3A : i32
    scf.if %cond3A_35 {
      %mul3A_36 = arith.constant 632 : i32
      %mul3A_37 = arith.muli %arg1, %mul3A_36 : i32
      %add3A_38 = arith.constant 624 : i32
      %add3A_39 = arith.addi %mul3A_37, %add3A_38 : i32
      "tpu.region"() ({
        %run_scoped3A_40 = tpu.sem_alloc : memref<!tpu.dma_semaphore, #tpu.memory_space<semaphore_mem>>
        %dma_start3A = arith.constant 0 : i32
        %dma_start3A_41 = arith.constant 0 : i32
        %dma_start3A_42 = tpu.memref_slice %arg7[%dma_start3A, %dma_start3A_41] : memref<128x8xf32, #tpu.memory_space<vmem>> -> memref<8x8xf32, #tpu.memory_space<vmem>>
        %dma_start3A_43 = arith.constant 0 : i32
        %dma_start3A_44 = tpu.memref_slice %arg8[%add3A_39, %dma_start3A_43] : memref<10112x8xf32, #tpu.memory_space<vmem_shared>> -> memref<8x8xf32, #tpu.memory_space<vmem_shared>>
        %dma_start3A_45 = arith.constant 0 : i32
        %dma_start3A_46 = arith.constant 0 : i32
        %dma_start3A_47 = tpu.memref_slice %arg7[%dma_start3A_45, %dma_start3A_46] : memref<128x8xf32, #tpu.memory_space<vmem>> -> memref<8x8xf32, #tpu.memory_space<vmem>>
        %dma_start3A_48 = arith.constant 0 : i32
        %dma_start3A_49 = tpu.memref_slice %arg8[%add3A_39, %dma_start3A_48] : memref<10112x8xf32, #tpu.memory_space<vmem_shared>> -> memref<8x8xf32, #tpu.memory_space<vmem_shared>>
        tpu.enqueue_dma source(%dma_start3A_49 : memref<8x8xf32, #tpu.memory_space<vmem_shared>>) target(%dma_start3A_47 : memref<8x8xf32, #tpu.memory_space<vmem>>) target_semaphore(%run_scoped3A_40 : memref<!tpu.dma_semaphore, #tpu.memory_space<semaphore_mem>>)
        %dma_wait3A = arith.constant 0 : i32
        %dma_wait3A_50 = arith.constant 0 : i32
        %dma_wait3A_51 = tpu.memref_slice %arg7[%dma_wait3A, %dma_wait3A_50] : memref<128x8xf32, #tpu.memory_space<vmem>> -> memref<8x8xf32, #tpu.memory_space<vmem>>
        %dma_wait3A_52 = arith.constant 0 : i32
        %dma_wait3A_53 = tpu.memref_slice %arg8[%add3A_39, %dma_wait3A_52] : memref<10112x8xf32, #tpu.memory_space<vmem_shared>> -> memref<8x8xf32, #tpu.memory_space<vmem_shared>>
        %dma_wait3A_54 = arith.constant 0 : i32
        %dma_wait3A_55 = arith.constant 0 : i32
        %dma_wait3A_56 = tpu.memref_slice %arg7[%dma_wait3A_54, %dma_wait3A_55] : memref<128x8xf32, #tpu.memory_space<vmem>> -> memref<8x8xf32, #tpu.memory_space<vmem>>
        %dma_wait3A_57 = arith.constant 0 : i32
        %dma_wait3A_58 = tpu.memref_slice %arg8[%add3A_39, %dma_wait3A_57] : memref<10112x8xf32, #tpu.memory_space<vmem_shared>> -> memref<8x8xf32, #tpu.memory_space<vmem_shared>>
        tpu.wait_dma2 semaphore(%run_scoped3A_40 : memref<!tpu.dma_semaphore, #tpu.memory_space<semaphore_mem>>) src(%dma_wait3A_58 : memref<8x8xf32, #tpu.memory_space<vmem_shared>>) dst(%dma_wait3A_56 : memref<8x8xf32, #tpu.memory_space<vmem>>)
        tpu.yield
      }) : () -> ()
      "tpu.region"() ({
        %run_scoped3A_40 = tpu.sem_alloc : memref<!tpu.dma_semaphore, #tpu.memory_space<semaphore_mem>>
        %dma_start3A = arith.constant 0 : i32
        %dma_start3A_41 = arith.constant 0 : i32
        %dma_start3A_42 = tpu.memref_slice %arg7[%dma_start3A, %dma_start3A_41] : memref<128x8xf32, #tpu.memory_space<vmem>> -> memref<8x8xf32, #tpu.memory_space<vmem>>
        %dma_start3A_43 = arith.constant 0 : i32
        %dma_start3A_44 = tpu.memref_slice %arg4[%arg0, %add3A_39, %dma_start3A_43] : memref<2x10000x8xf32, #tpu.memory_space<hbm>> -> memref<1x8x8xf32, #tpu.memory_space<hbm>>
        %dma_start3A_45 = tpu.memref_squeeze %dma_start3A_44 : memref<1x8x8xf32, #tpu.memory_space<hbm>> -> memref<8x8xf32, #tpu.memory_space<hbm>>
        %dma_start3A_46 = arith.constant 0 : i32
        %dma_start3A_47 = tpu.memref_slice %arg4[%arg0, %add3A_39, %dma_start3A_46] : memref<2x10000x8xf32, #tpu.memory_space<hbm>> -> memref<1x8x8xf32, #tpu.memory_space<hbm>>
        %dma_start3A_48 = tpu.memref_squeeze %dma_start3A_47 : memref<1x8x8xf32, #tpu.memory_space<hbm>> -> memref<8x8xf32, #tpu.memory_space<hbm>>
        %dma_start3A_49 = arith.constant 0 : i32
        %dma_start3A_50 = arith.constant 0 : i32
        %dma_start3A_51 = tpu.memref_slice %arg7[%dma_start3A_49, %dma_start3A_50] : memref<128x8xf32, #tpu.memory_space<vmem>> -> memref<8x8xf32, #tpu.memory_space<vmem>>
        tpu.enqueue_dma source(%dma_start3A_51 : memref<8x8xf32, #tpu.memory_space<vmem>>) target(%dma_start3A_48 : memref<8x8xf32, #tpu.memory_space<hbm>>) target_semaphore(%run_scoped3A_40 : memref<!tpu.dma_semaphore, #tpu.memory_space<semaphore_mem>>)
        %dma_wait3A = arith.constant 0 : i32
        %dma_wait3A_52 = arith.constant 0 : i32
        %dma_wait3A_53 = tpu.memref_slice %arg7[%dma_wait3A, %dma_wait3A_52] : memref<128x8xf32, #tpu.memory_space<vmem>> -> memref<8x8xf32, #tpu.memory_space<vmem>>
        %dma_wait3A_54 = arith.constant 0 : i32
        %dma_wait3A_55 = tpu.memref_slice %arg4[%arg0, %add3A_39, %dma_wait3A_54] : memref<2x10000x8xf32, #tpu.memory_space<hbm>> -> memref<1x8x8xf32, #tpu.memory_space<hbm>>
        %dma_wait3A_56 = tpu.memref_squeeze %dma_wait3A_55 : memref<1x8x8xf32, #tpu.memory_space<hbm>> -> memref<8x8xf32, #tpu.memory_space<hbm>>
        %dma_wait3A_57 = arith.constant 0 : i32
        %dma_wait3A_58 = tpu.memref_slice %arg4[%arg0, %add3A_39, %dma_wait3A_57] : memref<2x10000x8xf32, #tpu.memory_space<hbm>> -> memref<1x8x8xf32, #tpu.memory_space<hbm>>
        %dma_wait3A_59 = tpu.memref_squeeze %dma_wait3A_58 : memref<1x8x8xf32, #tpu.memory_space<hbm>> -> memref<8x8xf32, #tpu.memory_space<hbm>>
        %dma_wait3A_60 = arith.constant 0 : i32
        %dma_wait3A_61 = arith.constant 0 : i32
        %dma_wait3A_62 = tpu.memref_slice %arg7[%dma_wait3A_60, %dma_wait3A_61] : memref<128x8xf32, #tpu.memory_space<vmem>> -> memref<8x8xf32, #tpu.memory_space<vmem>>
        tpu.wait_dma2 semaphore(%run_scoped3A_40 : memref<!tpu.dma_semaphore, #tpu.memory_space<semaphore_mem>>) src(%dma_wait3A_62 : memref<8x8xf32, #tpu.memory_space<vmem>>) dst(%dma_wait3A_59 : memref<8x8xf32, #tpu.memory_space<hbm>>)
        tpu.yield
      }) : () -> ()
    } else {
    }
    return
  }
}

#map = affine_map<(d0, d1) -> (0, 0)>
#map1 = affine_map<(d0, d1) -> (0, 0, 0)>
module attributes {stable_mosaic.version = 14 : i64} {
  func.func @_sc_aggregate_body(%arg0: i32, %arg1: i32, %arg2: memref<10000x64xf32, #tpu.memory_space<hbm>>, %arg3: memref<10000x64xf32, #tpu.memory_space<hbm>>, %arg4: memref<2560x128xi32, #tpu.memory_space<hbm>>, %arg5: memref<2560x128xi32, #tpu.memory_space<hbm>>, %arg6: memref<2x10000x64xf32, #tpu.memory_space<hbm>>, %arg7: memref<2x8x128xi32, #tpu.memory_space<vmem>>, %arg8: memref<2x8x128xi32, #tpu.memory_space<vmem>>, %arg9: memref<4x128x64xf32, #tpu.memory_space<vmem>>, %arg10: memref<4x128x64xf32, #tpu.memory_space<vmem>>, %arg11: memref<128x64xf32, #tpu.memory_space<vmem>>, %arg12: memref<10112x64xf32, #tpu.memory_space<vmem_shared>>, %arg13: memref<!tpu.dma_semaphore, #tpu.memory_space<semaphore_mem>>, %arg14: memref<!tpu.dma_semaphore, #tpu.memory_space<semaphore_mem>>) attributes {dimension_semantics = [#tpu.dimension_semantics<core_parallel>, #tpu.dimension_semantics<subcore_parallel>], iteration_bounds = array<i64: 2, 16>, scalar_prefetch = 0 : i64, scratch_operands = 8 : i64, tpu.core_type = #tpu.core_type<sc_vector_subcore>, window_params = [{transform_indices = #map}, {transform_indices = #map}, {transform_indices = #map}, {transform_indices = #map}, {transform_indices = #map1}]} {
    %scan3A = arith.constant 0 : i32
    %scan3A_0 = arith.constant 0 : i32
    %scan3A_1 = arith.constant 128 : i32
    %scan3A_2 = arith.addi %scan3A_0, %scan3A_1 : i32
    %scan3A_3 = arith.constant 1 : i32
    %scan3A_4 = scf.for %scan3A_42 = %scan3A_0 to %scan3A_2 step %scan3A_3 iter_args(%scan3A_43 = %scan3A) -> (i32)  : i32 {
      %scan3A_44 = arith.constant 0 : i32
      %scan3A_45 = arith.constant 0 : i32
      %scan3A_46 = arith.constant 4 : i32
      %scan3A_47 = arith.addi %scan3A_45, %scan3A_46 : i32
      %scan3A_48 = arith.constant 1 : i32
      %scan3A_49 = scf.for %scan3A_52 = %scan3A_45 to %scan3A_47 step %scan3A_48 iter_args(%scan3A_53 = %scan3A_44) -> (i32)  : i32 {
        %broadcast_in_dim3A = arith.constant 0.000000e+00 : f32
        %broadcast_in_dim3A_54 = vector.broadcast %broadcast_in_dim3A : f32 to vector<16xf32>
        %mul3A_55 = arith.constant 16 : i32
        %mul3A_56 = arith.muli %scan3A_52, %mul3A_55 : i32
        %swap3A = arith.index_cast %scan3A_42 : i32 to index
        %swap3A_57 = arith.index_cast %mul3A_56 : i32 to index
        %swap3A_58 = tpu.vector_load %arg11[%swap3A, %swap3A_57] {strides = array<i32>} : memref<128x64xf32, #tpu.memory_space<vmem>>, vector<1x16xf32>,
        %swap3A_59 = vector.shape_cast %swap3A_58 : vector<1x16xf32> to vector<16xf32>
        %swap3A_60 = vector.shape_cast %broadcast_in_dim3A_54 : vector<16xf32> to vector<1x16xf32>
        tpu.vector_store %arg11[%swap3A, %swap3A_57], %swap3A_60 {strides = array<i32>} : memref<128x64xf32, #tpu.memory_space<vmem>>, vector<1x16xf32>,
        %scan3A_61 = arith.constant 0 : i32
        scf.yield %scan3A_61 : i32
      }
      %scan3A_50 = arith.constant 4 : i32
      %scan3A_51 = arith.constant 0 : i32
      scf.yield %scan3A_51 : i32
    }
    %scan3A_5 = arith.constant 128 : i32
    %scan3A_6 = arith.constant 0 : i32
    %scan3A_7 = arith.constant 0 : i32
    %scan3A_8 = arith.constant 6 : i32
    %scan3A_9 = arith.addi %scan3A_7, %scan3A_8 : i32
    %scan3A_10 = arith.constant 1 : i32
    %scan3A_11 = scf.for %scan3A_42 = %scan3A_7 to %scan3A_9 step %scan3A_10 iter_args(%scan3A_43 = %scan3A_6) -> (i32)  : i32 {
      %mul3A_44 = arith.constant 632 : i32
      %mul3A_45 = arith.muli %arg1, %mul3A_44 : i32
      %mul3A_46 = arith.constant 104 : i32
      %mul3A_47 = arith.muli %scan3A_42, %mul3A_46 : i32
      %add3A_48 = arith.addi %mul3A_45, %mul3A_47 : i32
      "tpu.region"() ({
        %run_scoped3A = tpu.sem_alloc : memref<!tpu.dma_semaphore, #tpu.memory_space<semaphore_mem>>
        %dma_start3A = arith.constant 0 : i32
        %dma_start3A_50 = arith.constant 0 : i32
        %dma_start3A_51 = tpu.memref_slice %arg11[%dma_start3A, %dma_start3A_50] : memref<128x64xf32, #tpu.memory_space<vmem>> -> memref<104x64xf32, #tpu.memory_space<vmem>>
        %dma_start3A_52 = arith.constant 0 : i32
        %dma_start3A_53 = tpu.memref_slice %arg12[%add3A_48, %dma_start3A_52] : memref<10112x64xf32, #tpu.memory_space<vmem_shared>> -> memref<104x64xf32, #tpu.memory_space<vmem_shared>>
        %dma_start3A_54 = arith.constant 0 : i32
        %dma_start3A_55 = tpu.memref_slice %arg12[%add3A_48, %dma_start3A_54] : memref<10112x64xf32, #tpu.memory_space<vmem_shared>> -> memref<104x64xf32, #tpu.memory_space<vmem_shared>>
        %dma_start3A_56 = arith.constant 0 : i32
        %dma_start3A_57 = arith.constant 0 : i32
        %dma_start3A_58 = tpu.memref_slice %arg11[%dma_start3A_56, %dma_start3A_57] : memref<128x64xf32, #tpu.memory_space<vmem>> -> memref<104x64xf32, #tpu.memory_space<vmem>>
        tpu.enqueue_dma source(%dma_start3A_58 : memref<104x64xf32, #tpu.memory_space<vmem>>) target(%dma_start3A_55 : memref<104x64xf32, #tpu.memory_space<vmem_shared>>) target_semaphore(%run_scoped3A : memref<!tpu.dma_semaphore, #tpu.memory_space<semaphore_mem>>)
        %dma_wait3A = arith.constant 0 : i32
        %dma_wait3A_59 = arith.constant 0 : i32
        %dma_wait3A_60 = tpu.memref_slice %arg11[%dma_wait3A, %dma_wait3A_59] : memref<128x64xf32, #tpu.memory_space<vmem>> -> memref<104x64xf32, #tpu.memory_space<vmem>>
        %dma_wait3A_61 = arith.constant 0 : i32
        %dma_wait3A_62 = tpu.memref_slice %arg12[%add3A_48, %dma_wait3A_61] : memref<10112x64xf32, #tpu.memory_space<vmem_shared>> -> memref<104x64xf32, #tpu.memory_space<vmem_shared>>
        %dma_wait3A_63 = arith.constant 0 : i32
        %dma_wait3A_64 = tpu.memref_slice %arg12[%add3A_48, %dma_wait3A_63] : memref<10112x64xf32, #tpu.memory_space<vmem_shared>> -> memref<104x64xf32, #tpu.memory_space<vmem_shared>>
        %dma_wait3A_65 = arith.constant 0 : i32
        %dma_wait3A_66 = arith.constant 0 : i32
        %dma_wait3A_67 = tpu.memref_slice %arg11[%dma_wait3A_65, %dma_wait3A_66] : memref<128x64xf32, #tpu.memory_space<vmem>> -> memref<104x64xf32, #tpu.memory_space<vmem>>
        tpu.wait_dma2 semaphore(%run_scoped3A : memref<!tpu.dma_semaphore, #tpu.memory_space<semaphore_mem>>) src(%dma_wait3A_67 : memref<104x64xf32, #tpu.memory_space<vmem>>) dst(%dma_wait3A_64 : memref<104x64xf32, #tpu.memory_space<vmem_shared>>)
        tpu.yield
      }) : () -> ()
      %scan3A_49 = arith.constant 0 : i32
      scf.yield %scan3A_49 : i32
    }
    %scan3A_12 = arith.constant 6 : i32
    %mul3A = arith.constant 632 : i32
    %mul3A_13 = arith.muli %arg1, %mul3A : i32
    %add3A = arith.constant 624 : i32
    %add3A_14 = arith.addi %mul3A_13, %add3A : i32
    "tpu.region"() ({
      %run_scoped3A = tpu.sem_alloc : memref<!tpu.dma_semaphore, #tpu.memory_space<semaphore_mem>>
      %dma_start3A = arith.constant 0 : i32
      %dma_start3A_42 = arith.constant 0 : i32
      %dma_start3A_43 = tpu.memref_slice %arg11[%dma_start3A, %dma_start3A_42] : memref<128x64xf32, #tpu.memory_space<vmem>> -> memref<8x64xf32, #tpu.memory_space<vmem>>
      %dma_start3A_44 = arith.constant 0 : i32
      %dma_start3A_45 = tpu.memref_slice %arg12[%add3A_14, %dma_start3A_44] : memref<10112x64xf32, #tpu.memory_space<vmem_shared>> -> memref<8x64xf32, #tpu.memory_space<vmem_shared>>
      %dma_start3A_46 = arith.constant 0 : i32
      %dma_start3A_47 = tpu.memref_slice %arg12[%add3A_14, %dma_start3A_46] : memref<10112x64xf32, #tpu.memory_space<vmem_shared>> -> memref<8x64xf32, #tpu.memory_space<vmem_shared>>
      %dma_start3A_48 = arith.constant 0 : i32
      %dma_start3A_49 = arith.constant 0 : i32
      %dma_start3A_50 = tpu.memref_slice %arg11[%dma_start3A_48, %dma_start3A_49] : memref<128x64xf32, #tpu.memory_space<vmem>> -> memref<8x64xf32, #tpu.memory_space<vmem>>
      tpu.enqueue_dma source(%dma_start3A_50 : memref<8x64xf32, #tpu.memory_space<vmem>>) target(%dma_start3A_47 : memref<8x64xf32, #tpu.memory_space<vmem_shared>>) target_semaphore(%run_scoped3A : memref<!tpu.dma_semaphore, #tpu.memory_space<semaphore_mem>>)
      %dma_wait3A = arith.constant 0 : i32
      %dma_wait3A_51 = arith.constant 0 : i32
      %dma_wait3A_52 = tpu.memref_slice %arg11[%dma_wait3A, %dma_wait3A_51] : memref<128x64xf32, #tpu.memory_space<vmem>> -> memref<8x64xf32, #tpu.memory_space<vmem>>
      %dma_wait3A_53 = arith.constant 0 : i32
      %dma_wait3A_54 = tpu.memref_slice %arg12[%add3A_14, %dma_wait3A_53] : memref<10112x64xf32, #tpu.memory_space<vmem_shared>> -> memref<8x64xf32, #tpu.memory_space<vmem_shared>>
      %dma_wait3A_55 = arith.constant 0 : i32
      %dma_wait3A_56 = tpu.memref_slice %arg12[%add3A_14, %dma_wait3A_55] : memref<10112x64xf32, #tpu.memory_space<vmem_shared>> -> memref<8x64xf32, #tpu.memory_space<vmem_shared>>
      %dma_wait3A_57 = arith.constant 0 : i32
      %dma_wait3A_58 = arith.constant 0 : i32
      %dma_wait3A_59 = tpu.memref_slice %arg11[%dma_wait3A_57, %dma_wait3A_58] : memref<128x64xf32, #tpu.memory_space<vmem>> -> memref<8x64xf32, #tpu.memory_space<vmem>>
      tpu.wait_dma2 semaphore(%run_scoped3A : memref<!tpu.dma_semaphore, #tpu.memory_space<semaphore_mem>>) src(%dma_wait3A_59 : memref<8x64xf32, #tpu.memory_space<vmem>>) dst(%dma_wait3A_56 : memref<8x64xf32, #tpu.memory_space<vmem_shared>>)
      tpu.yield
    }) : () -> ()
    %barrier3A = arith.constant 0 : index
    tpu.barrier barrier_id(%barrier3A)
    %eq3A = arith.constant 0 : i32
    %eq3A_15 = arith.cmpi eq, %arg0, %eq3A : i32
    %convert_element_type3A = arith.extui %eq3A_15 : i1 to i32
    %cond3A = arith.constant 0 : i32
    %cond3A_16 = arith.cmpi ne, %convert_element_type3A, %cond3A : i32
    scf.if %cond3A_16 {
      %mul3A_42 = arith.constant 160 : i32
      %mul3A_43 = arith.muli %arg1, %mul3A_42 : i32
      %run_scoped3A = arith.constant 0 : i32
      "tpu.region"() ({
        %run_scoped3A_105 = tpu.sem_alloc : memref<!tpu.dma_semaphore, #tpu.memory_space<semaphore_mem>>
        %dma_start3A = arith.constant 0 : i32
        %dma_start3A_106 = arith.constant 0 : i32
        %dma_start3A_107 = tpu.memref_slice %arg7[%run_scoped3A, %dma_start3A, %dma_start3A_106] : memref<2x8x128xi32, #tpu.memory_space<vmem>> -> memref<1x8x128xi32, #tpu.memory_space<vmem>>
        %dma_start3A_108 = tpu.memref_squeeze %dma_start3A_107 : memref<1x8x128xi32, #tpu.memory_space<vmem>> -> memref<8x128xi32, #tpu.memory_space<vmem>>
        %dma_start3A_109 = arith.constant 0 : i32
        %dma_start3A_110 = tpu.memref_slice %arg4[%mul3A_43, %dma_start3A_109] : memref<2560x128xi32, #tpu.memory_space<hbm>> -> memref<8x128xi32, #tpu.memory_space<hbm>>
        %dma_start3A_111 = arith.constant 0 : i32
        %dma_start3A_112 = arith.constant 0 : i32
        %dma_start3A_113 = tpu.memref_slice %arg7[%run_scoped3A, %dma_start3A_111, %dma_start3A_112] : memref<2x8x128xi32, #tpu.memory_space<vmem>> -> memref<1x8x128xi32, #tpu.memory_space<vmem>>
        %dma_start3A_114 = tpu.memref_squeeze %dma_start3A_113 : memref<1x8x128xi32, #tpu.memory_space<vmem>> -> memref<8x128xi32, #tpu.memory_space<vmem>>
        %dma_start3A_115 = arith.constant 0 : i32
        %dma_start3A_116 = tpu.memref_slice %arg4[%mul3A_43, %dma_start3A_115] : memref<2560x128xi32, #tpu.memory_space<hbm>> -> memref<8x128xi32, #tpu.memory_space<hbm>>
        tpu.enqueue_dma source(%dma_start3A_116 : memref<8x128xi32, #tpu.memory_space<hbm>>) target(%dma_start3A_114 : memref<8x128xi32, #tpu.memory_space<vmem>>) target_semaphore(%run_scoped3A_105 : memref<!tpu.dma_semaphore, #tpu.memory_space<semaphore_mem>>)
        %dma_wait3A_117 = arith.constant 0 : i32
        %dma_wait3A_118 = arith.constant 0 : i32
        %dma_wait3A_119 = tpu.memref_slice %arg7[%run_scoped3A, %dma_wait3A_117, %dma_wait3A_118] : memref<2x8x128xi32, #tpu.memory_space<vmem>> -> memref<1x8x128xi32, #tpu.memory_space<vmem>>
        %dma_wait3A_120 = tpu.memref_squeeze %dma_wait3A_119 : memref<1x8x128xi32, #tpu.memory_space<vmem>> -> memref<8x128xi32, #tpu.memory_space<vmem>>
        %dma_wait3A_121 = arith.constant 0 : i32
        %dma_wait3A_122 = tpu.memref_slice %arg4[%mul3A_43, %dma_wait3A_121] : memref<2560x128xi32, #tpu.memory_space<hbm>> -> memref<8x128xi32, #tpu.memory_space<hbm>>
        %dma_wait3A_123 = arith.constant 0 : i32
        %dma_wait3A_124 = arith.constant 0 : i32
        %dma_wait3A_125 = tpu.memref_slice %arg7[%run_scoped3A, %dma_wait3A_123, %dma_wait3A_124] : memref<2x8x128xi32, #tpu.memory_space<vmem>> -> memref<1x8x128xi32, #tpu.memory_space<vmem>>
        %dma_wait3A_126 = tpu.memref_squeeze %dma_wait3A_125 : memref<1x8x128xi32, #tpu.memory_space<vmem>> -> memref<8x128xi32, #tpu.memory_space<vmem>>
        %dma_wait3A_127 = arith.constant 0 : i32
        %dma_wait3A_128 = tpu.memref_slice %arg4[%mul3A_43, %dma_wait3A_127] : memref<2560x128xi32, #tpu.memory_space<hbm>> -> memref<8x128xi32, #tpu.memory_space<hbm>>
        tpu.wait_dma2 semaphore(%run_scoped3A_105 : memref<!tpu.dma_semaphore, #tpu.memory_space<semaphore_mem>>) src(%dma_wait3A_128 : memref<8x128xi32, #tpu.memory_space<hbm>>) dst(%dma_wait3A_126 : memref<8x128xi32, #tpu.memory_space<vmem>>)
        tpu.yield
      }) : () -> ()
      %mul3A_44 = arith.constant 160 : i32
      %mul3A_45 = arith.muli %arg1, %mul3A_44 : i32
      %run_scoped3A_46 = arith.constant 0 : i32
      "tpu.region"() ({
        %run_scoped3A_105 = tpu.sem_alloc : memref<!tpu.dma_semaphore, #tpu.memory_space<semaphore_mem>>
        %dma_start3A = arith.constant 0 : i32
        %dma_start3A_106 = arith.constant 0 : i32
        %dma_start3A_107 = tpu.memref_slice %arg8[%run_scoped3A_46, %dma_start3A, %dma_start3A_106] : memref<2x8x128xi32, #tpu.memory_space<vmem>> -> memref<1x8x128xi32, #tpu.memory_space<vmem>>
        %dma_start3A_108 = tpu.memref_squeeze %dma_start3A_107 : memref<1x8x128xi32, #tpu.memory_space<vmem>> -> memref<8x128xi32, #tpu.memory_space<vmem>>
        %dma_start3A_109 = arith.constant 0 : i32
        %dma_start3A_110 = tpu.memref_slice %arg5[%mul3A_45, %dma_start3A_109] : memref<2560x128xi32, #tpu.memory_space<hbm>> -> memref<8x128xi32, #tpu.memory_space<hbm>>
        %dma_start3A_111 = arith.constant 0 : i32
        %dma_start3A_112 = arith.constant 0 : i32
        %dma_start3A_113 = tpu.memref_slice %arg8[%run_scoped3A_46, %dma_start3A_111, %dma_start3A_112] : memref<2x8x128xi32, #tpu.memory_space<vmem>> -> memref<1x8x128xi32, #tpu.memory_space<vmem>>
        %dma_start3A_114 = tpu.memref_squeeze %dma_start3A_113 : memref<1x8x128xi32, #tpu.memory_space<vmem>> -> memref<8x128xi32, #tpu.memory_space<vmem>>
        %dma_start3A_115 = arith.constant 0 : i32
        %dma_start3A_116 = tpu.memref_slice %arg5[%mul3A_45, %dma_start3A_115] : memref<2560x128xi32, #tpu.memory_space<hbm>> -> memref<8x128xi32, #tpu.memory_space<hbm>>
        tpu.enqueue_dma source(%dma_start3A_116 : memref<8x128xi32, #tpu.memory_space<hbm>>) target(%dma_start3A_114 : memref<8x128xi32, #tpu.memory_space<vmem>>) target_semaphore(%run_scoped3A_105 : memref<!tpu.dma_semaphore, #tpu.memory_space<semaphore_mem>>)
        %dma_wait3A_117 = arith.constant 0 : i32
        %dma_wait3A_118 = arith.constant 0 : i32
        %dma_wait3A_119 = tpu.memref_slice %arg8[%run_scoped3A_46, %dma_wait3A_117, %dma_wait3A_118] : memref<2x8x128xi32, #tpu.memory_space<vmem>> -> memref<1x8x128xi32, #tpu.memory_space<vmem>>
        %dma_wait3A_120 = tpu.memref_squeeze %dma_wait3A_119 : memref<1x8x128xi32, #tpu.memory_space<vmem>> -> memref<8x128xi32, #tpu.memory_space<vmem>>
        %dma_wait3A_121 = arith.constant 0 : i32
        %dma_wait3A_122 = tpu.memref_slice %arg5[%mul3A_45, %dma_wait3A_121] : memref<2560x128xi32, #tpu.memory_space<hbm>> -> memref<8x128xi32, #tpu.memory_space<hbm>>
        %dma_wait3A_123 = arith.constant 0 : i32
        %dma_wait3A_124 = arith.constant 0 : i32
        %dma_wait3A_125 = tpu.memref_slice %arg8[%run_scoped3A_46, %dma_wait3A_123, %dma_wait3A_124] : memref<2x8x128xi32, #tpu.memory_space<vmem>> -> memref<1x8x128xi32, #tpu.memory_space<vmem>>
        %dma_wait3A_126 = tpu.memref_squeeze %dma_wait3A_125 : memref<1x8x128xi32, #tpu.memory_space<vmem>> -> memref<8x128xi32, #tpu.memory_space<vmem>>
        %dma_wait3A_127 = arith.constant 0 : i32
        %dma_wait3A_128 = tpu.memref_slice %arg5[%mul3A_45, %dma_wait3A_127] : memref<2560x128xi32, #tpu.memory_space<hbm>> -> memref<8x128xi32, #tpu.memory_space<hbm>>
        tpu.wait_dma2 semaphore(%run_scoped3A_105 : memref<!tpu.dma_semaphore, #tpu.memory_space<semaphore_mem>>) src(%dma_wait3A_128 : memref<8x128xi32, #tpu.memory_space<hbm>>) dst(%dma_wait3A_126 : memref<8x128xi32, #tpu.memory_space<vmem>>)
        tpu.yield
      }) : () -> ()
      %scan3A_47 = arith.constant 0 : i32
      %scan3A_48 = arith.constant 0 : i32
      %scan3A_49 = arith.constant 20 : i32
      %scan3A_50 = arith.addi %scan3A_48, %scan3A_49 : i32
      %scan3A_51 = arith.constant 1 : i32
      %scan3A_52 = scf.for %scan3A_105 = %scan3A_48 to %scan3A_50 step %scan3A_51 iter_args(%scan3A_106 = %scan3A_47) -> (i32)  : i32 {
        %jit3A = arith.constant 2 : i32
        %eq3A_107 = arith.constant 0 : i32
        %eq3A_108 = arith.cmpi eq, %jit3A, %eq3A_107 : i32
        %jit3A_109 = arith.constant 1 : i32
        %select_n3A_110 = arith.select %eq3A_108, %jit3A_109, %jit3A : i32
        %rem3A = arith.remsi %scan3A_105, %select_n3A_110 : i32
        %ne3A = arith.constant 0 : i32
        %ne3A_111 = arith.cmpi ne, %rem3A, %ne3A : i32
        %lt3A_112 = arith.constant 0 : i32
        %lt3A_113 = arith.cmpi slt, %rem3A, %lt3A_112 : i32
        %lt3A_114 = arith.constant 0 : i32
        %lt3A_115 = arith.cmpi slt, %select_n3A_110, %lt3A_114 : i32
        %ne3A_116 = arith.xori %lt3A_113, %lt3A_115 : i1
        %and3A = arith.andi %ne3A_116, %ne3A_111 : i1
        %add3A_117 = arith.addi %rem3A, %select_n3A_110 : i32
        %select_n3A_118 = arith.select %and3A, %add3A_117, %rem3A : i32
        %dma_start3A = arith.constant 0 : i32
        %dma_start3A_119 = arith.constant 0 : i32
        %dma_start3A_120 = arith.constant 0 : i32
        %dma_start3A_121 = arith.constant 0 : i32
        %dma_start3A_122 = tpu.memref_slice %arg9[%dma_start3A_119, %dma_start3A_120, %dma_start3A_121] : memref<4x128x64xf32, #tpu.memory_space<vmem>> -> memref<1x128x64xf32, #tpu.memory_space<vmem>>
        %dma_start3A_123 = tpu.memref_squeeze %dma_start3A_122 : memref<1x128x64xf32, #tpu.memory_space<vmem>> -> memref<128x64xf32, #tpu.memory_space<vmem>>
        %dma_start3A_124 = arith.constant 0 : i32
        %dma_start3A_125 = tpu.memref_slice %arg7[%select_n3A_118, %dma_start3A, %dma_start3A_124] : memref<2x8x128xi32, #tpu.memory_space<vmem>> -> memref<1x1x128xi32, #tpu.memory_space<vmem>>
        %dma_start3A_126 = tpu.memref_squeeze %dma_start3A_125 : memref<1x1x128xi32, #tpu.memory_space<vmem>> -> memref<128xi32, #tpu.memory_space<vmem>>
        %dma_start3A_127 = arith.constant 0 : i32
        %dma_start3A_128 = arith.constant 0 : i32
        %dma_start3A_129 = tpu.memref_slice %arg2[%dma_start3A_127, %dma_start3A_128] : memref<10000x64xf32, #tpu.memory_space<hbm>> -> memref<10000x64xf32, #tpu.memory_space<hbm>>
        tpu.enqueue_indirect_dma source(%dma_start3A_129 : memref<10000x64xf32, #tpu.memory_space<hbm>>) target(%dma_start3A_123 : memref<128x64xf32, #tpu.memory_space<vmem>>) offsets(%dma_start3A_126 : memref<128xi32, #tpu.memory_space<vmem>>) semaphore(%arg13 : memref<!tpu.dma_semaphore, #tpu.memory_space<semaphore_mem>>)
        %dma_start3A_130 = arith.constant 1 : i32
        %dma_start3A_131 = arith.constant 1 : i32
        %dma_start3A_132 = arith.constant 0 : i32
        %dma_start3A_133 = arith.constant 0 : i32
        %dma_start3A_134 = tpu.memref_slice %arg9[%dma_start3A_131, %dma_start3A_132, %dma_start3A_133] : memref<4x128x64xf32, #tpu.memory_space<vmem>> -> memref<1x128x64xf32, #tpu.memory_space<vmem>>
        %dma_start3A_135 = tpu.memref_squeeze %dma_start3A_134 : memref<1x128x64xf32, #tpu.memory_space<vmem>> -> memref<128x64xf32, #tpu.memory_space<vmem>>
        %dma_start3A_136 = arith.constant 0 : i32
        %dma_start3A_137 = tpu.memref_slice %arg7[%select_n3A_118, %dma_start3A_130, %dma_start3A_136] : memref<2x8x128xi32, #tpu.memory_space<vmem>> -> memref<1x1x128xi32, #tpu.memory_space<vmem>>
        %dma_start3A_138 = tpu.memref_squeeze %dma_start3A_137 : memref<1x1x128xi32, #tpu.memory_space<vmem>> -> memref<128xi32, #tpu.memory_space<vmem>>
        %dma_start3A_139 = arith.constant 0 : i32
        %dma_start3A_140 = arith.constant 0 : i32
        %dma_start3A_141 = tpu.memref_slice %arg2[%dma_start3A_139, %dma_start3A_140] : memref<10000x64xf32, #tpu.memory_space<hbm>> -> memref<10000x64xf32, #tpu.memory_space<hbm>>
        tpu.enqueue_indirect_dma source(%dma_start3A_141 : memref<10000x64xf32, #tpu.memory_space<hbm>>) target(%dma_start3A_135 : memref<128x64xf32, #tpu.memory_space<vmem>>) offsets(%dma_start3A_138 : memref<128xi32, #tpu.memory_space<vmem>>) semaphore(%arg13 : memref<!tpu.dma_semaphore, #tpu.memory_space<semaphore_mem>>)
        %dma_start3A_142 = arith.constant 2 : i32
        %dma_start3A_143 = arith.constant 2 : i32
        %dma_start3A_144 = arith.constant 0 : i32
        %dma_start3A_145 = arith.constant 0 : i32
        %dma_start3A_146 = tpu.memref_slice %arg9[%dma_start3A_143, %dma_start3A_144, %dma_start3A_145] : memref<4x128x64xf32, #tpu.memory_space<vmem>> -> memref<1x128x64xf32, #tpu.memory_space<vmem>>
        %dma_start3A_147 = tpu.memref_squeeze %dma_start3A_146 : memref<1x128x64xf32, #tpu.memory_space<vmem>> -> memref<128x64xf32, #tpu.memory_space<vmem>>
        %dma_start3A_148 = arith.constant 0 : i32
        %dma_start3A_149 = tpu.memref_slice %arg7[%select_n3A_118, %dma_start3A_142, %dma_start3A_148] : memref<2x8x128xi32, #tpu.memory_space<vmem>> -> memref<1x1x128xi32, #tpu.memory_space<vmem>>
        %dma_start3A_150 = tpu.memref_squeeze %dma_start3A_149 : memref<1x1x128xi32, #tpu.memory_space<vmem>> -> memref<128xi32, #tpu.memory_space<vmem>>
        %dma_start3A_151 = arith.constant 0 : i32
        %dma_start3A_152 = arith.constant 0 : i32
        %dma_start3A_153 = tpu.memref_slice %arg2[%dma_start3A_151, %dma_start3A_152] : memref<10000x64xf32, #tpu.memory_space<hbm>> -> memref<10000x64xf32, #tpu.memory_space<hbm>>
        tpu.enqueue_indirect_dma source(%dma_start3A_153 : memref<10000x64xf32, #tpu.memory_space<hbm>>) target(%dma_start3A_147 : memref<128x64xf32, #tpu.memory_space<vmem>>) offsets(%dma_start3A_150 : memref<128xi32, #tpu.memory_space<vmem>>) semaphore(%arg13 : memref<!tpu.dma_semaphore, #tpu.memory_space<semaphore_mem>>)
        %dma_start3A_154 = arith.constant 3 : i32
        %dma_start3A_155 = arith.constant 3 : i32
        %dma_start3A_156 = arith.constant 0 : i32
        %dma_start3A_157 = arith.constant 0 : i32
        %dma_start3A_158 = tpu.memref_slice %arg9[%dma_start3A_155, %dma_start3A_156, %dma_start3A_157] : memref<4x128x64xf32, #tpu.memory_space<vmem>> -> memref<1x128x64xf32, #tpu.memory_space<vmem>>
        %dma_start3A_159 = tpu.memref_squeeze %dma_start3A_158 : memref<1x128x64xf32, #tpu.memory_space<vmem>> -> memref<128x64xf32, #tpu.memory_space<vmem>>
        %dma_start3A_160 = arith.constant 0 : i32
        %dma_start3A_161 = tpu.memref_slice %arg7[%select_n3A_118, %dma_start3A_154, %dma_start3A_160] : memref<2x8x128xi32, #tpu.memory_space<vmem>> -> memref<1x1x128xi32, #tpu.memory_space<vmem>>
        %dma_start3A_162 = tpu.memref_squeeze %dma_start3A_161 : memref<1x1x128xi32, #tpu.memory_space<vmem>> -> memref<128xi32, #tpu.memory_space<vmem>>
        %dma_start3A_163 = arith.constant 0 : i32
        %dma_start3A_164 = arith.constant 0 : i32
        %dma_start3A_165 = tpu.memref_slice %arg2[%dma_start3A_163, %dma_start3A_164] : memref<10000x64xf32, #tpu.memory_space<hbm>> -> memref<10000x64xf32, #tpu.memory_space<hbm>>
        tpu.enqueue_indirect_dma source(%dma_start3A_165 : memref<10000x64xf32, #tpu.memory_space<hbm>>) target(%dma_start3A_159 : memref<128x64xf32, #tpu.memory_space<vmem>>) offsets(%dma_start3A_162 : memref<128xi32, #tpu.memory_space<vmem>>) semaphore(%arg13 : memref<!tpu.dma_semaphore, #tpu.memory_space<semaphore_mem>>)
        %dma_wait3A_166 = arith.constant 0 : i32
        %dma_wait3A_167 = arith.constant 0 : i32
        %dma_wait3A_168 = arith.constant 0 : i32
        %dma_wait3A_169 = arith.constant 0 : i32
        %dma_wait3A_170 = tpu.memref_slice %arg9[%dma_wait3A_167, %dma_wait3A_168, %dma_wait3A_169] : memref<4x128x64xf32, #tpu.memory_space<vmem>> -> memref<1x128x64xf32, #tpu.memory_space<vmem>>
        %dma_wait3A_171 = tpu.memref_squeeze %dma_wait3A_170 : memref<1x128x64xf32, #tpu.memory_space<vmem>> -> memref<128x64xf32, #tpu.memory_space<vmem>>
        %dma_wait3A_172 = arith.constant 0 : i32
        %dma_wait3A_173 = tpu.memref_slice %arg7[%select_n3A_118, %dma_wait3A_166, %dma_wait3A_172] : memref<2x8x128xi32, #tpu.memory_space<vmem>> -> memref<1x1x128xi32, #tpu.memory_space<vmem>>
        %dma_wait3A_174 = tpu.memref_squeeze %dma_wait3A_173 : memref<1x1x128xi32, #tpu.memory_space<vmem>> -> memref<128xi32, #tpu.memory_space<vmem>>
        %dma_wait3A_175 = arith.constant 0 : i32
        %dma_wait3A_176 = arith.constant 0 : i32
        %dma_wait3A_177 = tpu.memref_slice %arg2[%dma_wait3A_175, %dma_wait3A_176] : memref<10000x64xf32, #tpu.memory_space<hbm>> -> memref<10000x64xf32, #tpu.memory_space<hbm>>
        tpu.wait_indirect_dma semaphore(%arg13 : memref<!tpu.dma_semaphore, #tpu.memory_space<semaphore_mem>>) src(%dma_wait3A_177 : memref<10000x64xf32, #tpu.memory_space<hbm>>) dst(%dma_wait3A_171 : memref<128x64xf32, #tpu.memory_space<vmem>>)
        %dma_wait3A_178 = arith.constant 1 : i32
        %dma_wait3A_179 = arith.constant 1 : i32
        %dma_wait3A_180 = arith.constant 0 : i32
        %dma_wait3A_181 = arith.constant 0 : i32
        %dma_wait3A_182 = tpu.memref_slice %arg9[%dma_wait3A_179, %dma_wait3A_180, %dma_wait3A_181] : memref<4x128x64xf32, #tpu.memory_space<vmem>> -> memref<1x128x64xf32, #tpu.memory_space<vmem>>
        %dma_wait3A_183 = tpu.memref_squeeze %dma_wait3A_182 : memref<1x128x64xf32, #tpu.memory_space<vmem>> -> memref<128x64xf32, #tpu.memory_space<vmem>>
        %dma_wait3A_184 = arith.constant 0 : i32
        %dma_wait3A_185 = tpu.memref_slice %arg7[%select_n3A_118, %dma_wait3A_178, %dma_wait3A_184] : memref<2x8x128xi32, #tpu.memory_space<vmem>> -> memref<1x1x128xi32, #tpu.memory_space<vmem>>
        %dma_wait3A_186 = tpu.memref_squeeze %dma_wait3A_185 : memref<1x1x128xi32, #tpu.memory_space<vmem>> -> memref<128xi32, #tpu.memory_space<vmem>>
        %dma_wait3A_187 = arith.constant 0 : i32
        %dma_wait3A_188 = arith.constant 0 : i32
        %dma_wait3A_189 = tpu.memref_slice %arg2[%dma_wait3A_187, %dma_wait3A_188] : memref<10000x64xf32, #tpu.memory_space<hbm>> -> memref<10000x64xf32, #tpu.memory_space<hbm>>
        tpu.wait_indirect_dma semaphore(%arg13 : memref<!tpu.dma_semaphore, #tpu.memory_space<semaphore_mem>>) src(%dma_wait3A_189 : memref<10000x64xf32, #tpu.memory_space<hbm>>) dst(%dma_wait3A_183 : memref<128x64xf32, #tpu.memory_space<vmem>>)
        %dma_wait3A_190 = arith.constant 2 : i32
        %dma_wait3A_191 = arith.constant 2 : i32
        %dma_wait3A_192 = arith.constant 0 : i32
        %dma_wait3A_193 = arith.constant 0 : i32
        %dma_wait3A_194 = tpu.memref_slice %arg9[%dma_wait3A_191, %dma_wait3A_192, %dma_wait3A_193] : memref<4x128x64xf32, #tpu.memory_space<vmem>> -> memref<1x128x64xf32, #tpu.memory_space<vmem>>
        %dma_wait3A_195 = tpu.memref_squeeze %dma_wait3A_194 : memref<1x128x64xf32, #tpu.memory_space<vmem>> -> memref<128x64xf32, #tpu.memory_space<vmem>>
        %dma_wait3A_196 = arith.constant 0 : i32
        %dma_wait3A_197 = tpu.memref_slice %arg7[%select_n3A_118, %dma_wait3A_190, %dma_wait3A_196] : memref<2x8x128xi32, #tpu.memory_space<vmem>> -> memref<1x1x128xi32, #tpu.memory_space<vmem>>
        %dma_wait3A_198 = tpu.memref_squeeze %dma_wait3A_197 : memref<1x1x128xi32, #tpu.memory_space<vmem>> -> memref<128xi32, #tpu.memory_space<vmem>>
        %dma_wait3A_199 = arith.constant 0 : i32
        %dma_wait3A_200 = arith.constant 0 : i32
        %dma_wait3A_201 = tpu.memref_slice %arg2[%dma_wait3A_199, %dma_wait3A_200] : memref<10000x64xf32, #tpu.memory_space<hbm>> -> memref<10000x64xf32, #tpu.memory_space<hbm>>
        tpu.wait_indirect_dma semaphore(%arg13 : memref<!tpu.dma_semaphore, #tpu.memory_space<semaphore_mem>>) src(%dma_wait3A_201 : memref<10000x64xf32, #tpu.memory_space<hbm>>) dst(%dma_wait3A_195 : memref<128x64xf32, #tpu.memory_space<vmem>>)
        %dma_wait3A_202 = arith.constant 3 : i32
        %dma_wait3A_203 = arith.constant 3 : i32
        %dma_wait3A_204 = arith.constant 0 : i32
        %dma_wait3A_205 = arith.constant 0 : i32
        %dma_wait3A_206 = tpu.memref_slice %arg9[%dma_wait3A_203, %dma_wait3A_204, %dma_wait3A_205] : memref<4x128x64xf32, #tpu.memory_space<vmem>> -> memref<1x128x64xf32, #tpu.memory_space<vmem>>
        %dma_wait3A_207 = tpu.memref_squeeze %dma_wait3A_206 : memref<1x128x64xf32, #tpu.memory_space<vmem>> -> memref<128x64xf32, #tpu.memory_space<vmem>>
        %dma_wait3A_208 = arith.constant 0 : i32
        %dma_wait3A_209 = tpu.memref_slice %arg7[%select_n3A_118, %dma_wait3A_202, %dma_wait3A_208] : memref<2x8x128xi32, #tpu.memory_space<vmem>> -> memref<1x1x128xi32, #tpu.memory_space<vmem>>
        %dma_wait3A_210 = tpu.memref_squeeze %dma_wait3A_209 : memref<1x1x128xi32, #tpu.memory_space<vmem>> -> memref<128xi32, #tpu.memory_space<vmem>>
        %dma_wait3A_211 = arith.constant 0 : i32
        %dma_wait3A_212 = arith.constant 0 : i32
        %dma_wait3A_213 = tpu.memref_slice %arg2[%dma_wait3A_211, %dma_wait3A_212] : memref<10000x64xf32, #tpu.memory_space<hbm>> -> memref<10000x64xf32, #tpu.memory_space<hbm>>
        tpu.wait_indirect_dma semaphore(%arg13 : memref<!tpu.dma_semaphore, #tpu.memory_space<semaphore_mem>>) src(%dma_wait3A_213 : memref<10000x64xf32, #tpu.memory_space<hbm>>) dst(%dma_wait3A_207 : memref<128x64xf32, #tpu.memory_space<vmem>>)
        %gt3A = arith.constant 0 : i32
        %gt3A_214 = arith.cmpi sgt, %scan3A_105, %gt3A : i32
        %convert_element_type3A_215 = arith.extui %gt3A_214 : i1 to i32
        %cond3A_216 = arith.constant 0 : i32
        %cond3A_217 = arith.cmpi ne, %convert_element_type3A_215, %cond3A_216 : i32
        scf.if %cond3A_217 {
          %add3A_464 = arith.constant 1 : i32
          %add3A_465 = arith.addi %scan3A_105, %add3A_464 : i32
          %jit3A_466 = arith.constant 2 : i32
          %eq3A_467 = arith.constant 0 : i32
          %eq3A_468 = arith.cmpi eq, %jit3A_466, %eq3A_467 : i32
          %jit3A_469 = arith.constant 1 : i32
          %select_n3A_470 = arith.select %eq3A_468, %jit3A_469, %jit3A_466 : i32
          %rem3A_471 = arith.remsi %add3A_465, %select_n3A_470 : i32
          %ne3A_472 = arith.constant 0 : i32
          %ne3A_473 = arith.cmpi ne, %rem3A_471, %ne3A_472 : i32
          %lt3A_474 = arith.constant 0 : i32
          %lt3A_475 = arith.cmpi slt, %rem3A_471, %lt3A_474 : i32
          %lt3A_476 = arith.constant 0 : i32
          %lt3A_477 = arith.cmpi slt, %select_n3A_470, %lt3A_476 : i32
          %ne3A_478 = arith.xori %lt3A_475, %lt3A_477 : i1
          %and3A_479 = arith.andi %ne3A_478, %ne3A_473 : i1
          %add3A_480 = arith.addi %rem3A_471, %select_n3A_470 : i32
          %select_n3A_481 = arith.select %and3A_479, %add3A_480, %rem3A_471 : i32
          %dma_wait3A_482 = arith.constant 0 : i32
          %dma_wait3A_483 = arith.constant 4 : i32
          %dma_wait3A_484 = arith.constant 0 : i32
          %dma_wait3A_485 = arith.constant 0 : i32
          %dma_wait3A_486 = tpu.memref_slice %arg10[%dma_wait3A_482, %dma_wait3A_484, %dma_wait3A_485] : memref<4x128x64xf32, #tpu.memory_space<vmem>> -> memref<1x128x64xf32, #tpu.memory_space<vmem>>
          %dma_wait3A_487 = tpu.memref_squeeze %dma_wait3A_486 : memref<1x128x64xf32, #tpu.memory_space<vmem>> -> memref<128x64xf32, #tpu.memory_space<vmem>>
          %dma_wait3A_488 = arith.constant 0 : i32
          %dma_wait3A_489 = tpu.memref_slice %arg8[%select_n3A_481, %dma_wait3A_483, %dma_wait3A_488] : memref<2x8x128xi32, #tpu.memory_space<vmem>> -> memref<1x1x128xi32, #tpu.memory_space<vmem>>
          %dma_wait3A_490 = tpu.memref_squeeze %dma_wait3A_489 : memref<1x1x128xi32, #tpu.memory_space<vmem>> -> memref<128xi32, #tpu.memory_space<vmem>>
          %dma_wait3A_491 = arith.constant 0 : i32
          %dma_wait3A_492 = arith.constant 0 : i32
          %dma_wait3A_493 = tpu.memref_slice %arg12[%dma_wait3A_491, %dma_wait3A_492] : memref<10112x64xf32, #tpu.memory_space<vmem_shared>> -> memref<10112x64xf32, #tpu.memory_space<vmem_shared>>
          tpu.wait_indirect_dma semaphore(%arg14 : memref<!tpu.dma_semaphore, #tpu.memory_space<semaphore_mem>>) src(%dma_wait3A_487 : memref<128x64xf32, #tpu.memory_space<vmem>>) dst(%dma_wait3A_493 : memref<10112x64xf32, #tpu.memory_space<vmem_shared>>)
          %add3A_494 = arith.constant 1 : i32
          %add3A_495 = arith.addi %scan3A_105, %add3A_494 : i32
          %jit3A_496 = arith.constant 2 : i32
          %eq3A_497 = arith.constant 0 : i32
          %eq3A_498 = arith.cmpi eq, %jit3A_496, %eq3A_497 : i32
          %jit3A_499 = arith.constant 1 : i32
          %select_n3A_500 = arith.select %eq3A_498, %jit3A_499, %jit3A_496 : i32
          %rem3A_501 = arith.remsi %add3A_495, %select_n3A_500 : i32
          %ne3A_502 = arith.constant 0 : i32
          %ne3A_503 = arith.cmpi ne, %rem3A_501, %ne3A_502 : i32
          %lt3A_504 = arith.constant 0 : i32
          %lt3A_505 = arith.cmpi slt, %rem3A_501, %lt3A_504 : i32
          %lt3A_506 = arith.constant 0 : i32
          %lt3A_507 = arith.cmpi slt, %select_n3A_500, %lt3A_506 : i32
          %ne3A_508 = arith.xori %lt3A_505, %lt3A_507 : i1
          %and3A_509 = arith.andi %ne3A_508, %ne3A_503 : i1
          %add3A_510 = arith.addi %rem3A_501, %select_n3A_500 : i32
          %select_n3A_511 = arith.select %and3A_509, %add3A_510, %rem3A_501 : i32
          %dma_wait3A_512 = arith.constant 1 : i32
          %dma_wait3A_513 = arith.constant 5 : i32
          %dma_wait3A_514 = arith.constant 0 : i32
          %dma_wait3A_515 = arith.constant 0 : i32
          %dma_wait3A_516 = tpu.memref_slice %arg10[%dma_wait3A_512, %dma_wait3A_514, %dma_wait3A_515] : memref<4x128x64xf32, #tpu.memory_space<vmem>> -> memref<1x128x64xf32, #tpu.memory_space<vmem>>
          %dma_wait3A_517 = tpu.memref_squeeze %dma_wait3A_516 : memref<1x128x64xf32, #tpu.memory_space<vmem>> -> memref<128x64xf32, #tpu.memory_space<vmem>>
          %dma_wait3A_518 = arith.constant 0 : i32
          %dma_wait3A_519 = tpu.memref_slice %arg8[%select_n3A_511, %dma_wait3A_513, %dma_wait3A_518] : memref<2x8x128xi32, #tpu.memory_space<vmem>> -> memref<1x1x128xi32, #tpu.memory_space<vmem>>
          %dma_wait3A_520 = tpu.memref_squeeze %dma_wait3A_519 : memref<1x1x128xi32, #tpu.memory_space<vmem>> -> memref<128xi32, #tpu.memory_space<vmem>>
          %dma_wait3A_521 = arith.constant 0 : i32
          %dma_wait3A_522 = arith.constant 0 : i32
          %dma_wait3A_523 = tpu.memref_slice %arg12[%dma_wait3A_521, %dma_wait3A_522] : memref<10112x64xf32, #tpu.memory_space<vmem_shared>> -> memref<10112x64xf32, #tpu.memory_space<vmem_shared>>
          tpu.wait_indirect_dma semaphore(%arg14 : memref<!tpu.dma_semaphore, #tpu.memory_space<semaphore_mem>>) src(%dma_wait3A_517 : memref<128x64xf32, #tpu.memory_space<vmem>>) dst(%dma_wait3A_523 : memref<10112x64xf32, #tpu.memory_space<vmem_shared>>)
          %add3A_524 = arith.constant 1 : i32
          %add3A_525 = arith.addi %scan3A_105, %add3A_524 : i32
          %jit3A_526 = arith.constant 2 : i32
          %eq3A_527 = arith.constant 0 : i32
          %eq3A_528 = arith.cmpi eq, %jit3A_526, %eq3A_527 : i32
          %jit3A_529 = arith.constant 1 : i32
          %select_n3A_530 = arith.select %eq3A_528, %jit3A_529, %jit3A_526 : i32
          %rem3A_531 = arith.remsi %add3A_525, %select_n3A_530 : i32
          %ne3A_532 = arith.constant 0 : i32
          %ne3A_533 = arith.cmpi ne, %rem3A_531, %ne3A_532 : i32
          %lt3A_534 = arith.constant 0 : i32
          %lt3A_535 = arith.cmpi slt, %rem3A_531, %lt3A_534 : i32
          %lt3A_536 = arith.constant 0 : i32
          %lt3A_537 = arith.cmpi slt, %select_n3A_530, %lt3A_536 : i32
          %ne3A_538 = arith.xori %lt3A_535, %lt3A_537 : i1
          %and3A_539 = arith.andi %ne3A_538, %ne3A_533 : i1
          %add3A_540 = arith.addi %rem3A_531, %select_n3A_530 : i32
          %select_n3A_541 = arith.select %and3A_539, %add3A_540, %rem3A_531 : i32
          %dma_wait3A_542 = arith.constant 2 : i32
          %dma_wait3A_543 = arith.constant 6 : i32
          %dma_wait3A_544 = arith.constant 0 : i32
          %dma_wait3A_545 = arith.constant 0 : i32
          %dma_wait3A_546 = tpu.memref_slice %arg10[%dma_wait3A_542, %dma_wait3A_544, %dma_wait3A_545] : memref<4x128x64xf32, #tpu.memory_space<vmem>> -> memref<1x128x64xf32, #tpu.memory_space<vmem>>
          %dma_wait3A_547 = tpu.memref_squeeze %dma_wait3A_546 : memref<1x128x64xf32, #tpu.memory_space<vmem>> -> memref<128x64xf32, #tpu.memory_space<vmem>>
          %dma_wait3A_548 = arith.constant 0 : i32
          %dma_wait3A_549 = tpu.memref_slice %arg8[%select_n3A_541, %dma_wait3A_543, %dma_wait3A_548] : memref<2x8x128xi32, #tpu.memory_space<vmem>> -> memref<1x1x128xi32, #tpu.memory_space<vmem>>
          %dma_wait3A_550 = tpu.memref_squeeze %dma_wait3A_549 : memref<1x1x128xi32, #tpu.memory_space<vmem>> -> memref<128xi32, #tpu.memory_space<vmem>>
          %dma_wait3A_551 = arith.constant 0 : i32
          %dma_wait3A_552 = arith.constant 0 : i32
          %dma_wait3A_553 = tpu.memref_slice %arg12[%dma_wait3A_551, %dma_wait3A_552] : memref<10112x64xf32, #tpu.memory_space<vmem_shared>> -> memref<10112x64xf32, #tpu.memory_space<vmem_shared>>
          tpu.wait_indirect_dma semaphore(%arg14 : memref<!tpu.dma_semaphore, #tpu.memory_space<semaphore_mem>>) src(%dma_wait3A_547 : memref<128x64xf32, #tpu.memory_space<vmem>>) dst(%dma_wait3A_553 : memref<10112x64xf32, #tpu.memory_space<vmem_shared>>)
          %add3A_554 = arith.constant 1 : i32
          %add3A_555 = arith.addi %scan3A_105, %add3A_554 : i32
          %jit3A_556 = arith.constant 2 : i32
          %eq3A_557 = arith.constant 0 : i32
          %eq3A_558 = arith.cmpi eq, %jit3A_556, %eq3A_557 : i32
          %jit3A_559 = arith.constant 1 : i32
          %select_n3A_560 = arith.select %eq3A_558, %jit3A_559, %jit3A_556 : i32
          %rem3A_561 = arith.remsi %add3A_555, %select_n3A_560 : i32
          %ne3A_562 = arith.constant 0 : i32
          %ne3A_563 = arith.cmpi ne, %rem3A_561, %ne3A_562 : i32
          %lt3A_564 = arith.constant 0 : i32
          %lt3A_565 = arith.cmpi slt, %rem3A_561, %lt3A_564 : i32
          %lt3A_566 = arith.constant 0 : i32
          %lt3A_567 = arith.cmpi slt, %select_n3A_560, %lt3A_566 : i32
          %ne3A_568 = arith.xori %lt3A_565, %lt3A_567 : i1
          %and3A_569 = arith.andi %ne3A_568, %ne3A_563 : i1
          %add3A_570 = arith.addi %rem3A_561, %select_n3A_560 : i32
          %select_n3A_571 = arith.select %and3A_569, %add3A_570, %rem3A_561 : i32
          %dma_wait3A_572 = arith.constant 3 : i32
          %dma_wait3A_573 = arith.constant 7 : i32
          %dma_wait3A_574 = arith.constant 0 : i32
          %dma_wait3A_575 = arith.constant 0 : i32
          %dma_wait3A_576 = tpu.memref_slice %arg10[%dma_wait3A_572, %dma_wait3A_574, %dma_wait3A_575] : memref<4x128x64xf32, #tpu.memory_space<vmem>> -> memref<1x128x64xf32, #tpu.memory_space<vmem>>
          %dma_wait3A_577 = tpu.memref_squeeze %dma_wait3A_576 : memref<1x128x64xf32, #tpu.memory_space<vmem>> -> memref<128x64xf32, #tpu.memory_space<vmem>>
          %dma_wait3A_578 = arith.constant 0 : i32
          %dma_wait3A_579 = tpu.memref_slice %arg8[%select_n3A_571, %dma_wait3A_573, %dma_wait3A_578] : memref<2x8x128xi32, #tpu.memory_space<vmem>> -> memref<1x1x128xi32, #tpu.memory_space<vmem>>
          %dma_wait3A_580 = tpu.memref_squeeze %dma_wait3A_579 : memref<1x1x128xi32, #tpu.memory_space<vmem>> -> memref<128xi32, #tpu.memory_space<vmem>>
          %dma_wait3A_581 = arith.constant 0 : i32
          %dma_wait3A_582 = arith.constant 0 : i32
          %dma_wait3A_583 = tpu.memref_slice %arg12[%dma_wait3A_581, %dma_wait3A_582] : memref<10112x64xf32, #tpu.memory_space<vmem_shared>> -> memref<10112x64xf32, #tpu.memory_space<vmem_shared>>
          tpu.wait_indirect_dma semaphore(%arg14 : memref<!tpu.dma_semaphore, #tpu.memory_space<semaphore_mem>>) src(%dma_wait3A_577 : memref<128x64xf32, #tpu.memory_space<vmem>>) dst(%dma_wait3A_583 : memref<10112x64xf32, #tpu.memory_space<vmem_shared>>)
        } else {
        }
        %dma_start3A_218 = arith.constant 0 : i32
        %dma_start3A_219 = arith.constant 0 : i32
        %dma_start3A_220 = arith.constant 0 : i32
        %dma_start3A_221 = arith.constant 0 : i32
        %dma_start3A_222 = tpu.memref_slice %arg9[%dma_start3A_218, %dma_start3A_220, %dma_start3A_221] : memref<4x128x64xf32, #tpu.memory_space<vmem>> -> memref<1x128x64xf32, #tpu.memory_space<vmem>>
        %dma_start3A_223 = tpu.memref_squeeze %dma_start3A_222 : memref<1x128x64xf32, #tpu.memory_space<vmem>> -> memref<128x64xf32, #tpu.memory_space<vmem>>
        %dma_start3A_224 = arith.constant 0 : i32
        %dma_start3A_225 = tpu.memref_slice %arg8[%select_n3A_118, %dma_start3A_219, %dma_start3A_224] : memref<2x8x128xi32, #tpu.memory_space<vmem>> -> memref<1x1x128xi32, #tpu.memory_space<vmem>>
        %dma_start3A_226 = tpu.memref_squeeze %dma_start3A_225 : memref<1x1x128xi32, #tpu.memory_space<vmem>> -> memref<128xi32, #tpu.memory_space<vmem>>
        %dma_start3A_227 = arith.constant 0 : i32
        %dma_start3A_228 = arith.constant 0 : i32
        %dma_start3A_229 = tpu.memref_slice %arg12[%dma_start3A_227, %dma_start3A_228] : memref<10112x64xf32, #tpu.memory_space<vmem_shared>> -> memref<10112x64xf32, #tpu.memory_space<vmem_shared>>
        tpu.enqueue_indirect_dma source(%dma_start3A_223 : memref<128x64xf32, #tpu.memory_space<vmem>>) target(%dma_start3A_229 : memref<10112x64xf32, #tpu.memory_space<vmem_shared>>) offsets(%dma_start3A_226 : memref<128xi32, #tpu.memory_space<vmem>>) semaphore(%arg14 : memref<!tpu.dma_semaphore, #tpu.memory_space<semaphore_mem>>) {add = true}
        %dma_start3A_230 = arith.constant 1 : i32
        %dma_start3A_231 = arith.constant 1 : i32
        %dma_start3A_232 = arith.constant 0 : i32
        %dma_start3A_233 = arith.constant 0 : i32
        %dma_start3A_234 = tpu.memref_slice %arg9[%dma_start3A_230, %dma_start3A_232, %dma_start3A_233] : memref<4x128x64xf32, #tpu.memory_space<vmem>> -> memref<1x128x64xf32, #tpu.memory_space<vmem>>
        %dma_start3A_235 = tpu.memref_squeeze %dma_start3A_234 : memref<1x128x64xf32, #tpu.memory_space<vmem>> -> memref<128x64xf32, #tpu.memory_space<vmem>>
        %dma_start3A_236 = arith.constant 0 : i32
        %dma_start3A_237 = tpu.memref_slice %arg8[%select_n3A_118, %dma_start3A_231, %dma_start3A_236] : memref<2x8x128xi32, #tpu.memory_space<vmem>> -> memref<1x1x128xi32, #tpu.memory_space<vmem>>
        %dma_start3A_238 = tpu.memref_squeeze %dma_start3A_237 : memref<1x1x128xi32, #tpu.memory_space<vmem>> -> memref<128xi32, #tpu.memory_space<vmem>>
        %dma_start3A_239 = arith.constant 0 : i32
        %dma_start3A_240 = arith.constant 0 : i32
        %dma_start3A_241 = tpu.memref_slice %arg12[%dma_start3A_239, %dma_start3A_240] : memref<10112x64xf32, #tpu.memory_space<vmem_shared>> -> memref<10112x64xf32, #tpu.memory_space<vmem_shared>>
        tpu.enqueue_indirect_dma source(%dma_start3A_235 : memref<128x64xf32, #tpu.memory_space<vmem>>) target(%dma_start3A_241 : memref<10112x64xf32, #tpu.memory_space<vmem_shared>>) offsets(%dma_start3A_238 : memref<128xi32, #tpu.memory_space<vmem>>) semaphore(%arg14 : memref<!tpu.dma_semaphore, #tpu.memory_space<semaphore_mem>>) {add = true}
        %dma_start3A_242 = arith.constant 2 : i32
        %dma_start3A_243 = arith.constant 2 : i32
        %dma_start3A_244 = arith.constant 0 : i32
        %dma_start3A_245 = arith.constant 0 : i32
        %dma_start3A_246 = tpu.memref_slice %arg9[%dma_start3A_242, %dma_start3A_244, %dma_start3A_245] : memref<4x128x64xf32, #tpu.memory_space<vmem>> -> memref<1x128x64xf32, #tpu.memory_space<vmem>>
        %dma_start3A_247 = tpu.memref_squeeze %dma_start3A_246 : memref<1x128x64xf32, #tpu.memory_space<vmem>> -> memref<128x64xf32, #tpu.memory_space<vmem>>
        %dma_start3A_248 = arith.constant 0 : i32
        %dma_start3A_249 = tpu.memref_slice %arg8[%select_n3A_118, %dma_start3A_243, %dma_start3A_248] : memref<2x8x128xi32, #tpu.memory_space<vmem>> -> memref<1x1x128xi32, #tpu.memory_space<vmem>>
        %dma_start3A_250 = tpu.memref_squeeze %dma_start3A_249 : memref<1x1x128xi32, #tpu.memory_space<vmem>> -> memref<128xi32, #tpu.memory_space<vmem>>
        %dma_start3A_251 = arith.constant 0 : i32
        %dma_start3A_252 = arith.constant 0 : i32
        %dma_start3A_253 = tpu.memref_slice %arg12[%dma_start3A_251, %dma_start3A_252] : memref<10112x64xf32, #tpu.memory_space<vmem_shared>> -> memref<10112x64xf32, #tpu.memory_space<vmem_shared>>
        tpu.enqueue_indirect_dma source(%dma_start3A_247 : memref<128x64xf32, #tpu.memory_space<vmem>>) target(%dma_start3A_253 : memref<10112x64xf32, #tpu.memory_space<vmem_shared>>) offsets(%dma_start3A_250 : memref<128xi32, #tpu.memory_space<vmem>>) semaphore(%arg14 : memref<!tpu.dma_semaphore, #tpu.memory_space<semaphore_mem>>) {add = true}
        %dma_start3A_254 = arith.constant 3 : i32
        %dma_start3A_255 = arith.constant 3 : i32
        %dma_start3A_256 = arith.constant 0 : i32
        %dma_start3A_257 = arith.constant 0 : i32
        %dma_start3A_258 = tpu.memref_slice %arg9[%dma_start3A_254, %dma_start3A_256, %dma_start3A_257] : memref<4x128x64xf32, #tpu.memory_space<vmem>> -> memref<1x128x64xf32, #tpu.memory_space<vmem>>
        %dma_start3A_259 = tpu.memref_squeeze %dma_start3A_258 : memref<1x128x64xf32, #tpu.memory_space<vmem>> -> memref<128x64xf32, #tpu.memory_space<vmem>>
        %dma_start3A_260 = arith.constant 0 : i32
        %dma_start3A_261 = tpu.memref_slice %arg8[%select_n3A_118, %dma_start3A_255, %dma_start3A_260] : memref<2x8x128xi32, #tpu.memory_space<vmem>> -> memref<1x1x128xi32, #tpu.memory_space<vmem>>
        %dma_start3A_262 = tpu.memref_squeeze %dma_start3A_261 : memref<1x1x128xi32, #tpu.memory_space<vmem>> -> memref<128xi32, #tpu.memory_space<vmem>>
        %dma_start3A_263 = arith.constant 0 : i32
        %dma_start3A_264 = arith.constant 0 : i32
        %dma_start3A_265 = tpu.memref_slice %arg12[%dma_start3A_263, %dma_start3A_264] : memref<10112x64xf32, #tpu.memory_space<vmem_shared>> -> memref<10112x64xf32, #tpu.memory_space<vmem_shared>>
        tpu.enqueue_indirect_dma source(%dma_start3A_259 : memref<128x64xf32, #tpu.memory_space<vmem>>) target(%dma_start3A_265 : memref<10112x64xf32, #tpu.memory_space<vmem_shared>>) offsets(%dma_start3A_262 : memref<128xi32, #tpu.memory_space<vmem>>) semaphore(%arg14 : memref<!tpu.dma_semaphore, #tpu.memory_space<semaphore_mem>>) {add = true}
        %dma_start3A_266 = arith.constant 4 : i32
        %dma_start3A_267 = arith.constant 0 : i32
        %dma_start3A_268 = arith.constant 0 : i32
        %dma_start3A_269 = arith.constant 0 : i32
        %dma_start3A_270 = tpu.memref_slice %arg10[%dma_start3A_267, %dma_start3A_268, %dma_start3A_269] : memref<4x128x64xf32, #tpu.memory_space<vmem>> -> memref<1x128x64xf32, #tpu.memory_space<vmem>>
        %dma_start3A_271 = tpu.memref_squeeze %dma_start3A_270 : memref<1x128x64xf32, #tpu.memory_space<vmem>> -> memref<128x64xf32, #tpu.memory_space<vmem>>
        %dma_start3A_272 = arith.constant 0 : i32
        %dma_start3A_273 = tpu.memref_slice %arg7[%select_n3A_118, %dma_start3A_266, %dma_start3A_272] : memref<2x8x128xi32, #tpu.memory_space<vmem>> -> memref<1x1x128xi32, #tpu.memory_space<vmem>>
        %dma_start3A_274 = tpu.memref_squeeze %dma_start3A_273 : memref<1x1x128xi32, #tpu.memory_space<vmem>> -> memref<128xi32, #tpu.memory_space<vmem>>
        %dma_start3A_275 = arith.constant 0 : i32
        %dma_start3A_276 = arith.constant 0 : i32
        %dma_start3A_277 = tpu.memref_slice %arg2[%dma_start3A_275, %dma_start3A_276] : memref<10000x64xf32, #tpu.memory_space<hbm>> -> memref<10000x64xf32, #tpu.memory_space<hbm>>
        tpu.enqueue_indirect_dma source(%dma_start3A_277 : memref<10000x64xf32, #tpu.memory_space<hbm>>) target(%dma_start3A_271 : memref<128x64xf32, #tpu.memory_space<vmem>>) offsets(%dma_start3A_274 : memref<128xi32, #tpu.memory_space<vmem>>) semaphore(%arg13 : memref<!tpu.dma_semaphore, #tpu.memory_space<semaphore_mem>>)
        %dma_start3A_278 = arith.constant 5 : i32
        %dma_start3A_279 = arith.constant 1 : i32
        %dma_start3A_280 = arith.constant 0 : i32
        %dma_start3A_281 = arith.constant 0 : i32
        %dma_start3A_282 = tpu.memref_slice %arg10[%dma_start3A_279, %dma_start3A_280, %dma_start3A_281] : memref<4x128x64xf32, #tpu.memory_space<vmem>> -> memref<1x128x64xf32, #tpu.memory_space<vmem>>
        %dma_start3A_283 = tpu.memref_squeeze %dma_start3A_282 : memref<1x128x64xf32, #tpu.memory_space<vmem>> -> memref<128x64xf32, #tpu.memory_space<vmem>>
        %dma_start3A_284 = arith.constant 0 : i32
        %dma_start3A_285 = tpu.memref_slice %arg7[%select_n3A_118, %dma_start3A_278, %dma_start3A_284] : memref<2x8x128xi32, #tpu.memory_space<vmem>> -> memref<1x1x128xi32, #tpu.memory_space<vmem>>
        %dma_start3A_286 = tpu.memref_squeeze %dma_start3A_285 : memref<1x1x128xi32, #tpu.memory_space<vmem>> -> memref<128xi32, #tpu.memory_space<vmem>>
        %dma_start3A_287 = arith.constant 0 : i32
        %dma_start3A_288 = arith.constant 0 : i32
        %dma_start3A_289 = tpu.memref_slice %arg2[%dma_start3A_287, %dma_start3A_288] : memref<10000x64xf32, #tpu.memory_space<hbm>> -> memref<10000x64xf32, #tpu.memory_space<hbm>>
        tpu.enqueue_indirect_dma source(%dma_start3A_289 : memref<10000x64xf32, #tpu.memory_space<hbm>>) target(%dma_start3A_283 : memref<128x64xf32, #tpu.memory_space<vmem>>) offsets(%dma_start3A_286 : memref<128xi32, #tpu.memory_space<vmem>>) semaphore(%arg13 : memref<!tpu.dma_semaphore, #tpu.memory_space<semaphore_mem>>)
        %dma_start3A_290 = arith.constant 6 : i32
        %dma_start3A_291 = arith.constant 2 : i32
        %dma_start3A_292 = arith.constant 0 : i32
        %dma_start3A_293 = arith.constant 0 : i32
        %dma_start3A_294 = tpu.memref_slice %arg10[%dma_start3A_291, %dma_start3A_292, %dma_start3A_293] : memref<4x128x64xf32, #tpu.memory_space<vmem>> -> memref<1x128x64xf32, #tpu.memory_space<vmem>>
        %dma_start3A_295 = tpu.memref_squeeze %dma_start3A_294 : memref<1x128x64xf32, #tpu.memory_space<vmem>> -> memref<128x64xf32, #tpu.memory_space<vmem>>
        %dma_start3A_296 = arith.constant 0 : i32
        %dma_start3A_297 = tpu.memref_slice %arg7[%select_n3A_118, %dma_start3A_290, %dma_start3A_296] : memref<2x8x128xi32, #tpu.memory_space<vmem>> -> memref<1x1x128xi32, #tpu.memory_space<vmem>>
        %dma_start3A_298 = tpu.memref_squeeze %dma_start3A_297 : memref<1x1x128xi32, #tpu.memory_space<vmem>> -> memref<128xi32, #tpu.memory_space<vmem>>
        %dma_start3A_299 = arith.constant 0 : i32
        %dma_start3A_300 = arith.constant 0 : i32
        %dma_start3A_301 = tpu.memref_slice %arg2[%dma_start3A_299, %dma_start3A_300] : memref<10000x64xf32, #tpu.memory_space<hbm>> -> memref<10000x64xf32, #tpu.memory_space<hbm>>
        tpu.enqueue_indirect_dma source(%dma_start3A_301 : memref<10000x64xf32, #tpu.memory_space<hbm>>) target(%dma_start3A_295 : memref<128x64xf32, #tpu.memory_space<vmem>>) offsets(%dma_start3A_298 : memref<128xi32, #tpu.memory_space<vmem>>) semaphore(%arg13 : memref<!tpu.dma_semaphore, #tpu.memory_space<semaphore_mem>>)
        %dma_start3A_302 = arith.constant 7 : i32
        %dma_start3A_303 = arith.constant 3 : i32
        %dma_start3A_304 = arith.constant 0 : i32
        %dma_start3A_305 = arith.constant 0 : i32
        %dma_start3A_306 = tpu.memref_slice %arg10[%dma_start3A_303, %dma_start3A_304, %dma_start3A_305] : memref<4x128x64xf32, #tpu.memory_space<vmem>> -> memref<1x128x64xf32, #tpu.memory_space<vmem>>
        %dma_start3A_307 = tpu.memref_squeeze %dma_start3A_306 : memref<1x128x64xf32, #tpu.memory_space<vmem>> -> memref<128x64xf32, #tpu.memory_space<vmem>>
        %dma_start3A_308 = arith.constant 0 : i32
        %dma_start3A_309 = tpu.memref_slice %arg7[%select_n3A_118, %dma_start3A_302, %dma_start3A_308] : memref<2x8x128xi32, #tpu.memory_space<vmem>> -> memref<1x1x128xi32, #tpu.memory_space<vmem>>
        %dma_start3A_310 = tpu.memref_squeeze %dma_start3A_309 : memref<1x1x128xi32, #tpu.memory_space<vmem>> -> memref<128xi32, #tpu.memory_space<vmem>>
        %dma_start3A_311 = arith.constant 0 : i32
        %dma_start3A_312 = arith.constant 0 : i32
        %dma_start3A_313 = tpu.memref_slice %arg2[%dma_start3A_311, %dma_start3A_312] : memref<10000x64xf32, #tpu.memory_space<hbm>> -> memref<10000x64xf32, #tpu.memory_space<hbm>>
        tpu.enqueue_indirect_dma source(%dma_start3A_313 : memref<10000x64xf32, #tpu.memory_space<hbm>>) target(%dma_start3A_307 : memref<128x64xf32, #tpu.memory_space<vmem>>) offsets(%dma_start3A_310 : memref<128xi32, #tpu.memory_space<vmem>>) semaphore(%arg13 : memref<!tpu.dma_semaphore, #tpu.memory_space<semaphore_mem>>)
        %dma_wait3A_314 = arith.constant 4 : i32
        %dma_wait3A_315 = arith.constant 0 : i32
        %dma_wait3A_316 = arith.constant 0 : i32
        %dma_wait3A_317 = arith.constant 0 : i32
        %dma_wait3A_318 = tpu.memref_slice %arg10[%dma_wait3A_315, %dma_wait3A_316, %dma_wait3A_317] : memref<4x128x64xf32, #tpu.memory_space<vmem>> -> memref<1x128x64xf32, #tpu.memory_space<vmem>>
        %dma_wait3A_319 = tpu.memref_squeeze %dma_wait3A_318 : memref<1x128x64xf32, #tpu.memory_space<vmem>> -> memref<128x64xf32, #tpu.memory_space<vmem>>
        %dma_wait3A_320 = arith.constant 0 : i32
        %dma_wait3A_321 = tpu.memref_slice %arg7[%select_n3A_118, %dma_wait3A_314, %dma_wait3A_320] : memref<2x8x128xi32, #tpu.memory_space<vmem>> -> memref<1x1x128xi32, #tpu.memory_space<vmem>>
        %dma_wait3A_322 = tpu.memref_squeeze %dma_wait3A_321 : memref<1x1x128xi32, #tpu.memory_space<vmem>> -> memref<128xi32, #tpu.memory_space<vmem>>
        %dma_wait3A_323 = arith.constant 0 : i32
        %dma_wait3A_324 = arith.constant 0 : i32
        %dma_wait3A_325 = tpu.memref_slice %arg2[%dma_wait3A_323, %dma_wait3A_324] : memref<10000x64xf32, #tpu.memory_space<hbm>> -> memref<10000x64xf32, #tpu.memory_space<hbm>>
        tpu.wait_indirect_dma semaphore(%arg13 : memref<!tpu.dma_semaphore, #tpu.memory_space<semaphore_mem>>) src(%dma_wait3A_325 : memref<10000x64xf32, #tpu.memory_space<hbm>>) dst(%dma_wait3A_319 : memref<128x64xf32, #tpu.memory_space<vmem>>)
        %dma_wait3A_326 = arith.constant 5 : i32
        %dma_wait3A_327 = arith.constant 1 : i32
        %dma_wait3A_328 = arith.constant 0 : i32
        %dma_wait3A_329 = arith.constant 0 : i32
        %dma_wait3A_330 = tpu.memref_slice %arg10[%dma_wait3A_327, %dma_wait3A_328, %dma_wait3A_329] : memref<4x128x64xf32, #tpu.memory_space<vmem>> -> memref<1x128x64xf32, #tpu.memory_space<vmem>>
        %dma_wait3A_331 = tpu.memref_squeeze %dma_wait3A_330 : memref<1x128x64xf32, #tpu.memory_space<vmem>> -> memref<128x64xf32, #tpu.memory_space<vmem>>
        %dma_wait3A_332 = arith.constant 0 : i32
        %dma_wait3A_333 = tpu.memref_slice %arg7[%select_n3A_118, %dma_wait3A_326, %dma_wait3A_332] : memref<2x8x128xi32, #tpu.memory_space<vmem>> -> memref<1x1x128xi32, #tpu.memory_space<vmem>>
        %dma_wait3A_334 = tpu.memref_squeeze %dma_wait3A_333 : memref<1x1x128xi32, #tpu.memory_space<vmem>> -> memref<128xi32, #tpu.memory_space<vmem>>
        %dma_wait3A_335 = arith.constant 0 : i32
        %dma_wait3A_336 = arith.constant 0 : i32
        %dma_wait3A_337 = tpu.memref_slice %arg2[%dma_wait3A_335, %dma_wait3A_336] : memref<10000x64xf32, #tpu.memory_space<hbm>> -> memref<10000x64xf32, #tpu.memory_space<hbm>>
        tpu.wait_indirect_dma semaphore(%arg13 : memref<!tpu.dma_semaphore, #tpu.memory_space<semaphore_mem>>) src(%dma_wait3A_337 : memref<10000x64xf32, #tpu.memory_space<hbm>>) dst(%dma_wait3A_331 : memref<128x64xf32, #tpu.memory_space<vmem>>)
        %dma_wait3A_338 = arith.constant 6 : i32
        %dma_wait3A_339 = arith.constant 2 : i32
        %dma_wait3A_340 = arith.constant 0 : i32
        %dma_wait3A_341 = arith.constant 0 : i32
        %dma_wait3A_342 = tpu.memref_slice %arg10[%dma_wait3A_339, %dma_wait3A_340, %dma_wait3A_341] : memref<4x128x64xf32, #tpu.memory_space<vmem>> -> memref<1x128x64xf32, #tpu.memory_space<vmem>>
        %dma_wait3A_343 = tpu.memref_squeeze %dma_wait3A_342 : memref<1x128x64xf32, #tpu.memory_space<vmem>> -> memref<128x64xf32, #tpu.memory_space<vmem>>
        %dma_wait3A_344 = arith.constant 0 : i32
        %dma_wait3A_345 = tpu.memref_slice %arg7[%select_n3A_118, %dma_wait3A_338, %dma_wait3A_344] : memref<2x8x128xi32, #tpu.memory_space<vmem>> -> memref<1x1x128xi32, #tpu.memory_space<vmem>>
        %dma_wait3A_346 = tpu.memref_squeeze %dma_wait3A_345 : memref<1x1x128xi32, #tpu.memory_space<vmem>> -> memref<128xi32, #tpu.memory_space<vmem>>
        %dma_wait3A_347 = arith.constant 0 : i32
        %dma_wait3A_348 = arith.constant 0 : i32
        %dma_wait3A_349 = tpu.memref_slice %arg2[%dma_wait3A_347, %dma_wait3A_348] : memref<10000x64xf32, #tpu.memory_space<hbm>> -> memref<10000x64xf32, #tpu.memory_space<hbm>>
        tpu.wait_indirect_dma semaphore(%arg13 : memref<!tpu.dma_semaphore, #tpu.memory_space<semaphore_mem>>) src(%dma_wait3A_349 : memref<10000x64xf32, #tpu.memory_space<hbm>>) dst(%dma_wait3A_343 : memref<128x64xf32, #tpu.memory_space<vmem>>)
        %dma_wait3A_350 = arith.constant 7 : i32
        %dma_wait3A_351 = arith.constant 3 : i32
        %dma_wait3A_352 = arith.constant 0 : i32
        %dma_wait3A_353 = arith.constant 0 : i32
        %dma_wait3A_354 = tpu.memref_slice %arg10[%dma_wait3A_351, %dma_wait3A_352, %dma_wait3A_353] : memref<4x128x64xf32, #tpu.memory_space<vmem>> -> memref<1x128x64xf32, #tpu.memory_space<vmem>>
        %dma_wait3A_355 = tpu.memref_squeeze %dma_wait3A_354 : memref<1x128x64xf32, #tpu.memory_space<vmem>> -> memref<128x64xf32, #tpu.memory_space<vmem>>
        %dma_wait3A_356 = arith.constant 0 : i32
        %dma_wait3A_357 = tpu.memref_slice %arg7[%select_n3A_118, %dma_wait3A_350, %dma_wait3A_356] : memref<2x8x128xi32, #tpu.memory_space<vmem>> -> memref<1x1x128xi32, #tpu.memory_space<vmem>>
        %dma_wait3A_358 = tpu.memref_squeeze %dma_wait3A_357 : memref<1x1x128xi32, #tpu.memory_space<vmem>> -> memref<128xi32, #tpu.memory_space<vmem>>
        %dma_wait3A_359 = arith.constant 0 : i32
        %dma_wait3A_360 = arith.constant 0 : i32
        %dma_wait3A_361 = tpu.memref_slice %arg2[%dma_wait3A_359, %dma_wait3A_360] : memref<10000x64xf32, #tpu.memory_space<hbm>> -> memref<10000x64xf32, #tpu.memory_space<hbm>>
        tpu.wait_indirect_dma semaphore(%arg13 : memref<!tpu.dma_semaphore, #tpu.memory_space<semaphore_mem>>) src(%dma_wait3A_361 : memref<10000x64xf32, #tpu.memory_space<hbm>>) dst(%dma_wait3A_355 : memref<128x64xf32, #tpu.memory_space<vmem>>)
        %lt3A_362 = arith.constant 19 : i32
        %lt3A_363 = arith.cmpi slt, %scan3A_105, %lt3A_362 : i32
        %convert_element_type3A_364 = arith.extui %lt3A_363 : i1 to i32
        %cond3A_365 = arith.constant 0 : i32
        %cond3A_366 = arith.cmpi ne, %convert_element_type3A_364, %cond3A_365 : i32
        scf.if %cond3A_366 {
          %mul3A_464 = arith.constant 160 : i32
          %mul3A_465 = arith.muli %arg1, %mul3A_464 : i32
          %add3A_466 = arith.constant 1 : i32
          %add3A_467 = arith.addi %scan3A_105, %add3A_466 : i32
          %mul3A_468 = arith.constant 8 : i32
          %mul3A_469 = arith.muli %add3A_467, %mul3A_468 : i32
          %add3A_470 = arith.addi %mul3A_465, %mul3A_469 : i32
          %add3A_471 = arith.constant 1 : i32
          %add3A_472 = arith.addi %scan3A_105, %add3A_471 : i32
          %jit3A_473 = arith.constant 2 : i32
          %eq3A_474 = arith.constant 0 : i32
          %eq3A_475 = arith.cmpi eq, %jit3A_473, %eq3A_474 : i32
          %jit3A_476 = arith.constant 1 : i32
          %select_n3A_477 = arith.select %eq3A_475, %jit3A_476, %jit3A_473 : i32
          %rem3A_478 = arith.remsi %add3A_472, %select_n3A_477 : i32
          %ne3A_479 = arith.constant 0 : i32
          %ne3A_480 = arith.cmpi ne, %rem3A_478, %ne3A_479 : i32
          %lt3A_481 = arith.constant 0 : i32
          %lt3A_482 = arith.cmpi slt, %rem3A_478, %lt3A_481 : i32
          %lt3A_483 = arith.constant 0 : i32
          %lt3A_484 = arith.cmpi slt, %select_n3A_477, %lt3A_483 : i32
          %ne3A_485 = arith.xori %lt3A_482, %lt3A_484 : i1
          %and3A_486 = arith.andi %ne3A_485, %ne3A_480 : i1
          %add3A_487 = arith.addi %rem3A_478, %select_n3A_477 : i32
          %select_n3A_488 = arith.select %and3A_486, %add3A_487, %rem3A_478 : i32
          "tpu.region"() ({
            %run_scoped3A_507 = tpu.sem_alloc : memref<!tpu.dma_semaphore, #tpu.memory_space<semaphore_mem>>
            %dma_start3A_508 = arith.constant 0 : i32
            %dma_start3A_509 = arith.constant 0 : i32
            %dma_start3A_510 = tpu.memref_slice %arg7[%select_n3A_488, %dma_start3A_508, %dma_start3A_509] : memref<2x8x128xi32, #tpu.memory_space<vmem>> -> memref<1x8x128xi32, #tpu.memory_space<vmem>>
            %dma_start3A_511 = tpu.memref_squeeze %dma_start3A_510 : memref<1x8x128xi32, #tpu.memory_space<vmem>> -> memref<8x128xi32, #tpu.memory_space<vmem>>
            %dma_start3A_512 = arith.constant 0 : i32
            %dma_start3A_513 = tpu.memref_slice %arg4[%add3A_470, %dma_start3A_512] : memref<2560x128xi32, #tpu.memory_space<hbm>> -> memref<8x128xi32, #tpu.memory_space<hbm>>
            %dma_start3A_514 = arith.constant 0 : i32
            %dma_start3A_515 = arith.constant 0 : i32
            %dma_start3A_516 = tpu.memref_slice %arg7[%select_n3A_488, %dma_start3A_514, %dma_start3A_515] : memref<2x8x128xi32, #tpu.memory_space<vmem>> -> memref<1x8x128xi32, #tpu.memory_space<vmem>>
            %dma_start3A_517 = tpu.memref_squeeze %dma_start3A_516 : memref<1x8x128xi32, #tpu.memory_space<vmem>> -> memref<8x128xi32, #tpu.memory_space<vmem>>
            %dma_start3A_518 = arith.constant 0 : i32
            %dma_start3A_519 = tpu.memref_slice %arg4[%add3A_470, %dma_start3A_518] : memref<2560x128xi32, #tpu.memory_space<hbm>> -> memref<8x128xi32, #tpu.memory_space<hbm>>
            tpu.enqueue_dma source(%dma_start3A_519 : memref<8x128xi32, #tpu.memory_space<hbm>>) target(%dma_start3A_517 : memref<8x128xi32, #tpu.memory_space<vmem>>) target_semaphore(%run_scoped3A_507 : memref<!tpu.dma_semaphore, #tpu.memory_space<semaphore_mem>>)
            %dma_wait3A_520 = arith.constant 0 : i32
            %dma_wait3A_521 = arith.constant 0 : i32
            %dma_wait3A_522 = tpu.memref_slice %arg7[%select_n3A_488, %dma_wait3A_520, %dma_wait3A_521] : memref<2x8x128xi32, #tpu.memory_space<vmem>> -> memref<1x8x128xi32, #tpu.memory_space<vmem>>
            %dma_wait3A_523 = tpu.memref_squeeze %dma_wait3A_522 : memref<1x8x128xi32, #tpu.memory_space<vmem>> -> memref<8x128xi32, #tpu.memory_space<vmem>>
            %dma_wait3A_524 = arith.constant 0 : i32
            %dma_wait3A_525 = tpu.memref_slice %arg4[%add3A_470, %dma_wait3A_524] : memref<2560x128xi32, #tpu.memory_space<hbm>> -> memref<8x128xi32, #tpu.memory_space<hbm>>
            %dma_wait3A_526 = arith.constant 0 : i32
            %dma_wait3A_527 = arith.constant 0 : i32
            %dma_wait3A_528 = tpu.memref_slice %arg7[%select_n3A_488, %dma_wait3A_526, %dma_wait3A_527] : memref<2x8x128xi32, #tpu.memory_space<vmem>> -> memref<1x8x128xi32, #tpu.memory_space<vmem>>
            %dma_wait3A_529 = tpu.memref_squeeze %dma_wait3A_528 : memref<1x8x128xi32, #tpu.memory_space<vmem>> -> memref<8x128xi32, #tpu.memory_space<vmem>>
            %dma_wait3A_530 = arith.constant 0 : i32
            %dma_wait3A_531 = tpu.memref_slice %arg4[%add3A_470, %dma_wait3A_530] : memref<2560x128xi32, #tpu.memory_space<hbm>> -> memref<8x128xi32, #tpu.memory_space<hbm>>
            tpu.wait_dma2 semaphore(%run_scoped3A_507 : memref<!tpu.dma_semaphore, #tpu.memory_space<semaphore_mem>>) src(%dma_wait3A_531 : memref<8x128xi32, #tpu.memory_space<hbm>>) dst(%dma_wait3A_529 : memref<8x128xi32, #tpu.memory_space<vmem>>)
            tpu.yield
          }) : () -> ()
          %add3A_489 = arith.constant 1 : i32
          %add3A_490 = arith.addi %scan3A_105, %add3A_489 : i32
          %jit3A_491 = arith.constant 2 : i32
          %eq3A_492 = arith.constant 0 : i32
          %eq3A_493 = arith.cmpi eq, %jit3A_491, %eq3A_492 : i32
          %jit3A_494 = arith.constant 1 : i32
          %select_n3A_495 = arith.select %eq3A_493, %jit3A_494, %jit3A_491 : i32
          %rem3A_496 = arith.remsi %add3A_490, %select_n3A_495 : i32
          %ne3A_497 = arith.constant 0 : i32
          %ne3A_498 = arith.cmpi ne, %rem3A_496, %ne3A_497 : i32
          %lt3A_499 = arith.constant 0 : i32
          %lt3A_500 = arith.cmpi slt, %rem3A_496, %lt3A_499 : i32
          %lt3A_501 = arith.constant 0 : i32
          %lt3A_502 = arith.cmpi slt, %select_n3A_495, %lt3A_501 : i32
          %ne3A_503 = arith.xori %lt3A_500, %lt3A_502 : i1
          %and3A_504 = arith.andi %ne3A_503, %ne3A_498 : i1
          %add3A_505 = arith.addi %rem3A_496, %select_n3A_495 : i32
          %select_n3A_506 = arith.select %and3A_504, %add3A_505, %rem3A_496 : i32
          "tpu.region"() ({
            %run_scoped3A_507 = tpu.sem_alloc : memref<!tpu.dma_semaphore, #tpu.memory_space<semaphore_mem>>
            %dma_start3A_508 = arith.constant 0 : i32
            %dma_start3A_509 = arith.constant 0 : i32
            %dma_start3A_510 = tpu.memref_slice %arg8[%select_n3A_506, %dma_start3A_508, %dma_start3A_509] : memref<2x8x128xi32, #tpu.memory_space<vmem>> -> memref<1x8x128xi32, #tpu.memory_space<vmem>>
            %dma_start3A_511 = tpu.memref_squeeze %dma_start3A_510 : memref<1x8x128xi32, #tpu.memory_space<vmem>> -> memref<8x128xi32, #tpu.memory_space<vmem>>
            %dma_start3A_512 = arith.constant 0 : i32
            %dma_start3A_513 = tpu.memref_slice %arg5[%add3A_470, %dma_start3A_512] : memref<2560x128xi32, #tpu.memory_space<hbm>> -> memref<8x128xi32, #tpu.memory_space<hbm>>
            %dma_start3A_514 = arith.constant 0 : i32
            %dma_start3A_515 = arith.constant 0 : i32
            %dma_start3A_516 = tpu.memref_slice %arg8[%select_n3A_506, %dma_start3A_514, %dma_start3A_515] : memref<2x8x128xi32, #tpu.memory_space<vmem>> -> memref<1x8x128xi32, #tpu.memory_space<vmem>>
            %dma_start3A_517 = tpu.memref_squeeze %dma_start3A_516 : memref<1x8x128xi32, #tpu.memory_space<vmem>> -> memref<8x128xi32, #tpu.memory_space<vmem>>
            %dma_start3A_518 = arith.constant 0 : i32
            %dma_start3A_519 = tpu.memref_slice %arg5[%add3A_470, %dma_start3A_518] : memref<2560x128xi32, #tpu.memory_space<hbm>> -> memref<8x128xi32, #tpu.memory_space<hbm>>
            tpu.enqueue_dma source(%dma_start3A_519 : memref<8x128xi32, #tpu.memory_space<hbm>>) target(%dma_start3A_517 : memref<8x128xi32, #tpu.memory_space<vmem>>) target_semaphore(%run_scoped3A_507 : memref<!tpu.dma_semaphore, #tpu.memory_space<semaphore_mem>>)
            %dma_wait3A_520 = arith.constant 0 : i32
            %dma_wait3A_521 = arith.constant 0 : i32
            %dma_wait3A_522 = tpu.memref_slice %arg8[%select_n3A_506, %dma_wait3A_520, %dma_wait3A_521] : memref<2x8x128xi32, #tpu.memory_space<vmem>> -> memref<1x8x128xi32, #tpu.memory_space<vmem>>
            %dma_wait3A_523 = tpu.memref_squeeze %dma_wait3A_522 : memref<1x8x128xi32, #tpu.memory_space<vmem>> -> memref<8x128xi32, #tpu.memory_space<vmem>>
            %dma_wait3A_524 = arith.constant 0 : i32
            %dma_wait3A_525 = tpu.memref_slice %arg5[%add3A_470, %dma_wait3A_524] : memref<2560x128xi32, #tpu.memory_space<hbm>> -> memref<8x128xi32, #tpu.memory_space<hbm>>
            %dma_wait3A_526 = arith.constant 0 : i32
            %dma_wait3A_527 = arith.constant 0 : i32
            %dma_wait3A_528 = tpu.memref_slice %arg8[%select_n3A_506, %dma_wait3A_526, %dma_wait3A_527] : memref<2x8x128xi32, #tpu.memory_space<vmem>> -> memref<1x8x128xi32, #tpu.memory_space<vmem>>
            %dma_wait3A_529 = tpu.memref_squeeze %dma_wait3A_528 : memref<1x8x128xi32, #tpu.memory_space<vmem>> -> memref<8x128xi32, #tpu.memory_space<vmem>>
            %dma_wait3A_530 = arith.constant 0 : i32
            %dma_wait3A_531 = tpu.memref_slice %arg5[%add3A_470, %dma_wait3A_530] : memref<2560x128xi32, #tpu.memory_space<hbm>> -> memref<8x128xi32, #tpu.memory_space<hbm>>
            tpu.wait_dma2 semaphore(%run_scoped3A_507 : memref<!tpu.dma_semaphore, #tpu.memory_space<semaphore_mem>>) src(%dma_wait3A_531 : memref<8x128xi32, #tpu.memory_space<hbm>>) dst(%dma_wait3A_529 : memref<8x128xi32, #tpu.memory_space<vmem>>)
            tpu.yield
          }) : () -> ()
        } else {
        }
        %dma_wait3A_367 = arith.constant 0 : i32
        %dma_wait3A_368 = arith.constant 0 : i32
        %dma_wait3A_369 = arith.constant 0 : i32
        %dma_wait3A_370 = arith.constant 0 : i32
        %dma_wait3A_371 = tpu.memref_slice %arg9[%dma_wait3A_367, %dma_wait3A_369, %dma_wait3A_370] : memref<4x128x64xf32, #tpu.memory_space<vmem>> -> memref<1x128x64xf32, #tpu.memory_space<vmem>>
        %dma_wait3A_372 = tpu.memref_squeeze %dma_wait3A_371 : memref<1x128x64xf32, #tpu.memory_space<vmem>> -> memref<128x64xf32, #tpu.memory_space<vmem>>
        %dma_wait3A_373 = arith.constant 0 : i32
        %dma_wait3A_374 = tpu.memref_slice %arg8[%select_n3A_118, %dma_wait3A_368, %dma_wait3A_373] : memref<2x8x128xi32, #tpu.memory_space<vmem>> -> memref<1x1x128xi32, #tpu.memory_space<vmem>>
        %dma_wait3A_375 = tpu.memref_squeeze %dma_wait3A_374 : memref<1x1x128xi32, #tpu.memory_space<vmem>> -> memref<128xi32, #tpu.memory_space<vmem>>
        %dma_wait3A_376 = arith.constant 0 : i32
        %dma_wait3A_377 = arith.constant 0 : i32
        %dma_wait3A_378 = tpu.memref_slice %arg12[%dma_wait3A_376, %dma_wait3A_377] : memref<10112x64xf32, #tpu.memory_space<vmem_shared>> -> memref<10112x64xf32, #tpu.memory_space<vmem_shared>>
        tpu.wait_indirect_dma semaphore(%arg14 : memref<!tpu.dma_semaphore, #tpu.memory_space<semaphore_mem>>) src(%dma_wait3A_372 : memref<128x64xf32, #tpu.memory_space<vmem>>) dst(%dma_wait3A_378 : memref<10112x64xf32, #tpu.memory_space<vmem_shared>>)
        %dma_wait3A_379 = arith.constant 1 : i32
        %dma_wait3A_380 = arith.constant 1 : i32
        %dma_wait3A_381 = arith.constant 0 : i32
        %dma_wait3A_382 = arith.constant 0 : i32
        %dma_wait3A_383 = tpu.memref_slice %arg9[%dma_wait3A_379, %dma_wait3A_381, %dma_wait3A_382] : memref<4x128x64xf32, #tpu.memory_space<vmem>> -> memref<1x128x64xf32, #tpu.memory_space<vmem>>
        %dma_wait3A_384 = tpu.memref_squeeze %dma_wait3A_383 : memref<1x128x64xf32, #tpu.memory_space<vmem>> -> memref<128x64xf32, #tpu.memory_space<vmem>>
        %dma_wait3A_385 = arith.constant 0 : i32
        %dma_wait3A_386 = tpu.memref_slice %arg8[%select_n3A_118, %dma_wait3A_380, %dma_wait3A_385] : memref<2x8x128xi32, #tpu.memory_space<vmem>> -> memref<1x1x128xi32, #tpu.memory_space<vmem>>
        %dma_wait3A_387 = tpu.memref_squeeze %dma_wait3A_386 : memref<1x1x128xi32, #tpu.memory_space<vmem>> -> memref<128xi32, #tpu.memory_space<vmem>>
        %dma_wait3A_388 = arith.constant 0 : i32
        %dma_wait3A_389 = arith.constant 0 : i32
        %dma_wait3A_390 = tpu.memref_slice %arg12[%dma_wait3A_388, %dma_wait3A_389] : memref<10112x64xf32, #tpu.memory_space<vmem_shared>> -> memref<10112x64xf32, #tpu.memory_space<vmem_shared>>
        tpu.wait_indirect_dma semaphore(%arg14 : memref<!tpu.dma_semaphore, #tpu.memory_space<semaphore_mem>>) src(%dma_wait3A_384 : memref<128x64xf32, #tpu.memory_space<vmem>>) dst(%dma_wait3A_390 : memref<10112x64xf32, #tpu.memory_space<vmem_shared>>)
        %dma_wait3A_391 = arith.constant 2 : i32
        %dma_wait3A_392 = arith.constant 2 : i32
        %dma_wait3A_393 = arith.constant 0 : i32
        %dma_wait3A_394 = arith.constant 0 : i32
        %dma_wait3A_395 = tpu.memref_slice %arg9[%dma_wait3A_391, %dma_wait3A_393, %dma_wait3A_394] : memref<4x128x64xf32, #tpu.memory_space<vmem>> -> memref<1x128x64xf32, #tpu.memory_space<vmem>>
        %dma_wait3A_396 = tpu.memref_squeeze %dma_wait3A_395 : memref<1x128x64xf32, #tpu.memory_space<vmem>> -> memref<128x64xf32, #tpu.memory_space<vmem>>
        %dma_wait3A_397 = arith.constant 0 : i32
        %dma_wait3A_398 = tpu.memref_slice %arg8[%select_n3A_118, %dma_wait3A_392, %dma_wait3A_397] : memref<2x8x128xi32, #tpu.memory_space<vmem>> -> memref<1x1x128xi32, #tpu.memory_space<vmem>>
        %dma_wait3A_399 = tpu.memref_squeeze %dma_wait3A_398 : memref<1x1x128xi32, #tpu.memory_space<vmem>> -> memref<128xi32, #tpu.memory_space<vmem>>
        %dma_wait3A_400 = arith.constant 0 : i32
        %dma_wait3A_401 = arith.constant 0 : i32
        %dma_wait3A_402 = tpu.memref_slice %arg12[%dma_wait3A_400, %dma_wait3A_401] : memref<10112x64xf32, #tpu.memory_space<vmem_shared>> -> memref<10112x64xf32, #tpu.memory_space<vmem_shared>>
        tpu.wait_indirect_dma semaphore(%arg14 : memref<!tpu.dma_semaphore, #tpu.memory_space<semaphore_mem>>) src(%dma_wait3A_396 : memref<128x64xf32, #tpu.memory_space<vmem>>) dst(%dma_wait3A_402 : memref<10112x64xf32, #tpu.memory_space<vmem_shared>>)
        %dma_wait3A_403 = arith.constant 3 : i32
        %dma_wait3A_404 = arith.constant 3 : i32
        %dma_wait3A_405 = arith.constant 0 : i32
        %dma_wait3A_406 = arith.constant 0 : i32
        %dma_wait3A_407 = tpu.memref_slice %arg9[%dma_wait3A_403, %dma_wait3A_405, %dma_wait3A_406] : memref<4x128x64xf32, #tpu.memory_space<vmem>> -> memref<1x128x64xf32, #tpu.memory_space<vmem>>
        %dma_wait3A_408 = tpu.memref_squeeze %dma_wait3A_407 : memref<1x128x64xf32, #tpu.memory_space<vmem>> -> memref<128x64xf32, #tpu.memory_space<vmem>>
        %dma_wait3A_409 = arith.constant 0 : i32
        %dma_wait3A_410 = tpu.memref_slice %arg8[%select_n3A_118, %dma_wait3A_404, %dma_wait3A_409] : memref<2x8x128xi32, #tpu.memory_space<vmem>> -> memref<1x1x128xi32, #tpu.memory_space<vmem>>
        %dma_wait3A_411 = tpu.memref_squeeze %dma_wait3A_410 : memref<1x1x128xi32, #tpu.memory_space<vmem>> -> memref<128xi32, #tpu.memory_space<vmem>>
        %dma_wait3A_412 = arith.constant 0 : i32
        %dma_wait3A_413 = arith.constant 0 : i32
        %dma_wait3A_414 = tpu.memref_slice %arg12[%dma_wait3A_412, %dma_wait3A_413] : memref<10112x64xf32, #tpu.memory_space<vmem_shared>> -> memref<10112x64xf32, #tpu.memory_space<vmem_shared>>
        tpu.wait_indirect_dma semaphore(%arg14 : memref<!tpu.dma_semaphore, #tpu.memory_space<semaphore_mem>>) src(%dma_wait3A_408 : memref<128x64xf32, #tpu.memory_space<vmem>>) dst(%dma_wait3A_414 : memref<10112x64xf32, #tpu.memory_space<vmem_shared>>)
        %dma_start3A_415 = arith.constant 0 : i32
        %dma_start3A_416 = arith.constant 4 : i32
        %dma_start3A_417 = arith.constant 0 : i32
        %dma_start3A_418 = arith.constant 0 : i32
        %dma_start3A_419 = tpu.memref_slice %arg10[%dma_start3A_415, %dma_start3A_417, %dma_start3A_418] : memref<4x128x64xf32, #tpu.memory_space<vmem>> -> memref<1x128x64xf32, #tpu.memory_space<vmem>>
        %dma_start3A_420 = tpu.memref_squeeze %dma_start3A_419 : memref<1x128x64xf32, #tpu.memory_space<vmem>> -> memref<128x64xf32, #tpu.memory_space<vmem>>
        %dma_start3A_421 = arith.constant 0 : i32
        %dma_start3A_422 = tpu.memref_slice %arg8[%select_n3A_118, %dma_start3A_416, %dma_start3A_421] : memref<2x8x128xi32, #tpu.memory_space<vmem>> -> memref<1x1x128xi32, #tpu.memory_space<vmem>>
        %dma_start3A_423 = tpu.memref_squeeze %dma_start3A_422 : memref<1x1x128xi32, #tpu.memory_space<vmem>> -> memref<128xi32, #tpu.memory_space<vmem>>
        %dma_start3A_424 = arith.constant 0 : i32
        %dma_start3A_425 = arith.constant 0 : i32
        %dma_start3A_426 = tpu.memref_slice %arg12[%dma_start3A_424, %dma_start3A_425] : memref<10112x64xf32, #tpu.memory_space<vmem_shared>> -> memref<10112x64xf32, #tpu.memory_space<vmem_shared>>
        tpu.enqueue_indirect_dma source(%dma_start3A_420 : memref<128x64xf32, #tpu.memory_space<vmem>>) target(%dma_start3A_426 : memref<10112x64xf32, #tpu.memory_space<vmem_shared>>) offsets(%dma_start3A_423 : memref<128xi32, #tpu.memory_space<vmem>>) semaphore(%arg14 : memref<!tpu.dma_semaphore, #tpu.memory_space<semaphore_mem>>) {add = true}
        %dma_start3A_427 = arith.constant 1 : i32
        %dma_start3A_428 = arith.constant 5 : i32
        %dma_start3A_429 = arith.constant 0 : i32
        %dma_start3A_430 = arith.constant 0 : i32
        %dma_start3A_431 = tpu.memref_slice %arg10[%dma_start3A_427, %dma_start3A_429, %dma_start3A_430] : memref<4x128x64xf32, #tpu.memory_space<vmem>> -> memref<1x128x64xf32, #tpu.memory_space<vmem>>
        %dma_start3A_432 = tpu.memref_squeeze %dma_start3A_431 : memref<1x128x64xf32, #tpu.memory_space<vmem>> -> memref<128x64xf32, #tpu.memory_space<vmem>>
        %dma_start3A_433 = arith.constant 0 : i32
        %dma_start3A_434 = tpu.memref_slice %arg8[%select_n3A_118, %dma_start3A_428, %dma_start3A_433] : memref<2x8x128xi32, #tpu.memory_space<vmem>> -> memref<1x1x128xi32, #tpu.memory_space<vmem>>
        %dma_start3A_435 = tpu.memref_squeeze %dma_start3A_434 : memref<1x1x128xi32, #tpu.memory_space<vmem>> -> memref<128xi32, #tpu.memory_space<vmem>>
        %dma_start3A_436 = arith.constant 0 : i32
        %dma_start3A_437 = arith.constant 0 : i32
        %dma_start3A_438 = tpu.memref_slice %arg12[%dma_start3A_436, %dma_start3A_437] : memref<10112x64xf32, #tpu.memory_space<vmem_shared>> -> memref<10112x64xf32, #tpu.memory_space<vmem_shared>>
        tpu.enqueue_indirect_dma source(%dma_start3A_432 : memref<128x64xf32, #tpu.memory_space<vmem>>) target(%dma_start3A_438 : memref<10112x64xf32, #tpu.memory_space<vmem_shared>>) offsets(%dma_start3A_435 : memref<128xi32, #tpu.memory_space<vmem>>) semaphore(%arg14 : memref<!tpu.dma_semaphore, #tpu.memory_space<semaphore_mem>>) {add = true}
        %dma_start3A_439 = arith.constant 2 : i32
        %dma_start3A_440 = arith.constant 6 : i32
        %dma_start3A_441 = arith.constant 0 : i32
        %dma_start3A_442 = arith.constant 0 : i32
        %dma_start3A_443 = tpu.memref_slice %arg10[%dma_start3A_439, %dma_start3A_441, %dma_start3A_442] : memref<4x128x64xf32, #tpu.memory_space<vmem>> -> memref<1x128x64xf32, #tpu.memory_space<vmem>>
        %dma_start3A_444 = tpu.memref_squeeze %dma_start3A_443 : memref<1x128x64xf32, #tpu.memory_space<vmem>> -> memref<128x64xf32, #tpu.memory_space<vmem>>
        %dma_start3A_445 = arith.constant 0 : i32
        %dma_start3A_446 = tpu.memref_slice %arg8[%select_n3A_118, %dma_start3A_440, %dma_start3A_445] : memref<2x8x128xi32, #tpu.memory_space<vmem>> -> memref<1x1x128xi32, #tpu.memory_space<vmem>>
        %dma_start3A_447 = tpu.memref_squeeze %dma_start3A_446 : memref<1x1x128xi32, #tpu.memory_space<vmem>> -> memref<128xi32, #tpu.memory_space<vmem>>
        %dma_start3A_448 = arith.constant 0 : i32
        %dma_start3A_449 = arith.constant 0 : i32
        %dma_start3A_450 = tpu.memref_slice %arg12[%dma_start3A_448, %dma_start3A_449] : memref<10112x64xf32, #tpu.memory_space<vmem_shared>> -> memref<10112x64xf32, #tpu.memory_space<vmem_shared>>
        tpu.enqueue_indirect_dma source(%dma_start3A_444 : memref<128x64xf32, #tpu.memory_space<vmem>>) target(%dma_start3A_450 : memref<10112x64xf32, #tpu.memory_space<vmem_shared>>) offsets(%dma_start3A_447 : memref<128xi32, #tpu.memory_space<vmem>>) semaphore(%arg14 : memref<!tpu.dma_semaphore, #tpu.memory_space<semaphore_mem>>) {add = true}
        %dma_start3A_451 = arith.constant 3 : i32
        %dma_start3A_452 = arith.constant 7 : i32
        %dma_start3A_453 = arith.constant 0 : i32
        %dma_start3A_454 = arith.constant 0 : i32
        %dma_start3A_455 = tpu.memref_slice %arg10[%dma_start3A_451, %dma_start3A_453, %dma_start3A_454] : memref<4x128x64xf32, #tpu.memory_space<vmem>> -> memref<1x128x64xf32, #tpu.memory_space<vmem>>
        %dma_start3A_456 = tpu.memref_squeeze %dma_start3A_455 : memref<1x128x64xf32, #tpu.memory_space<vmem>> -> memref<128x64xf32, #tpu.memory_space<vmem>>
        %dma_start3A_457 = arith.constant 0 : i32
        %dma_start3A_458 = tpu.memref_slice %arg8[%select_n3A_118, %dma_start3A_452, %dma_start3A_457] : memref<2x8x128xi32, #tpu.memory_space<vmem>> -> memref<1x1x128xi32, #tpu.memory_space<vmem>>
        %dma_start3A_459 = tpu.memref_squeeze %dma_start3A_458 : memref<1x1x128xi32, #tpu.memory_space<vmem>> -> memref<128xi32, #tpu.memory_space<vmem>>
        %dma_start3A_460 = arith.constant 0 : i32
        %dma_start3A_461 = arith.constant 0 : i32
        %dma_start3A_462 = tpu.memref_slice %arg12[%dma_start3A_460, %dma_start3A_461] : memref<10112x64xf32, #tpu.memory_space<vmem_shared>> -> memref<10112x64xf32, #tpu.memory_space<vmem_shared>>
        tpu.enqueue_indirect_dma source(%dma_start3A_456 : memref<128x64xf32, #tpu.memory_space<vmem>>) target(%dma_start3A_462 : memref<10112x64xf32, #tpu.memory_space<vmem_shared>>) offsets(%dma_start3A_459 : memref<128xi32, #tpu.memory_space<vmem>>) semaphore(%arg14 : memref<!tpu.dma_semaphore, #tpu.memory_space<semaphore_mem>>) {add = true}
        %scan3A_463 = arith.constant 0 : i32
        scf.yield %scan3A_463 : i32
      }
      %scan3A_53 = arith.constant 20 : i32
      %dma_wait3A = arith.constant 0 : i32
      %dma_wait3A_54 = arith.constant 1 : i32
      %dma_wait3A_55 = arith.constant 4 : i32
      %dma_wait3A_56 = arith.constant 0 : i32
      %dma_wait3A_57 = arith.constant 0 : i32
      %dma_wait3A_58 = tpu.memref_slice %arg10[%dma_wait3A, %dma_wait3A_56, %dma_wait3A_57] : memref<4x128x64xf32, #tpu.memory_space<vmem>> -> memref<1x128x64xf32, #tpu.memory_space<vmem>>
      %dma_wait3A_59 = tpu.memref_squeeze %dma_wait3A_58 : memref<1x128x64xf32, #tpu.memory_space<vmem>> -> memref<128x64xf32, #tpu.memory_space<vmem>>
      %dma_wait3A_60 = arith.constant 0 : i32
      %dma_wait3A_61 = tpu.memref_slice %arg8[%dma_wait3A_54, %dma_wait3A_55, %dma_wait3A_60] : memref<2x8x128xi32, #tpu.memory_space<vmem>> -> memref<1x1x128xi32, #tpu.memory_space<vmem>>
      %dma_wait3A_62 = tpu.memref_squeeze %dma_wait3A_61 : memref<1x1x128xi32, #tpu.memory_space<vmem>> -> memref<128xi32, #tpu.memory_space<vmem>>
      %dma_wait3A_63 = arith.constant 0 : i32
      %dma_wait3A_64 = arith.constant 0 : i32
      %dma_wait3A_65 = tpu.memref_slice %arg12[%dma_wait3A_63, %dma_wait3A_64] : memref<10112x64xf32, #tpu.memory_space<vmem_shared>> -> memref<10112x64xf32, #tpu.memory_space<vmem_shared>>
      tpu.wait_indirect_dma semaphore(%arg14 : memref<!tpu.dma_semaphore, #tpu.memory_space<semaphore_mem>>) src(%dma_wait3A_59 : memref<128x64xf32, #tpu.memory_space<vmem>>) dst(%dma_wait3A_65 : memref<10112x64xf32, #tpu.memory_space<vmem_shared>>)
      %dma_wait3A_66 = arith.constant 1 : i32
      %dma_wait3A_67 = arith.constant 1 : i32
      %dma_wait3A_68 = arith.constant 5 : i32
      %dma_wait3A_69 = arith.constant 0 : i32
      %dma_wait3A_70 = arith.constant 0 : i32
      %dma_wait3A_71 = tpu.memref_slice %arg10[%dma_wait3A_66, %dma_wait3A_69, %dma_wait3A_70] : memref<4x128x64xf32, #tpu.memory_space<vmem>> -> memref<1x128x64xf32, #tpu.memory_space<vmem>>
      %dma_wait3A_72 = tpu.memref_squeeze %dma_wait3A_71 : memref<1x128x64xf32, #tpu.memory_space<vmem>> -> memref<128x64xf32, #tpu.memory_space<vmem>>
      %dma_wait3A_73 = arith.constant 0 : i32
      %dma_wait3A_74 = tpu.memref_slice %arg8[%dma_wait3A_67, %dma_wait3A_68, %dma_wait3A_73] : memref<2x8x128xi32, #tpu.memory_space<vmem>> -> memref<1x1x128xi32, #tpu.memory_space<vmem>>
      %dma_wait3A_75 = tpu.memref_squeeze %dma_wait3A_74 : memref<1x1x128xi32, #tpu.memory_space<vmem>> -> memref<128xi32, #tpu.memory_space<vmem>>
      %dma_wait3A_76 = arith.constant 0 : i32
      %dma_wait3A_77 = arith.constant 0 : i32
      %dma_wait3A_78 = tpu.memref_slice %arg12[%dma_wait3A_76, %dma_wait3A_77] : memref<10112x64xf32, #tpu.memory_space<vmem_shared>> -> memref<10112x64xf32, #tpu.memory_space<vmem_shared>>
      tpu.wait_indirect_dma semaphore(%arg14 : memref<!tpu.dma_semaphore, #tpu.memory_space<semaphore_mem>>) src(%dma_wait3A_72 : memref<128x64xf32, #tpu.memory_space<vmem>>) dst(%dma_wait3A_78 : memref<10112x64xf32, #tpu.memory_space<vmem_shared>>)
      %dma_wait3A_79 = arith.constant 2 : i32
      %dma_wait3A_80 = arith.constant 1 : i32
      %dma_wait3A_81 = arith.constant 6 : i32
      %dma_wait3A_82 = arith.constant 0 : i32
      %dma_wait3A_83 = arith.constant 0 : i32
      %dma_wait3A_84 = tpu.memref_slice %arg10[%dma_wait3A_79, %dma_wait3A_82, %dma_wait3A_83] : memref<4x128x64xf32, #tpu.memory_space<vmem>> -> memref<1x128x64xf32, #tpu.memory_space<vmem>>
      %dma_wait3A_85 = tpu.memref_squeeze %dma_wait3A_84 : memref<1x128x64xf32, #tpu.memory_space<vmem>> -> memref<128x64xf32, #tpu.memory_space<vmem>>
      %dma_wait3A_86 = arith.constant 0 : i32
      %dma_wait3A_87 = tpu.memref_slice %arg8[%dma_wait3A_80, %dma_wait3A_81, %dma_wait3A_86] : memref<2x8x128xi32, #tpu.memory_space<vmem>> -> memref<1x1x128xi32, #tpu.memory_space<vmem>>
      %dma_wait3A_88 = tpu.memref_squeeze %dma_wait3A_87 : memref<1x1x128xi32, #tpu.memory_space<vmem>> -> memref<128xi32, #tpu.memory_space<vmem>>
      %dma_wait3A_89 = arith.constant 0 : i32
      %dma_wait3A_90 = arith.constant 0 : i32
      %dma_wait3A_91 = tpu.memref_slice %arg12[%dma_wait3A_89, %dma_wait3A_90] : memref<10112x64xf32, #tpu.memory_space<vmem_shared>> -> memref<10112x64xf32, #tpu.memory_space<vmem_shared>>
      tpu.wait_indirect_dma semaphore(%arg14 : memref<!tpu.dma_semaphore, #tpu.memory_space<semaphore_mem>>) src(%dma_wait3A_85 : memref<128x64xf32, #tpu.memory_space<vmem>>) dst(%dma_wait3A_91 : memref<10112x64xf32, #tpu.memory_space<vmem_shared>>)
      %dma_wait3A_92 = arith.constant 3 : i32
      %dma_wait3A_93 = arith.constant 1 : i32
      %dma_wait3A_94 = arith.constant 7 : i32
      %dma_wait3A_95 = arith.constant 0 : i32
      %dma_wait3A_96 = arith.constant 0 : i32
      %dma_wait3A_97 = tpu.memref_slice %arg10[%dma_wait3A_92, %dma_wait3A_95, %dma_wait3A_96] : memref<4x128x64xf32, #tpu.memory_space<vmem>> -> memref<1x128x64xf32, #tpu.memory_space<vmem>>
      %dma_wait3A_98 = tpu.memref_squeeze %dma_wait3A_97 : memref<1x128x64xf32, #tpu.memory_space<vmem>> -> memref<128x64xf32, #tpu.memory_space<vmem>>
      %dma_wait3A_99 = arith.constant 0 : i32
      %dma_wait3A_100 = tpu.memref_slice %arg8[%dma_wait3A_93, %dma_wait3A_94, %dma_wait3A_99] : memref<2x8x128xi32, #tpu.memory_space<vmem>> -> memref<1x1x128xi32, #tpu.memory_space<vmem>>
      %dma_wait3A_101 = tpu.memref_squeeze %dma_wait3A_100 : memref<1x1x128xi32, #tpu.memory_space<vmem>> -> memref<128xi32, #tpu.memory_space<vmem>>
      %dma_wait3A_102 = arith.constant 0 : i32
      %dma_wait3A_103 = arith.constant 0 : i32
      %dma_wait3A_104 = tpu.memref_slice %arg12[%dma_wait3A_102, %dma_wait3A_103] : memref<10112x64xf32, #tpu.memory_space<vmem_shared>> -> memref<10112x64xf32, #tpu.memory_space<vmem_shared>>
      tpu.wait_indirect_dma semaphore(%arg14 : memref<!tpu.dma_semaphore, #tpu.memory_space<semaphore_mem>>) src(%dma_wait3A_98 : memref<128x64xf32, #tpu.memory_space<vmem>>) dst(%dma_wait3A_104 : memref<10112x64xf32, #tpu.memory_space<vmem_shared>>)
    } else {
    }
    %eq3A_17 = arith.constant 1 : i32
    %eq3A_18 = arith.cmpi eq, %arg0, %eq3A_17 : i32
    %convert_element_type3A_19 = arith.extui %eq3A_18 : i1 to i32
    %cond3A_20 = arith.constant 0 : i32
    %cond3A_21 = arith.cmpi ne, %convert_element_type3A_19, %cond3A_20 : i32
    scf.if %cond3A_21 {
      %mul3A_42 = arith.constant 160 : i32
      %mul3A_43 = arith.muli %arg1, %mul3A_42 : i32
      %run_scoped3A = arith.constant 0 : i32
      "tpu.region"() ({
        %run_scoped3A_105 = tpu.sem_alloc : memref<!tpu.dma_semaphore, #tpu.memory_space<semaphore_mem>>
        %dma_start3A = arith.constant 0 : i32
        %dma_start3A_106 = arith.constant 0 : i32
        %dma_start3A_107 = tpu.memref_slice %arg7[%run_scoped3A, %dma_start3A, %dma_start3A_106] : memref<2x8x128xi32, #tpu.memory_space<vmem>> -> memref<1x8x128xi32, #tpu.memory_space<vmem>>
        %dma_start3A_108 = tpu.memref_squeeze %dma_start3A_107 : memref<1x8x128xi32, #tpu.memory_space<vmem>> -> memref<8x128xi32, #tpu.memory_space<vmem>>
        %dma_start3A_109 = arith.constant 0 : i32
        %dma_start3A_110 = tpu.memref_slice %arg4[%mul3A_43, %dma_start3A_109] : memref<2560x128xi32, #tpu.memory_space<hbm>> -> memref<8x128xi32, #tpu.memory_space<hbm>>
        %dma_start3A_111 = arith.constant 0 : i32
        %dma_start3A_112 = arith.constant 0 : i32
        %dma_start3A_113 = tpu.memref_slice %arg7[%run_scoped3A, %dma_start3A_111, %dma_start3A_112] : memref<2x8x128xi32, #tpu.memory_space<vmem>> -> memref<1x8x128xi32, #tpu.memory_space<vmem>>
        %dma_start3A_114 = tpu.memref_squeeze %dma_start3A_113 : memref<1x8x128xi32, #tpu.memory_space<vmem>> -> memref<8x128xi32, #tpu.memory_space<vmem>>
        %dma_start3A_115 = arith.constant 0 : i32
        %dma_start3A_116 = tpu.memref_slice %arg4[%mul3A_43, %dma_start3A_115] : memref<2560x128xi32, #tpu.memory_space<hbm>> -> memref<8x128xi32, #tpu.memory_space<hbm>>
        tpu.enqueue_dma source(%dma_start3A_116 : memref<8x128xi32, #tpu.memory_space<hbm>>) target(%dma_start3A_114 : memref<8x128xi32, #tpu.memory_space<vmem>>) target_semaphore(%run_scoped3A_105 : memref<!tpu.dma_semaphore, #tpu.memory_space<semaphore_mem>>)
        %dma_wait3A_117 = arith.constant 0 : i32
        %dma_wait3A_118 = arith.constant 0 : i32
        %dma_wait3A_119 = tpu.memref_slice %arg7[%run_scoped3A, %dma_wait3A_117, %dma_wait3A_118] : memref<2x8x128xi32, #tpu.memory_space<vmem>> -> memref<1x8x128xi32, #tpu.memory_space<vmem>>
        %dma_wait3A_120 = tpu.memref_squeeze %dma_wait3A_119 : memref<1x8x128xi32, #tpu.memory_space<vmem>> -> memref<8x128xi32, #tpu.memory_space<vmem>>
        %dma_wait3A_121 = arith.constant 0 : i32
        %dma_wait3A_122 = tpu.memref_slice %arg4[%mul3A_43, %dma_wait3A_121] : memref<2560x128xi32, #tpu.memory_space<hbm>> -> memref<8x128xi32, #tpu.memory_space<hbm>>
        %dma_wait3A_123 = arith.constant 0 : i32
        %dma_wait3A_124 = arith.constant 0 : i32
        %dma_wait3A_125 = tpu.memref_slice %arg7[%run_scoped3A, %dma_wait3A_123, %dma_wait3A_124] : memref<2x8x128xi32, #tpu.memory_space<vmem>> -> memref<1x8x128xi32, #tpu.memory_space<vmem>>
        %dma_wait3A_126 = tpu.memref_squeeze %dma_wait3A_125 : memref<1x8x128xi32, #tpu.memory_space<vmem>> -> memref<8x128xi32, #tpu.memory_space<vmem>>
        %dma_wait3A_127 = arith.constant 0 : i32
        %dma_wait3A_128 = tpu.memref_slice %arg4[%mul3A_43, %dma_wait3A_127] : memref<2560x128xi32, #tpu.memory_space<hbm>> -> memref<8x128xi32, #tpu.memory_space<hbm>>
        tpu.wait_dma2 semaphore(%run_scoped3A_105 : memref<!tpu.dma_semaphore, #tpu.memory_space<semaphore_mem>>) src(%dma_wait3A_128 : memref<8x128xi32, #tpu.memory_space<hbm>>) dst(%dma_wait3A_126 : memref<8x128xi32, #tpu.memory_space<vmem>>)
        tpu.yield
      }) : () -> ()
      %mul3A_44 = arith.constant 160 : i32
      %mul3A_45 = arith.muli %arg1, %mul3A_44 : i32
      %run_scoped3A_46 = arith.constant 0 : i32
      "tpu.region"() ({
        %run_scoped3A_105 = tpu.sem_alloc : memref<!tpu.dma_semaphore, #tpu.memory_space<semaphore_mem>>
        %dma_start3A = arith.constant 0 : i32
        %dma_start3A_106 = arith.constant 0 : i32
        %dma_start3A_107 = tpu.memref_slice %arg8[%run_scoped3A_46, %dma_start3A, %dma_start3A_106] : memref<2x8x128xi32, #tpu.memory_space<vmem>> -> memref<1x8x128xi32, #tpu.memory_space<vmem>>
        %dma_start3A_108 = tpu.memref_squeeze %dma_start3A_107 : memref<1x8x128xi32, #tpu.memory_space<vmem>> -> memref<8x128xi32, #tpu.memory_space<vmem>>
        %dma_start3A_109 = arith.constant 0 : i32
        %dma_start3A_110 = tpu.memref_slice %arg5[%mul3A_45, %dma_start3A_109] : memref<2560x128xi32, #tpu.memory_space<hbm>> -> memref<8x128xi32, #tpu.memory_space<hbm>>
        %dma_start3A_111 = arith.constant 0 : i32
        %dma_start3A_112 = arith.constant 0 : i32
        %dma_start3A_113 = tpu.memref_slice %arg8[%run_scoped3A_46, %dma_start3A_111, %dma_start3A_112] : memref<2x8x128xi32, #tpu.memory_space<vmem>> -> memref<1x8x128xi32, #tpu.memory_space<vmem>>
        %dma_start3A_114 = tpu.memref_squeeze %dma_start3A_113 : memref<1x8x128xi32, #tpu.memory_space<vmem>> -> memref<8x128xi32, #tpu.memory_space<vmem>>
        %dma_start3A_115 = arith.constant 0 : i32
        %dma_start3A_116 = tpu.memref_slice %arg5[%mul3A_45, %dma_start3A_115] : memref<2560x128xi32, #tpu.memory_space<hbm>> -> memref<8x128xi32, #tpu.memory_space<hbm>>
        tpu.enqueue_dma source(%dma_start3A_116 : memref<8x128xi32, #tpu.memory_space<hbm>>) target(%dma_start3A_114 : memref<8x128xi32, #tpu.memory_space<vmem>>) target_semaphore(%run_scoped3A_105 : memref<!tpu.dma_semaphore, #tpu.memory_space<semaphore_mem>>)
        %dma_wait3A_117 = arith.constant 0 : i32
        %dma_wait3A_118 = arith.constant 0 : i32
        %dma_wait3A_119 = tpu.memref_slice %arg8[%run_scoped3A_46, %dma_wait3A_117, %dma_wait3A_118] : memref<2x8x128xi32, #tpu.memory_space<vmem>> -> memref<1x8x128xi32, #tpu.memory_space<vmem>>
        %dma_wait3A_120 = tpu.memref_squeeze %dma_wait3A_119 : memref<1x8x128xi32, #tpu.memory_space<vmem>> -> memref<8x128xi32, #tpu.memory_space<vmem>>
        %dma_wait3A_121 = arith.constant 0 : i32
        %dma_wait3A_122 = tpu.memref_slice %arg5[%mul3A_45, %dma_wait3A_121] : memref<2560x128xi32, #tpu.memory_space<hbm>> -> memref<8x128xi32, #tpu.memory_space<hbm>>
        %dma_wait3A_123 = arith.constant 0 : i32
        %dma_wait3A_124 = arith.constant 0 : i32
        %dma_wait3A_125 = tpu.memref_slice %arg8[%run_scoped3A_46, %dma_wait3A_123, %dma_wait3A_124] : memref<2x8x128xi32, #tpu.memory_space<vmem>> -> memref<1x8x128xi32, #tpu.memory_space<vmem>>
        %dma_wait3A_126 = tpu.memref_squeeze %dma_wait3A_125 : memref<1x8x128xi32, #tpu.memory_space<vmem>> -> memref<8x128xi32, #tpu.memory_space<vmem>>
        %dma_wait3A_127 = arith.constant 0 : i32
        %dma_wait3A_128 = tpu.memref_slice %arg5[%mul3A_45, %dma_wait3A_127] : memref<2560x128xi32, #tpu.memory_space<hbm>> -> memref<8x128xi32, #tpu.memory_space<hbm>>
        tpu.wait_dma2 semaphore(%run_scoped3A_105 : memref<!tpu.dma_semaphore, #tpu.memory_space<semaphore_mem>>) src(%dma_wait3A_128 : memref<8x128xi32, #tpu.memory_space<hbm>>) dst(%dma_wait3A_126 : memref<8x128xi32, #tpu.memory_space<vmem>>)
        tpu.yield
      }) : () -> ()
      %scan3A_47 = arith.constant 0 : i32
      %scan3A_48 = arith.constant 0 : i32
      %scan3A_49 = arith.constant 20 : i32
      %scan3A_50 = arith.addi %scan3A_48, %scan3A_49 : i32
      %scan3A_51 = arith.constant 1 : i32
      %scan3A_52 = scf.for %scan3A_105 = %scan3A_48 to %scan3A_50 step %scan3A_51 iter_args(%scan3A_106 = %scan3A_47) -> (i32)  : i32 {
        %jit3A = arith.constant 2 : i32
        %eq3A_107 = arith.constant 0 : i32
        %eq3A_108 = arith.cmpi eq, %jit3A, %eq3A_107 : i32
        %jit3A_109 = arith.constant 1 : i32
        %select_n3A_110 = arith.select %eq3A_108, %jit3A_109, %jit3A : i32
        %rem3A = arith.remsi %scan3A_105, %select_n3A_110 : i32
        %ne3A = arith.constant 0 : i32
        %ne3A_111 = arith.cmpi ne, %rem3A, %ne3A : i32
        %lt3A_112 = arith.constant 0 : i32
        %lt3A_113 = arith.cmpi slt, %rem3A, %lt3A_112 : i32
        %lt3A_114 = arith.constant 0 : i32
        %lt3A_115 = arith.cmpi slt, %select_n3A_110, %lt3A_114 : i32
        %ne3A_116 = arith.xori %lt3A_113, %lt3A_115 : i1
        %and3A = arith.andi %ne3A_116, %ne3A_111 : i1
        %add3A_117 = arith.addi %rem3A, %select_n3A_110 : i32
        %select_n3A_118 = arith.select %and3A, %add3A_117, %rem3A : i32
        %dma_start3A = arith.constant 0 : i32
        %dma_start3A_119 = arith.constant 0 : i32
        %dma_start3A_120 = arith.constant 0 : i32
        %dma_start3A_121 = arith.constant 0 : i32
        %dma_start3A_122 = tpu.memref_slice %arg9[%dma_start3A_119, %dma_start3A_120, %dma_start3A_121] : memref<4x128x64xf32, #tpu.memory_space<vmem>> -> memref<1x128x64xf32, #tpu.memory_space<vmem>>
        %dma_start3A_123 = tpu.memref_squeeze %dma_start3A_122 : memref<1x128x64xf32, #tpu.memory_space<vmem>> -> memref<128x64xf32, #tpu.memory_space<vmem>>
        %dma_start3A_124 = arith.constant 0 : i32
        %dma_start3A_125 = tpu.memref_slice %arg7[%select_n3A_118, %dma_start3A, %dma_start3A_124] : memref<2x8x128xi32, #tpu.memory_space<vmem>> -> memref<1x1x128xi32, #tpu.memory_space<vmem>>
        %dma_start3A_126 = tpu.memref_squeeze %dma_start3A_125 : memref<1x1x128xi32, #tpu.memory_space<vmem>> -> memref<128xi32, #tpu.memory_space<vmem>>
        %dma_start3A_127 = arith.constant 0 : i32
        %dma_start3A_128 = arith.constant 0 : i32
        %dma_start3A_129 = tpu.memref_slice %arg3[%dma_start3A_127, %dma_start3A_128] : memref<10000x64xf32, #tpu.memory_space<hbm>> -> memref<10000x64xf32, #tpu.memory_space<hbm>>
        tpu.enqueue_indirect_dma source(%dma_start3A_129 : memref<10000x64xf32, #tpu.memory_space<hbm>>) target(%dma_start3A_123 : memref<128x64xf32, #tpu.memory_space<vmem>>) offsets(%dma_start3A_126 : memref<128xi32, #tpu.memory_space<vmem>>) semaphore(%arg13 : memref<!tpu.dma_semaphore, #tpu.memory_space<semaphore_mem>>)
        %dma_start3A_130 = arith.constant 1 : i32
        %dma_start3A_131 = arith.constant 1 : i32
        %dma_start3A_132 = arith.constant 0 : i32
        %dma_start3A_133 = arith.constant 0 : i32
        %dma_start3A_134 = tpu.memref_slice %arg9[%dma_start3A_131, %dma_start3A_132, %dma_start3A_133] : memref<4x128x64xf32, #tpu.memory_space<vmem>> -> memref<1x128x64xf32, #tpu.memory_space<vmem>>
        %dma_start3A_135 = tpu.memref_squeeze %dma_start3A_134 : memref<1x128x64xf32, #tpu.memory_space<vmem>> -> memref<128x64xf32, #tpu.memory_space<vmem>>
        %dma_start3A_136 = arith.constant 0 : i32
        %dma_start3A_137 = tpu.memref_slice %arg7[%select_n3A_118, %dma_start3A_130, %dma_start3A_136] : memref<2x8x128xi32, #tpu.memory_space<vmem>> -> memref<1x1x128xi32, #tpu.memory_space<vmem>>
        %dma_start3A_138 = tpu.memref_squeeze %dma_start3A_137 : memref<1x1x128xi32, #tpu.memory_space<vmem>> -> memref<128xi32, #tpu.memory_space<vmem>>
        %dma_start3A_139 = arith.constant 0 : i32
        %dma_start3A_140 = arith.constant 0 : i32
        %dma_start3A_141 = tpu.memref_slice %arg3[%dma_start3A_139, %dma_start3A_140] : memref<10000x64xf32, #tpu.memory_space<hbm>> -> memref<10000x64xf32, #tpu.memory_space<hbm>>
        tpu.enqueue_indirect_dma source(%dma_start3A_141 : memref<10000x64xf32, #tpu.memory_space<hbm>>) target(%dma_start3A_135 : memref<128x64xf32, #tpu.memory_space<vmem>>) offsets(%dma_start3A_138 : memref<128xi32, #tpu.memory_space<vmem>>) semaphore(%arg13 : memref<!tpu.dma_semaphore, #tpu.memory_space<semaphore_mem>>)
        %dma_start3A_142 = arith.constant 2 : i32
        %dma_start3A_143 = arith.constant 2 : i32
        %dma_start3A_144 = arith.constant 0 : i32
        %dma_start3A_145 = arith.constant 0 : i32
        %dma_start3A_146 = tpu.memref_slice %arg9[%dma_start3A_143, %dma_start3A_144, %dma_start3A_145] : memref<4x128x64xf32, #tpu.memory_space<vmem>> -> memref<1x128x64xf32, #tpu.memory_space<vmem>>
        %dma_start3A_147 = tpu.memref_squeeze %dma_start3A_146 : memref<1x128x64xf32, #tpu.memory_space<vmem>> -> memref<128x64xf32, #tpu.memory_space<vmem>>
        %dma_start3A_148 = arith.constant 0 : i32
        %dma_start3A_149 = tpu.memref_slice %arg7[%select_n3A_118, %dma_start3A_142, %dma_start3A_148] : memref<2x8x128xi32, #tpu.memory_space<vmem>> -> memref<1x1x128xi32, #tpu.memory_space<vmem>>
        %dma_start3A_150 = tpu.memref_squeeze %dma_start3A_149 : memref<1x1x128xi32, #tpu.memory_space<vmem>> -> memref<128xi32, #tpu.memory_space<vmem>>
        %dma_start3A_151 = arith.constant 0 : i32
        %dma_start3A_152 = arith.constant 0 : i32
        %dma_start3A_153 = tpu.memref_slice %arg3[%dma_start3A_151, %dma_start3A_152] : memref<10000x64xf32, #tpu.memory_space<hbm>> -> memref<10000x64xf32, #tpu.memory_space<hbm>>
        tpu.enqueue_indirect_dma source(%dma_start3A_153 : memref<10000x64xf32, #tpu.memory_space<hbm>>) target(%dma_start3A_147 : memref<128x64xf32, #tpu.memory_space<vmem>>) offsets(%dma_start3A_150 : memref<128xi32, #tpu.memory_space<vmem>>) semaphore(%arg13 : memref<!tpu.dma_semaphore, #tpu.memory_space<semaphore_mem>>)
        %dma_start3A_154 = arith.constant 3 : i32
        %dma_start3A_155 = arith.constant 3 : i32
        %dma_start3A_156 = arith.constant 0 : i32
        %dma_start3A_157 = arith.constant 0 : i32
        %dma_start3A_158 = tpu.memref_slice %arg9[%dma_start3A_155, %dma_start3A_156, %dma_start3A_157] : memref<4x128x64xf32, #tpu.memory_space<vmem>> -> memref<1x128x64xf32, #tpu.memory_space<vmem>>
        %dma_start3A_159 = tpu.memref_squeeze %dma_start3A_158 : memref<1x128x64xf32, #tpu.memory_space<vmem>> -> memref<128x64xf32, #tpu.memory_space<vmem>>
        %dma_start3A_160 = arith.constant 0 : i32
        %dma_start3A_161 = tpu.memref_slice %arg7[%select_n3A_118, %dma_start3A_154, %dma_start3A_160] : memref<2x8x128xi32, #tpu.memory_space<vmem>> -> memref<1x1x128xi32, #tpu.memory_space<vmem>>
        %dma_start3A_162 = tpu.memref_squeeze %dma_start3A_161 : memref<1x1x128xi32, #tpu.memory_space<vmem>> -> memref<128xi32, #tpu.memory_space<vmem>>
        %dma_start3A_163 = arith.constant 0 : i32
        %dma_start3A_164 = arith.constant 0 : i32
        %dma_start3A_165 = tpu.memref_slice %arg3[%dma_start3A_163, %dma_start3A_164] : memref<10000x64xf32, #tpu.memory_space<hbm>> -> memref<10000x64xf32, #tpu.memory_space<hbm>>
        tpu.enqueue_indirect_dma source(%dma_start3A_165 : memref<10000x64xf32, #tpu.memory_space<hbm>>) target(%dma_start3A_159 : memref<128x64xf32, #tpu.memory_space<vmem>>) offsets(%dma_start3A_162 : memref<128xi32, #tpu.memory_space<vmem>>) semaphore(%arg13 : memref<!tpu.dma_semaphore, #tpu.memory_space<semaphore_mem>>)
        %dma_wait3A_166 = arith.constant 0 : i32
        %dma_wait3A_167 = arith.constant 0 : i32
        %dma_wait3A_168 = arith.constant 0 : i32
        %dma_wait3A_169 = arith.constant 0 : i32
        %dma_wait3A_170 = tpu.memref_slice %arg9[%dma_wait3A_167, %dma_wait3A_168, %dma_wait3A_169] : memref<4x128x64xf32, #tpu.memory_space<vmem>> -> memref<1x128x64xf32, #tpu.memory_space<vmem>>
        %dma_wait3A_171 = tpu.memref_squeeze %dma_wait3A_170 : memref<1x128x64xf32, #tpu.memory_space<vmem>> -> memref<128x64xf32, #tpu.memory_space<vmem>>
        %dma_wait3A_172 = arith.constant 0 : i32
        %dma_wait3A_173 = tpu.memref_slice %arg7[%select_n3A_118, %dma_wait3A_166, %dma_wait3A_172] : memref<2x8x128xi32, #tpu.memory_space<vmem>> -> memref<1x1x128xi32, #tpu.memory_space<vmem>>
        %dma_wait3A_174 = tpu.memref_squeeze %dma_wait3A_173 : memref<1x1x128xi32, #tpu.memory_space<vmem>> -> memref<128xi32, #tpu.memory_space<vmem>>
        %dma_wait3A_175 = arith.constant 0 : i32
        %dma_wait3A_176 = arith.constant 0 : i32
        %dma_wait3A_177 = tpu.memref_slice %arg3[%dma_wait3A_175, %dma_wait3A_176] : memref<10000x64xf32, #tpu.memory_space<hbm>> -> memref<10000x64xf32, #tpu.memory_space<hbm>>
        tpu.wait_indirect_dma semaphore(%arg13 : memref<!tpu.dma_semaphore, #tpu.memory_space<semaphore_mem>>) src(%dma_wait3A_177 : memref<10000x64xf32, #tpu.memory_space<hbm>>) dst(%dma_wait3A_171 : memref<128x64xf32, #tpu.memory_space<vmem>>)
        %dma_wait3A_178 = arith.constant 1 : i32
        %dma_wait3A_179 = arith.constant 1 : i32
        %dma_wait3A_180 = arith.constant 0 : i32
        %dma_wait3A_181 = arith.constant 0 : i32
        %dma_wait3A_182 = tpu.memref_slice %arg9[%dma_wait3A_179, %dma_wait3A_180, %dma_wait3A_181] : memref<4x128x64xf32, #tpu.memory_space<vmem>> -> memref<1x128x64xf32, #tpu.memory_space<vmem>>
        %dma_wait3A_183 = tpu.memref_squeeze %dma_wait3A_182 : memref<1x128x64xf32, #tpu.memory_space<vmem>> -> memref<128x64xf32, #tpu.memory_space<vmem>>
        %dma_wait3A_184 = arith.constant 0 : i32
        %dma_wait3A_185 = tpu.memref_slice %arg7[%select_n3A_118, %dma_wait3A_178, %dma_wait3A_184] : memref<2x8x128xi32, #tpu.memory_space<vmem>> -> memref<1x1x128xi32, #tpu.memory_space<vmem>>
        %dma_wait3A_186 = tpu.memref_squeeze %dma_wait3A_185 : memref<1x1x128xi32, #tpu.memory_space<vmem>> -> memref<128xi32, #tpu.memory_space<vmem>>
        %dma_wait3A_187 = arith.constant 0 : i32
        %dma_wait3A_188 = arith.constant 0 : i32
        %dma_wait3A_189 = tpu.memref_slice %arg3[%dma_wait3A_187, %dma_wait3A_188] : memref<10000x64xf32, #tpu.memory_space<hbm>> -> memref<10000x64xf32, #tpu.memory_space<hbm>>
        tpu.wait_indirect_dma semaphore(%arg13 : memref<!tpu.dma_semaphore, #tpu.memory_space<semaphore_mem>>) src(%dma_wait3A_189 : memref<10000x64xf32, #tpu.memory_space<hbm>>) dst(%dma_wait3A_183 : memref<128x64xf32, #tpu.memory_space<vmem>>)
        %dma_wait3A_190 = arith.constant 2 : i32
        %dma_wait3A_191 = arith.constant 2 : i32
        %dma_wait3A_192 = arith.constant 0 : i32
        %dma_wait3A_193 = arith.constant 0 : i32
        %dma_wait3A_194 = tpu.memref_slice %arg9[%dma_wait3A_191, %dma_wait3A_192, %dma_wait3A_193] : memref<4x128x64xf32, #tpu.memory_space<vmem>> -> memref<1x128x64xf32, #tpu.memory_space<vmem>>
        %dma_wait3A_195 = tpu.memref_squeeze %dma_wait3A_194 : memref<1x128x64xf32, #tpu.memory_space<vmem>> -> memref<128x64xf32, #tpu.memory_space<vmem>>
        %dma_wait3A_196 = arith.constant 0 : i32
        %dma_wait3A_197 = tpu.memref_slice %arg7[%select_n3A_118, %dma_wait3A_190, %dma_wait3A_196] : memref<2x8x128xi32, #tpu.memory_space<vmem>> -> memref<1x1x128xi32, #tpu.memory_space<vmem>>
        %dma_wait3A_198 = tpu.memref_squeeze %dma_wait3A_197 : memref<1x1x128xi32, #tpu.memory_space<vmem>> -> memref<128xi32, #tpu.memory_space<vmem>>
        %dma_wait3A_199 = arith.constant 0 : i32
        %dma_wait3A_200 = arith.constant 0 : i32
        %dma_wait3A_201 = tpu.memref_slice %arg3[%dma_wait3A_199, %dma_wait3A_200] : memref<10000x64xf32, #tpu.memory_space<hbm>> -> memref<10000x64xf32, #tpu.memory_space<hbm>>
        tpu.wait_indirect_dma semaphore(%arg13 : memref<!tpu.dma_semaphore, #tpu.memory_space<semaphore_mem>>) src(%dma_wait3A_201 : memref<10000x64xf32, #tpu.memory_space<hbm>>) dst(%dma_wait3A_195 : memref<128x64xf32, #tpu.memory_space<vmem>>)
        %dma_wait3A_202 = arith.constant 3 : i32
        %dma_wait3A_203 = arith.constant 3 : i32
        %dma_wait3A_204 = arith.constant 0 : i32
        %dma_wait3A_205 = arith.constant 0 : i32
        %dma_wait3A_206 = tpu.memref_slice %arg9[%dma_wait3A_203, %dma_wait3A_204, %dma_wait3A_205] : memref<4x128x64xf32, #tpu.memory_space<vmem>> -> memref<1x128x64xf32, #tpu.memory_space<vmem>>
        %dma_wait3A_207 = tpu.memref_squeeze %dma_wait3A_206 : memref<1x128x64xf32, #tpu.memory_space<vmem>> -> memref<128x64xf32, #tpu.memory_space<vmem>>
        %dma_wait3A_208 = arith.constant 0 : i32
        %dma_wait3A_209 = tpu.memref_slice %arg7[%select_n3A_118, %dma_wait3A_202, %dma_wait3A_208] : memref<2x8x128xi32, #tpu.memory_space<vmem>> -> memref<1x1x128xi32, #tpu.memory_space<vmem>>
        %dma_wait3A_210 = tpu.memref_squeeze %dma_wait3A_209 : memref<1x1x128xi32, #tpu.memory_space<vmem>> -> memref<128xi32, #tpu.memory_space<vmem>>
        %dma_wait3A_211 = arith.constant 0 : i32
        %dma_wait3A_212 = arith.constant 0 : i32
        %dma_wait3A_213 = tpu.memref_slice %arg3[%dma_wait3A_211, %dma_wait3A_212] : memref<10000x64xf32, #tpu.memory_space<hbm>> -> memref<10000x64xf32, #tpu.memory_space<hbm>>
        tpu.wait_indirect_dma semaphore(%arg13 : memref<!tpu.dma_semaphore, #tpu.memory_space<semaphore_mem>>) src(%dma_wait3A_213 : memref<10000x64xf32, #tpu.memory_space<hbm>>) dst(%dma_wait3A_207 : memref<128x64xf32, #tpu.memory_space<vmem>>)
        %gt3A = arith.constant 0 : i32
        %gt3A_214 = arith.cmpi sgt, %scan3A_105, %gt3A : i32
        %convert_element_type3A_215 = arith.extui %gt3A_214 : i1 to i32
        %cond3A_216 = arith.constant 0 : i32
        %cond3A_217 = arith.cmpi ne, %convert_element_type3A_215, %cond3A_216 : i32
        scf.if %cond3A_217 {
          %add3A_464 = arith.constant 1 : i32
          %add3A_465 = arith.addi %scan3A_105, %add3A_464 : i32
          %jit3A_466 = arith.constant 2 : i32
          %eq3A_467 = arith.constant 0 : i32
          %eq3A_468 = arith.cmpi eq, %jit3A_466, %eq3A_467 : i32
          %jit3A_469 = arith.constant 1 : i32
          %select_n3A_470 = arith.select %eq3A_468, %jit3A_469, %jit3A_466 : i32
          %rem3A_471 = arith.remsi %add3A_465, %select_n3A_470 : i32
          %ne3A_472 = arith.constant 0 : i32
          %ne3A_473 = arith.cmpi ne, %rem3A_471, %ne3A_472 : i32
          %lt3A_474 = arith.constant 0 : i32
          %lt3A_475 = arith.cmpi slt, %rem3A_471, %lt3A_474 : i32
          %lt3A_476 = arith.constant 0 : i32
          %lt3A_477 = arith.cmpi slt, %select_n3A_470, %lt3A_476 : i32
          %ne3A_478 = arith.xori %lt3A_475, %lt3A_477 : i1
          %and3A_479 = arith.andi %ne3A_478, %ne3A_473 : i1
          %add3A_480 = arith.addi %rem3A_471, %select_n3A_470 : i32
          %select_n3A_481 = arith.select %and3A_479, %add3A_480, %rem3A_471 : i32
          %dma_wait3A_482 = arith.constant 0 : i32
          %dma_wait3A_483 = arith.constant 4 : i32
          %dma_wait3A_484 = arith.constant 0 : i32
          %dma_wait3A_485 = arith.constant 0 : i32
          %dma_wait3A_486 = tpu.memref_slice %arg10[%dma_wait3A_482, %dma_wait3A_484, %dma_wait3A_485] : memref<4x128x64xf32, #tpu.memory_space<vmem>> -> memref<1x128x64xf32, #tpu.memory_space<vmem>>
          %dma_wait3A_487 = tpu.memref_squeeze %dma_wait3A_486 : memref<1x128x64xf32, #tpu.memory_space<vmem>> -> memref<128x64xf32, #tpu.memory_space<vmem>>
          %dma_wait3A_488 = arith.constant 0 : i32
          %dma_wait3A_489 = tpu.memref_slice %arg8[%select_n3A_481, %dma_wait3A_483, %dma_wait3A_488] : memref<2x8x128xi32, #tpu.memory_space<vmem>> -> memref<1x1x128xi32, #tpu.memory_space<vmem>>
          %dma_wait3A_490 = tpu.memref_squeeze %dma_wait3A_489 : memref<1x1x128xi32, #tpu.memory_space<vmem>> -> memref<128xi32, #tpu.memory_space<vmem>>
          %dma_wait3A_491 = arith.constant 0 : i32
          %dma_wait3A_492 = arith.constant 0 : i32
          %dma_wait3A_493 = tpu.memref_slice %arg12[%dma_wait3A_491, %dma_wait3A_492] : memref<10112x64xf32, #tpu.memory_space<vmem_shared>> -> memref<10112x64xf32, #tpu.memory_space<vmem_shared>>
          tpu.wait_indirect_dma semaphore(%arg14 : memref<!tpu.dma_semaphore, #tpu.memory_space<semaphore_mem>>) src(%dma_wait3A_487 : memref<128x64xf32, #tpu.memory_space<vmem>>) dst(%dma_wait3A_493 : memref<10112x64xf32, #tpu.memory_space<vmem_shared>>)
          %add3A_494 = arith.constant 1 : i32
          %add3A_495 = arith.addi %scan3A_105, %add3A_494 : i32
          %jit3A_496 = arith.constant 2 : i32
          %eq3A_497 = arith.constant 0 : i32
          %eq3A_498 = arith.cmpi eq, %jit3A_496, %eq3A_497 : i32
          %jit3A_499 = arith.constant 1 : i32
          %select_n3A_500 = arith.select %eq3A_498, %jit3A_499, %jit3A_496 : i32
          %rem3A_501 = arith.remsi %add3A_495, %select_n3A_500 : i32
          %ne3A_502 = arith.constant 0 : i32
          %ne3A_503 = arith.cmpi ne, %rem3A_501, %ne3A_502 : i32
          %lt3A_504 = arith.constant 0 : i32
          %lt3A_505 = arith.cmpi slt, %rem3A_501, %lt3A_504 : i32
          %lt3A_506 = arith.constant 0 : i32
          %lt3A_507 = arith.cmpi slt, %select_n3A_500, %lt3A_506 : i32
          %ne3A_508 = arith.xori %lt3A_505, %lt3A_507 : i1
          %and3A_509 = arith.andi %ne3A_508, %ne3A_503 : i1
          %add3A_510 = arith.addi %rem3A_501, %select_n3A_500 : i32
          %select_n3A_511 = arith.select %and3A_509, %add3A_510, %rem3A_501 : i32
          %dma_wait3A_512 = arith.constant 1 : i32
          %dma_wait3A_513 = arith.constant 5 : i32
          %dma_wait3A_514 = arith.constant 0 : i32
          %dma_wait3A_515 = arith.constant 0 : i32
          %dma_wait3A_516 = tpu.memref_slice %arg10[%dma_wait3A_512, %dma_wait3A_514, %dma_wait3A_515] : memref<4x128x64xf32, #tpu.memory_space<vmem>> -> memref<1x128x64xf32, #tpu.memory_space<vmem>>
          %dma_wait3A_517 = tpu.memref_squeeze %dma_wait3A_516 : memref<1x128x64xf32, #tpu.memory_space<vmem>> -> memref<128x64xf32, #tpu.memory_space<vmem>>
          %dma_wait3A_518 = arith.constant 0 : i32
          %dma_wait3A_519 = tpu.memref_slice %arg8[%select_n3A_511, %dma_wait3A_513, %dma_wait3A_518] : memref<2x8x128xi32, #tpu.memory_space<vmem>> -> memref<1x1x128xi32, #tpu.memory_space<vmem>>
          %dma_wait3A_520 = tpu.memref_squeeze %dma_wait3A_519 : memref<1x1x128xi32, #tpu.memory_space<vmem>> -> memref<128xi32, #tpu.memory_space<vmem>>
          %dma_wait3A_521 = arith.constant 0 : i32
          %dma_wait3A_522 = arith.constant 0 : i32
          %dma_wait3A_523 = tpu.memref_slice %arg12[%dma_wait3A_521, %dma_wait3A_522] : memref<10112x64xf32, #tpu.memory_space<vmem_shared>> -> memref<10112x64xf32, #tpu.memory_space<vmem_shared>>
          tpu.wait_indirect_dma semaphore(%arg14 : memref<!tpu.dma_semaphore, #tpu.memory_space<semaphore_mem>>) src(%dma_wait3A_517 : memref<128x64xf32, #tpu.memory_space<vmem>>) dst(%dma_wait3A_523 : memref<10112x64xf32, #tpu.memory_space<vmem_shared>>)
          %add3A_524 = arith.constant 1 : i32
          %add3A_525 = arith.addi %scan3A_105, %add3A_524 : i32
          %jit3A_526 = arith.constant 2 : i32
          %eq3A_527 = arith.constant 0 : i32
          %eq3A_528 = arith.cmpi eq, %jit3A_526, %eq3A_527 : i32
          %jit3A_529 = arith.constant 1 : i32
          %select_n3A_530 = arith.select %eq3A_528, %jit3A_529, %jit3A_526 : i32
          %rem3A_531 = arith.remsi %add3A_525, %select_n3A_530 : i32
          %ne3A_532 = arith.constant 0 : i32
          %ne3A_533 = arith.cmpi ne, %rem3A_531, %ne3A_532 : i32
          %lt3A_534 = arith.constant 0 : i32
          %lt3A_535 = arith.cmpi slt, %rem3A_531, %lt3A_534 : i32
          %lt3A_536 = arith.constant 0 : i32
          %lt3A_537 = arith.cmpi slt, %select_n3A_530, %lt3A_536 : i32
          %ne3A_538 = arith.xori %lt3A_535, %lt3A_537 : i1
          %and3A_539 = arith.andi %ne3A_538, %ne3A_533 : i1
          %add3A_540 = arith.addi %rem3A_531, %select_n3A_530 : i32
          %select_n3A_541 = arith.select %and3A_539, %add3A_540, %rem3A_531 : i32
          %dma_wait3A_542 = arith.constant 2 : i32
          %dma_wait3A_543 = arith.constant 6 : i32
          %dma_wait3A_544 = arith.constant 0 : i32
          %dma_wait3A_545 = arith.constant 0 : i32
          %dma_wait3A_546 = tpu.memref_slice %arg10[%dma_wait3A_542, %dma_wait3A_544, %dma_wait3A_545] : memref<4x128x64xf32, #tpu.memory_space<vmem>> -> memref<1x128x64xf32, #tpu.memory_space<vmem>>
          %dma_wait3A_547 = tpu.memref_squeeze %dma_wait3A_546 : memref<1x128x64xf32, #tpu.memory_space<vmem>> -> memref<128x64xf32, #tpu.memory_space<vmem>>
          %dma_wait3A_548 = arith.constant 0 : i32
          %dma_wait3A_549 = tpu.memref_slice %arg8[%select_n3A_541, %dma_wait3A_543, %dma_wait3A_548] : memref<2x8x128xi32, #tpu.memory_space<vmem>> -> memref<1x1x128xi32, #tpu.memory_space<vmem>>
          %dma_wait3A_550 = tpu.memref_squeeze %dma_wait3A_549 : memref<1x1x128xi32, #tpu.memory_space<vmem>> -> memref<128xi32, #tpu.memory_space<vmem>>
          %dma_wait3A_551 = arith.constant 0 : i32
          %dma_wait3A_552 = arith.constant 0 : i32
          %dma_wait3A_553 = tpu.memref_slice %arg12[%dma_wait3A_551, %dma_wait3A_552] : memref<10112x64xf32, #tpu.memory_space<vmem_shared>> -> memref<10112x64xf32, #tpu.memory_space<vmem_shared>>
          tpu.wait_indirect_dma semaphore(%arg14 : memref<!tpu.dma_semaphore, #tpu.memory_space<semaphore_mem>>) src(%dma_wait3A_547 : memref<128x64xf32, #tpu.memory_space<vmem>>) dst(%dma_wait3A_553 : memref<10112x64xf32, #tpu.memory_space<vmem_shared>>)
          %add3A_554 = arith.constant 1 : i32
          %add3A_555 = arith.addi %scan3A_105, %add3A_554 : i32
          %jit3A_556 = arith.constant 2 : i32
          %eq3A_557 = arith.constant 0 : i32
          %eq3A_558 = arith.cmpi eq, %jit3A_556, %eq3A_557 : i32
          %jit3A_559 = arith.constant 1 : i32
          %select_n3A_560 = arith.select %eq3A_558, %jit3A_559, %jit3A_556 : i32
          %rem3A_561 = arith.remsi %add3A_555, %select_n3A_560 : i32
          %ne3A_562 = arith.constant 0 : i32
          %ne3A_563 = arith.cmpi ne, %rem3A_561, %ne3A_562 : i32
          %lt3A_564 = arith.constant 0 : i32
          %lt3A_565 = arith.cmpi slt, %rem3A_561, %lt3A_564 : i32
          %lt3A_566 = arith.constant 0 : i32
          %lt3A_567 = arith.cmpi slt, %select_n3A_560, %lt3A_566 : i32
          %ne3A_568 = arith.xori %lt3A_565, %lt3A_567 : i1
          %and3A_569 = arith.andi %ne3A_568, %ne3A_563 : i1
          %add3A_570 = arith.addi %rem3A_561, %select_n3A_560 : i32
          %select_n3A_571 = arith.select %and3A_569, %add3A_570, %rem3A_561 : i32
          %dma_wait3A_572 = arith.constant 3 : i32
          %dma_wait3A_573 = arith.constant 7 : i32
          %dma_wait3A_574 = arith.constant 0 : i32
          %dma_wait3A_575 = arith.constant 0 : i32
          %dma_wait3A_576 = tpu.memref_slice %arg10[%dma_wait3A_572, %dma_wait3A_574, %dma_wait3A_575] : memref<4x128x64xf32, #tpu.memory_space<vmem>> -> memref<1x128x64xf32, #tpu.memory_space<vmem>>
          %dma_wait3A_577 = tpu.memref_squeeze %dma_wait3A_576 : memref<1x128x64xf32, #tpu.memory_space<vmem>> -> memref<128x64xf32, #tpu.memory_space<vmem>>
          %dma_wait3A_578 = arith.constant 0 : i32
          %dma_wait3A_579 = tpu.memref_slice %arg8[%select_n3A_571, %dma_wait3A_573, %dma_wait3A_578] : memref<2x8x128xi32, #tpu.memory_space<vmem>> -> memref<1x1x128xi32, #tpu.memory_space<vmem>>
          %dma_wait3A_580 = tpu.memref_squeeze %dma_wait3A_579 : memref<1x1x128xi32, #tpu.memory_space<vmem>> -> memref<128xi32, #tpu.memory_space<vmem>>
          %dma_wait3A_581 = arith.constant 0 : i32
          %dma_wait3A_582 = arith.constant 0 : i32
          %dma_wait3A_583 = tpu.memref_slice %arg12[%dma_wait3A_581, %dma_wait3A_582] : memref<10112x64xf32, #tpu.memory_space<vmem_shared>> -> memref<10112x64xf32, #tpu.memory_space<vmem_shared>>
          tpu.wait_indirect_dma semaphore(%arg14 : memref<!tpu.dma_semaphore, #tpu.memory_space<semaphore_mem>>) src(%dma_wait3A_577 : memref<128x64xf32, #tpu.memory_space<vmem>>) dst(%dma_wait3A_583 : memref<10112x64xf32, #tpu.memory_space<vmem_shared>>)
        } else {
        }
        %dma_start3A_218 = arith.constant 0 : i32
        %dma_start3A_219 = arith.constant 0 : i32
        %dma_start3A_220 = arith.constant 0 : i32
        %dma_start3A_221 = arith.constant 0 : i32
        %dma_start3A_222 = tpu.memref_slice %arg9[%dma_start3A_218, %dma_start3A_220, %dma_start3A_221] : memref<4x128x64xf32, #tpu.memory_space<vmem>> -> memref<1x128x64xf32, #tpu.memory_space<vmem>>
        %dma_start3A_223 = tpu.memref_squeeze %dma_start3A_222 : memref<1x128x64xf32, #tpu.memory_space<vmem>> -> memref<128x64xf32, #tpu.memory_space<vmem>>
        %dma_start3A_224 = arith.constant 0 : i32
        %dma_start3A_225 = tpu.memref_slice %arg8[%select_n3A_118, %dma_start3A_219, %dma_start3A_224] : memref<2x8x128xi32, #tpu.memory_space<vmem>> -> memref<1x1x128xi32, #tpu.memory_space<vmem>>
        %dma_start3A_226 = tpu.memref_squeeze %dma_start3A_225 : memref<1x1x128xi32, #tpu.memory_space<vmem>> -> memref<128xi32, #tpu.memory_space<vmem>>
        %dma_start3A_227 = arith.constant 0 : i32
        %dma_start3A_228 = arith.constant 0 : i32
        %dma_start3A_229 = tpu.memref_slice %arg12[%dma_start3A_227, %dma_start3A_228] : memref<10112x64xf32, #tpu.memory_space<vmem_shared>> -> memref<10112x64xf32, #tpu.memory_space<vmem_shared>>
        tpu.enqueue_indirect_dma source(%dma_start3A_223 : memref<128x64xf32, #tpu.memory_space<vmem>>) target(%dma_start3A_229 : memref<10112x64xf32, #tpu.memory_space<vmem_shared>>) offsets(%dma_start3A_226 : memref<128xi32, #tpu.memory_space<vmem>>) semaphore(%arg14 : memref<!tpu.dma_semaphore, #tpu.memory_space<semaphore_mem>>) {add = true}
        %dma_start3A_230 = arith.constant 1 : i32
        %dma_start3A_231 = arith.constant 1 : i32
        %dma_start3A_232 = arith.constant 0 : i32
        %dma_start3A_233 = arith.constant 0 : i32
        %dma_start3A_234 = tpu.memref_slice %arg9[%dma_start3A_230, %dma_start3A_232, %dma_start3A_233] : memref<4x128x64xf32, #tpu.memory_space<vmem>> -> memref<1x128x64xf32, #tpu.memory_space<vmem>>
        %dma_start3A_235 = tpu.memref_squeeze %dma_start3A_234 : memref<1x128x64xf32, #tpu.memory_space<vmem>> -> memref<128x64xf32, #tpu.memory_space<vmem>>
        %dma_start3A_236 = arith.constant 0 : i32
        %dma_start3A_237 = tpu.memref_slice %arg8[%select_n3A_118, %dma_start3A_231, %dma_start3A_236] : memref<2x8x128xi32, #tpu.memory_space<vmem>> -> memref<1x1x128xi32, #tpu.memory_space<vmem>>
        %dma_start3A_238 = tpu.memref_squeeze %dma_start3A_237 : memref<1x1x128xi32, #tpu.memory_space<vmem>> -> memref<128xi32, #tpu.memory_space<vmem>>
        %dma_start3A_239 = arith.constant 0 : i32
        %dma_start3A_240 = arith.constant 0 : i32
        %dma_start3A_241 = tpu.memref_slice %arg12[%dma_start3A_239, %dma_start3A_240] : memref<10112x64xf32, #tpu.memory_space<vmem_shared>> -> memref<10112x64xf32, #tpu.memory_space<vmem_shared>>
        tpu.enqueue_indirect_dma source(%dma_start3A_235 : memref<128x64xf32, #tpu.memory_space<vmem>>) target(%dma_start3A_241 : memref<10112x64xf32, #tpu.memory_space<vmem_shared>>) offsets(%dma_start3A_238 : memref<128xi32, #tpu.memory_space<vmem>>) semaphore(%arg14 : memref<!tpu.dma_semaphore, #tpu.memory_space<semaphore_mem>>) {add = true}
        %dma_start3A_242 = arith.constant 2 : i32
        %dma_start3A_243 = arith.constant 2 : i32
        %dma_start3A_244 = arith.constant 0 : i32
        %dma_start3A_245 = arith.constant 0 : i32
        %dma_start3A_246 = tpu.memref_slice %arg9[%dma_start3A_242, %dma_start3A_244, %dma_start3A_245] : memref<4x128x64xf32, #tpu.memory_space<vmem>> -> memref<1x128x64xf32, #tpu.memory_space<vmem>>
        %dma_start3A_247 = tpu.memref_squeeze %dma_start3A_246 : memref<1x128x64xf32, #tpu.memory_space<vmem>> -> memref<128x64xf32, #tpu.memory_space<vmem>>
        %dma_start3A_248 = arith.constant 0 : i32
        %dma_start3A_249 = tpu.memref_slice %arg8[%select_n3A_118, %dma_start3A_243, %dma_start3A_248] : memref<2x8x128xi32, #tpu.memory_space<vmem>> -> memref<1x1x128xi32, #tpu.memory_space<vmem>>
        %dma_start3A_250 = tpu.memref_squeeze %dma_start3A_249 : memref<1x1x128xi32, #tpu.memory_space<vmem>> -> memref<128xi32, #tpu.memory_space<vmem>>
        %dma_start3A_251 = arith.constant 0 : i32
        %dma_start3A_252 = arith.constant 0 : i32
        %dma_start3A_253 = tpu.memref_slice %arg12[%dma_start3A_251, %dma_start3A_252] : memref<10112x64xf32, #tpu.memory_space<vmem_shared>> -> memref<10112x64xf32, #tpu.memory_space<vmem_shared>>
        tpu.enqueue_indirect_dma source(%dma_start3A_247 : memref<128x64xf32, #tpu.memory_space<vmem>>) target(%dma_start3A_253 : memref<10112x64xf32, #tpu.memory_space<vmem_shared>>) offsets(%dma_start3A_250 : memref<128xi32, #tpu.memory_space<vmem>>) semaphore(%arg14 : memref<!tpu.dma_semaphore, #tpu.memory_space<semaphore_mem>>) {add = true}
        %dma_start3A_254 = arith.constant 3 : i32
        %dma_start3A_255 = arith.constant 3 : i32
        %dma_start3A_256 = arith.constant 0 : i32
        %dma_start3A_257 = arith.constant 0 : i32
        %dma_start3A_258 = tpu.memref_slice %arg9[%dma_start3A_254, %dma_start3A_256, %dma_start3A_257] : memref<4x128x64xf32, #tpu.memory_space<vmem>> -> memref<1x128x64xf32, #tpu.memory_space<vmem>>
        %dma_start3A_259 = tpu.memref_squeeze %dma_start3A_258 : memref<1x128x64xf32, #tpu.memory_space<vmem>> -> memref<128x64xf32, #tpu.memory_space<vmem>>
        %dma_start3A_260 = arith.constant 0 : i32
        %dma_start3A_261 = tpu.memref_slice %arg8[%select_n3A_118, %dma_start3A_255, %dma_start3A_260] : memref<2x8x128xi32, #tpu.memory_space<vmem>> -> memref<1x1x128xi32, #tpu.memory_space<vmem>>
        %dma_start3A_262 = tpu.memref_squeeze %dma_start3A_261 : memref<1x1x128xi32, #tpu.memory_space<vmem>> -> memref<128xi32, #tpu.memory_space<vmem>>
        %dma_start3A_263 = arith.constant 0 : i32
        %dma_start3A_264 = arith.constant 0 : i32
        %dma_start3A_265 = tpu.memref_slice %arg12[%dma_start3A_263, %dma_start3A_264] : memref<10112x64xf32, #tpu.memory_space<vmem_shared>> -> memref<10112x64xf32, #tpu.memory_space<vmem_shared>>
        tpu.enqueue_indirect_dma source(%dma_start3A_259 : memref<128x64xf32, #tpu.memory_space<vmem>>) target(%dma_start3A_265 : memref<10112x64xf32, #tpu.memory_space<vmem_shared>>) offsets(%dma_start3A_262 : memref<128xi32, #tpu.memory_space<vmem>>) semaphore(%arg14 : memref<!tpu.dma_semaphore, #tpu.memory_space<semaphore_mem>>) {add = true}
        %dma_start3A_266 = arith.constant 4 : i32
        %dma_start3A_267 = arith.constant 0 : i32
        %dma_start3A_268 = arith.constant 0 : i32
        %dma_start3A_269 = arith.constant 0 : i32
        %dma_start3A_270 = tpu.memref_slice %arg10[%dma_start3A_267, %dma_start3A_268, %dma_start3A_269] : memref<4x128x64xf32, #tpu.memory_space<vmem>> -> memref<1x128x64xf32, #tpu.memory_space<vmem>>
        %dma_start3A_271 = tpu.memref_squeeze %dma_start3A_270 : memref<1x128x64xf32, #tpu.memory_space<vmem>> -> memref<128x64xf32, #tpu.memory_space<vmem>>
        %dma_start3A_272 = arith.constant 0 : i32
        %dma_start3A_273 = tpu.memref_slice %arg7[%select_n3A_118, %dma_start3A_266, %dma_start3A_272] : memref<2x8x128xi32, #tpu.memory_space<vmem>> -> memref<1x1x128xi32, #tpu.memory_space<vmem>>
        %dma_start3A_274 = tpu.memref_squeeze %dma_start3A_273 : memref<1x1x128xi32, #tpu.memory_space<vmem>> -> memref<128xi32, #tpu.memory_space<vmem>>
        %dma_start3A_275 = arith.constant 0 : i32
        %dma_start3A_276 = arith.constant 0 : i32
        %dma_start3A_277 = tpu.memref_slice %arg3[%dma_start3A_275, %dma_start3A_276] : memref<10000x64xf32, #tpu.memory_space<hbm>> -> memref<10000x64xf32, #tpu.memory_space<hbm>>
        tpu.enqueue_indirect_dma source(%dma_start3A_277 : memref<10000x64xf32, #tpu.memory_space<hbm>>) target(%dma_start3A_271 : memref<128x64xf32, #tpu.memory_space<vmem>>) offsets(%dma_start3A_274 : memref<128xi32, #tpu.memory_space<vmem>>) semaphore(%arg13 : memref<!tpu.dma_semaphore, #tpu.memory_space<semaphore_mem>>)
        %dma_start3A_278 = arith.constant 5 : i32
        %dma_start3A_279 = arith.constant 1 : i32
        %dma_start3A_280 = arith.constant 0 : i32
        %dma_start3A_281 = arith.constant 0 : i32
        %dma_start3A_282 = tpu.memref_slice %arg10[%dma_start3A_279, %dma_start3A_280, %dma_start3A_281] : memref<4x128x64xf32, #tpu.memory_space<vmem>> -> memref<1x128x64xf32, #tpu.memory_space<vmem>>
        %dma_start3A_283 = tpu.memref_squeeze %dma_start3A_282 : memref<1x128x64xf32, #tpu.memory_space<vmem>> -> memref<128x64xf32, #tpu.memory_space<vmem>>
        %dma_start3A_284 = arith.constant 0 : i32
        %dma_start3A_285 = tpu.memref_slice %arg7[%select_n3A_118, %dma_start3A_278, %dma_start3A_284] : memref<2x8x128xi32, #tpu.memory_space<vmem>> -> memref<1x1x128xi32, #tpu.memory_space<vmem>>
        %dma_start3A_286 = tpu.memref_squeeze %dma_start3A_285 : memref<1x1x128xi32, #tpu.memory_space<vmem>> -> memref<128xi32, #tpu.memory_space<vmem>>
        %dma_start3A_287 = arith.constant 0 : i32
        %dma_start3A_288 = arith.constant 0 : i32
        %dma_start3A_289 = tpu.memref_slice %arg3[%dma_start3A_287, %dma_start3A_288] : memref<10000x64xf32, #tpu.memory_space<hbm>> -> memref<10000x64xf32, #tpu.memory_space<hbm>>
        tpu.enqueue_indirect_dma source(%dma_start3A_289 : memref<10000x64xf32, #tpu.memory_space<hbm>>) target(%dma_start3A_283 : memref<128x64xf32, #tpu.memory_space<vmem>>) offsets(%dma_start3A_286 : memref<128xi32, #tpu.memory_space<vmem>>) semaphore(%arg13 : memref<!tpu.dma_semaphore, #tpu.memory_space<semaphore_mem>>)
        %dma_start3A_290 = arith.constant 6 : i32
        %dma_start3A_291 = arith.constant 2 : i32
        %dma_start3A_292 = arith.constant 0 : i32
        %dma_start3A_293 = arith.constant 0 : i32
        %dma_start3A_294 = tpu.memref_slice %arg10[%dma_start3A_291, %dma_start3A_292, %dma_start3A_293] : memref<4x128x64xf32, #tpu.memory_space<vmem>> -> memref<1x128x64xf32, #tpu.memory_space<vmem>>
        %dma_start3A_295 = tpu.memref_squeeze %dma_start3A_294 : memref<1x128x64xf32, #tpu.memory_space<vmem>> -> memref<128x64xf32, #tpu.memory_space<vmem>>
        %dma_start3A_296 = arith.constant 0 : i32
        %dma_start3A_297 = tpu.memref_slice %arg7[%select_n3A_118, %dma_start3A_290, %dma_start3A_296] : memref<2x8x128xi32, #tpu.memory_space<vmem>> -> memref<1x1x128xi32, #tpu.memory_space<vmem>>
        %dma_start3A_298 = tpu.memref_squeeze %dma_start3A_297 : memref<1x1x128xi32, #tpu.memory_space<vmem>> -> memref<128xi32, #tpu.memory_space<vmem>>
        %dma_start3A_299 = arith.constant 0 : i32
        %dma_start3A_300 = arith.constant 0 : i32
        %dma_start3A_301 = tpu.memref_slice %arg3[%dma_start3A_299, %dma_start3A_300] : memref<10000x64xf32, #tpu.memory_space<hbm>> -> memref<10000x64xf32, #tpu.memory_space<hbm>>
        tpu.enqueue_indirect_dma source(%dma_start3A_301 : memref<10000x64xf32, #tpu.memory_space<hbm>>) target(%dma_start3A_295 : memref<128x64xf32, #tpu.memory_space<vmem>>) offsets(%dma_start3A_298 : memref<128xi32, #tpu.memory_space<vmem>>) semaphore(%arg13 : memref<!tpu.dma_semaphore, #tpu.memory_space<semaphore_mem>>)
        %dma_start3A_302 = arith.constant 7 : i32
        %dma_start3A_303 = arith.constant 3 : i32
        %dma_start3A_304 = arith.constant 0 : i32
        %dma_start3A_305 = arith.constant 0 : i32
        %dma_start3A_306 = tpu.memref_slice %arg10[%dma_start3A_303, %dma_start3A_304, %dma_start3A_305] : memref<4x128x64xf32, #tpu.memory_space<vmem>> -> memref<1x128x64xf32, #tpu.memory_space<vmem>>
        %dma_start3A_307 = tpu.memref_squeeze %dma_start3A_306 : memref<1x128x64xf32, #tpu.memory_space<vmem>> -> memref<128x64xf32, #tpu.memory_space<vmem>>
        %dma_start3A_308 = arith.constant 0 : i32
        %dma_start3A_309 = tpu.memref_slice %arg7[%select_n3A_118, %dma_start3A_302, %dma_start3A_308] : memref<2x8x128xi32, #tpu.memory_space<vmem>> -> memref<1x1x128xi32, #tpu.memory_space<vmem>>
        %dma_start3A_310 = tpu.memref_squeeze %dma_start3A_309 : memref<1x1x128xi32, #tpu.memory_space<vmem>> -> memref<128xi32, #tpu.memory_space<vmem>>
        %dma_start3A_311 = arith.constant 0 : i32
        %dma_start3A_312 = arith.constant 0 : i32
        %dma_start3A_313 = tpu.memref_slice %arg3[%dma_start3A_311, %dma_start3A_312] : memref<10000x64xf32, #tpu.memory_space<hbm>> -> memref<10000x64xf32, #tpu.memory_space<hbm>>
        tpu.enqueue_indirect_dma source(%dma_start3A_313 : memref<10000x64xf32, #tpu.memory_space<hbm>>) target(%dma_start3A_307 : memref<128x64xf32, #tpu.memory_space<vmem>>) offsets(%dma_start3A_310 : memref<128xi32, #tpu.memory_space<vmem>>) semaphore(%arg13 : memref<!tpu.dma_semaphore, #tpu.memory_space<semaphore_mem>>)
        %dma_wait3A_314 = arith.constant 4 : i32
        %dma_wait3A_315 = arith.constant 0 : i32
        %dma_wait3A_316 = arith.constant 0 : i32
        %dma_wait3A_317 = arith.constant 0 : i32
        %dma_wait3A_318 = tpu.memref_slice %arg10[%dma_wait3A_315, %dma_wait3A_316, %dma_wait3A_317] : memref<4x128x64xf32, #tpu.memory_space<vmem>> -> memref<1x128x64xf32, #tpu.memory_space<vmem>>
        %dma_wait3A_319 = tpu.memref_squeeze %dma_wait3A_318 : memref<1x128x64xf32, #tpu.memory_space<vmem>> -> memref<128x64xf32, #tpu.memory_space<vmem>>
        %dma_wait3A_320 = arith.constant 0 : i32
        %dma_wait3A_321 = tpu.memref_slice %arg7[%select_n3A_118, %dma_wait3A_314, %dma_wait3A_320] : memref<2x8x128xi32, #tpu.memory_space<vmem>> -> memref<1x1x128xi32, #tpu.memory_space<vmem>>
        %dma_wait3A_322 = tpu.memref_squeeze %dma_wait3A_321 : memref<1x1x128xi32, #tpu.memory_space<vmem>> -> memref<128xi32, #tpu.memory_space<vmem>>
        %dma_wait3A_323 = arith.constant 0 : i32
        %dma_wait3A_324 = arith.constant 0 : i32
        %dma_wait3A_325 = tpu.memref_slice %arg3[%dma_wait3A_323, %dma_wait3A_324] : memref<10000x64xf32, #tpu.memory_space<hbm>> -> memref<10000x64xf32, #tpu.memory_space<hbm>>
        tpu.wait_indirect_dma semaphore(%arg13 : memref<!tpu.dma_semaphore, #tpu.memory_space<semaphore_mem>>) src(%dma_wait3A_325 : memref<10000x64xf32, #tpu.memory_space<hbm>>) dst(%dma_wait3A_319 : memref<128x64xf32, #tpu.memory_space<vmem>>)
        %dma_wait3A_326 = arith.constant 5 : i32
        %dma_wait3A_327 = arith.constant 1 : i32
        %dma_wait3A_328 = arith.constant 0 : i32
        %dma_wait3A_329 = arith.constant 0 : i32
        %dma_wait3A_330 = tpu.memref_slice %arg10[%dma_wait3A_327, %dma_wait3A_328, %dma_wait3A_329] : memref<4x128x64xf32, #tpu.memory_space<vmem>> -> memref<1x128x64xf32, #tpu.memory_space<vmem>>
        %dma_wait3A_331 = tpu.memref_squeeze %dma_wait3A_330 : memref<1x128x64xf32, #tpu.memory_space<vmem>> -> memref<128x64xf32, #tpu.memory_space<vmem>>
        %dma_wait3A_332 = arith.constant 0 : i32
        %dma_wait3A_333 = tpu.memref_slice %arg7[%select_n3A_118, %dma_wait3A_326, %dma_wait3A_332] : memref<2x8x128xi32, #tpu.memory_space<vmem>> -> memref<1x1x128xi32, #tpu.memory_space<vmem>>
        %dma_wait3A_334 = tpu.memref_squeeze %dma_wait3A_333 : memref<1x1x128xi32, #tpu.memory_space<vmem>> -> memref<128xi32, #tpu.memory_space<vmem>>
        %dma_wait3A_335 = arith.constant 0 : i32
        %dma_wait3A_336 = arith.constant 0 : i32
        %dma_wait3A_337 = tpu.memref_slice %arg3[%dma_wait3A_335, %dma_wait3A_336] : memref<10000x64xf32, #tpu.memory_space<hbm>> -> memref<10000x64xf32, #tpu.memory_space<hbm>>
        tpu.wait_indirect_dma semaphore(%arg13 : memref<!tpu.dma_semaphore, #tpu.memory_space<semaphore_mem>>) src(%dma_wait3A_337 : memref<10000x64xf32, #tpu.memory_space<hbm>>) dst(%dma_wait3A_331 : memref<128x64xf32, #tpu.memory_space<vmem>>)
        %dma_wait3A_338 = arith.constant 6 : i32
        %dma_wait3A_339 = arith.constant 2 : i32
        %dma_wait3A_340 = arith.constant 0 : i32
        %dma_wait3A_341 = arith.constant 0 : i32
        %dma_wait3A_342 = tpu.memref_slice %arg10[%dma_wait3A_339, %dma_wait3A_340, %dma_wait3A_341] : memref<4x128x64xf32, #tpu.memory_space<vmem>> -> memref<1x128x64xf32, #tpu.memory_space<vmem>>
        %dma_wait3A_343 = tpu.memref_squeeze %dma_wait3A_342 : memref<1x128x64xf32, #tpu.memory_space<vmem>> -> memref<128x64xf32, #tpu.memory_space<vmem>>
        %dma_wait3A_344 = arith.constant 0 : i32
        %dma_wait3A_345 = tpu.memref_slice %arg7[%select_n3A_118, %dma_wait3A_338, %dma_wait3A_344] : memref<2x8x128xi32, #tpu.memory_space<vmem>> -> memref<1x1x128xi32, #tpu.memory_space<vmem>>
        %dma_wait3A_346 = tpu.memref_squeeze %dma_wait3A_345 : memref<1x1x128xi32, #tpu.memory_space<vmem>> -> memref<128xi32, #tpu.memory_space<vmem>>
        %dma_wait3A_347 = arith.constant 0 : i32
        %dma_wait3A_348 = arith.constant 0 : i32
        %dma_wait3A_349 = tpu.memref_slice %arg3[%dma_wait3A_347, %dma_wait3A_348] : memref<10000x64xf32, #tpu.memory_space<hbm>> -> memref<10000x64xf32, #tpu.memory_space<hbm>>
        tpu.wait_indirect_dma semaphore(%arg13 : memref<!tpu.dma_semaphore, #tpu.memory_space<semaphore_mem>>) src(%dma_wait3A_349 : memref<10000x64xf32, #tpu.memory_space<hbm>>) dst(%dma_wait3A_343 : memref<128x64xf32, #tpu.memory_space<vmem>>)
        %dma_wait3A_350 = arith.constant 7 : i32
        %dma_wait3A_351 = arith.constant 3 : i32
        %dma_wait3A_352 = arith.constant 0 : i32
        %dma_wait3A_353 = arith.constant 0 : i32
        %dma_wait3A_354 = tpu.memref_slice %arg10[%dma_wait3A_351, %dma_wait3A_352, %dma_wait3A_353] : memref<4x128x64xf32, #tpu.memory_space<vmem>> -> memref<1x128x64xf32, #tpu.memory_space<vmem>>
        %dma_wait3A_355 = tpu.memref_squeeze %dma_wait3A_354 : memref<1x128x64xf32, #tpu.memory_space<vmem>> -> memref<128x64xf32, #tpu.memory_space<vmem>>
        %dma_wait3A_356 = arith.constant 0 : i32
        %dma_wait3A_357 = tpu.memref_slice %arg7[%select_n3A_118, %dma_wait3A_350, %dma_wait3A_356] : memref<2x8x128xi32, #tpu.memory_space<vmem>> -> memref<1x1x128xi32, #tpu.memory_space<vmem>>
        %dma_wait3A_358 = tpu.memref_squeeze %dma_wait3A_357 : memref<1x1x128xi32, #tpu.memory_space<vmem>> -> memref<128xi32, #tpu.memory_space<vmem>>
        %dma_wait3A_359 = arith.constant 0 : i32
        %dma_wait3A_360 = arith.constant 0 : i32
        %dma_wait3A_361 = tpu.memref_slice %arg3[%dma_wait3A_359, %dma_wait3A_360] : memref<10000x64xf32, #tpu.memory_space<hbm>> -> memref<10000x64xf32, #tpu.memory_space<hbm>>
        tpu.wait_indirect_dma semaphore(%arg13 : memref<!tpu.dma_semaphore, #tpu.memory_space<semaphore_mem>>) src(%dma_wait3A_361 : memref<10000x64xf32, #tpu.memory_space<hbm>>) dst(%dma_wait3A_355 : memref<128x64xf32, #tpu.memory_space<vmem>>)
        %lt3A_362 = arith.constant 19 : i32
        %lt3A_363 = arith.cmpi slt, %scan3A_105, %lt3A_362 : i32
        %convert_element_type3A_364 = arith.extui %lt3A_363 : i1 to i32
        %cond3A_365 = arith.constant 0 : i32
        %cond3A_366 = arith.cmpi ne, %convert_element_type3A_364, %cond3A_365 : i32
        scf.if %cond3A_366 {
          %mul3A_464 = arith.constant 160 : i32
          %mul3A_465 = arith.muli %arg1, %mul3A_464 : i32
          %add3A_466 = arith.constant 1 : i32
          %add3A_467 = arith.addi %scan3A_105, %add3A_466 : i32
          %mul3A_468 = arith.constant 8 : i32
          %mul3A_469 = arith.muli %add3A_467, %mul3A_468 : i32
          %add3A_470 = arith.addi %mul3A_465, %mul3A_469 : i32
          %add3A_471 = arith.constant 1 : i32
          %add3A_472 = arith.addi %scan3A_105, %add3A_471 : i32
          %jit3A_473 = arith.constant 2 : i32
          %eq3A_474 = arith.constant 0 : i32
          %eq3A_475 = arith.cmpi eq, %jit3A_473, %eq3A_474 : i32
          %jit3A_476 = arith.constant 1 : i32
          %select_n3A_477 = arith.select %eq3A_475, %jit3A_476, %jit3A_473 : i32
          %rem3A_478 = arith.remsi %add3A_472, %select_n3A_477 : i32
          %ne3A_479 = arith.constant 0 : i32
          %ne3A_480 = arith.cmpi ne, %rem3A_478, %ne3A_479 : i32
          %lt3A_481 = arith.constant 0 : i32
          %lt3A_482 = arith.cmpi slt, %rem3A_478, %lt3A_481 : i32
          %lt3A_483 = arith.constant 0 : i32
          %lt3A_484 = arith.cmpi slt, %select_n3A_477, %lt3A_483 : i32
          %ne3A_485 = arith.xori %lt3A_482, %lt3A_484 : i1
          %and3A_486 = arith.andi %ne3A_485, %ne3A_480 : i1
          %add3A_487 = arith.addi %rem3A_478, %select_n3A_477 : i32
          %select_n3A_488 = arith.select %and3A_486, %add3A_487, %rem3A_478 : i32
          "tpu.region"() ({
            %run_scoped3A_507 = tpu.sem_alloc : memref<!tpu.dma_semaphore, #tpu.memory_space<semaphore_mem>>
            %dma_start3A_508 = arith.constant 0 : i32
            %dma_start3A_509 = arith.constant 0 : i32
            %dma_start3A_510 = tpu.memref_slice %arg7[%select_n3A_488, %dma_start3A_508, %dma_start3A_509] : memref<2x8x128xi32, #tpu.memory_space<vmem>> -> memref<1x8x128xi32, #tpu.memory_space<vmem>>
            %dma_start3A_511 = tpu.memref_squeeze %dma_start3A_510 : memref<1x8x128xi32, #tpu.memory_space<vmem>> -> memref<8x128xi32, #tpu.memory_space<vmem>>
            %dma_start3A_512 = arith.constant 0 : i32
            %dma_start3A_513 = tpu.memref_slice %arg4[%add3A_470, %dma_start3A_512] : memref<2560x128xi32, #tpu.memory_space<hbm>> -> memref<8x128xi32, #tpu.memory_space<hbm>>
            %dma_start3A_514 = arith.constant 0 : i32
            %dma_start3A_515 = arith.constant 0 : i32
            %dma_start3A_516 = tpu.memref_slice %arg7[%select_n3A_488, %dma_start3A_514, %dma_start3A_515] : memref<2x8x128xi32, #tpu.memory_space<vmem>> -> memref<1x8x128xi32, #tpu.memory_space<vmem>>
            %dma_start3A_517 = tpu.memref_squeeze %dma_start3A_516 : memref<1x8x128xi32, #tpu.memory_space<vmem>> -> memref<8x128xi32, #tpu.memory_space<vmem>>
            %dma_start3A_518 = arith.constant 0 : i32
            %dma_start3A_519 = tpu.memref_slice %arg4[%add3A_470, %dma_start3A_518] : memref<2560x128xi32, #tpu.memory_space<hbm>> -> memref<8x128xi32, #tpu.memory_space<hbm>>
            tpu.enqueue_dma source(%dma_start3A_519 : memref<8x128xi32, #tpu.memory_space<hbm>>) target(%dma_start3A_517 : memref<8x128xi32, #tpu.memory_space<vmem>>) target_semaphore(%run_scoped3A_507 : memref<!tpu.dma_semaphore, #tpu.memory_space<semaphore_mem>>)
            %dma_wait3A_520 = arith.constant 0 : i32
            %dma_wait3A_521 = arith.constant 0 : i32
            %dma_wait3A_522 = tpu.memref_slice %arg7[%select_n3A_488, %dma_wait3A_520, %dma_wait3A_521] : memref<2x8x128xi32, #tpu.memory_space<vmem>> -> memref<1x8x128xi32, #tpu.memory_space<vmem>>
            %dma_wait3A_523 = tpu.memref_squeeze %dma_wait3A_522 : memref<1x8x128xi32, #tpu.memory_space<vmem>> -> memref<8x128xi32, #tpu.memory_space<vmem>>
            %dma_wait3A_524 = arith.constant 0 : i32
            %dma_wait3A_525 = tpu.memref_slice %arg4[%add3A_470, %dma_wait3A_524] : memref<2560x128xi32, #tpu.memory_space<hbm>> -> memref<8x128xi32, #tpu.memory_space<hbm>>
            %dma_wait3A_526 = arith.constant 0 : i32
            %dma_wait3A_527 = arith.constant 0 : i32
            %dma_wait3A_528 = tpu.memref_slice %arg7[%select_n3A_488, %dma_wait3A_526, %dma_wait3A_527] : memref<2x8x128xi32, #tpu.memory_space<vmem>> -> memref<1x8x128xi32, #tpu.memory_space<vmem>>
            %dma_wait3A_529 = tpu.memref_squeeze %dma_wait3A_528 : memref<1x8x128xi32, #tpu.memory_space<vmem>> -> memref<8x128xi32, #tpu.memory_space<vmem>>
            %dma_wait3A_530 = arith.constant 0 : i32
            %dma_wait3A_531 = tpu.memref_slice %arg4[%add3A_470, %dma_wait3A_530] : memref<2560x128xi32, #tpu.memory_space<hbm>> -> memref<8x128xi32, #tpu.memory_space<hbm>>
            tpu.wait_dma2 semaphore(%run_scoped3A_507 : memref<!tpu.dma_semaphore, #tpu.memory_space<semaphore_mem>>) src(%dma_wait3A_531 : memref<8x128xi32, #tpu.memory_space<hbm>>) dst(%dma_wait3A_529 : memref<8x128xi32, #tpu.memory_space<vmem>>)
            tpu.yield
          }) : () -> ()
          %add3A_489 = arith.constant 1 : i32
          %add3A_490 = arith.addi %scan3A_105, %add3A_489 : i32
          %jit3A_491 = arith.constant 2 : i32
          %eq3A_492 = arith.constant 0 : i32
          %eq3A_493 = arith.cmpi eq, %jit3A_491, %eq3A_492 : i32
          %jit3A_494 = arith.constant 1 : i32
          %select_n3A_495 = arith.select %eq3A_493, %jit3A_494, %jit3A_491 : i32
          %rem3A_496 = arith.remsi %add3A_490, %select_n3A_495 : i32
          %ne3A_497 = arith.constant 0 : i32
          %ne3A_498 = arith.cmpi ne, %rem3A_496, %ne3A_497 : i32
          %lt3A_499 = arith.constant 0 : i32
          %lt3A_500 = arith.cmpi slt, %rem3A_496, %lt3A_499 : i32
          %lt3A_501 = arith.constant 0 : i32
          %lt3A_502 = arith.cmpi slt, %select_n3A_495, %lt3A_501 : i32
          %ne3A_503 = arith.xori %lt3A_500, %lt3A_502 : i1
          %and3A_504 = arith.andi %ne3A_503, %ne3A_498 : i1
          %add3A_505 = arith.addi %rem3A_496, %select_n3A_495 : i32
          %select_n3A_506 = arith.select %and3A_504, %add3A_505, %rem3A_496 : i32
          "tpu.region"() ({
            %run_scoped3A_507 = tpu.sem_alloc : memref<!tpu.dma_semaphore, #tpu.memory_space<semaphore_mem>>
            %dma_start3A_508 = arith.constant 0 : i32
            %dma_start3A_509 = arith.constant 0 : i32
            %dma_start3A_510 = tpu.memref_slice %arg8[%select_n3A_506, %dma_start3A_508, %dma_start3A_509] : memref<2x8x128xi32, #tpu.memory_space<vmem>> -> memref<1x8x128xi32, #tpu.memory_space<vmem>>
            %dma_start3A_511 = tpu.memref_squeeze %dma_start3A_510 : memref<1x8x128xi32, #tpu.memory_space<vmem>> -> memref<8x128xi32, #tpu.memory_space<vmem>>
            %dma_start3A_512 = arith.constant 0 : i32
            %dma_start3A_513 = tpu.memref_slice %arg5[%add3A_470, %dma_start3A_512] : memref<2560x128xi32, #tpu.memory_space<hbm>> -> memref<8x128xi32, #tpu.memory_space<hbm>>
            %dma_start3A_514 = arith.constant 0 : i32
            %dma_start3A_515 = arith.constant 0 : i32
            %dma_start3A_516 = tpu.memref_slice %arg8[%select_n3A_506, %dma_start3A_514, %dma_start3A_515] : memref<2x8x128xi32, #tpu.memory_space<vmem>> -> memref<1x8x128xi32, #tpu.memory_space<vmem>>
            %dma_start3A_517 = tpu.memref_squeeze %dma_start3A_516 : memref<1x8x128xi32, #tpu.memory_space<vmem>> -> memref<8x128xi32, #tpu.memory_space<vmem>>
            %dma_start3A_518 = arith.constant 0 : i32
            %dma_start3A_519 = tpu.memref_slice %arg5[%add3A_470, %dma_start3A_518] : memref<2560x128xi32, #tpu.memory_space<hbm>> -> memref<8x128xi32, #tpu.memory_space<hbm>>
            tpu.enqueue_dma source(%dma_start3A_519 : memref<8x128xi32, #tpu.memory_space<hbm>>) target(%dma_start3A_517 : memref<8x128xi32, #tpu.memory_space<vmem>>) target_semaphore(%run_scoped3A_507 : memref<!tpu.dma_semaphore, #tpu.memory_space<semaphore_mem>>)
            %dma_wait3A_520 = arith.constant 0 : i32
            %dma_wait3A_521 = arith.constant 0 : i32
            %dma_wait3A_522 = tpu.memref_slice %arg8[%select_n3A_506, %dma_wait3A_520, %dma_wait3A_521] : memref<2x8x128xi32, #tpu.memory_space<vmem>> -> memref<1x8x128xi32, #tpu.memory_space<vmem>>
            %dma_wait3A_523 = tpu.memref_squeeze %dma_wait3A_522 : memref<1x8x128xi32, #tpu.memory_space<vmem>> -> memref<8x128xi32, #tpu.memory_space<vmem>>
            %dma_wait3A_524 = arith.constant 0 : i32
            %dma_wait3A_525 = tpu.memref_slice %arg5[%add3A_470, %dma_wait3A_524] : memref<2560x128xi32, #tpu.memory_space<hbm>> -> memref<8x128xi32, #tpu.memory_space<hbm>>
            %dma_wait3A_526 = arith.constant 0 : i32
            %dma_wait3A_527 = arith.constant 0 : i32
            %dma_wait3A_528 = tpu.memref_slice %arg8[%select_n3A_506, %dma_wait3A_526, %dma_wait3A_527] : memref<2x8x128xi32, #tpu.memory_space<vmem>> -> memref<1x8x128xi32, #tpu.memory_space<vmem>>
            %dma_wait3A_529 = tpu.memref_squeeze %dma_wait3A_528 : memref<1x8x128xi32, #tpu.memory_space<vmem>> -> memref<8x128xi32, #tpu.memory_space<vmem>>
            %dma_wait3A_530 = arith.constant 0 : i32
            %dma_wait3A_531 = tpu.memref_slice %arg5[%add3A_470, %dma_wait3A_530] : memref<2560x128xi32, #tpu.memory_space<hbm>> -> memref<8x128xi32, #tpu.memory_space<hbm>>
            tpu.wait_dma2 semaphore(%run_scoped3A_507 : memref<!tpu.dma_semaphore, #tpu.memory_space<semaphore_mem>>) src(%dma_wait3A_531 : memref<8x128xi32, #tpu.memory_space<hbm>>) dst(%dma_wait3A_529 : memref<8x128xi32, #tpu.memory_space<vmem>>)
            tpu.yield
          }) : () -> ()
        } else {
        }
        %dma_wait3A_367 = arith.constant 0 : i32
        %dma_wait3A_368 = arith.constant 0 : i32
        %dma_wait3A_369 = arith.constant 0 : i32
        %dma_wait3A_370 = arith.constant 0 : i32
        %dma_wait3A_371 = tpu.memref_slice %arg9[%dma_wait3A_367, %dma_wait3A_369, %dma_wait3A_370] : memref<4x128x64xf32, #tpu.memory_space<vmem>> -> memref<1x128x64xf32, #tpu.memory_space<vmem>>
        %dma_wait3A_372 = tpu.memref_squeeze %dma_wait3A_371 : memref<1x128x64xf32, #tpu.memory_space<vmem>> -> memref<128x64xf32, #tpu.memory_space<vmem>>
        %dma_wait3A_373 = arith.constant 0 : i32
        %dma_wait3A_374 = tpu.memref_slice %arg8[%select_n3A_118, %dma_wait3A_368, %dma_wait3A_373] : memref<2x8x128xi32, #tpu.memory_space<vmem>> -> memref<1x1x128xi32, #tpu.memory_space<vmem>>
        %dma_wait3A_375 = tpu.memref_squeeze %dma_wait3A_374 : memref<1x1x128xi32, #tpu.memory_space<vmem>> -> memref<128xi32, #tpu.memory_space<vmem>>
        %dma_wait3A_376 = arith.constant 0 : i32
        %dma_wait3A_377 = arith.constant 0 : i32
        %dma_wait3A_378 = tpu.memref_slice %arg12[%dma_wait3A_376, %dma_wait3A_377] : memref<10112x64xf32, #tpu.memory_space<vmem_shared>> -> memref<10112x64xf32, #tpu.memory_space<vmem_shared>>
        tpu.wait_indirect_dma semaphore(%arg14 : memref<!tpu.dma_semaphore, #tpu.memory_space<semaphore_mem>>) src(%dma_wait3A_372 : memref<128x64xf32, #tpu.memory_space<vmem>>) dst(%dma_wait3A_378 : memref<10112x64xf32, #tpu.memory_space<vmem_shared>>)
        %dma_wait3A_379 = arith.constant 1 : i32
        %dma_wait3A_380 = arith.constant 1 : i32
        %dma_wait3A_381 = arith.constant 0 : i32
        %dma_wait3A_382 = arith.constant 0 : i32
        %dma_wait3A_383 = tpu.memref_slice %arg9[%dma_wait3A_379, %dma_wait3A_381, %dma_wait3A_382] : memref<4x128x64xf32, #tpu.memory_space<vmem>> -> memref<1x128x64xf32, #tpu.memory_space<vmem>>
        %dma_wait3A_384 = tpu.memref_squeeze %dma_wait3A_383 : memref<1x128x64xf32, #tpu.memory_space<vmem>> -> memref<128x64xf32, #tpu.memory_space<vmem>>
        %dma_wait3A_385 = arith.constant 0 : i32
        %dma_wait3A_386 = tpu.memref_slice %arg8[%select_n3A_118, %dma_wait3A_380, %dma_wait3A_385] : memref<2x8x128xi32, #tpu.memory_space<vmem>> -> memref<1x1x128xi32, #tpu.memory_space<vmem>>
        %dma_wait3A_387 = tpu.memref_squeeze %dma_wait3A_386 : memref<1x1x128xi32, #tpu.memory_space<vmem>> -> memref<128xi32, #tpu.memory_space<vmem>>
        %dma_wait3A_388 = arith.constant 0 : i32
        %dma_wait3A_389 = arith.constant 0 : i32
        %dma_wait3A_390 = tpu.memref_slice %arg12[%dma_wait3A_388, %dma_wait3A_389] : memref<10112x64xf32, #tpu.memory_space<vmem_shared>> -> memref<10112x64xf32, #tpu.memory_space<vmem_shared>>
        tpu.wait_indirect_dma semaphore(%arg14 : memref<!tpu.dma_semaphore, #tpu.memory_space<semaphore_mem>>) src(%dma_wait3A_384 : memref<128x64xf32, #tpu.memory_space<vmem>>) dst(%dma_wait3A_390 : memref<10112x64xf32, #tpu.memory_space<vmem_shared>>)
        %dma_wait3A_391 = arith.constant 2 : i32
        %dma_wait3A_392 = arith.constant 2 : i32
        %dma_wait3A_393 = arith.constant 0 : i32
        %dma_wait3A_394 = arith.constant 0 : i32
        %dma_wait3A_395 = tpu.memref_slice %arg9[%dma_wait3A_391, %dma_wait3A_393, %dma_wait3A_394] : memref<4x128x64xf32, #tpu.memory_space<vmem>> -> memref<1x128x64xf32, #tpu.memory_space<vmem>>
        %dma_wait3A_396 = tpu.memref_squeeze %dma_wait3A_395 : memref<1x128x64xf32, #tpu.memory_space<vmem>> -> memref<128x64xf32, #tpu.memory_space<vmem>>
        %dma_wait3A_397 = arith.constant 0 : i32
        %dma_wait3A_398 = tpu.memref_slice %arg8[%select_n3A_118, %dma_wait3A_392, %dma_wait3A_397] : memref<2x8x128xi32, #tpu.memory_space<vmem>> -> memref<1x1x128xi32, #tpu.memory_space<vmem>>
        %dma_wait3A_399 = tpu.memref_squeeze %dma_wait3A_398 : memref<1x1x128xi32, #tpu.memory_space<vmem>> -> memref<128xi32, #tpu.memory_space<vmem>>
        %dma_wait3A_400 = arith.constant 0 : i32
        %dma_wait3A_401 = arith.constant 0 : i32
        %dma_wait3A_402 = tpu.memref_slice %arg12[%dma_wait3A_400, %dma_wait3A_401] : memref<10112x64xf32, #tpu.memory_space<vmem_shared>> -> memref<10112x64xf32, #tpu.memory_space<vmem_shared>>
        tpu.wait_indirect_dma semaphore(%arg14 : memref<!tpu.dma_semaphore, #tpu.memory_space<semaphore_mem>>) src(%dma_wait3A_396 : memref<128x64xf32, #tpu.memory_space<vmem>>) dst(%dma_wait3A_402 : memref<10112x64xf32, #tpu.memory_space<vmem_shared>>)
        %dma_wait3A_403 = arith.constant 3 : i32
        %dma_wait3A_404 = arith.constant 3 : i32
        %dma_wait3A_405 = arith.constant 0 : i32
        %dma_wait3A_406 = arith.constant 0 : i32
        %dma_wait3A_407 = tpu.memref_slice %arg9[%dma_wait3A_403, %dma_wait3A_405, %dma_wait3A_406] : memref<4x128x64xf32, #tpu.memory_space<vmem>> -> memref<1x128x64xf32, #tpu.memory_space<vmem>>
        %dma_wait3A_408 = tpu.memref_squeeze %dma_wait3A_407 : memref<1x128x64xf32, #tpu.memory_space<vmem>> -> memref<128x64xf32, #tpu.memory_space<vmem>>
        %dma_wait3A_409 = arith.constant 0 : i32
        %dma_wait3A_410 = tpu.memref_slice %arg8[%select_n3A_118, %dma_wait3A_404, %dma_wait3A_409] : memref<2x8x128xi32, #tpu.memory_space<vmem>> -> memref<1x1x128xi32, #tpu.memory_space<vmem>>
        %dma_wait3A_411 = tpu.memref_squeeze %dma_wait3A_410 : memref<1x1x128xi32, #tpu.memory_space<vmem>> -> memref<128xi32, #tpu.memory_space<vmem>>
        %dma_wait3A_412 = arith.constant 0 : i32
        %dma_wait3A_413 = arith.constant 0 : i32
        %dma_wait3A_414 = tpu.memref_slice %arg12[%dma_wait3A_412, %dma_wait3A_413] : memref<10112x64xf32, #tpu.memory_space<vmem_shared>> -> memref<10112x64xf32, #tpu.memory_space<vmem_shared>>
        tpu.wait_indirect_dma semaphore(%arg14 : memref<!tpu.dma_semaphore, #tpu.memory_space<semaphore_mem>>) src(%dma_wait3A_408 : memref<128x64xf32, #tpu.memory_space<vmem>>) dst(%dma_wait3A_414 : memref<10112x64xf32, #tpu.memory_space<vmem_shared>>)
        %dma_start3A_415 = arith.constant 0 : i32
        %dma_start3A_416 = arith.constant 4 : i32
        %dma_start3A_417 = arith.constant 0 : i32
        %dma_start3A_418 = arith.constant 0 : i32
        %dma_start3A_419 = tpu.memref_slice %arg10[%dma_start3A_415, %dma_start3A_417, %dma_start3A_418] : memref<4x128x64xf32, #tpu.memory_space<vmem>> -> memref<1x128x64xf32, #tpu.memory_space<vmem>>
        %dma_start3A_420 = tpu.memref_squeeze %dma_start3A_419 : memref<1x128x64xf32, #tpu.memory_space<vmem>> -> memref<128x64xf32, #tpu.memory_space<vmem>>
        %dma_start3A_421 = arith.constant 0 : i32
        %dma_start3A_422 = tpu.memref_slice %arg8[%select_n3A_118, %dma_start3A_416, %dma_start3A_421] : memref<2x8x128xi32, #tpu.memory_space<vmem>> -> memref<1x1x128xi32, #tpu.memory_space<vmem>>
        %dma_start3A_423 = tpu.memref_squeeze %dma_start3A_422 : memref<1x1x128xi32, #tpu.memory_space<vmem>> -> memref<128xi32, #tpu.memory_space<vmem>>
        %dma_start3A_424 = arith.constant 0 : i32
        %dma_start3A_425 = arith.constant 0 : i32
        %dma_start3A_426 = tpu.memref_slice %arg12[%dma_start3A_424, %dma_start3A_425] : memref<10112x64xf32, #tpu.memory_space<vmem_shared>> -> memref<10112x64xf32, #tpu.memory_space<vmem_shared>>
        tpu.enqueue_indirect_dma source(%dma_start3A_420 : memref<128x64xf32, #tpu.memory_space<vmem>>) target(%dma_start3A_426 : memref<10112x64xf32, #tpu.memory_space<vmem_shared>>) offsets(%dma_start3A_423 : memref<128xi32, #tpu.memory_space<vmem>>) semaphore(%arg14 : memref<!tpu.dma_semaphore, #tpu.memory_space<semaphore_mem>>) {add = true}
        %dma_start3A_427 = arith.constant 1 : i32
        %dma_start3A_428 = arith.constant 5 : i32
        %dma_start3A_429 = arith.constant 0 : i32
        %dma_start3A_430 = arith.constant 0 : i32
        %dma_start3A_431 = tpu.memref_slice %arg10[%dma_start3A_427, %dma_start3A_429, %dma_start3A_430] : memref<4x128x64xf32, #tpu.memory_space<vmem>> -> memref<1x128x64xf32, #tpu.memory_space<vmem>>
        %dma_start3A_432 = tpu.memref_squeeze %dma_start3A_431 : memref<1x128x64xf32, #tpu.memory_space<vmem>> -> memref<128x64xf32, #tpu.memory_space<vmem>>
        %dma_start3A_433 = arith.constant 0 : i32
        %dma_start3A_434 = tpu.memref_slice %arg8[%select_n3A_118, %dma_start3A_428, %dma_start3A_433] : memref<2x8x128xi32, #tpu.memory_space<vmem>> -> memref<1x1x128xi32, #tpu.memory_space<vmem>>
        %dma_start3A_435 = tpu.memref_squeeze %dma_start3A_434 : memref<1x1x128xi32, #tpu.memory_space<vmem>> -> memref<128xi32, #tpu.memory_space<vmem>>
        %dma_start3A_436 = arith.constant 0 : i32
        %dma_start3A_437 = arith.constant 0 : i32
        %dma_start3A_438 = tpu.memref_slice %arg12[%dma_start3A_436, %dma_start3A_437] : memref<10112x64xf32, #tpu.memory_space<vmem_shared>> -> memref<10112x64xf32, #tpu.memory_space<vmem_shared>>
        tpu.enqueue_indirect_dma source(%dma_start3A_432 : memref<128x64xf32, #tpu.memory_space<vmem>>) target(%dma_start3A_438 : memref<10112x64xf32, #tpu.memory_space<vmem_shared>>) offsets(%dma_start3A_435 : memref<128xi32, #tpu.memory_space<vmem>>) semaphore(%arg14 : memref<!tpu.dma_semaphore, #tpu.memory_space<semaphore_mem>>) {add = true}
        %dma_start3A_439 = arith.constant 2 : i32
        %dma_start3A_440 = arith.constant 6 : i32
        %dma_start3A_441 = arith.constant 0 : i32
        %dma_start3A_442 = arith.constant 0 : i32
        %dma_start3A_443 = tpu.memref_slice %arg10[%dma_start3A_439, %dma_start3A_441, %dma_start3A_442] : memref<4x128x64xf32, #tpu.memory_space<vmem>> -> memref<1x128x64xf32, #tpu.memory_space<vmem>>
        %dma_start3A_444 = tpu.memref_squeeze %dma_start3A_443 : memref<1x128x64xf32, #tpu.memory_space<vmem>> -> memref<128x64xf32, #tpu.memory_space<vmem>>
        %dma_start3A_445 = arith.constant 0 : i32
        %dma_start3A_446 = tpu.memref_slice %arg8[%select_n3A_118, %dma_start3A_440, %dma_start3A_445] : memref<2x8x128xi32, #tpu.memory_space<vmem>> -> memref<1x1x128xi32, #tpu.memory_space<vmem>>
        %dma_start3A_447 = tpu.memref_squeeze %dma_start3A_446 : memref<1x1x128xi32, #tpu.memory_space<vmem>> -> memref<128xi32, #tpu.memory_space<vmem>>
        %dma_start3A_448 = arith.constant 0 : i32
        %dma_start3A_449 = arith.constant 0 : i32
        %dma_start3A_450 = tpu.memref_slice %arg12[%dma_start3A_448, %dma_start3A_449] : memref<10112x64xf32, #tpu.memory_space<vmem_shared>> -> memref<10112x64xf32, #tpu.memory_space<vmem_shared>>
        tpu.enqueue_indirect_dma source(%dma_start3A_444 : memref<128x64xf32, #tpu.memory_space<vmem>>) target(%dma_start3A_450 : memref<10112x64xf32, #tpu.memory_space<vmem_shared>>) offsets(%dma_start3A_447 : memref<128xi32, #tpu.memory_space<vmem>>) semaphore(%arg14 : memref<!tpu.dma_semaphore, #tpu.memory_space<semaphore_mem>>) {add = true}
        %dma_start3A_451 = arith.constant 3 : i32
        %dma_start3A_452 = arith.constant 7 : i32
        %dma_start3A_453 = arith.constant 0 : i32
        %dma_start3A_454 = arith.constant 0 : i32
        %dma_start3A_455 = tpu.memref_slice %arg10[%dma_start3A_451, %dma_start3A_453, %dma_start3A_454] : memref<4x128x64xf32, #tpu.memory_space<vmem>> -> memref<1x128x64xf32, #tpu.memory_space<vmem>>
        %dma_start3A_456 = tpu.memref_squeeze %dma_start3A_455 : memref<1x128x64xf32, #tpu.memory_space<vmem>> -> memref<128x64xf32, #tpu.memory_space<vmem>>
        %dma_start3A_457 = arith.constant 0 : i32
        %dma_start3A_458 = tpu.memref_slice %arg8[%select_n3A_118, %dma_start3A_452, %dma_start3A_457] : memref<2x8x128xi32, #tpu.memory_space<vmem>> -> memref<1x1x128xi32, #tpu.memory_space<vmem>>
        %dma_start3A_459 = tpu.memref_squeeze %dma_start3A_458 : memref<1x1x128xi32, #tpu.memory_space<vmem>> -> memref<128xi32, #tpu.memory_space<vmem>>
        %dma_start3A_460 = arith.constant 0 : i32
        %dma_start3A_461 = arith.constant 0 : i32
        %dma_start3A_462 = tpu.memref_slice %arg12[%dma_start3A_460, %dma_start3A_461] : memref<10112x64xf32, #tpu.memory_space<vmem_shared>> -> memref<10112x64xf32, #tpu.memory_space<vmem_shared>>
        tpu.enqueue_indirect_dma source(%dma_start3A_456 : memref<128x64xf32, #tpu.memory_space<vmem>>) target(%dma_start3A_462 : memref<10112x64xf32, #tpu.memory_space<vmem_shared>>) offsets(%dma_start3A_459 : memref<128xi32, #tpu.memory_space<vmem>>) semaphore(%arg14 : memref<!tpu.dma_semaphore, #tpu.memory_space<semaphore_mem>>) {add = true}
        %scan3A_463 = arith.constant 0 : i32
        scf.yield %scan3A_463 : i32
      }
      %scan3A_53 = arith.constant 20 : i32
      %dma_wait3A = arith.constant 0 : i32
      %dma_wait3A_54 = arith.constant 1 : i32
      %dma_wait3A_55 = arith.constant 4 : i32
      %dma_wait3A_56 = arith.constant 0 : i32
      %dma_wait3A_57 = arith.constant 0 : i32
      %dma_wait3A_58 = tpu.memref_slice %arg10[%dma_wait3A, %dma_wait3A_56, %dma_wait3A_57] : memref<4x128x64xf32, #tpu.memory_space<vmem>> -> memref<1x128x64xf32, #tpu.memory_space<vmem>>
      %dma_wait3A_59 = tpu.memref_squeeze %dma_wait3A_58 : memref<1x128x64xf32, #tpu.memory_space<vmem>> -> memref<128x64xf32, #tpu.memory_space<vmem>>
      %dma_wait3A_60 = arith.constant 0 : i32
      %dma_wait3A_61 = tpu.memref_slice %arg8[%dma_wait3A_54, %dma_wait3A_55, %dma_wait3A_60] : memref<2x8x128xi32, #tpu.memory_space<vmem>> -> memref<1x1x128xi32, #tpu.memory_space<vmem>>
      %dma_wait3A_62 = tpu.memref_squeeze %dma_wait3A_61 : memref<1x1x128xi32, #tpu.memory_space<vmem>> -> memref<128xi32, #tpu.memory_space<vmem>>
      %dma_wait3A_63 = arith.constant 0 : i32
      %dma_wait3A_64 = arith.constant 0 : i32
      %dma_wait3A_65 = tpu.memref_slice %arg12[%dma_wait3A_63, %dma_wait3A_64] : memref<10112x64xf32, #tpu.memory_space<vmem_shared>> -> memref<10112x64xf32, #tpu.memory_space<vmem_shared>>
      tpu.wait_indirect_dma semaphore(%arg14 : memref<!tpu.dma_semaphore, #tpu.memory_space<semaphore_mem>>) src(%dma_wait3A_59 : memref<128x64xf32, #tpu.memory_space<vmem>>) dst(%dma_wait3A_65 : memref<10112x64xf32, #tpu.memory_space<vmem_shared>>)
      %dma_wait3A_66 = arith.constant 1 : i32
      %dma_wait3A_67 = arith.constant 1 : i32
      %dma_wait3A_68 = arith.constant 5 : i32
      %dma_wait3A_69 = arith.constant 0 : i32
      %dma_wait3A_70 = arith.constant 0 : i32
      %dma_wait3A_71 = tpu.memref_slice %arg10[%dma_wait3A_66, %dma_wait3A_69, %dma_wait3A_70] : memref<4x128x64xf32, #tpu.memory_space<vmem>> -> memref<1x128x64xf32, #tpu.memory_space<vmem>>
      %dma_wait3A_72 = tpu.memref_squeeze %dma_wait3A_71 : memref<1x128x64xf32, #tpu.memory_space<vmem>> -> memref<128x64xf32, #tpu.memory_space<vmem>>
      %dma_wait3A_73 = arith.constant 0 : i32
      %dma_wait3A_74 = tpu.memref_slice %arg8[%dma_wait3A_67, %dma_wait3A_68, %dma_wait3A_73] : memref<2x8x128xi32, #tpu.memory_space<vmem>> -> memref<1x1x128xi32, #tpu.memory_space<vmem>>
      %dma_wait3A_75 = tpu.memref_squeeze %dma_wait3A_74 : memref<1x1x128xi32, #tpu.memory_space<vmem>> -> memref<128xi32, #tpu.memory_space<vmem>>
      %dma_wait3A_76 = arith.constant 0 : i32
      %dma_wait3A_77 = arith.constant 0 : i32
      %dma_wait3A_78 = tpu.memref_slice %arg12[%dma_wait3A_76, %dma_wait3A_77] : memref<10112x64xf32, #tpu.memory_space<vmem_shared>> -> memref<10112x64xf32, #tpu.memory_space<vmem_shared>>
      tpu.wait_indirect_dma semaphore(%arg14 : memref<!tpu.dma_semaphore, #tpu.memory_space<semaphore_mem>>) src(%dma_wait3A_72 : memref<128x64xf32, #tpu.memory_space<vmem>>) dst(%dma_wait3A_78 : memref<10112x64xf32, #tpu.memory_space<vmem_shared>>)
      %dma_wait3A_79 = arith.constant 2 : i32
      %dma_wait3A_80 = arith.constant 1 : i32
      %dma_wait3A_81 = arith.constant 6 : i32
      %dma_wait3A_82 = arith.constant 0 : i32
      %dma_wait3A_83 = arith.constant 0 : i32
      %dma_wait3A_84 = tpu.memref_slice %arg10[%dma_wait3A_79, %dma_wait3A_82, %dma_wait3A_83] : memref<4x128x64xf32, #tpu.memory_space<vmem>> -> memref<1x128x64xf32, #tpu.memory_space<vmem>>
      %dma_wait3A_85 = tpu.memref_squeeze %dma_wait3A_84 : memref<1x128x64xf32, #tpu.memory_space<vmem>> -> memref<128x64xf32, #tpu.memory_space<vmem>>
      %dma_wait3A_86 = arith.constant 0 : i32
      %dma_wait3A_87 = tpu.memref_slice %arg8[%dma_wait3A_80, %dma_wait3A_81, %dma_wait3A_86] : memref<2x8x128xi32, #tpu.memory_space<vmem>> -> memref<1x1x128xi32, #tpu.memory_space<vmem>>
      %dma_wait3A_88 = tpu.memref_squeeze %dma_wait3A_87 : memref<1x1x128xi32, #tpu.memory_space<vmem>> -> memref<128xi32, #tpu.memory_space<vmem>>
      %dma_wait3A_89 = arith.constant 0 : i32
      %dma_wait3A_90 = arith.constant 0 : i32
      %dma_wait3A_91 = tpu.memref_slice %arg12[%dma_wait3A_89, %dma_wait3A_90] : memref<10112x64xf32, #tpu.memory_space<vmem_shared>> -> memref<10112x64xf32, #tpu.memory_space<vmem_shared>>
      tpu.wait_indirect_dma semaphore(%arg14 : memref<!tpu.dma_semaphore, #tpu.memory_space<semaphore_mem>>) src(%dma_wait3A_85 : memref<128x64xf32, #tpu.memory_space<vmem>>) dst(%dma_wait3A_91 : memref<10112x64xf32, #tpu.memory_space<vmem_shared>>)
      %dma_wait3A_92 = arith.constant 3 : i32
      %dma_wait3A_93 = arith.constant 1 : i32
      %dma_wait3A_94 = arith.constant 7 : i32
      %dma_wait3A_95 = arith.constant 0 : i32
      %dma_wait3A_96 = arith.constant 0 : i32
      %dma_wait3A_97 = tpu.memref_slice %arg10[%dma_wait3A_92, %dma_wait3A_95, %dma_wait3A_96] : memref<4x128x64xf32, #tpu.memory_space<vmem>> -> memref<1x128x64xf32, #tpu.memory_space<vmem>>
      %dma_wait3A_98 = tpu.memref_squeeze %dma_wait3A_97 : memref<1x128x64xf32, #tpu.memory_space<vmem>> -> memref<128x64xf32, #tpu.memory_space<vmem>>
      %dma_wait3A_99 = arith.constant 0 : i32
      %dma_wait3A_100 = tpu.memref_slice %arg8[%dma_wait3A_93, %dma_wait3A_94, %dma_wait3A_99] : memref<2x8x128xi32, #tpu.memory_space<vmem>> -> memref<1x1x128xi32, #tpu.memory_space<vmem>>
      %dma_wait3A_101 = tpu.memref_squeeze %dma_wait3A_100 : memref<1x1x128xi32, #tpu.memory_space<vmem>> -> memref<128xi32, #tpu.memory_space<vmem>>
      %dma_wait3A_102 = arith.constant 0 : i32
      %dma_wait3A_103 = arith.constant 0 : i32
      %dma_wait3A_104 = tpu.memref_slice %arg12[%dma_wait3A_102, %dma_wait3A_103] : memref<10112x64xf32, #tpu.memory_space<vmem_shared>> -> memref<10112x64xf32, #tpu.memory_space<vmem_shared>>
      tpu.wait_indirect_dma semaphore(%arg14 : memref<!tpu.dma_semaphore, #tpu.memory_space<semaphore_mem>>) src(%dma_wait3A_98 : memref<128x64xf32, #tpu.memory_space<vmem>>) dst(%dma_wait3A_104 : memref<10112x64xf32, #tpu.memory_space<vmem_shared>>)
    } else {
    }
    %barrier3A_22 = arith.constant 0 : index
    tpu.barrier barrier_id(%barrier3A_22)
    %eq3A_23 = arith.constant 15 : i32
    %eq3A_24 = arith.cmpi eq, %arg1, %eq3A_23 : i32
    %select_n3A = arith.constant 6 : i32
    %select_n3A_25 = arith.constant 5 : i32
    %select_n3A_26 = arith.select %eq3A_24, %select_n3A_25, %select_n3A : i32
    %while3A = arith.constant 0 : i32
    %while3A_27 = arith.constant 0 : i32
    %while3A_28 = arith.subi %select_n3A_26, %while3A : i32
    %while3A_29 = arith.addi %while3A, %while3A_28 : i32
    %while3A_30 = arith.constant 1 : i32
    %while3A_31 = arith.divsi %while3A_28, %while3A_30 : i32
    %while3A_32 = arith.muli %while3A_31, %while3A_30 : i32
    %while3A_33 = arith.addi %while3A, %while3A_32 : i32
    %while3A_34 = arith.constant 1 : i32
    %while3A_35 = scf.for %while3A_42 = %while3A to %while3A_33 step %while3A_34 iter_args(%while3A_43 = %while3A_27) -> (i32)  : i32 {
      %mul3A_44 = arith.constant 632 : i32
      %mul3A_45 = arith.muli %arg1, %mul3A_44 : i32
      %mul3A_46 = arith.constant 104 : i32
      %mul3A_47 = arith.muli %while3A_42, %mul3A_46 : i32
      %add3A_48 = arith.addi %mul3A_45, %mul3A_47 : i32
      "tpu.region"() ({
        %run_scoped3A = tpu.sem_alloc : memref<!tpu.dma_semaphore, #tpu.memory_space<semaphore_mem>>
        %dma_start3A = arith.constant 0 : i32
        %dma_start3A_50 = arith.constant 0 : i32
        %dma_start3A_51 = tpu.memref_slice %arg11[%dma_start3A, %dma_start3A_50] : memref<128x64xf32, #tpu.memory_space<vmem>> -> memref<104x64xf32, #tpu.memory_space<vmem>>
        %dma_start3A_52 = arith.constant 0 : i32
        %dma_start3A_53 = tpu.memref_slice %arg12[%add3A_48, %dma_start3A_52] : memref<10112x64xf32, #tpu.memory_space<vmem_shared>> -> memref<104x64xf32, #tpu.memory_space<vmem_shared>>
        %dma_start3A_54 = arith.constant 0 : i32
        %dma_start3A_55 = arith.constant 0 : i32
        %dma_start3A_56 = tpu.memref_slice %arg11[%dma_start3A_54, %dma_start3A_55] : memref<128x64xf32, #tpu.memory_space<vmem>> -> memref<104x64xf32, #tpu.memory_space<vmem>>
        %dma_start3A_57 = arith.constant 0 : i32
        %dma_start3A_58 = tpu.memref_slice %arg12[%add3A_48, %dma_start3A_57] : memref<10112x64xf32, #tpu.memory_space<vmem_shared>> -> memref<104x64xf32, #tpu.memory_space<vmem_shared>>
        tpu.enqueue_dma source(%dma_start3A_58 : memref<104x64xf32, #tpu.memory_space<vmem_shared>>) target(%dma_start3A_56 : memref<104x64xf32, #tpu.memory_space<vmem>>) target_semaphore(%run_scoped3A : memref<!tpu.dma_semaphore, #tpu.memory_space<semaphore_mem>>)
        %dma_wait3A = arith.constant 0 : i32
        %dma_wait3A_59 = arith.constant 0 : i32
        %dma_wait3A_60 = tpu.memref_slice %arg11[%dma_wait3A, %dma_wait3A_59] : memref<128x64xf32, #tpu.memory_space<vmem>> -> memref<104x64xf32, #tpu.memory_space<vmem>>
        %dma_wait3A_61 = arith.constant 0 : i32
        %dma_wait3A_62 = tpu.memref_slice %arg12[%add3A_48, %dma_wait3A_61] : memref<10112x64xf32, #tpu.memory_space<vmem_shared>> -> memref<104x64xf32, #tpu.memory_space<vmem_shared>>
        %dma_wait3A_63 = arith.constant 0 : i32
        %dma_wait3A_64 = arith.constant 0 : i32
        %dma_wait3A_65 = tpu.memref_slice %arg11[%dma_wait3A_63, %dma_wait3A_64] : memref<128x64xf32, #tpu.memory_space<vmem>> -> memref<104x64xf32, #tpu.memory_space<vmem>>
        %dma_wait3A_66 = arith.constant 0 : i32
        %dma_wait3A_67 = tpu.memref_slice %arg12[%add3A_48, %dma_wait3A_66] : memref<10112x64xf32, #tpu.memory_space<vmem_shared>> -> memref<104x64xf32, #tpu.memory_space<vmem_shared>>
        tpu.wait_dma2 semaphore(%run_scoped3A : memref<!tpu.dma_semaphore, #tpu.memory_space<semaphore_mem>>) src(%dma_wait3A_67 : memref<104x64xf32, #tpu.memory_space<vmem_shared>>) dst(%dma_wait3A_65 : memref<104x64xf32, #tpu.memory_space<vmem>>)
        tpu.yield
      }) : () -> ()
      "tpu.region"() ({
        %run_scoped3A = tpu.sem_alloc : memref<!tpu.dma_semaphore, #tpu.memory_space<semaphore_mem>>
        %dma_start3A = arith.constant 0 : i32
        %dma_start3A_50 = arith.constant 0 : i32
        %dma_start3A_51 = tpu.memref_slice %arg11[%dma_start3A, %dma_start3A_50] : memref<128x64xf32, #tpu.memory_space<vmem>> -> memref<104x64xf32, #tpu.memory_space<vmem>>
        %dma_start3A_52 = arith.constant 0 : i32
        %dma_start3A_53 = tpu.memref_slice %arg6[%arg0, %add3A_48, %dma_start3A_52] : memref<2x10000x64xf32, #tpu.memory_space<hbm>> -> memref<1x104x64xf32, #tpu.memory_space<hbm>>
        %dma_start3A_54 = tpu.memref_squeeze %dma_start3A_53 : memref<1x104x64xf32, #tpu.memory_space<hbm>> -> memref<104x64xf32, #tpu.memory_space<hbm>>
        %dma_start3A_55 = arith.constant 0 : i32
        %dma_start3A_56 = tpu.memref_slice %arg6[%arg0, %add3A_48, %dma_start3A_55] : memref<2x10000x64xf32, #tpu.memory_space<hbm>> -> memref<1x104x64xf32, #tpu.memory_space<hbm>>
        %dma_start3A_57 = tpu.memref_squeeze %dma_start3A_56 : memref<1x104x64xf32, #tpu.memory_space<hbm>> -> memref<104x64xf32, #tpu.memory_space<hbm>>
        %dma_start3A_58 = arith.constant 0 : i32
        %dma_start3A_59 = arith.constant 0 : i32
        %dma_start3A_60 = tpu.memref_slice %arg11[%dma_start3A_58, %dma_start3A_59] : memref<128x64xf32, #tpu.memory_space<vmem>> -> memref<104x64xf32, #tpu.memory_space<vmem>>
        tpu.enqueue_dma source(%dma_start3A_60 : memref<104x64xf32, #tpu.memory_space<vmem>>) target(%dma_start3A_57 : memref<104x64xf32, #tpu.memory_space<hbm>>) target_semaphore(%run_scoped3A : memref<!tpu.dma_semaphore, #tpu.memory_space<semaphore_mem>>)
        %dma_wait3A = arith.constant 0 : i32
        %dma_wait3A_61 = arith.constant 0 : i32
        %dma_wait3A_62 = tpu.memref_slice %arg11[%dma_wait3A, %dma_wait3A_61] : memref<128x64xf32, #tpu.memory_space<vmem>> -> memref<104x64xf32, #tpu.memory_space<vmem>>
        %dma_wait3A_63 = arith.constant 0 : i32
        %dma_wait3A_64 = tpu.memref_slice %arg6[%arg0, %add3A_48, %dma_wait3A_63] : memref<2x10000x64xf32, #tpu.memory_space<hbm>> -> memref<1x104x64xf32, #tpu.memory_space<hbm>>
        %dma_wait3A_65 = tpu.memref_squeeze %dma_wait3A_64 : memref<1x104x64xf32, #tpu.memory_space<hbm>> -> memref<104x64xf32, #tpu.memory_space<hbm>>
        %dma_wait3A_66 = arith.constant 0 : i32
        %dma_wait3A_67 = tpu.memref_slice %arg6[%arg0, %add3A_48, %dma_wait3A_66] : memref<2x10000x64xf32, #tpu.memory_space<hbm>> -> memref<1x104x64xf32, #tpu.memory_space<hbm>>
        %dma_wait3A_68 = tpu.memref_squeeze %dma_wait3A_67 : memref<1x104x64xf32, #tpu.memory_space<hbm>> -> memref<104x64xf32, #tpu.memory_space<hbm>>
        %dma_wait3A_69 = arith.constant 0 : i32
        %dma_wait3A_70 = arith.constant 0 : i32
        %dma_wait3A_71 = tpu.memref_slice %arg11[%dma_wait3A_69, %dma_wait3A_70] : memref<128x64xf32, #tpu.memory_space<vmem>> -> memref<104x64xf32, #tpu.memory_space<vmem>>
        tpu.wait_dma2 semaphore(%run_scoped3A : memref<!tpu.dma_semaphore, #tpu.memory_space<semaphore_mem>>) src(%dma_wait3A_71 : memref<104x64xf32, #tpu.memory_space<vmem>>) dst(%dma_wait3A_68 : memref<104x64xf32, #tpu.memory_space<hbm>>)
        tpu.yield
      }) : () -> ()
      %while3A_49 = arith.constant 0 : i32
      scf.yield %while3A_49 : i32
    }
    %while3A_36 = arith.constant 1 : i32
    %while3A_37 = scf.for %while3A_42 = %while3A_33 to %while3A_29 step %while3A_36 iter_args(%while3A_43 = %while3A_35) -> (i32)  : i32 {
      %mul3A_44 = arith.constant 632 : i32
      %mul3A_45 = arith.muli %arg1, %mul3A_44 : i32
      %mul3A_46 = arith.constant 104 : i32
      %mul3A_47 = arith.muli %while3A_42, %mul3A_46 : i32
      %add3A_48 = arith.addi %mul3A_45, %mul3A_47 : i32
      "tpu.region"() ({
        %run_scoped3A = tpu.sem_alloc : memref<!tpu.dma_semaphore, #tpu.memory_space<semaphore_mem>>
        %dma_start3A = arith.constant 0 : i32
        %dma_start3A_50 = arith.constant 0 : i32
        %dma_start3A_51 = tpu.memref_slice %arg11[%dma_start3A, %dma_start3A_50] : memref<128x64xf32, #tpu.memory_space<vmem>> -> memref<104x64xf32, #tpu.memory_space<vmem>>
        %dma_start3A_52 = arith.constant 0 : i32
        %dma_start3A_53 = tpu.memref_slice %arg12[%add3A_48, %dma_start3A_52] : memref<10112x64xf32, #tpu.memory_space<vmem_shared>> -> memref<104x64xf32, #tpu.memory_space<vmem_shared>>
        %dma_start3A_54 = arith.constant 0 : i32
        %dma_start3A_55 = arith.constant 0 : i32
        %dma_start3A_56 = tpu.memref_slice %arg11[%dma_start3A_54, %dma_start3A_55] : memref<128x64xf32, #tpu.memory_space<vmem>> -> memref<104x64xf32, #tpu.memory_space<vmem>>
        %dma_start3A_57 = arith.constant 0 : i32
        %dma_start3A_58 = tpu.memref_slice %arg12[%add3A_48, %dma_start3A_57] : memref<10112x64xf32, #tpu.memory_space<vmem_shared>> -> memref<104x64xf32, #tpu.memory_space<vmem_shared>>
        tpu.enqueue_dma source(%dma_start3A_58 : memref<104x64xf32, #tpu.memory_space<vmem_shared>>) target(%dma_start3A_56 : memref<104x64xf32, #tpu.memory_space<vmem>>) target_semaphore(%run_scoped3A : memref<!tpu.dma_semaphore, #tpu.memory_space<semaphore_mem>>)
        %dma_wait3A = arith.constant 0 : i32
        %dma_wait3A_59 = arith.constant 0 : i32
        %dma_wait3A_60 = tpu.memref_slice %arg11[%dma_wait3A, %dma_wait3A_59] : memref<128x64xf32, #tpu.memory_space<vmem>> -> memref<104x64xf32, #tpu.memory_space<vmem>>
        %dma_wait3A_61 = arith.constant 0 : i32
        %dma_wait3A_62 = tpu.memref_slice %arg12[%add3A_48, %dma_wait3A_61] : memref<10112x64xf32, #tpu.memory_space<vmem_shared>> -> memref<104x64xf32, #tpu.memory_space<vmem_shared>>
        %dma_wait3A_63 = arith.constant 0 : i32
        %dma_wait3A_64 = arith.constant 0 : i32
        %dma_wait3A_65 = tpu.memref_slice %arg11[%dma_wait3A_63, %dma_wait3A_64] : memref<128x64xf32, #tpu.memory_space<vmem>> -> memref<104x64xf32, #tpu.memory_space<vmem>>
        %dma_wait3A_66 = arith.constant 0 : i32
        %dma_wait3A_67 = tpu.memref_slice %arg12[%add3A_48, %dma_wait3A_66] : memref<10112x64xf32, #tpu.memory_space<vmem_shared>> -> memref<104x64xf32, #tpu.memory_space<vmem_shared>>
        tpu.wait_dma2 semaphore(%run_scoped3A : memref<!tpu.dma_semaphore, #tpu.memory_space<semaphore_mem>>) src(%dma_wait3A_67 : memref<104x64xf32, #tpu.memory_space<vmem_shared>>) dst(%dma_wait3A_65 : memref<104x64xf32, #tpu.memory_space<vmem>>)
        tpu.yield
      }) : () -> ()
      "tpu.region"() ({
        %run_scoped3A = tpu.sem_alloc : memref<!tpu.dma_semaphore, #tpu.memory_space<semaphore_mem>>
        %dma_start3A = arith.constant 0 : i32
        %dma_start3A_50 = arith.constant 0 : i32
        %dma_start3A_51 = tpu.memref_slice %arg11[%dma_start3A, %dma_start3A_50] : memref<128x64xf32, #tpu.memory_space<vmem>> -> memref<104x64xf32, #tpu.memory_space<vmem>>
        %dma_start3A_52 = arith.constant 0 : i32
        %dma_start3A_53 = tpu.memref_slice %arg6[%arg0, %add3A_48, %dma_start3A_52] : memref<2x10000x64xf32, #tpu.memory_space<hbm>> -> memref<1x104x64xf32, #tpu.memory_space<hbm>>
        %dma_start3A_54 = tpu.memref_squeeze %dma_start3A_53 : memref<1x104x64xf32, #tpu.memory_space<hbm>> -> memref<104x64xf32, #tpu.memory_space<hbm>>
        %dma_start3A_55 = arith.constant 0 : i32
        %dma_start3A_56 = tpu.memref_slice %arg6[%arg0, %add3A_48, %dma_start3A_55] : memref<2x10000x64xf32, #tpu.memory_space<hbm>> -> memref<1x104x64xf32, #tpu.memory_space<hbm>>
        %dma_start3A_57 = tpu.memref_squeeze %dma_start3A_56 : memref<1x104x64xf32, #tpu.memory_space<hbm>> -> memref<104x64xf32, #tpu.memory_space<hbm>>
        %dma_start3A_58 = arith.constant 0 : i32
        %dma_start3A_59 = arith.constant 0 : i32
        %dma_start3A_60 = tpu.memref_slice %arg11[%dma_start3A_58, %dma_start3A_59] : memref<128x64xf32, #tpu.memory_space<vmem>> -> memref<104x64xf32, #tpu.memory_space<vmem>>
        tpu.enqueue_dma source(%dma_start3A_60 : memref<104x64xf32, #tpu.memory_space<vmem>>) target(%dma_start3A_57 : memref<104x64xf32, #tpu.memory_space<hbm>>) target_semaphore(%run_scoped3A : memref<!tpu.dma_semaphore, #tpu.memory_space<semaphore_mem>>)
        %dma_wait3A = arith.constant 0 : i32
        %dma_wait3A_61 = arith.constant 0 : i32
        %dma_wait3A_62 = tpu.memref_slice %arg11[%dma_wait3A, %dma_wait3A_61] : memref<128x64xf32, #tpu.memory_space<vmem>> -> memref<104x64xf32, #tpu.memory_space<vmem>>
        %dma_wait3A_63 = arith.constant 0 : i32
        %dma_wait3A_64 = tpu.memref_slice %arg6[%arg0, %add3A_48, %dma_wait3A_63] : memref<2x10000x64xf32, #tpu.memory_space<hbm>> -> memref<1x104x64xf32, #tpu.memory_space<hbm>>
        %dma_wait3A_65 = tpu.memref_squeeze %dma_wait3A_64 : memref<1x104x64xf32, #tpu.memory_space<hbm>> -> memref<104x64xf32, #tpu.memory_space<hbm>>
        %dma_wait3A_66 = arith.constant 0 : i32
        %dma_wait3A_67 = tpu.memref_slice %arg6[%arg0, %add3A_48, %dma_wait3A_66] : memref<2x10000x64xf32, #tpu.memory_space<hbm>> -> memref<1x104x64xf32, #tpu.memory_space<hbm>>
        %dma_wait3A_68 = tpu.memref_squeeze %dma_wait3A_67 : memref<1x104x64xf32, #tpu.memory_space<hbm>> -> memref<104x64xf32, #tpu.memory_space<hbm>>
        %dma_wait3A_69 = arith.constant 0 : i32
        %dma_wait3A_70 = arith.constant 0 : i32
        %dma_wait3A_71 = tpu.memref_slice %arg11[%dma_wait3A_69, %dma_wait3A_70] : memref<128x64xf32, #tpu.memory_space<vmem>> -> memref<104x64xf32, #tpu.memory_space<vmem>>
        tpu.wait_dma2 semaphore(%run_scoped3A : memref<!tpu.dma_semaphore, #tpu.memory_space<semaphore_mem>>) src(%dma_wait3A_71 : memref<104x64xf32, #tpu.memory_space<vmem>>) dst(%dma_wait3A_68 : memref<104x64xf32, #tpu.memory_space<hbm>>)
        tpu.yield
      }) : () -> ()
      %while3A_49 = arith.constant 0 : i32
      scf.yield %while3A_49 : i32
    }
    %lt3A = arith.constant 15 : i32
    %lt3A_38 = arith.cmpi slt, %arg1, %lt3A : i32
    %convert_element_type3A_39 = arith.extui %lt3A_38 : i1 to i32
    %cond3A_40 = arith.constant 0 : i32
    %cond3A_41 = arith.cmpi ne, %convert_element_type3A_39, %cond3A_40 : i32
    scf.if %cond3A_41 {
      %mul3A_42 = arith.constant 632 : i32
      %mul3A_43 = arith.muli %arg1, %mul3A_42 : i32
      %add3A_44 = arith.constant 624 : i32
      %add3A_45 = arith.addi %mul3A_43, %add3A_44 : i32
      "tpu.region"() ({
        %run_scoped3A = tpu.sem_alloc : memref<!tpu.dma_semaphore, #tpu.memory_space<semaphore_mem>>
        %dma_start3A = arith.constant 0 : i32
        %dma_start3A_46 = arith.constant 0 : i32
        %dma_start3A_47 = tpu.memref_slice %arg11[%dma_start3A, %dma_start3A_46] : memref<128x64xf32, #tpu.memory_space<vmem>> -> memref<8x64xf32, #tpu.memory_space<vmem>>
        %dma_start3A_48 = arith.constant 0 : i32
        %dma_start3A_49 = tpu.memref_slice %arg12[%add3A_45, %dma_start3A_48] : memref<10112x64xf32, #tpu.memory_space<vmem_shared>> -> memref<8x64xf32, #tpu.memory_space<vmem_shared>>
        %dma_start3A_50 = arith.constant 0 : i32
        %dma_start3A_51 = arith.constant 0 : i32
        %dma_start3A_52 = tpu.memref_slice %arg11[%dma_start3A_50, %dma_start3A_51] : memref<128x64xf32, #tpu.memory_space<vmem>> -> memref<8x64xf32, #tpu.memory_space<vmem>>
        %dma_start3A_53 = arith.constant 0 : i32
        %dma_start3A_54 = tpu.memref_slice %arg12[%add3A_45, %dma_start3A_53] : memref<10112x64xf32, #tpu.memory_space<vmem_shared>> -> memref<8x64xf32, #tpu.memory_space<vmem_shared>>
        tpu.enqueue_dma source(%dma_start3A_54 : memref<8x64xf32, #tpu.memory_space<vmem_shared>>) target(%dma_start3A_52 : memref<8x64xf32, #tpu.memory_space<vmem>>) target_semaphore(%run_scoped3A : memref<!tpu.dma_semaphore, #tpu.memory_space<semaphore_mem>>)
        %dma_wait3A = arith.constant 0 : i32
        %dma_wait3A_55 = arith.constant 0 : i32
        %dma_wait3A_56 = tpu.memref_slice %arg11[%dma_wait3A, %dma_wait3A_55] : memref<128x64xf32, #tpu.memory_space<vmem>> -> memref<8x64xf32, #tpu.memory_space<vmem>>
        %dma_wait3A_57 = arith.constant 0 : i32
        %dma_wait3A_58 = tpu.memref_slice %arg12[%add3A_45, %dma_wait3A_57] : memref<10112x64xf32, #tpu.memory_space<vmem_shared>> -> memref<8x64xf32, #tpu.memory_space<vmem_shared>>
        %dma_wait3A_59 = arith.constant 0 : i32
        %dma_wait3A_60 = arith.constant 0 : i32
        %dma_wait3A_61 = tpu.memref_slice %arg11[%dma_wait3A_59, %dma_wait3A_60] : memref<128x64xf32, #tpu.memory_space<vmem>> -> memref<8x64xf32, #tpu.memory_space<vmem>>
        %dma_wait3A_62 = arith.constant 0 : i32
        %dma_wait3A_63 = tpu.memref_slice %arg12[%add3A_45, %dma_wait3A_62] : memref<10112x64xf32, #tpu.memory_space<vmem_shared>> -> memref<8x64xf32, #tpu.memory_space<vmem_shared>>
        tpu.wait_dma2 semaphore(%run_scoped3A : memref<!tpu.dma_semaphore, #tpu.memory_space<semaphore_mem>>) src(%dma_wait3A_63 : memref<8x64xf32, #tpu.memory_space<vmem_shared>>) dst(%dma_wait3A_61 : memref<8x64xf32, #tpu.memory_space<vmem>>)
        tpu.yield
      }) : () -> ()
      "tpu.region"() ({
        %run_scoped3A = tpu.sem_alloc : memref<!tpu.dma_semaphore, #tpu.memory_space<semaphore_mem>>
        %dma_start3A = arith.constant 0 : i32
        %dma_start3A_46 = arith.constant 0 : i32
        %dma_start3A_47 = tpu.memref_slice %arg11[%dma_start3A, %dma_start3A_46] : memref<128x64xf32, #tpu.memory_space<vmem>> -> memref<8x64xf32, #tpu.memory_space<vmem>>
        %dma_start3A_48 = arith.constant 0 : i32
        %dma_start3A_49 = tpu.memref_slice %arg6[%arg0, %add3A_45, %dma_start3A_48] : memref<2x10000x64xf32, #tpu.memory_space<hbm>> -> memref<1x8x64xf32, #tpu.memory_space<hbm>>
        %dma_start3A_50 = tpu.memref_squeeze %dma_start3A_49 : memref<1x8x64xf32, #tpu.memory_space<hbm>> -> memref<8x64xf32, #tpu.memory_space<hbm>>
        %dma_start3A_51 = arith.constant 0 : i32
        %dma_start3A_52 = tpu.memref_slice %arg6[%arg0, %add3A_45, %dma_start3A_51] : memref<2x10000x64xf32, #tpu.memory_space<hbm>> -> memref<1x8x64xf32, #tpu.memory_space<hbm>>
        %dma_start3A_53 = tpu.memref_squeeze %dma_start3A_52 : memref<1x8x64xf32, #tpu.memory_space<hbm>> -> memref<8x64xf32, #tpu.memory_space<hbm>>
        %dma_start3A_54 = arith.constant 0 : i32
        %dma_start3A_55 = arith.constant 0 : i32
        %dma_start3A_56 = tpu.memref_slice %arg11[%dma_start3A_54, %dma_start3A_55] : memref<128x64xf32, #tpu.memory_space<vmem>> -> memref<8x64xf32, #tpu.memory_space<vmem>>
        tpu.enqueue_dma source(%dma_start3A_56 : memref<8x64xf32, #tpu.memory_space<vmem>>) target(%dma_start3A_53 : memref<8x64xf32, #tpu.memory_space<hbm>>) target_semaphore(%run_scoped3A : memref<!tpu.dma_semaphore, #tpu.memory_space<semaphore_mem>>)
        %dma_wait3A = arith.constant 0 : i32
        %dma_wait3A_57 = arith.constant 0 : i32
        %dma_wait3A_58 = tpu.memref_slice %arg11[%dma_wait3A, %dma_wait3A_57] : memref<128x64xf32, #tpu.memory_space<vmem>> -> memref<8x64xf32, #tpu.memory_space<vmem>>
        %dma_wait3A_59 = arith.constant 0 : i32
        %dma_wait3A_60 = tpu.memref_slice %arg6[%arg0, %add3A_45, %dma_wait3A_59] : memref<2x10000x64xf32, #tpu.memory_space<hbm>> -> memref<1x8x64xf32, #tpu.memory_space<hbm>>
        %dma_wait3A_61 = tpu.memref_squeeze %dma_wait3A_60 : memref<1x8x64xf32, #tpu.memory_space<hbm>> -> memref<8x64xf32, #tpu.memory_space<hbm>>
        %dma_wait3A_62 = arith.constant 0 : i32
        %dma_wait3A_63 = tpu.memref_slice %arg6[%arg0, %add3A_45, %dma_wait3A_62] : memref<2x10000x64xf32, #tpu.memory_space<hbm>> -> memref<1x8x64xf32, #tpu.memory_space<hbm>>
        %dma_wait3A_64 = tpu.memref_squeeze %dma_wait3A_63 : memref<1x8x64xf32, #tpu.memory_space<hbm>> -> memref<8x64xf32, #tpu.memory_space<hbm>>
        %dma_wait3A_65 = arith.constant 0 : i32
        %dma_wait3A_66 = arith.constant 0 : i32
        %dma_wait3A_67 = tpu.memref_slice %arg11[%dma_wait3A_65, %dma_wait3A_66] : memref<128x64xf32, #tpu.memory_space<vmem>> -> memref<8x64xf32, #tpu.memory_space<vmem>>
        tpu.wait_dma2 semaphore(%run_scoped3A : memref<!tpu.dma_semaphore, #tpu.memory_space<semaphore_mem>>) src(%dma_wait3A_67 : memref<8x64xf32, #tpu.memory_space<vmem>>) dst(%dma_wait3A_64 : memref<8x64xf32, #tpu.memory_space<hbm>>)
        tpu.yield
      }) : () -> ()
    } else {
    }
    return
  }
}

module attributes {stable_mosaic.version = 14 : i64} {
  func.func @body(%arg0: i32, %arg1: memref<1000x128xf32, #tpu.memory_space<vmem>>, %arg2: memref<128x128xf32, #tpu.memory_space<vmem>>, %arg3: memref<2x1000x8xf32, #tpu.memory_space<vmem>>, %arg4: memref<1000x8xf32, #tpu.memory_space<vmem>>, %arg5: memref<1000x64xf32, #tpu.memory_space<vmem>>, %arg6: memref<1000x64xf32, #tpu.memory_space<vmem>>) attributes {dimension_semantics = [#tpu.dimension_semantics<arbitrary>], iteration_bounds = array<i64: 10>, scalar_prefetch = 0 : i64, scratch_operands = 0 : i64, tpu.core_type = #tpu.core_type<tc>, window_params = [{transform_indices = @transform_0, window_bounds = array<i64: 1000, 128>}, {pipeline_mode = #tpu.pipeline_mode<synchronous>, transform_indices = @transform_1, window_bounds = array<i64: 128, 128>}, {transform_indices = @transform_2, window_bounds = array<i64: 2, 1000, 8>}, {transform_indices = @transform_3, window_bounds = array<i64: 1000, 8>}, {transform_indices = @transform_4, window_bounds = array<i64: 1000, 64>}, {transform_indices = @transform_5, window_bounds = array<i64: 1000, 64>}]} {
    %get3A = arith.constant 0 : index
    %get3A_0 = arith.constant 0 : index
    %get3A_1 = arith.constant 0 : index
    %get3A_2 = vector.load %arg3[%get3A, %get3A_0, %get3A_1] : memref<2x1000x8xf32, #tpu.memory_space<vmem>>, vector<1x1000x8xf32>
    %get3A_3 = vector.shape_cast %get3A_2 : vector<1x1000x8xf32> to vector<1000x8xf32>
    %get3A_4 = arith.constant 1 : index
    %get3A_5 = arith.constant 0 : index
    %get3A_6 = arith.constant 0 : index
    %get3A_7 = vector.load %arg3[%get3A_4, %get3A_5, %get3A_6] : memref<2x1000x8xf32, #tpu.memory_space<vmem>>, vector<1x1000x8xf32>
    %get3A_8 = vector.shape_cast %get3A_7 : vector<1x1000x8xf32> to vector<1000x8xf32>
    %add3A = arith.addf %get3A_3, %get3A_8 : vector<1000x8xf32>
    %add3A_9 = arith.constant 1.000000e+00 : f32
    %add3A_10 = vector.broadcast %add3A_9 : f32 to vector<1000x8xf32>
    %add3A_11 = arith.addf %add3A, %add3A_10 : vector<1000x8xf32>
    %rsqrt3A = math.rsqrt %add3A_11 : vector<1000x8xf32>
    %swap3A = arith.constant 0 : index
    %swap3A_12 = arith.constant 0 : index
    %swap3A_13 = vector.load %arg4[%swap3A, %swap3A_12] : memref<1000x8xf32, #tpu.memory_space<vmem>>, vector<1000x8xf32>
    tpu.vector_store %arg4[%swap3A, %swap3A_12], %rsqrt3A {strides = array<i32>} : memref<1000x8xf32, #tpu.memory_space<vmem>>, vector<1000x8xf32>,
    %get3A_14 = arith.constant 0 : index
    %get3A_15 = arith.constant 0 : index
    %get3A_16 = vector.load %arg1[%get3A_14, %get3A_15] : memref<1000x128xf32, #tpu.memory_space<vmem>>, vector<1000x128xf32>
    %get3A_17 = arith.constant 0 : index
    %get3A_18 = arith.constant 0 : index
    %get3A_19 = vector.load %arg2[%get3A_17, %get3A_18] : memref<128x128xf32, #tpu.memory_space<vmem>>, vector<128x128xf32>
    %dot_general3A = arith.constant dense<0.000000e+00> : vector<1000x128xf32>
    %dot_general3A_20 = tpu.matmul %get3A_16, %get3A_19, %dot_general3A {dimension_numbers = #tpu.dot_dimension_numbers<[1], [0], [0], [1], [0, 0, 1, 1], [], []>, transpose_lhs_hint = false} : vector<1000x128xf32>, vector<128x128xf32>, vector<1000x128xf32> -> vector<1000x128xf32>
    %slice3A = vector.extract_strided_slice %rsqrt3A {offsets = [0, 0], sizes = [1000, 1], strides = [1, 1]} : vector<1000x8xf32> to vector<1000x1xf32>
    %mul3A = vector.broadcast %slice3A : vector<1000x1xf32> to vector<1000x128xf32>
    %mul3A_21 = arith.mulf %dot_general3A_20, %mul3A : vector<1000x128xf32>
    %slice3A_22 = vector.extract_strided_slice %mul3A_21 {offsets = [0, 0], sizes = [1000, 64], strides = [1, 1]} : vector<1000x128xf32> to vector<1000x64xf32>
    %swap3A_23 = arith.constant 0 : index
    %swap3A_24 = arith.constant 0 : index
    %swap3A_25 = vector.load %arg5[%swap3A_23, %swap3A_24] : memref<1000x64xf32, #tpu.memory_space<vmem>>, vector<1000x64xf32>
    tpu.vector_store %arg5[%swap3A_23, %swap3A_24], %slice3A_22 {strides = array<i32>} : memref<1000x64xf32, #tpu.memory_space<vmem>>, vector<1000x64xf32>,
    %slice3A_26 = vector.extract_strided_slice %mul3A_21 {offsets = [0, 64], sizes = [1000, 64], strides = [1, 1]} : vector<1000x128xf32> to vector<1000x64xf32>
    %swap3A_27 = arith.constant 0 : index
    %swap3A_28 = arith.constant 0 : index
    %swap3A_29 = vector.load %arg6[%swap3A_27, %swap3A_28] : memref<1000x64xf32, #tpu.memory_space<vmem>>, vector<1000x64xf32>
    tpu.vector_store %arg6[%swap3A_27, %swap3A_28], %slice3A_26 {strides = array<i32>} : memref<1000x64xf32, #tpu.memory_space<vmem>>, vector<1000x64xf32>,
    return
  }
  func.func @transform_0(%arg0: i32) -> (i32, i32) {
    %c0_i32 = arith.constant 0 : i32
    %c0_i32_0 = arith.constant 0 : i32
    return %arg0, %c0_i32 : i32, i32
  }
  func.func @transform_1(%arg0: i32) -> (i32, i32) {
    %c0_i32 = arith.constant 0 : i32
    %c0_i32_0 = arith.constant 0 : i32
    %c0_i32_1 = arith.constant 0 : i32
    return %c0_i32, %c0_i32_0 : i32, i32
  }
  func.func @transform_2(%arg0: i32) -> (i32, i32, i32) {
    %c0_i32 = arith.constant 0 : i32
    %c0_i32_0 = arith.constant 0 : i32
    %c0_i32_1 = arith.constant 0 : i32
    return %c0_i32, %arg0, %c0_i32_0 : i32, i32, i32
  }
  func.func @transform_3(%arg0: i32) -> (i32, i32) {
    %c0_i32 = arith.constant 0 : i32
    %c0_i32_0 = arith.constant 0 : i32
    return %arg0, %c0_i32 : i32, i32
  }
  func.func @transform_4(%arg0: i32) -> (i32, i32) {
    %c0_i32 = arith.constant 0 : i32
    %c0_i32_0 = arith.constant 0 : i32
    return %arg0, %c0_i32 : i32, i32
  }
  func.func @transform_5(%arg0: i32) -> (i32, i32) {
    %c0_i32 = arith.constant 0 : i32
    %c0_i32_0 = arith.constant 0 : i32
    return %arg0, %c0_i32 : i32, i32
  }
}

module attributes {stable_mosaic.version = 14 : i64} {
  func.func @body(%arg0: i32, %arg1: memref<2x1000x64xf32, #tpu.memory_space<vmem>>, %arg2: memref<1000x64xf32, #tpu.memory_space<vmem>>, %arg3: memref<1000x64xf32, #tpu.memory_space<vmem>>, %arg4: memref<1000x8xf32, #tpu.memory_space<vmem>>, %arg5: memref<1x128xf32, #tpu.memory_space<vmem>>, %arg6: memref<128x128xf32, #tpu.memory_space<vmem>>, %arg7: memref<1000x128xf32, #tpu.memory_space<vmem>>, %arg8: memref<1000x64xf32, #tpu.memory_space<vmem>>, %arg9: memref<1000x64xf32, #tpu.memory_space<vmem>>) attributes {dimension_semantics = [#tpu.dimension_semantics<arbitrary>], iteration_bounds = array<i64: 10>, scalar_prefetch = 0 : i64, scratch_operands = 0 : i64, tpu.core_type = #tpu.core_type<tc>, window_params = [{transform_indices = @transform_0, window_bounds = array<i64: 2, 1000, 64>}, {transform_indices = @transform_1, window_bounds = array<i64: 1000, 64>}, {transform_indices = @transform_2, window_bounds = array<i64: 1000, 64>}, {transform_indices = @transform_3, window_bounds = array<i64: 1000, 8>}, {pipeline_mode = #tpu.pipeline_mode<synchronous>, transform_indices = @transform_4, window_bounds = array<i64: 1, 128>}, {pipeline_mode = #tpu.pipeline_mode<synchronous>, transform_indices = @transform_5, window_bounds = array<i64: 128, 128>}, {transform_indices = @transform_6, window_bounds = array<i64: 1000, 128>}, {transform_indices = @transform_7, window_bounds = array<i64: 1000, 64>}, {transform_indices = @transform_8, window_bounds = array<i64: 1000, 64>}]} {
    %get3A = arith.constant 0 : index
    %get3A_0 = arith.constant 0 : index
    %get3A_1 = vector.load %arg4[%get3A, %get3A_0] : memref<1000x8xf32, #tpu.memory_space<vmem>>, vector<1000x1xf32>
    %get3A_2 = arith.constant 0 : index
    %get3A_3 = arith.constant 0 : index
    %get3A_4 = arith.constant 0 : index
    %get3A_5 = vector.load %arg1[%get3A_2, %get3A_3, %get3A_4] : memref<2x1000x64xf32, #tpu.memory_space<vmem>>, vector<1x1000x64xf32>
    %get3A_6 = vector.shape_cast %get3A_5 : vector<1x1000x64xf32> to vector<1000x64xf32>
    %get3A_7 = arith.constant 0 : index
    %get3A_8 = arith.constant 0 : index
    %get3A_9 = vector.load %arg2[%get3A_7, %get3A_8] : memref<1000x64xf32, #tpu.memory_space<vmem>>, vector<1000x64xf32>
    %add3A = arith.addf %get3A_6, %get3A_9 : vector<1000x64xf32>
    %get3A_10 = arith.constant 1 : index
    %get3A_11 = arith.constant 0 : index
    %get3A_12 = arith.constant 0 : index
    %get3A_13 = vector.load %arg1[%get3A_10, %get3A_11, %get3A_12] : memref<2x1000x64xf32, #tpu.memory_space<vmem>>, vector<1x1000x64xf32>
    %get3A_14 = vector.shape_cast %get3A_13 : vector<1x1000x64xf32> to vector<1000x64xf32>
    %get3A_15 = arith.constant 0 : index
    %get3A_16 = arith.constant 0 : index
    %get3A_17 = vector.load %arg3[%get3A_15, %get3A_16] : memref<1000x64xf32, #tpu.memory_space<vmem>>, vector<1000x64xf32>
    %add3A_18 = arith.addf %get3A_14, %get3A_17 : vector<1000x64xf32>
    %concatenate3A = tpu.concatenate %add3A, %add3A_18 in 1 : vector<1000x64xf32>, vector<1000x64xf32> -> vector<1000x128xf32>
    %mul3A = vector.broadcast %get3A_1 : vector<1000x1xf32> to vector<1000x128xf32>
    %mul3A_19 = arith.mulf %mul3A, %concatenate3A : vector<1000x128xf32>
    %get3A_20 = arith.constant 0 : index
    %get3A_21 = arith.constant 0 : index
    %get3A_22 = vector.load %arg5[%get3A_20, %get3A_21] : memref<1x128xf32, #tpu.memory_space<vmem>>, vector<1x128xf32>
    %add3A_23 = vector.broadcast %get3A_22 : vector<1x128xf32> to vector<1000x128xf32>
    %add3A_24 = arith.addf %mul3A_19, %add3A_23 : vector<1000x128xf32>
    %swap3A = arith.constant 0 : index
    %swap3A_25 = arith.constant 0 : index
    %swap3A_26 = vector.load %arg7[%swap3A, %swap3A_25] : memref<1000x128xf32, #tpu.memory_space<vmem>>, vector<1000x128xf32>
    tpu.vector_store %arg7[%swap3A, %swap3A_25], %add3A_24 {strides = array<i32>} : memref<1000x128xf32, #tpu.memory_space<vmem>>, vector<1000x128xf32>,
    %mul3A_27 = vector.broadcast %get3A_1 : vector<1000x1xf32> to vector<1000x128xf32>
    %mul3A_28 = arith.mulf %mul3A_27, %add3A_24 : vector<1000x128xf32>
    %get3A_29 = arith.constant 0 : index
    %get3A_30 = arith.constant 0 : index
    %get3A_31 = vector.load %arg6[%get3A_29, %get3A_30] : memref<128x128xf32, #tpu.memory_space<vmem>>, vector<128x128xf32>
    %dot_general3A = arith.constant dense<0.000000e+00> : vector<1000x128xf32>
    %dot_general3A_32 = tpu.matmul %mul3A_28, %get3A_31, %dot_general3A {dimension_numbers = #tpu.dot_dimension_numbers<[1], [0], [0], [1], [0, 0, 1, 1], [], []>, transpose_lhs_hint = false} : vector<1000x128xf32>, vector<128x128xf32>, vector<1000x128xf32> -> vector<1000x128xf32>
    %slice3A = vector.extract_strided_slice %dot_general3A_32 {offsets = [0, 0], sizes = [1000, 64], strides = [1, 1]} : vector<1000x128xf32> to vector<1000x64xf32>
    %swap3A_33 = arith.constant 0 : index
    %swap3A_34 = arith.constant 0 : index
    %swap3A_35 = vector.load %arg8[%swap3A_33, %swap3A_34] : memref<1000x64xf32, #tpu.memory_space<vmem>>, vector<1000x64xf32>
    tpu.vector_store %arg8[%swap3A_33, %swap3A_34], %slice3A {strides = array<i32>} : memref<1000x64xf32, #tpu.memory_space<vmem>>, vector<1000x64xf32>,
    %slice3A_36 = vector.extract_strided_slice %dot_general3A_32 {offsets = [0, 64], sizes = [1000, 64], strides = [1, 1]} : vector<1000x128xf32> to vector<1000x64xf32>
    %swap3A_37 = arith.constant 0 : index
    %swap3A_38 = arith.constant 0 : index
    %swap3A_39 = vector.load %arg9[%swap3A_37, %swap3A_38] : memref<1000x64xf32, #tpu.memory_space<vmem>>, vector<1000x64xf32>
    tpu.vector_store %arg9[%swap3A_37, %swap3A_38], %slice3A_36 {strides = array<i32>} : memref<1000x64xf32, #tpu.memory_space<vmem>>, vector<1000x64xf32>,
    return
  }
  func.func @transform_0(%arg0: i32) -> (i32, i32, i32) {
    %c0_i32 = arith.constant 0 : i32
    %c0_i32_0 = arith.constant 0 : i32
    %c0_i32_1 = arith.constant 0 : i32
    return %c0_i32, %arg0, %c0_i32_0 : i32, i32, i32
  }
  func.func @transform_1(%arg0: i32) -> (i32, i32) {
    %c0_i32 = arith.constant 0 : i32
    %c0_i32_0 = arith.constant 0 : i32
    return %arg0, %c0_i32 : i32, i32
  }
  func.func @transform_2(%arg0: i32) -> (i32, i32) {
    %c0_i32 = arith.constant 0 : i32
    %c0_i32_0 = arith.constant 0 : i32
    return %arg0, %c0_i32 : i32, i32
  }
  func.func @transform_3(%arg0: i32) -> (i32, i32) {
    %c0_i32 = arith.constant 0 : i32
    %c0_i32_0 = arith.constant 0 : i32
    return %arg0, %c0_i32 : i32, i32
  }
  func.func @transform_4(%arg0: i32) -> (i32, i32) {
    %c0_i32 = arith.constant 0 : i32
    %c0_i32_0 = arith.constant 0 : i32
    %c0_i32_1 = arith.constant 0 : i32
    return %c0_i32, %c0_i32_0 : i32, i32
  }
  func.func @transform_5(%arg0: i32) -> (i32, i32) {
    %c0_i32 = arith.constant 0 : i32
    %c0_i32_0 = arith.constant 0 : i32
    %c0_i32_1 = arith.constant 0 : i32
    return %c0_i32, %c0_i32_0 : i32, i32
  }
  func.func @transform_6(%arg0: i32) -> (i32, i32) {
    %c0_i32 = arith.constant 0 : i32
    %c0_i32_0 = arith.constant 0 : i32
    return %arg0, %c0_i32 : i32, i32
  }
  func.func @transform_7(%arg0: i32) -> (i32, i32) {
    %c0_i32 = arith.constant 0 : i32
    %c0_i32_0 = arith.constant 0 : i32
    return %arg0, %c0_i32 : i32, i32
  }
  func.func @transform_8(%arg0: i32) -> (i32, i32) {
    %c0_i32 = arith.constant 0 : i32
    %c0_i32_0 = arith.constant 0 : i32
    return %arg0, %c0_i32 : i32, i32
  }
}

module attributes {stable_mosaic.version = 14 : i64} {
  func.func @body(%arg0: i32, %arg1: memref<1000x128xf32, #tpu.memory_space<vmem>>, %arg2: memref<3x1000x128xf32, #tpu.memory_space<vmem>>, %arg3: memref<512x128xf32, #tpu.memory_space<vmem>>, %arg4: memref<1x128xf32, #tpu.memory_space<vmem>>, %arg5: memref<1000x128xf32, #tpu.memory_space<vmem>>) attributes {dimension_semantics = [#tpu.dimension_semantics<arbitrary>], iteration_bounds = array<i64: 10>, scalar_prefetch = 0 : i64, scratch_operands = 0 : i64, tpu.core_type = #tpu.core_type<tc>, window_params = [{transform_indices = @transform_0, window_bounds = array<i64: 1000, 128>}, {transform_indices = @transform_1, window_bounds = array<i64: 3, 1000, 128>}, {pipeline_mode = #tpu.pipeline_mode<synchronous>, transform_indices = @transform_2, window_bounds = array<i64: 512, 128>}, {pipeline_mode = #tpu.pipeline_mode<synchronous>, transform_indices = @transform_3, window_bounds = array<i64: 1, 128>}, {transform_indices = @transform_4, window_bounds = array<i64: 1000, 128>}]} {
    %get3A = arith.constant 0 : index
    %get3A_0 = arith.constant 0 : index
    %get3A_1 = vector.load %arg1[%get3A, %get3A_0] : memref<1000x128xf32, #tpu.memory_space<vmem>>, vector<1000x128xf32>
    %get3A_2 = arith.constant 0 : index
    %get3A_3 = arith.constant 0 : index
    %get3A_4 = vector.load %arg3[%get3A_2, %get3A_3] : memref<512x128xf32, #tpu.memory_space<vmem>>, vector<128x128xf32>
    %dot_general3A = arith.constant dense<0.000000e+00> : vector<1000x128xf32>
    %dot_general3A_5 = tpu.matmul %get3A_1, %get3A_4, %dot_general3A {dimension_numbers = #tpu.dot_dimension_numbers<[1], [0], [0], [1], [0, 0, 1, 1], [], []>, transpose_lhs_hint = false} : vector<1000x128xf32>, vector<128x128xf32>, vector<1000x128xf32> -> vector<1000x128xf32>
    %get3A_6 = arith.constant 0 : index
    %get3A_7 = arith.constant 0 : index
    %get3A_8 = arith.constant 0 : index
    %get3A_9 = vector.load %arg2[%get3A_6, %get3A_7, %get3A_8] : memref<3x1000x128xf32, #tpu.memory_space<vmem>>, vector<1x1000x128xf32>
    %get3A_10 = vector.shape_cast %get3A_9 : vector<1x1000x128xf32> to vector<1000x128xf32>
    %get3A_11 = arith.constant 128 : index
    %get3A_12 = arith.constant 0 : index
    %get3A_13 = vector.load %arg3[%get3A_11, %get3A_12] : memref<512x128xf32, #tpu.memory_space<vmem>>, vector<128x128xf32>
    %dot_general3A_14 = arith.constant dense<0.000000e+00> : vector<1000x128xf32>
    %dot_general3A_15 = tpu.matmul %get3A_10, %get3A_13, %dot_general3A_14 {dimension_numbers = #tpu.dot_dimension_numbers<[1], [0], [0], [1], [0, 0, 1, 1], [], []>, transpose_lhs_hint = false} : vector<1000x128xf32>, vector<128x128xf32>, vector<1000x128xf32> -> vector<1000x128xf32>
    %add3A = arith.addf %dot_general3A_5, %dot_general3A_15 : vector<1000x128xf32>
    %get3A_16 = arith.constant 1 : index
    %get3A_17 = arith.constant 0 : index
    %get3A_18 = arith.constant 0 : index
    %get3A_19 = vector.load %arg2[%get3A_16, %get3A_17, %get3A_18] : memref<3x1000x128xf32, #tpu.memory_space<vmem>>, vector<1x1000x128xf32>
    %get3A_20 = vector.shape_cast %get3A_19 : vector<1x1000x128xf32> to vector<1000x128xf32>
    %get3A_21 = arith.constant 256 : index
    %get3A_22 = arith.constant 0 : index
    %get3A_23 = vector.load %arg3[%get3A_21, %get3A_22] : memref<512x128xf32, #tpu.memory_space<vmem>>, vector<128x128xf32>
    %dot_general3A_24 = arith.constant dense<0.000000e+00> : vector<1000x128xf32>
    %dot_general3A_25 = tpu.matmul %get3A_20, %get3A_23, %dot_general3A_24 {dimension_numbers = #tpu.dot_dimension_numbers<[1], [0], [0], [1], [0, 0, 1, 1], [], []>, transpose_lhs_hint = false} : vector<1000x128xf32>, vector<128x128xf32>, vector<1000x128xf32> -> vector<1000x128xf32>
    %add3A_26 = arith.addf %add3A, %dot_general3A_25 : vector<1000x128xf32>
    %get3A_27 = arith.constant 2 : index
    %get3A_28 = arith.constant 0 : index
    %get3A_29 = arith.constant 0 : index
    %get3A_30 = vector.load %arg2[%get3A_27, %get3A_28, %get3A_29] : memref<3x1000x128xf32, #tpu.memory_space<vmem>>, vector<1x1000x128xf32>
    %get3A_31 = vector.shape_cast %get3A_30 : vector<1x1000x128xf32> to vector<1000x128xf32>
    %get3A_32 = arith.constant 384 : index
    %get3A_33 = arith.constant 0 : index
    %get3A_34 = vector.load %arg3[%get3A_32, %get3A_33] : memref<512x128xf32, #tpu.memory_space<vmem>>, vector<128x128xf32>
    %dot_general3A_35 = arith.constant dense<0.000000e+00> : vector<1000x128xf32>
    %dot_general3A_36 = tpu.matmul %get3A_31, %get3A_34, %dot_general3A_35 {dimension_numbers = #tpu.dot_dimension_numbers<[1], [0], [0], [1], [0, 0, 1, 1], [], []>, transpose_lhs_hint = false} : vector<1000x128xf32>, vector<128x128xf32>, vector<1000x128xf32> -> vector<1000x128xf32>
    %add3A_37 = arith.addf %add3A_26, %dot_general3A_36 : vector<1000x128xf32>
    %get3A_38 = arith.constant 0 : index
    %get3A_39 = arith.constant 0 : index
    %get3A_40 = vector.load %arg4[%get3A_38, %get3A_39] : memref<1x128xf32, #tpu.memory_space<vmem>>, vector<1x128xf32>
    %add3A_41 = vector.broadcast %get3A_40 : vector<1x128xf32> to vector<1000x128xf32>
    %add3A_42 = arith.addf %add3A_37, %add3A_41 : vector<1000x128xf32>
    %swap3A = arith.constant 0 : index
    %swap3A_43 = arith.constant 0 : index
    %swap3A_44 = vector.load %arg5[%swap3A, %swap3A_43] : memref<1000x128xf32, #tpu.memory_space<vmem>>, vector<1000x128xf32>
    tpu.vector_store %arg5[%swap3A, %swap3A_43], %add3A_42 {strides = array<i32>} : memref<1000x128xf32, #tpu.memory_space<vmem>>, vector<1000x128xf32>,
    return
  }
  func.func @transform_0(%arg0: i32) -> (i32, i32) {
    %c0_i32 = arith.constant 0 : i32
    %c0_i32_0 = arith.constant 0 : i32
    return %arg0, %c0_i32 : i32, i32
  }
  func.func @transform_1(%arg0: i32) -> (i32, i32, i32) {
    %c0_i32 = arith.constant 0 : i32
    %c0_i32_0 = arith.constant 0 : i32
    %c0_i32_1 = arith.constant 0 : i32
    return %c0_i32, %arg0, %c0_i32_0 : i32, i32, i32
  }
  func.func @transform_2(%arg0: i32) -> (i32, i32) {
    %c0_i32 = arith.constant 0 : i32
    %c0_i32_0 = arith.constant 0 : i32
    %c0_i32_1 = arith.constant 0 : i32
    return %c0_i32, %c0_i32_0 : i32, i32
  }
  func.func @transform_3(%arg0: i32) -> (i32, i32) {
    %c0_i32 = arith.constant 0 : i32
    %c0_i32_0 = arith.constant 0 : i32
    %c0_i32_1 = arith.constant 0 : i32
    return %c0_i32, %c0_i32_0 : i32, i32
  }
  func.func @transform_4(%arg0: i32) -> (i32, i32) {
    %c0_i32 = arith.constant 0 : i32
    %c0_i32_0 = arith.constant 0 : i32
    return %arg0, %c0_i32 : i32, i32
  }
}

</mosaic_0001>

<sc_bundles>
// kernel: closed_call.16.cloned.1.call-start
scs
__scs_entry_jumppad:
0x0: {  	(pc) =	sbr.rel $0x88, $3  }
0x1: {  	(tag) =	ssettag $0x0;
	lr =	simm.s32 $0x1  }
0x2: {  	[smem:$0x3F97] =	sst lr;
	_ =	strace $0xD0000000  }
0x3: {  	_ = 	snop  }
0x4: {  	_ = 	snop  }
0x5: {  	_ = 	snop  }
0x6: {  	_ = 	snop  }
0x7: {  	_ = 	snop  }
__scs_overlays_trampoline_lowered:
0x8: {  	[smem:$0x3FA6] =	sst s0  }
0x9: {  	[smem:$0x3FA7] =	sst s1  }
0xa: {  	[smem:$0x3FA8] =	sst s2  }
0xb: {  	[smem:$0x3FA9] =	sst s3  }
0xc: {  	[smem:$0x3FAA] =	sst s4  }
0xd: {  	[smem:$0x3FAB] =	sst s5  }
0xe: {  	[smem:$0x3FAC] =	sst s6  }
0xf: {  	[smem:$0x3FAD] =	sst s7  }
0x10: {  	[smem:$0x3FAE] =	sst s8  }
0x11: {  	[smem:$0x3FAF] =	sst s9;
	s0 =	simm.s32 @!p0 $0x0  }
0x12: {  	s1 =	sld [smem:$0x3F95];
	s0 =	simm.s32 @p0 $0x1  }
0x13: {  	[smem:$0x3FB0] =	sst s0;
	s0 =	simm.s32 @!p1 $0x0  }
0x14: {  	s2 =	sld [smem:$0x3F94];
	s0 =	simm.s32 @p1 $0x1  }
0x15: {  	[smem:$0x3FB1] =	sst s0;
	s0 =	simm.s32 @!p2 $0x0  }
0x16: {  	s3 =	sld [smem:$0x3FDB];
	s0 =	simm.s32 @p2 $0x1  }
0x17: {  	s4 =	simm.s32 $0x1BF5;
	[smem:$0x3FB3] =	sst s0  }
0x18: {  	s0 =	sld [smem:$0x3F96];
	_ =	swait.ge [sflag:s4], $0x0  }
0x19: {  	s7 =	sld [smem:$0x3F97]  }
0x1a: {  	s8 =	sadd.s32 $0xFFFFE003, lr  }
0x1b: {  	s9 =	sadd.s32 $0xFFFFFEF7, lr;
	s5 =	simm.s32 $0xFFFFFFFF;
	p2 =	slt.u32 s8, $0xFFFFF086  }
0x1c: {  	p1 =	slt.u32 s9, $0xF7A;
	s5 =	simm.s32 @!p2 $0x0  }
0x1d: {  	s5 =	simm.s32 @p1 $0x1;
	p0 =	seq.s32 s7, s2  }
0x1e: {  	s7 =	smul.u32 @!p0 $0xF7A, s2;
	p2 =	seq.s32 @!p0 s5, $0x0  }
0x1f: {  	s9 =	smul.u32 $0xF7A, s1;
	s8 =	simm.s32 @!p0 $0x1BF5;
	p2 =	por !p2, p0  }
0x20: {  	[sflag:s8] =	ssyncset.s32 @!p0 $0xFFFFF086;
	s6 =	sadd.s32 @!p0 s3, s7;
	s7 =	simm.s32 @!p0 $0x108  }
0x21: {  	s3 =	sadd.s32 s3, s9;
	s6 =	sadd.s32 @!p0 $0x88, s6;
	s7 =	simm.s32 @p2 $0x1082  }
0x22: {  	[simem:s7], [sflag:s8] =	dma.local @!p0 [hbm:s6], $0xF7A  }
0x23: {  	s9 =	sor.u32 $0xD0000000, s2;
	s6 =	simm.s32 $0x108;
	_ =	swait.ge @!p0 [sflag:s8], $0x0  }
0x24: {  	s3 =	sadd.s32 $0x88, s3;
	s6 =	simm.s32 @!p1 $0x1082;
	[sflag:s4] =	ssyncset.s32 $0xFFFFF086  }
0x25: {  	[simem:s6], [sflag:s4] =	dma.local [hbm:s3], $0xF7A  }
0x26: {  	[smem:$0x3F97] =	sst s1;
	(tag) =	ssettag s2;
	_ =	strace s9  }
0x27: {  	s1 =	sld [smem:$0x3FA7]  }
0x28: {  	s2 =	sld [smem:$0x3FA8]  }
0x29: {  	s4 =	sld [smem:$0x3FAA]  }
0x2a: {  	p0 =	seq.s32 s5, $0x0;
	s5 =	sld [smem:$0x3FAB]  }
0x2b: {  	s6 =	sld [smem:$0x3FAC]  }
0x2c: {  	s7 =	sld [smem:$0x3FAD]  }
0x2d: {  	s3 =	simm.s32 $0x108;
	s8 =	sld [smem:$0x3FAE]  }
0x2e: {  	s3 =	simm.s32 @!p0 $0x1082;
	s9 =	sld [smem:$0x3FAF]  }
0x2f: {  	lr =	sadd.s32 s0, s3;
	s0 =	sld [smem:$0x3FA6]  }
0x30: {  	s3 =	sld [smem:$0x3FA9]  }
0x31: {  	[smem:$0x3FB2] =	sst s10  }
0x32: {  	s10 =	sld [smem:$0x3FB0];
	_ =	sdelay $0x3  }
0x33: {  	p0 =	seq.s32 s10, $0x1;
	s10 =	sld [smem:$0x3FB2];
	_ =	sdelay $0x3  }
0x34: {  	[smem:$0x3FB2] =	sst s10  }
0x35: {  	s10 =	sld [smem:$0x3FB1];
	_ =	sdelay $0x3  }
0x36: {  	p1 =	seq.s32 s10, $0x1;
	s10 =	sld [smem:$0x3FB2];
	_ =	sdelay $0x3  }
0x37: {  	[smem:$0x3FB2] =	sst s10  }
0x38: {  	s10 =	sld [smem:$0x3FB3]  }
0x39: {  	_ = 	snop;
	(pc) =	sbr.ind lr, $3  }
0x3a: {  	_ = 	snop  }
0x3b: {  	_ = 	snop  }
0x3c: {  	p2 =	seq.s32 s10, $0x1;
	s10 =	sld [smem:$0x3FB2]  }
0x3d: {  	_ =	shalt  }
0x3e: {  	_ =	shalt  }
0x3f: {  	_ =	shalt  }
0x40: {  	_ =	shalt  }
0x41: {  	_ =	shalt  }
0x42: {  	_ =	shalt  }
0x43: {  	_ =	shalt  }
0x44: {  	_ =	shalt  }
0x45: {  	_ =	shalt  }
0x46: {  	_ =	shalt  }
0x47: {  	_ =	shalt  }
0x48: {  	_ =	shalt  }
0x49: {  	_ =	shalt  }
0x4a: {  	_ =	shalt  }
0x4b: {  	_ =	shalt  }
0x4c: {  	_ =	shalt  }
0x4d: {  	_ =	shalt  }
0x4e: {  	_ =	shalt  }
0x4f: {  	_ =	shalt  }
0x50: {  	_ =	shalt  }
0x51: {  	_ =	shalt  }
0x52: {  	_ =	shalt  }
0x53: {  	_ =	shalt  }
0x54: {  	_ =	shalt  }
0x55: {  	_ =	shalt  }
0x56: {  	_ =	shalt  }
0x57: {  	_ =	shalt  }
0x58: {  	_ =	shalt  }
0x59: {  	_ =	shalt  }
0x5a: {  	_ =	shalt  }
0x5b: {  	_ =	shalt  }
0x5c: {  	_ =	shalt  }
0x5d: {  	_ =	shalt  }
0x5e: {  	_ =	shalt  }
0x5f: {  	_ =	shalt  }
0x60: {  	_ =	shalt  }
0x61: {  	_ =	shalt  }
0x62: {  	_ =	shalt  }
0x63: {  	_ =	shalt  }
0x64: {  	_ =	shalt  }
0x65: {  	_ =	shalt  }
0x66: {  	_ =	shalt  }
0x67: {  	_ =	shalt  }
0x68: {  	_ =	shalt  }
0x69: {  	_ =	shalt  }
0x6a: {  	_ =	shalt  }
0x6b: {  	_ =	shalt  }
0x6c: {  	_ =	shalt  }
0x6d: {  	_ =	shalt  }
0x6e: {  	_ =	shalt  }
0x6f: {  	_ =	shalt  }
0x70: {  	_ =	shalt  }
0x71: {  	_ =	shalt  }
0x72: {  	_ =	shalt  }
0x73: {  	_ =	shalt  }
0x74: {  	_ =	shalt  }
0x75: {  	_ =	shalt  }
0x76: {  	_ =	shalt  }
0x77: {  	_ =	shalt  }
0x78: {  	_ =	shalt  }
0x79: {  	_ =	shalt  }
0x7a: {  	_ =	shalt  }
0x7b: {  	_ =	shalt  }
0x7c: {  	_ =	shalt  }
0x7d: {  	_ =	shalt  }
0x7e: {  	_ =	shalt  }
0x7f: {  	_ =	shalt  }
0x80: {  	_ =	shalt  }
0x81: {  	_ =	shalt  }
0x82: {  	_ =	shalt  }
0x83: {  	_ =	shalt  }
0x84: {  	_ =	shalt  }
0x85: {  	_ =	shalt  }
0x86: {  	_ =	shalt  }
0x87: {  	_ =	shalt  }
.Lfunc_end0:
.L_simem_size_0:
called_computation_lowered:
.L_overlay_start_0:
0x88: {  	s2 =	sld [smem:$0x3FD9]  }
0x89: {  	s3 =	sld [smem:$0x3FFE];
	_ =	sdelay $0x1  }
0x8a: {  	s1 =	srdreg.scid  }
0x8b: {  	s0 =	sand.u32 $0x1, s1  }
0x8c: {  	s17 =	sshll.u32 s0, $0xA;
	s2 =	sadd.s32 s3, s2  }
0x8d: {  	s2 =	sadd.s32 s2, s17  }
0x8e: {  	[smem:$0x3FBE] =	sst s2  }
0x8f: {  	_ = 	snop  }
0x90: {  	s2 =	sld [smem:$0x3FD0];
	(tm) =	ssettm $0x1  }
0x91: {  	s18 =	sld [smem:$0x3FFB];
	_ =	sdelay $0x3  }
0x92: {  	_ =	strace s18  }
0x93: {  	s3 =	sld [smem:$0x3FFC];
	_ =	sdelay $0x3  }
0x94: {  	_ =	strace s3  }
0x95: {  	s3 =	sld [smem:$0x3FFD];
	_ =	sdelay $0x3  }
0x96: {  	_ =	strace s3  }
0x97: {  	_ =	strace $0x8FFFFFFF  }
0x98: {  	s19 =	sld [smem:$0x3FDB];
	_ =	sdelay $0x1  }
0x99: {  	s4 =	simm.s32 $_scs_section_size  }
0x9a: {  	s5 =	simm.s32 $_size__tile_overlayer_lowered;
	s6 =	simm.s32 $_tile_overlayer_lowered  }
0x9b: {  	s22 =	simm.s32 $0x1BFF;
	s21 =	sshll.u32 s6, $0x1;
	s3 =	sadd.s32 s4, s19  }
0x9c: {  	s7 =	simm.s32 $0x0;
	s20 =	sshll.u32 s5, $0x1;
	s5 =	sadd.s32 s21, s3  }
0x9d: {  	[timem:s7], [sflag:s22] =	dma.local [hbm:s5], s20  }
0x9e: {  	_ =	swait.ge [sflag:s22], s20  }
0x9f: {  	s4 =	ssub.s32 $0x0, s20;
	[sflag:s22] =	ssyncset.done $0x0  }
0xa0: {  	[sflag:s22] =	ssyncadd.s32 s4;
	_ =	sdelay $0x1  }
0xa1: {  	s23 =	simm.s32 $0x1B8B  }
0xa2: {  	_ =	swait.ge [sflag:s23], $0x1  }
0xa3: {  	[sflag:s23] =	ssyncset.done $0x0  }
0xa4: {  	s25 =	simm.s32 $0x1B8E;
	s24 =	sld [smem:$0x3FFE];
	[sflag:s23] =	ssyncadd.s32 $0xFFFFFFFF  }
0xa5: {  	s26 =	simm.s32 $execute0_lowered;
	[smem:$0x3FD2] =	sst s25  }
0xa6: {  	s5 =	sshll.u32 s26, $0x1;
	_ =	strace $0x80000049;
	[dreg:$0x1] =	wrdreg $0xFFFFFFFF  }
0xa7: {  	s28 =	simm.s32 $_size_execute0_lowered;
	s3 =	sadd.s32 s3, s5;
	[dreg:$0x0] =	wrdreg $0x0  }
0xa8: {  	s5 =	sshll.u32 s28, $0x1;
	[dreg:$0x2] =	wrdreg s3  }
0xa9: {  	[dreg:$0x3] =	wrdreg s5  }
0xaa: {  	[dreg:$0x4] =	wrdreg $0xC0  }
0xab: {  	_ =	task [dreg:s7], $0x5FFFF  }
0xac: {  	[dreg:$0x1] =	wrdreg $0xFFFFFFFF  }
0xad: {  	[dreg:$0x0] =	wrdreg $0x60  }
0xae: {  	[dreg:$0x2] =	wrdreg s24  }
0xaf: {  	[dreg:$0x3] =	wrdreg s2  }
0xb0: {  	[dreg:$0x4] =	wrdreg $0x130000  }
0xb1: {  	[dreg:$0x5] =	wrdreg $0x9  }
0xb2: {  	_ =	task.clear_ibuf [dreg:s7], $0x6FFFF;
	_ =	strace $0x90000049  }
0xb3: {  	s29 =	simm.s32 $0x9;
	_ =	strace $0x8000004B  }
0xb4: {  	_ =	swait.ge [sflag:s29], $0x1  }
0xb5: {  	[sflag:s29] =	ssyncadd.s32 $0xFFFFFFFF  }
0xb6: {  	_ =	strace $0x9000004B  }
0xb7: {  	_ =	sfence  }
0xb8: {  	s30 =	sld [smem:$0x0];
	_ =	sdelay $0x2  }
0xb9: {  	s31 =	sshll.u32 s1, $0xD;
	s1 =	sshrl.u32 s1, $0x2  }
0xba: {  	s3 =	sand.u32 $0x4000, s31;
	s1 =	sadd.s32 s1, s30  }
0xbb: {  	s0 =	sor.u32 s3, s0;
	s1 =	sshll.u32 s1, $0x11  }
0xbc: {  	s0 =	sor.u32 s1, s0  }
0xbd: {  	s0 =	sadd.s32 $0x8F2B, s0  }
0xbe: {  	[sflag:s0] =	ssyncadd.remote.s32 $0x1  }
0xbf: {  	_ =	sfence.sel $0xFFFF  }
0xc0: {  	[dreg:$0x0] =	wrdreg $0xFFFFFFFF;
	(pc) =	sbr.abs _section_cstart, $3  }
0xc1: {  	[dreg:$0x1] =	wrdreg $0xFFFFFFFF  }
0xc2: {  	_ =	task.clear_ibuf [dreg:s7], $0x2FFFF;
	_ =	strace $0x9FFFFFFF  }
0xc3: {  	(tm) =	ssettm $0x7FFFFFFF  }
tec
execute0_lowered:
.L_overlay_start_1:
0x0: {  	(tag) =	ssettag $0x1  }
0x1: {  	s0 =	rddreg [dreg:$0x0]  }
0x2: {  	s1 =	rddreg [dreg:$0x1]  }
0x3: {  	s2 =	rddreg [dreg:$0x2]  }
0x4: {  	s3 =	simm.s32 $0x0;
	s9 =	stileid.u32;
	s4 =	srdreg.scid  }
0x5: {  	s28 =	simm.s32 $0x5000;
	s29 =	simm.s32 $0x7000;
	s30 =	simm.s32 $0x1  }
0x6: {  	s31 =	simm.s32 $0x9000;
	[smem:$0x7FF] =	sst s3;
	s6 =	smul.u32 $0xA00, s9  }
0x7: {  	s7 =	sand.u32 $0x1, s4;
	s4 =	sadd.s32 $0xB8400, s0;
	s11 =	smul.u32 $0x9E00, s9  }
0x8: {  	s5 =	sadd.s32 $0xCBE00, s0;
	s17 =	smul.u32 $0x27800, s9;
	p1 =	seq.s32 s9, $0xF  }
0x9: {  	s9 =	simm.s32 $0x5;
	_ =	strace $0x8000004A;
	s8 =	ssub.s32 $0x2, s7  }
0xa: {  	s12 =	smul.u32 $0x9C400, s7;
	p0 =	seq.s32 s7, $0x1;
	s9 =	simm.s32 @!p1 $0x6  }
0xb: {  	s0 =	sadd.s32 s6, s0;
	s15 =	sshrl.u32 s8, $0x1;
	s16 =	sadd.s32 $0x9C00, s11  }
0xc: {  	s7 =	sshrl.u32 s17, $0x2;
	[dreg:$0x6] =	wrdreg s9;
	s10 =	sadd.s32 $0xAE400, s0  }
0xd: {  	s6 =	ssub.s32 s8, s15;
	s18 =	sadd.s32 $0xA4400, s0;
	[dreg:$0x4] =	wrdreg s10  }
0xe: {  	s13 =	sadd.s32 s16, s2;
	s26 =	sadd.s32 $0xA4480, s0;
	[dreg:$0x5] =	wrdreg s18  }
0xf: {  	s8 =	sadd.s32 s12, s16;
	s0 =	sadd.s32 $0xAE480, s0;
	[dreg:$0xe] =	wrdreg s26  }
0x10: {  	s8 =	sshrl.u32 s8, $0x3;
	s6 =	smax.u32 s6, $0x1;
	[dreg:$0xf] =	wrdreg s0  }
0x11: {  	s10 =	sadd.s32 s7, s2;
	s19 =	sadd.s32 s1, s8;
	[dreg:$0x8] =	wrdreg s6  }
0x12: {  	s23 =	sadd.s32 s11, s12;
	s20 =	sadd.s32 $0x1A00, s10;
	[dreg:$0x7] =	wrdreg s19  }
0x13: {  	s26 =	simm.s32 $0x3000;
	s21 =	sadd.s32 $0x3400, s10;
	[dreg:$0x9] =	wrdreg s20  }
0x14: {  	s0 =	simm.s32 $0xB000;
	s22 =	sadd.s32 $0x4E00, s10;
	[dreg:$0xa] =	wrdreg s21  }
0x15: {  	s7 =	simm.s32 $0x2;
	s24 =	sadd.s32 $0x6800, s10;
	[dreg:$0xb] =	wrdreg s22  }
0x16: {  	s25 =	sadd.s32 $0x8200, s10;
	s6 =	sshrl.u32 s23, $0x3;
	[dreg:$0xc] =	wrdreg s24  }
0x17: {  	s23 =	simm.s32 $0xF000;
	s8 =	simm.s32 $0x0;
	[dreg:$0xd] =	wrdreg s25  }
0x18: {  	s20 =	sadd.s32 s6, s1;
	s21 =	simm.s32 $0x11000;
	s22 =	simm.s32 $0x3  }
0x19: {  	v0 =	vimm.f32 $0.0e+00;
	s24 =	simm.s32 $0x80;
	s25 =	simm.s32 $0x1000;
	s1 =	simm.s32 $0xD000  }
.LBB2_1:
0x1a: {  	s11 =	simm.s32 $0x100;
	s6 =	simm.s32 $0x0  }
.LBB2_2:
0x1b: {  	p2 =	sne.s32 s11, $0x7F00;
	[tilespmem:s6+$0x11030] =	vst v0;
	s12 =	smov.u32 s11;
	s11 =	sadd.s32 $0x100, s11  }
.Ltmp0:
0x1c: {  	[tilespmem:s6+$0x11020] =	vst v0;
	(pc) =	sbr.rel @p2 .LBB2_2-.Ltmp0, $3  }
0x1d: {  	[tilespmem:s6+$0x11000] =	vst v0  }
0x1e: {  	[tilespmem:s6+$0x11010] =	vst v0;
	_ =	sdelay $0x1  }
0x1f: {  	s6 =	sshra.s32 s12, $0x2  }
0x20: {  	[tilespmem:s6+$0x11030] =	vst v0  }
0x21: {  	[tilespmem:s6+$0x11020] =	vst v0  }
0x22: {  	[tilespmem:s6+$0x11000] =	vst v0  }
0x23: {  	[tilespmem:s6+$0x11010] =	vst v0  }
0x24: {  	[spmem:s10] =	stream.linear.scatter [tilespmem:s21], [sflag:$0x3], $0x1A00, $0x38;
	[tilespmem:$0x1CE00] =	vst v63  }
0x25: {  	_ =	swait.ge [sflag:s22], $0x1A00  }
0x26: {  	[sflag:s22] =	ssyncset.done $0x0  }
0x27: {  	s11 =	rddreg [dreg:$0x9];
	[sflag:s22] =	ssyncadd.s32 $0xFFFFE600  }
0x28: {  	[spmem:s11] =	stream.linear.scatter [tilespmem:s21], [sflag:$0x3], $0x1A00, $0x38;
	[tilespmem:$0x1CE00] =	vst v63  }
0x29: {  	_ =	swait.ge [sflag:s22], $0x1A00  }
0x2a: {  	[sflag:s22] =	ssyncset.done $0x0  }
0x2b: {  	s12 =	rddreg [dreg:$0xa];
	[sflag:s22] =	ssyncadd.s32 $0xFFFFE600  }
0x2c: {  	[spmem:s12] =	stream.linear.scatter [tilespmem:s21], [sflag:$0x3], $0x1A00, $0x38;
	[tilespmem:$0x1CE00] =	vst v63  }
0x2d: {  	_ =	swait.ge [sflag:s22], $0x1A00  }
0x2e: {  	[sflag:s22] =	ssyncset.done $0x0  }
0x2f: {  	s14 =	rddreg [dreg:$0xb];
	[sflag:s22] =	ssyncadd.s32 $0xFFFFE600  }
0x30: {  	[spmem:s14] =	stream.linear.scatter [tilespmem:s21], [sflag:$0x3], $0x1A00, $0x38;
	[tilespmem:$0x1CE00] =	vst v63  }
0x31: {  	_ =	swait.ge [sflag:s22], $0x1A00  }
0x32: {  	[sflag:s22] =	ssyncset.done $0x0  }
0x33: {  	s15 =	rddreg [dreg:$0xc];
	[sflag:s22] =	ssyncadd.s32 $0xFFFFE600  }
0x34: {  	[spmem:s15] =	stream.linear.scatter [tilespmem:s21], [sflag:$0x3], $0x1A00, $0x38;
	[tilespmem:$0x1CE00] =	vst v63  }
0x35: {  	_ =	swait.ge [sflag:s22], $0x1A00  }
0x36: {  	[sflag:s22] =	ssyncset.done $0x0  }
0x37: {  	s16 =	rddreg [dreg:$0xd];
	[sflag:s22] =	ssyncadd.s32 $0xFFFFE600  }
0x38: {  	[spmem:s16] =	stream.linear.scatter [tilespmem:s21], [sflag:$0x3], $0x1A00, $0x38;
	[tilespmem:$0x1CE00] =	vst v63  }
0x39: {  	_ =	swait.ge [sflag:s22], $0x1A00  }
0x3a: {  	[sflag:s22] =	ssyncset.done $0x0  }
0x3b: {  	[sflag:s22] =	ssyncadd.s32 $0xFFFFE600  }
0x3c: {  	[spmem:s13] =	stream.linear.scatter [tilespmem:s21], [sflag:$0x3], $0x200, $0x38;
	[tilespmem:$0x1CE00] =	vst v63  }
0x3d: {  	_ =	swait.ge [sflag:s22], $0x200  }
0x3e: {  	[sflag:s22] =	ssyncset.done $0x0  }
0x3f: {  	[sflag:s22] =	ssyncadd.s32 $0xFFFFFE00  }
0x40: {  	[bflag:$0x0] =	sbarrier.arrive $0xFFFF  }
0x41: {  	s17 =	rddreg [dreg:$0x4]  }
0x42: {  	[tilespmem:s3], [sflag:$0x3] =	stream.linear.gather [hbm4b:s17+s3], $0x400, $0x38;
	[tilespmem:$0x1CE00] =	vst v63  }
0x43: {  	_ =	swait.ge [sflag:s22], $0x400  }
0x44: {  	s11 =	simm.s32 $0x800;
	[sflag:s22] =	ssyncset.done $0x0  }
.Ltmp1:
0x45: {  	s18 =	rddreg [dreg:$0x5];
	[sflag:s22] =	ssyncadd.s32 $0xFFFFFC00;
	(pc) =	sbr.rel @!p0 .LBB2_4-.Ltmp1, $4  }
0x46: {  	[tilespmem:s11], [sflag:$0x3] =	stream.linear.gather [hbm4b:s18+s3], $0x400, $0x38;
	[tilespmem:$0x1CE00] =	vst v63  }
0x47: {  	_ =	swait.ge [sflag:s22], $0x400  }
0x48: {  	s9 =	smov.u32 s13;
	s19 =	simm.s32 $0x0;
	[sflag:s22] =	ssyncset.done $0x0  }
0x49: {  	s6 =	sand.u32 $0x400, s19;
	s11 =	simm.s32 $0x400;
	[sflag:s22] =	ssyncadd.s32 $0xFFFFFC00  }
0x4a: {  	[tilespmem:s25], [sflag:$0x1] =	stream.indirect.gather [hbm4b:s5+s24], $0x40, s6, s24, $0xb8;
	[tilespmem:$0x1CE00] =	vst v63  }
0x4b: {  	s12 =	sor.u32 $0x80, s6  }
0x4c: {  	[tilespmem:s26], [sflag:$0x1] =	stream.indirect.gather [hbm4b:s5+s24], $0x40, s12, s24, $0xb8;
	[tilespmem:$0x1CE00] =	vst v63  }
0x4d: {  	s13 =	sor.u32 $0x100, s6  }
0x4e: {  	[tilespmem:s28], [sflag:$0x1] =	stream.indirect.gather [hbm4b:s5+s24], $0x40, s13, s24, $0xb8;
	[tilespmem:$0x1CE00] =	vst v63  }
0x4f: {  	s14 =	sor.u32 $0x180, s6  }
0x50: {  	[tilespmem:s29], [sflag:$0x1] =	stream.indirect.gather [hbm4b:s5+s24], $0x40, s14, s24, $0xb8;
	[tilespmem:$0x1CE00] =	vst v63  }
0x51: {  	_ =	swait.ge [sflag:s30], $0x2000  }
0x52: {  	[sflag:s30] =	ssyncset.done $0x0  }
0x53: {  	[sflag:s30] =	ssyncadd.s32 $0xFFFFE000  }
0x54: {  	_ =	swait.ge [sflag:s30], $0x2000  }
0x55: {  	[sflag:s30] =	ssyncset.done $0x0  }
0x56: {  	[sflag:s30] =	ssyncadd.s32 $0xFFFFE000  }
0x57: {  	_ =	swait.ge [sflag:s30], $0x2000  }
0x58: {  	[sflag:s30] =	ssyncset.done $0x0  }
0x59: {  	[sflag:s30] =	ssyncadd.s32 $0xFFFFE000  }
0x5a: {  	_ =	swait.ge [sflag:s30], $0x2000  }
0x5b: {  	p2 =	por $0x1, $0x1;
	[sflag:s30] =	ssyncset.done $0x0  }
0x5c: {  	s15 =	simm.s32 @!p2 $0x2;
	[sflag:s30] =	ssyncadd.s32 $0xFFFFE000  }
0x5d: {  	_ =	swait.ge @!p2 [sflag:s15], $0x2000  }
0x5e: {  	[sflag:s15] =	ssyncset.done @!p2 $0x0  }
0x5f: {  	[sflag:s15] =	ssyncadd.s32 @!p2 $0xFFFFE000  }
0x60: {  	_ =	swait.ge @!p2 [sflag:s15], $0x2000  }
0x61: {  	[sflag:s15] =	ssyncset.done @!p2 $0x0  }
0x62: {  	[sflag:s15] =	ssyncadd.s32 @!p2 $0xFFFFE000  }
0x63: {  	_ =	swait.ge @!p2 [sflag:s15], $0x2000  }
0x64: {  	[sflag:s15] =	ssyncset.done @!p2 $0x0  }
0x65: {  	[sflag:s15] =	ssyncadd.s32 @!p2 $0xFFFFE000  }
0x66: {  	_ =	swait.ge @!p2 [sflag:s15], $0x2000  }
0x67: {  	[sflag:s15] =	ssyncset.done @!p2 $0x0  }
0x68: {  	s17 =	sor.u32 $0x800, s6;
	[sflag:s15] =	ssyncadd.s32 @!p2 $0xFFFFE000  }
0x69: {  	[spmem:s2] =	stream.indirect.scatter.add.f32 [tilespmem:s25], [sflag:$0x2], $0x40, s17, s24, $0xb8;
	[tilespmem:$0x1CE00] =	vst v63  }
0x6a: {  	s12 =	sor.u32 $0x800, s12  }
0x6b: {  	[spmem:s2] =	stream.indirect.scatter.add.f32 [tilespmem:s26], [sflag:$0x2], $0x40, s12, s24, $0xb8;
	[tilespmem:$0x1CE00] =	vst v63  }
0x6c: {  	s18 =	sor.u32 $0x800, s13  }
0x6d: {  	[spmem:s2] =	stream.indirect.scatter.add.f32 [tilespmem:s28], [sflag:$0x2], $0x40, s18, s24, $0xb8;
	[tilespmem:$0x1CE00] =	vst v63  }
0x6e: {  	s19 =	sor.u32 $0x800, s14  }
0x6f: {  	[spmem:s2] =	stream.indirect.scatter.add.f32 [tilespmem:s29], [sflag:$0x2], $0x40, s19, s24, $0xb8;
	[tilespmem:$0x1CE00] =	vst v63  }
0x70: {  	s13 =	sor.u32 $0x200, s6  }
0x71: {  	[tilespmem:s31], [sflag:$0x1] =	stream.indirect.gather [hbm4b:s5+s24], $0x40, s13, s24, $0xb8;
	[tilespmem:$0x1CE00] =	vst v63  }
0x72: {  	s14 =	sor.u32 $0x280, s6  }
0x73: {  	[tilespmem:s0], [sflag:$0x1] =	stream.indirect.gather [hbm4b:s5+s24], $0x40, s14, s24, $0xb8;
	[tilespmem:$0x1CE00] =	vst v63  }
0x74: {  	s19 =	sor.u32 $0x300, s6  }
0x75: {  	[tilespmem:s1], [sflag:$0x1] =	stream.indirect.gather [hbm4b:s5+s24], $0x40, s19, s24, $0xb8;
	[tilespmem:$0x1CE00] =	vst v63  }
0x76: {  	s6 =	sor.u32 $0x380, s6  }
0x77: {  	[tilespmem:s23], [sflag:$0x1] =	stream.indirect.gather [hbm4b:s5+s24], $0x40, s6, s24, $0xb8;
	[tilespmem:$0x1CE00] =	vst v63  }
0x78: {  	_ =	swait.ge [sflag:s30], $0x2000  }
0x79: {  	[sflag:s30] =	ssyncset.done $0x0  }
0x7a: {  	[sflag:s30] =	ssyncadd.s32 $0xFFFFE000  }
0x7b: {  	_ =	swait.ge [sflag:s30], $0x2000  }
0x7c: {  	[sflag:s30] =	ssyncset.done $0x0  }
0x7d: {  	[sflag:s30] =	ssyncadd.s32 $0xFFFFE000  }
0x7e: {  	_ =	swait.ge [sflag:s30], $0x2000  }
0x7f: {  	[sflag:s30] =	ssyncset.done $0x0  }
0x80: {  	[sflag:s30] =	ssyncadd.s32 $0xFFFFE000  }
0x81: {  	p2 =	por $0x0, $0x0;
	_ =	swait.ge [sflag:s30], $0x2000  }
0x82: {  	s11 =	sand.u32 @!p2 $0x400, s11;
	s15 =	simm.s32 @!p2 $0x0;
	[sflag:s30] =	ssyncset.done $0x0  }
0x83: {  	s16 =	simm.s32 @!p2 $0x3;
	s17 =	rddreg [dreg:$0xf];
	[sflag:s30] =	ssyncadd.s32 $0xFFFFE000  }
0x84: {  	[tilespmem:s11], [sflag:$0x3] =	stream.linear.gather @!p2 [hbm4b:s17+s15], $0x400, $0x38;
	[tilespmem:$0x1CE00] =	vst v63  }
0x85: {  	_ =	swait.ge @!p2 [sflag:s16], $0x400  }
0x86: {  	[sflag:s16] =	ssyncset.done @!p2 $0x0  }
0x87: {  	s11 =	sor.u32 @!p2 $0x800, s11;
	s18 =	rddreg [dreg:$0xe];
	[sflag:s16] =	ssyncadd.s32 @!p2 $0xFFFFFC00  }
0x88: {  	[tilespmem:s11], [sflag:$0x3] =	stream.linear.gather @!p2 [hbm4b:s18+s15], $0x400, $0x38;
	[tilespmem:$0x1CE00] =	vst v63  }
0x89: {  	_ =	swait.ge @!p2 [sflag:s16], $0x400  }
0x8a: {  	[sflag:s16] =	ssyncset.done @!p2 $0x0  }
0x8b: {  	[sflag:s16] =	ssyncadd.s32 @!p2 $0xFFFFFC00  }
0x8c: {  	_ =	swait.ge [sflag:s7], $0x2000  }
0x8d: {  	[sflag:s7] =	ssyncset.done $0x0  }
0x8e: {  	[sflag:s7] =	ssyncadd.s32 $0xFFFFE000  }
0x8f: {  	_ =	swait.ge [sflag:s7], $0x2000  }
0x90: {  	[sflag:s7] =	ssyncset.done $0x0  }
0x91: {  	[sflag:s7] =	ssyncadd.s32 $0xFFFFE000  }
0x92: {  	_ =	swait.ge [sflag:s7], $0x2000  }
0x93: {  	[sflag:s7] =	ssyncset.done $0x0  }
0x94: {  	[sflag:s7] =	ssyncadd.s32 $0xFFFFE000  }
0x95: {  	_ =	swait.ge [sflag:s7], $0x2000  }
0x96: {  	[sflag:s7] =	ssyncset.done $0x0  }
0x97: {  	s15 =	sor.u32 $0x800, s13;
	[sflag:s7] =	ssyncadd.s32 $0xFFFFE000  }
0x98: {  	[spmem:s2] =	stream.indirect.scatter.add.f32 [tilespmem:s31], [sflag:$0x2], $0x40, s15, s24, $0xb8;
	[tilespmem:$0x1CE00] =	vst v63  }
0x99: {  	s19 =	sor.u32 $0x800, s19;
	s16 =	sor.u32 $0x800, s14  }
0x9a: {  	[spmem:s2] =	stream.indirect.scatter.add.f32 [tilespmem:s0], [sflag:$0x2], $0x40, s16, s24, $0xb8;
	[tilespmem:$0x1CE00] =	vst v63  }
0x9b: {  	s6 =	sor.u32 $0x800, s6;
	s12 =	sadd.s32 $0x80, s17;
	s11 =	simm.s32 $0x800  }
0x9c: {  	[spmem:s2] =	stream.indirect.scatter.add.f32 [tilespmem:s1], [sflag:$0x2], $0x40, s19, s24, $0xb8;
	[tilespmem:$0x1CE00] =	vst v63  }
.LBB2_8:
0x9d: {  	s13 =	sadd.s32 $0xFFFFFC00, s11  }
0x9e: {  	s18 =	sadd.s32 $0x80, s18;
	s14 =	smov.u32 s11;
	s11 =	sadd.s32 $0x400, s11  }
0x9f: {  	[spmem:s2] =	stream.indirect.scatter.add.f32 [tilespmem:s23], [sflag:$0x2], $0x40, s6, s24, $0xb8;
	[tilespmem:$0x1CE00] =	vst v63  }
0xa0: {  	s15 =	sand.u32 $0x400, s13;
	p2 =	sne.s32 s11, $0x5400  }
0xa1: {  	[tilespmem:s25], [sflag:$0x1] =	stream.indirect.gather [hbm4b:s5+s24], $0x40, s15, s24, $0xb8;
	[tilespmem:$0x1CE00] =	vst v63  }
0xa2: {  	s6 =	sor.u32 $0x80, s15  }
0xa3: {  	[tilespmem:s26], [sflag:$0x1] =	stream.indirect.gather [hbm4b:s5+s24], $0x40, s6, s24, $0xb8;
	[tilespmem:$0x1CE00] =	vst v63  }
0xa4: {  	s16 =	sor.u32 $0x100, s15  }
0xa5: {  	[tilespmem:s28], [sflag:$0x1] =	stream.indirect.gather [hbm4b:s5+s24], $0x40, s16, s24, $0xb8;
	[tilespmem:$0x1CE00] =	vst v63  }
0xa6: {  	s17 =	sor.u32 $0x180, s15  }
0xa7: {  	[tilespmem:s29], [sflag:$0x1] =	stream.indirect.gather [hbm4b:s5+s24], $0x40, s17, s24, $0xb8;
	[tilespmem:$0x1CE00] =	vst v63  }
0xa8: {  	_ =	swait.ge [sflag:s30], $0x2000  }
0xa9: {  	[sflag:s30] =	ssyncset.done $0x0  }
0xaa: {  	[sflag:s30] =	ssyncadd.s32 $0xFFFFE000  }
0xab: {  	_ =	swait.ge [sflag:s30], $0x2000  }
0xac: {  	[sflag:s30] =	ssyncset.done $0x0  }
0xad: {  	[sflag:s30] =	ssyncadd.s32 $0xFFFFE000  }
0xae: {  	_ =	swait.ge [sflag:s30], $0x2000  }
0xaf: {  	[sflag:s30] =	ssyncset.done $0x0  }
0xb0: {  	[sflag:s30] =	ssyncadd.s32 $0xFFFFE000  }
0xb1: {  	_ =	swait.ge [sflag:s30], $0x2000  }
0xb2: {  	p3 =	seq.s32 s14, $0x400;
	[sflag:s30] =	ssyncset.done $0x0  }
0xb3: {  	s13 =	simm.s32 @!p3 $0x2;
	[sflag:s30] =	ssyncadd.s32 $0xFFFFE000  }
0xb4: {  	_ =	swait.ge @!p3 [sflag:s13], $0x2000  }
0xb5: {  	[sflag:s13] =	ssyncset.done @!p3 $0x0  }
0xb6: {  	[sflag:s13] =	ssyncadd.s32 @!p3 $0xFFFFE000  }
0xb7: {  	_ =	swait.ge @!p3 [sflag:s13], $0x2000  }
0xb8: {  	[sflag:s13] =	ssyncset.done @!p3 $0x0  }
0xb9: {  	[sflag:s13] =	ssyncadd.s32 @!p3 $0xFFFFE000  }
0xba: {  	_ =	swait.ge @!p3 [sflag:s13], $0x2000  }
0xbb: {  	[sflag:s13] =	ssyncset.done @!p3 $0x0  }
0xbc: {  	[sflag:s13] =	ssyncadd.s32 @!p3 $0xFFFFE000  }
0xbd: {  	_ =	swait.ge @!p3 [sflag:s13], $0x2000  }
0xbe: {  	[sflag:s13] =	ssyncset.done @!p3 $0x0  }
0xbf: {  	[sflag:s13] =	ssyncadd.s32 @!p3 $0xFFFFE000;
	s13 =	sor.u32 $0x800, s15  }
0xc0: {  	[spmem:s2] =	stream.indirect.scatter.add.f32 [tilespmem:s25], [sflag:$0x2], $0x40, s13, s24, $0xb8;
	[tilespmem:$0x1CE00] =	vst v63  }
0xc1: {  	s6 =	sor.u32 $0x800, s6  }
0xc2: {  	[spmem:s2] =	stream.indirect.scatter.add.f32 [tilespmem:s26], [sflag:$0x2], $0x40, s6, s24, $0xb8;
	[tilespmem:$0x1CE00] =	vst v63  }
0xc3: {  	s6 =	sor.u32 $0x800, s16  }
0xc4: {  	[spmem:s2] =	stream.indirect.scatter.add.f32 [tilespmem:s28], [sflag:$0x2], $0x40, s6, s24, $0xb8;
	[tilespmem:$0x1CE00] =	vst v63  }
0xc5: {  	s6 =	sor.u32 $0x800, s17  }
0xc6: {  	[spmem:s2] =	stream.indirect.scatter.add.f32 [tilespmem:s29], [sflag:$0x2], $0x40, s6, s24, $0xb8;
	[tilespmem:$0x1CE00] =	vst v63  }
0xc7: {  	s16 =	sor.u32 $0x200, s15  }
0xc8: {  	[tilespmem:s31], [sflag:$0x1] =	stream.indirect.gather [hbm4b:s5+s24], $0x40, s16, s24, $0xb8;
	[tilespmem:$0x1CE00] =	vst v63  }
0xc9: {  	s6 =	sor.u32 $0x280, s15  }
0xca: {  	[tilespmem:s0], [sflag:$0x1] =	stream.indirect.gather [hbm4b:s5+s24], $0x40, s6, s24, $0xb8;
	[tilespmem:$0x1CE00] =	vst v63  }
0xcb: {  	s17 =	sor.u32 $0x300, s15  }
0xcc: {  	[tilespmem:s1], [sflag:$0x1] =	stream.indirect.gather [hbm4b:s5+s24], $0x40, s17, s24, $0xb8;
	[tilespmem:$0x1CE00] =	vst v63  }
0xcd: {  	s15 =	sor.u32 $0x380, s15  }
0xce: {  	[tilespmem:s23], [sflag:$0x1] =	stream.indirect.gather [hbm4b:s5+s24], $0x40, s15, s24, $0xb8;
	[tilespmem:$0x1CE00] =	vst v63  }
0xcf: {  	_ =	swait.ge [sflag:s30], $0x2000  }
0xd0: {  	[sflag:s30] =	ssyncset.done $0x0  }
0xd1: {  	[sflag:s30] =	ssyncadd.s32 $0xFFFFE000  }
0xd2: {  	_ =	swait.ge [sflag:s30], $0x2000  }
0xd3: {  	[sflag:s30] =	ssyncset.done $0x0  }
0xd4: {  	[sflag:s30] =	ssyncadd.s32 $0xFFFFE000  }
0xd5: {  	_ =	swait.ge [sflag:s30], $0x2000  }
0xd6: {  	[sflag:s30] =	ssyncset.done $0x0  }
0xd7: {  	[sflag:s30] =	ssyncadd.s32 $0xFFFFE000  }
0xd8: {  	_ =	swait.ge [sflag:s30], $0x2000  }
0xd9: {  	p3 =	seq.s32 s14, $0x5000;
	[sflag:s30] =	ssyncset.done $0x0  }
0xda: {  	s13 =	sand.u32 @!p3 $0x400, s14;
	s14 =	simm.s32 @!p3 $0x0;
	[sflag:s30] =	ssyncadd.s32 $0xFFFFE000  }
0xdb: {  	[tilespmem:s13], [sflag:$0x3] =	stream.linear.gather @!p3 [hbm4b:s12+s14], $0x400, $0x38;
	[tilespmem:$0x1CE00] =	vst v63  }
0xdc: {  	s19 =	simm.s32 @!p3 $0x3;
	s13 =	sor.u32 @!p3 $0x800, s13  }
0xdd: {  	_ =	swait.ge @!p3 [sflag:s19], $0x400  }
0xde: {  	[sflag:s19] =	ssyncset.done @!p3 $0x0  }
0xdf: {  	[sflag:s19] =	ssyncadd.s32 @!p3 $0xFFFFFC00  }
0xe0: {  	[tilespmem:s13], [sflag:$0x3] =	stream.linear.gather @!p3 [hbm4b:s18+s14], $0x400, $0x38;
	[tilespmem:$0x1CE00] =	vst v63  }
0xe1: {  	_ =	swait.ge @!p3 [sflag:s19], $0x400  }
0xe2: {  	[sflag:s19] =	ssyncset.done @!p3 $0x0  }
0xe3: {  	[sflag:s19] =	ssyncadd.s32 @!p3 $0xFFFFFC00  }
0xe4: {  	_ =	swait.ge [sflag:s7], $0x2000  }
0xe5: {  	[sflag:s7] =	ssyncset.done $0x0  }
0xe6: {  	[sflag:s7] =	ssyncadd.s32 $0xFFFFE000  }
0xe7: {  	_ =	swait.ge [sflag:s7], $0x2000  }
0xe8: {  	[sflag:s7] =	ssyncset.done $0x0  }
0xe9: {  	[sflag:s7] =	ssyncadd.s32 $0xFFFFE000  }
0xea: {  	_ =	swait.ge [sflag:s7], $0x2000  }
0xeb: {  	[sflag:s7] =	ssyncset.done $0x0  }
0xec: {  	[sflag:s7] =	ssyncadd.s32 $0xFFFFE000  }
0xed: {  	_ =	swait.ge [sflag:s7], $0x2000  }
0xee: {  	s13 =	sor.u32 $0x800, s16;
	[sflag:s7] =	ssyncset.done $0x0  }
0xef: {  	s6 =	sor.u32 $0x800, s6;
	[sflag:s7] =	ssyncadd.s32 $0xFFFFE000  }
0xf0: {  	[spmem:s2] =	stream.indirect.scatter.add.f32 [tilespmem:s31], [sflag:$0x2], $0x40, s13, s24, $0xb8;
	[tilespmem:$0x1CE00] =	vst v63  }
.Ltmp2:
0xf1: {  	_ = 	snop;
	(pc) =	sbr.rel @p2 .LBB2_8-.Ltmp2, $4  }
0xf2: {  	s13 =	sor.u32 $0x800, s17  }
0xf3: {  	[spmem:s2] =	stream.indirect.scatter.add.f32 [tilespmem:s0], [sflag:$0x2], $0x40, s6, s24, $0xb8;
	[tilespmem:$0x1CE00] =	vst v63  }
0xf4: {  	s12 =	sadd.s32 $0x80, s12;
	s6 =	sor.u32 $0x800, s15  }
0xf5: {  	[spmem:s2] =	stream.indirect.scatter.add.f32 [tilespmem:s1], [sflag:$0x2], $0x40, s13, s24, $0xb8;
	[tilespmem:$0x1CE00] =	vst v63  }
.Ltmp3:
0xf6: {  	(pc) =	sbr.rel .LBB2_10-.Ltmp3, $3  }
0xf7: {  	_ =	sdelay $0x1  }
0xf8: {  	[spmem:s2] =	stream.indirect.scatter.add.f32 [tilespmem:s23], [sflag:$0x2], $0x40, s6, s24, $0xb8;
	[tilespmem:$0x1CE00] =	vst v63  }
0xf9: {  	s13 =	smov.u32 s9  }
.LBB2_4:
0xfa: {  	[tilespmem:s25], [sflag:$0x1] =	stream.indirect.gather [hbm4b:s4+s24], $0x40, s6, s24, $0xb8;
	[tilespmem:$0x1CE00] =	vst v63  }
0xfb: {  	s12 =	sor.u32 $0x80, s6  }
0xfc: {  	[tilespmem:s26], [sflag:$0x1] =	stream.indirect.gather [hbm4b:s4+s24], $0x40, s12, s24, $0xb8;
	[tilespmem:$0x1CE00] =	vst v63  }
0xfd: {  	s14 =	sor.u32 $0x100, s6  }
0xfe: {  	[tilespmem:s28], [sflag:$0x1] =	stream.indirect.gather [hbm4b:s4+s24], $0x40, s14, s24, $0xb8;
	[tilespmem:$0x1CE00] =	vst v63  }
0xff: {  	s15 =	sor.u32 $0x180, s6  }
0x100: {  	[tilespmem:s29], [sflag:$0x1] =	stream.indirect.gather [hbm4b:s4+s24], $0x40, s15, s24, $0xb8;
	[tilespmem:$0x1CE00] =	vst v63  }
0x101: {  	_ =	swait.ge [sflag:s30], $0x2000  }
0x102: {  	[sflag:s30] =	ssyncset.done $0x0  }
0x103: {  	[sflag:s30] =	ssyncadd.s32 $0xFFFFE000  }
0x104: {  	_ =	swait.ge [sflag:s30], $0x2000  }
0x105: {  	[sflag:s30] =	ssyncset.done $0x0  }
0x106: {  	[sflag:s30] =	ssyncadd.s32 $0xFFFFE000  }
0x107: {  	_ =	swait.ge [sflag:s30], $0x2000  }
0x108: {  	[sflag:s30] =	ssyncset.done $0x0  }
0x109: {  	[sflag:s30] =	ssyncadd.s32 $0xFFFFE000  }
0x10a: {  	_ =	swait.ge [sflag:s30], $0x2000  }
0x10b: {  	p2 =	por $0x1, $0x1;
	[sflag:s30] =	ssyncset.done $0x0  }
0x10c: {  	s16 =	simm.s32 @!p2 $0x2;
	[sflag:s30] =	ssyncadd.s32 $0xFFFFE000  }
0x10d: {  	_ =	swait.ge @!p2 [sflag:s16], $0x2000  }
0x10e: {  	[sflag:s16] =	ssyncset.done @!p2 $0x0  }
0x10f: {  	[sflag:s16] =	ssyncadd.s32 @!p2 $0xFFFFE000  }
0x110: {  	_ =	swait.ge @!p2 [sflag:s16], $0x2000  }
0x111: {  	[sflag:s16] =	ssyncset.done @!p2 $0x0  }
0x112: {  	[sflag:s16] =	ssyncadd.s32 @!p2 $0xFFFFE000  }
0x113: {  	_ =	swait.ge @!p2 [sflag:s16], $0x2000  }
0x114: {  	[sflag:s16] =	ssyncset.done @!p2 $0x0  }
0x115: {  	[sflag:s16] =	ssyncadd.s32 @!p2 $0xFFFFE000  }
0x116: {  	_ =	swait.ge @!p2 [sflag:s16], $0x2000  }
0x117: {  	[sflag:s16] =	ssyncset.done @!p2 $0x0  }
0x118: {  	s18 =	sor.u32 $0x800, s6;
	[sflag:s16] =	ssyncadd.s32 @!p2 $0xFFFFE000  }
0x119: {  	[spmem:s2] =	stream.indirect.scatter.add.f32 [tilespmem:s25], [sflag:$0x2], $0x40, s18, s24, $0xb8;
	[tilespmem:$0x1CE00] =	vst v63  }
0x11a: {  	s12 =	sor.u32 $0x800, s12  }
0x11b: {  	[spmem:s2] =	stream.indirect.scatter.add.f32 [tilespmem:s26], [sflag:$0x2], $0x40, s12, s24, $0xb8;
	[tilespmem:$0x1CE00] =	vst v63  }
0x11c: {  	s19 =	sor.u32 $0x800, s14  }
0x11d: {  	[spmem:s2] =	stream.indirect.scatter.add.f32 [tilespmem:s28], [sflag:$0x2], $0x40, s19, s24, $0xb8;
	[tilespmem:$0x1CE00] =	vst v63  }
0x11e: {  	s13 =	sor.u32 $0x800, s15  }
0x11f: {  	[spmem:s2] =	stream.indirect.scatter.add.f32 [tilespmem:s29], [sflag:$0x2], $0x40, s13, s24, $0xb8;
	[tilespmem:$0x1CE00] =	vst v63  }
0x120: {  	s14 =	sor.u32 $0x200, s6  }
0x121: {  	[tilespmem:s31], [sflag:$0x1] =	stream.indirect.gather [hbm4b:s4+s24], $0x40, s14, s24, $0xb8;
	[tilespmem:$0x1CE00] =	vst v63  }
0x122: {  	s15 =	sor.u32 $0x280, s6  }
0x123: {  	[tilespmem:s0], [sflag:$0x1] =	stream.indirect.gather [hbm4b:s4+s24], $0x40, s15, s24, $0xb8;
	[tilespmem:$0x1CE00] =	vst v63  }
0x124: {  	s19 =	sor.u32 $0x300, s6  }
0x125: {  	[tilespmem:s1], [sflag:$0x1] =	stream.indirect.gather [hbm4b:s4+s24], $0x40, s19, s24, $0xb8;
	[tilespmem:$0x1CE00] =	vst v63  }
0x126: {  	s6 =	sor.u32 $0x380, s6  }
0x127: {  	[tilespmem:s23], [sflag:$0x1] =	stream.indirect.gather [hbm4b:s4+s24], $0x40, s6, s24, $0xb8;
	[tilespmem:$0x1CE00] =	vst v63  }
0x128: {  	_ =	swait.ge [sflag:s30], $0x2000  }
0x129: {  	[sflag:s30] =	ssyncset.done $0x0  }
0x12a: {  	[sflag:s30] =	ssyncadd.s32 $0xFFFFE000  }
0x12b: {  	_ =	swait.ge [sflag:s30], $0x2000  }
0x12c: {  	[sflag:s30] =	ssyncset.done $0x0  }
0x12d: {  	[sflag:s30] =	ssyncadd.s32 $0xFFFFE000  }
0x12e: {  	_ =	swait.ge [sflag:s30], $0x2000  }
0x12f: {  	[sflag:s30] =	ssyncset.done $0x0  }
0x130: {  	[sflag:s30] =	ssyncadd.s32 $0xFFFFE000  }
0x131: {  	p2 =	por $0x0, $0x0;
	_ =	swait.ge [sflag:s30], $0x2000  }
0x132: {  	s11 =	sand.u32 @!p2 $0x400, s11;
	s16 =	simm.s32 @!p2 $0x0;
	[sflag:s30] =	ssyncset.done $0x0  }
0x133: {  	s17 =	simm.s32 @!p2 $0x3;
	s13 =	rddreg [dreg:$0xf];
	[sflag:s30] =	ssyncadd.s32 $0xFFFFE000  }
0x134: {  	[tilespmem:s11], [sflag:$0x3] =	stream.linear.gather @!p2 [hbm4b:s13+s16], $0x400, $0x38;
	[tilespmem:$0x1CE00] =	vst v63  }
0x135: {  	_ =	swait.ge @!p2 [sflag:s17], $0x400  }
0x136: {  	[sflag:s17] =	ssyncset.done @!p2 $0x0  }
0x137: {  	s11 =	sor.u32 @!p2 $0x800, s11;
	s18 =	rddreg [dreg:$0xe];
	[sflag:s17] =	ssyncadd.s32 @!p2 $0xFFFFFC00  }
0x138: {  	[tilespmem:s11], [sflag:$0x3] =	stream.linear.gather @!p2 [hbm4b:s18+s16], $0x400, $0x38;
	[tilespmem:$0x1CE00] =	vst v63  }
0x139: {  	_ =	swait.ge @!p2 [sflag:s17], $0x400  }
0x13a: {  	[sflag:s17] =	ssyncset.done @!p2 $0x0  }
0x13b: {  	[sflag:s17] =	ssyncadd.s32 @!p2 $0xFFFFFC00  }
0x13c: {  	_ =	swait.ge [sflag:s7], $0x2000  }
0x13d: {  	[sflag:s7] =	ssyncset.done $0x0  }
0x13e: {  	[sflag:s7] =	ssyncadd.s32 $0xFFFFE000  }
0x13f: {  	_ =	swait.ge [sflag:s7], $0x2000  }
0x140: {  	[sflag:s7] =	ssyncset.done $0x0  }
0x141: {  	[sflag:s7] =	ssyncadd.s32 $0xFFFFE000  }
0x142: {  	_ =	swait.ge [sflag:s7], $0x2000  }
0x143: {  	[sflag:s7] =	ssyncset.done $0x0  }
0x144: {  	[sflag:s7] =	ssyncadd.s32 $0xFFFFE000  }
0x145: {  	_ =	swait.ge [sflag:s7], $0x2000  }
0x146: {  	[sflag:s7] =	ssyncset.done $0x0  }
0x147: {  	s16 =	sor.u32 $0x800, s14;
	[sflag:s7] =	ssyncadd.s32 $0xFFFFE000  }
0x148: {  	[spmem:s2] =	stream.indirect.scatter.add.f32 [tilespmem:s31], [sflag:$0x2], $0x40, s16, s24, $0xb8;
	[tilespmem:$0x1CE00] =	vst v63  }
0x149: {  	s19 =	sor.u32 $0x800, s19;
	s17 =	sor.u32 $0x800, s15  }
0x14a: {  	[spmem:s2] =	stream.indirect.scatter.add.f32 [tilespmem:s0], [sflag:$0x2], $0x40, s17, s24, $0xb8;
	[tilespmem:$0x1CE00] =	vst v63  }
0x14b: {  	s6 =	sor.u32 $0x800, s6;
	s12 =	sadd.s32 $0x80, s13;
	s11 =	simm.s32 $0x800  }
0x14c: {  	[spmem:s2] =	stream.indirect.scatter.add.f32 [tilespmem:s1], [sflag:$0x2], $0x40, s19, s24, $0xb8;
	[tilespmem:$0x1CE00] =	vst v63  }
.LBB2_5:
0x14d: {  	s15 =	sadd.s32 $0xFFFFFC00, s11  }
0x14e: {  	s18 =	sadd.s32 $0x80, s18;
	s14 =	smov.u32 s11;
	s11 =	sadd.s32 $0x400, s11  }
0x14f: {  	[spmem:s2] =	stream.indirect.scatter.add.f32 [tilespmem:s23], [sflag:$0x2], $0x40, s6, s24, $0xb8;
	[tilespmem:$0x1CE00] =	vst v63  }
0x150: {  	s15 =	sand.u32 $0x400, s15;
	p2 =	seq.s32 s11, $0x5400  }
0x151: {  	[tilespmem:s25], [sflag:$0x1] =	stream.indirect.gather [hbm4b:s4+s24], $0x40, s15, s24, $0xb8;
	[tilespmem:$0x1CE00] =	vst v63  }
0x152: {  	s6 =	sor.u32 $0x80, s15  }
0x153: {  	[tilespmem:s26], [sflag:$0x1] =	stream.indirect.gather [hbm4b:s4+s24], $0x40, s6, s24, $0xb8;
	[tilespmem:$0x1CE00] =	vst v63  }
0x154: {  	s16 =	sor.u32 $0x100, s15  }
0x155: {  	[tilespmem:s28], [sflag:$0x1] =	stream.indirect.gather [hbm4b:s4+s24], $0x40, s16, s24, $0xb8;
	[tilespmem:$0x1CE00] =	vst v63  }
0x156: {  	s17 =	sor.u32 $0x180, s15  }
0x157: {  	[tilespmem:s29], [sflag:$0x1] =	stream.indirect.gather [hbm4b:s4+s24], $0x40, s17, s24, $0xb8;
	[tilespmem:$0x1CE00] =	vst v63  }
0x158: {  	_ =	swait.ge [sflag:s30], $0x2000  }
0x159: {  	[sflag:s30] =	ssyncset.done $0x0  }
0x15a: {  	[sflag:s30] =	ssyncadd.s32 $0xFFFFE000  }
0x15b: {  	_ =	swait.ge [sflag:s30], $0x2000  }
0x15c: {  	[sflag:s30] =	ssyncset.done $0x0  }
0x15d: {  	[sflag:s30] =	ssyncadd.s32 $0xFFFFE000  }
0x15e: {  	_ =	swait.ge [sflag:s30], $0x2000  }
0x15f: {  	[sflag:s30] =	ssyncset.done $0x0  }
0x160: {  	[sflag:s30] =	ssyncadd.s32 $0xFFFFE000  }
0x161: {  	_ =	swait.ge [sflag:s30], $0x2000  }
0x162: {  	p3 =	seq.s32 s14, $0x400;
	[sflag:s30] =	ssyncset.done $0x0  }
0x163: {  	s19 =	simm.s32 @!p3 $0x2;
	[sflag:s30] =	ssyncadd.s32 $0xFFFFE000  }
0x164: {  	_ =	swait.ge @!p3 [sflag:s19], $0x2000  }
0x165: {  	[sflag:s19] =	ssyncset.done @!p3 $0x0  }
0x166: {  	[sflag:s19] =	ssyncadd.s32 @!p3 $0xFFFFE000  }
0x167: {  	_ =	swait.ge @!p3 [sflag:s19], $0x2000  }
0x168: {  	[sflag:s19] =	ssyncset.done @!p3 $0x0  }
0x169: {  	[sflag:s19] =	ssyncadd.s32 @!p3 $0xFFFFE000  }
0x16a: {  	_ =	swait.ge @!p3 [sflag:s19], $0x2000  }
0x16b: {  	[sflag:s19] =	ssyncset.done @!p3 $0x0  }
0x16c: {  	[sflag:s19] =	ssyncadd.s32 @!p3 $0xFFFFE000  }
0x16d: {  	_ =	swait.ge @!p3 [sflag:s19], $0x2000  }
0x16e: {  	[sflag:s19] =	ssyncset.done @!p3 $0x0  }
0x16f: {  	[sflag:s19] =	ssyncadd.s32 @!p3 $0xFFFFE000;
	s19 =	sor.u32 $0x800, s15  }
0x170: {  	[spmem:s2] =	stream.indirect.scatter.add.f32 [tilespmem:s25], [sflag:$0x2], $0x40, s19, s24, $0xb8;
	[tilespmem:$0x1CE00] =	vst v63  }
0x171: {  	s6 =	sor.u32 $0x800, s6  }
0x172: {  	[spmem:s2] =	stream.indirect.scatter.add.f32 [tilespmem:s26], [sflag:$0x2], $0x40, s6, s24, $0xb8;
	[tilespmem:$0x1CE00] =	vst v63  }
0x173: {  	s6 =	sor.u32 $0x800, s16  }
0x174: {  	[spmem:s2] =	stream.indirect.scatter.add.f32 [tilespmem:s28], [sflag:$0x2], $0x40, s6, s24, $0xb8;
	[tilespmem:$0x1CE00] =	vst v63  }
0x175: {  	s6 =	sor.u32 $0x800, s17  }
0x176: {  	[spmem:s2] =	stream.indirect.scatter.add.f32 [tilespmem:s29], [sflag:$0x2], $0x40, s6, s24, $0xb8;
	[tilespmem:$0x1CE00] =	vst v63  }
0x177: {  	s16 =	sor.u32 $0x200, s15  }
0x178: {  	[tilespmem:s31], [sflag:$0x1] =	stream.indirect.gather [hbm4b:s4+s24], $0x40, s16, s24, $0xb8;
	[tilespmem:$0x1CE00] =	vst v63  }
0x179: {  	s17 =	sor.u32 $0x280, s15  }
0x17a: {  	[tilespmem:s0], [sflag:$0x1] =	stream.indirect.gather [hbm4b:s4+s24], $0x40, s17, s24, $0xb8;
	[tilespmem:$0x1CE00] =	vst v63  }
0x17b: {  	s6 =	sor.u32 $0x300, s15  }
0x17c: {  	[tilespmem:s1], [sflag:$0x1] =	stream.indirect.gather [hbm4b:s4+s24], $0x40, s6, s24, $0xb8;
	[tilespmem:$0x1CE00] =	vst v63  }
0x17d: {  	s15 =	sor.u32 $0x380, s15  }
0x17e: {  	[tilespmem:s23], [sflag:$0x1] =	stream.indirect.gather [hbm4b:s4+s24], $0x40, s15, s24, $0xb8;
	[tilespmem:$0x1CE00] =	vst v63  }
0x17f: {  	_ =	swait.ge [sflag:s30], $0x2000  }
0x180: {  	[sflag:s30] =	ssyncset.done $0x0  }
0x181: {  	[sflag:s30] =	ssyncadd.s32 $0xFFFFE000  }
0x182: {  	_ =	swait.ge [sflag:s30], $0x2000  }
0x183: {  	[sflag:s30] =	ssyncset.done $0x0  }
0x184: {  	[sflag:s30] =	ssyncadd.s32 $0xFFFFE000  }
0x185: {  	_ =	swait.ge [sflag:s30], $0x2000  }
0x186: {  	[sflag:s30] =	ssyncset.done $0x0  }
0x187: {  	[sflag:s30] =	ssyncadd.s32 $0xFFFFE000  }
0x188: {  	_ =	swait.ge [sflag:s30], $0x2000  }
0x189: {  	p3 =	seq.s32 s14, $0x5000;
	[sflag:s30] =	ssyncset.done $0x0  }
0x18a: {  	s14 =	sand.u32 @!p3 $0x400, s14;
	s19 =	simm.s32 @!p3 $0x0;
	[sflag:s30] =	ssyncadd.s32 $0xFFFFE000  }
0x18b: {  	[tilespmem:s14], [sflag:$0x3] =	stream.linear.gather @!p3 [hbm4b:s12+s19], $0x400, $0x38;
	[tilespmem:$0x1CE00] =	vst v63  }
0x18c: {  	s13 =	simm.s32 @!p3 $0x3;
	s14 =	sor.u32 @!p3 $0x800, s14  }
0x18d: {  	_ =	swait.ge @!p3 [sflag:s13], $0x400  }
0x18e: {  	[sflag:s13] =	ssyncset.done @!p3 $0x0  }
0x18f: {  	[sflag:s13] =	ssyncadd.s32 @!p3 $0xFFFFFC00  }
0x190: {  	[tilespmem:s14], [sflag:$0x3] =	stream.linear.gather @!p3 [hbm4b:s18+s19], $0x400, $0x38;
	[tilespmem:$0x1CE00] =	vst v63  }
0x191: {  	_ =	swait.ge @!p3 [sflag:s13], $0x400  }
0x192: {  	[sflag:s13] =	ssyncset.done @!p3 $0x0  }
0x193: {  	[sflag:s13] =	ssyncadd.s32 @!p3 $0xFFFFFC00  }
0x194: {  	_ =	swait.ge [sflag:s7], $0x2000  }
0x195: {  	[sflag:s7] =	ssyncset.done $0x0  }
0x196: {  	[sflag:s7] =	ssyncadd.s32 $0xFFFFE000  }
0x197: {  	_ =	swait.ge [sflag:s7], $0x2000  }
0x198: {  	[sflag:s7] =	ssyncset.done $0x0  }
0x199: {  	[sflag:s7] =	ssyncadd.s32 $0xFFFFE000  }
0x19a: {  	_ =	swait.ge [sflag:s7], $0x2000  }
0x19b: {  	[sflag:s7] =	ssyncset.done $0x0  }
0x19c: {  	[sflag:s7] =	ssyncadd.s32 $0xFFFFE000  }
0x19d: {  	_ =	swait.ge [sflag:s7], $0x2000  }
0x19e: {  	s13 =	sor.u32 $0x800, s16;
	[sflag:s7] =	ssyncset.done $0x0  }
0x19f: {  	s14 =	sor.u32 $0x800, s17;
	[sflag:s7] =	ssyncadd.s32 $0xFFFFE000  }
0x1a0: {  	[spmem:s2] =	stream.indirect.scatter.add.f32 [tilespmem:s31], [sflag:$0x2], $0x40, s13, s24, $0xb8;
	[tilespmem:$0x1CE00] =	vst v63  }
.Ltmp4:
0x1a1: {  	_ = 	snop;
	(pc) =	sbr.rel @!p2 .LBB2_5-.Ltmp4, $4  }
0x1a2: {  	s13 =	sor.u32 $0x800, s6  }
0x1a3: {  	[spmem:s2] =	stream.indirect.scatter.add.f32 [tilespmem:s0], [sflag:$0x2], $0x40, s14, s24, $0xb8;
	[tilespmem:$0x1CE00] =	vst v63  }
0x1a4: {  	s12 =	sadd.s32 $0x80, s12;
	s6 =	sor.u32 $0x800, s15  }
0x1a5: {  	[spmem:s2] =	stream.indirect.scatter.add.f32 [tilespmem:s1], [sflag:$0x2], $0x40, s13, s24, $0xb8;
	[tilespmem:$0x1CE00] =	vst v63  }
0x1a6: {  	[spmem:s2] =	stream.indirect.scatter.add.f32 [tilespmem:s23], [sflag:$0x2], $0x40, s6, s24, $0xb8;
	[tilespmem:$0x1CE00] =	vst v63  }
0x1a7: {  	s13 =	smov.u32 s9  }
.LBB2_10:
0x1a8: {  	_ =	swait.ge [sflag:s7], $0x2000  }
0x1a9: {  	[sflag:s7] =	ssyncset.done $0x0  }
0x1aa: {  	[sflag:s7] =	ssyncadd.s32 $0xFFFFE000  }
0x1ab: {  	_ =	swait.ge [sflag:s7], $0x2000  }
0x1ac: {  	[sflag:s7] =	ssyncset.done $0x0  }
0x1ad: {  	[sflag:s7] =	ssyncadd.s32 $0xFFFFE000  }
0x1ae: {  	_ =	swait.ge [sflag:s7], $0x2000  }
0x1af: {  	[sflag:s7] =	ssyncset.done $0x0  }
0x1b0: {  	[sflag:s7] =	ssyncadd.s32 $0xFFFFE000  }
0x1b1: {  	_ =	swait.ge [sflag:s7], $0x2000  }
0x1b2: {  	[sflag:s7] =	ssyncset.done $0x0  }
0x1b3: {  	[sflag:s7] =	ssyncadd.s32 $0xFFFFE000  }
0x1b4: {  	[bflag:$0x0] =	sbarrier.arrive $0xFFFF  }
0x1b5: {  	[tilespmem:s21], [sflag:$0x3] =	stream.linear.gather [spmem:s10], $0x1A00, $0x38;
	[tilespmem:$0x1CE00] =	vst v63  }
0x1b6: {  	_ =	swait.ge [sflag:s22], $0x1A00  }
0x1b7: {  	s6 =	rddreg [dreg:$0x6]  }
0x1b8: {  	p2 =	sne.s32 s6, $0x1  }
.Ltmp5:
0x1b9: {  	[sflag:s22] =	ssyncset.done $0x0;
	(pc) =	sbr.rel @!p2 .LBB2_12-.Ltmp5, $4  }
0x1ba: {  	[sflag:s22] =	ssyncadd.s32 $0xFFFFE600  }
0x1bb: {  	[hbm4b:s20+s3] =	stream.linear.scatter [tilespmem:s21], [sflag:$0x3], $0x1A00, $0x38;
	[tilespmem:$0x1CE00] =	vst v63  }
0x1bc: {  	s11 =	smov.u32 s10;
	_ =	swait.ge [sflag:s22], $0x1A00  }
0x1bd: {  	s12 =	smov.u32 s20;
	s6 =	sadd.s32 $0xFFFFFFFF, s6;
	[sflag:s22] =	ssyncset.done $0x0  }
.LBB2_11:
0x1be: {  	[sflag:s22] =	ssyncadd.s32 $0xFFFFE600;
	s11 =	sadd.s32 $0x1A00, s11;
	s12 =	sadd.s32 $0x340, s12  }
0x1bf: {  	[tilespmem:s21], [sflag:$0x3] =	stream.linear.gather [spmem:s11], $0x1A00, $0x38;
	[tilespmem:$0x1CE00] =	vst v63  }
0x1c0: {  	p2 =	sne.s32 s6, $0x1;
	s6 =	sadd.s32 $0xFFFFFFFF, s6;
	_ =	swait.ge [sflag:s22], $0x1A00  }
.Ltmp6:
0x1c1: {  	[sflag:s22] =	ssyncset.done $0x0;
	(pc) =	sbr.rel @p2 .LBB2_11-.Ltmp6, $4  }
0x1c2: {  	[sflag:s22] =	ssyncadd.s32 $0xFFFFE600  }
0x1c3: {  	[hbm4b:s12+s3] =	stream.linear.scatter [tilespmem:s21], [sflag:$0x3], $0x1A00, $0x38;
	[tilespmem:$0x1CE00] =	vst v63  }
0x1c4: {  	_ =	swait.ge [sflag:s22], $0x1A00  }
0x1c5: {  	[sflag:s22] =	ssyncset.done $0x0  }
.LBB2_12:
0x1c6: {  	[sflag:s22] =	ssyncadd.s32 $0xFFFFE600;
	s6 =	simm.s32 @!p1 $0x11000;
	s11 =	simm.s32 @!p1 $0x3  }
0x1c7: {  	[tilespmem:s6], [sflag:$0x3] =	stream.linear.gather @!p1 [spmem:s13], $0x200, $0x38;
	[tilespmem:$0x1CE00] =	vst v63  }
0x1c8: {  	_ =	swait.ge @!p1 [sflag:s11], $0x200  }
0x1c9: {  	[sflag:s11] =	ssyncset.done @!p1 $0x0  }
0x1ca: {  	s12 =	simm.s32 @!p1 $0x0;
	s9 =	rddreg [dreg:$0x7];
	[sflag:s11] =	ssyncadd.s32 @!p1 $0xFFFFFE00  }
0x1cb: {  	[hbm4b:s9+s12] =	stream.linear.scatter @!p1 [tilespmem:s6], [sflag:$0x3], $0x200, $0x38;
	[tilespmem:$0x1CE00] =	vst v63  }
0x1cc: {  	_ =	swait.ge @!p1 [sflag:s11], $0x200  }
0x1cd: {  	s8 =	sadd.s32 $0x1, s8;
	s19 =	rddreg [dreg:$0x8]  }
0x1ce: {  	p2 =	sne.s32 s8, s19  }
.Ltmp7:
0x1cf: {  	_ = 	snop;
	(pc) =	sbr.rel @p2 .LBB2_1-.Ltmp7, $3  }
0x1d0: {  	_ =	sdelay $0x1  }
0x1d1: {  	[sflag:s11] =	ssyncset.done @!p1 $0x0  }
0x1d2: {  	[sflag:s11] =	ssyncadd.s32 @!p1 $0xFFFFFE00  }
0x1d3: {  	_ =	sfence.sel $0x180000  }
0x1d4: {  	[bflag:$0x0] =	sbarrier.arrive $0xFFFF  }
0x1d5: {  	_ =	strace $0x9000004A  }
0x1d6: {  	s0 =	stileid.u32;
	[bflag:$0x2] =	sbarrier.arrive $0xFFFF  }
0x1d7: {  	p0 =	sne.s32 s0, $0x0;
	s0 =	rddreg [dreg:$0x3]  }
0x1d8: {  	s0 =	sadd.s32 @!p0 $0x100000, s0  }
0x1d9: {  	[sflag:s0] =	ssyncadd.tile.s32 @!p0 $0x1;
	_ =	shalt  }
.Lfunc_end2:
_tile_overlayer_lowered:
.L_overlay_start_2:
0x1da: {  	(tag) =	ssettag $0x2  }
0x1db: {  	s0 =	rddreg [dreg:$0x0];
	s2 =	stileid.u32  }
0x1dc: {  	s1 =	rddreg [dreg:$0x1];
	p0 =	sne.s32 s2, $0x0  }
0x1dd: {  	s3 =	rddreg [dreg:$0x2];
	[bflag:$0x3] =	sbarrier.arrive $0xFFFF;
	s2 =	simm.s32 @!p0 $0x1C03  }
0x1de: {  	[timem:s3], [sflag:s2] =	dma.local @!p0 [hbm:s0], s1  }
0x1df: {  	s0 =	simm.s32 @!p0 $0x3  }
0x1e0: {  	_ =	swait.ge @!p0 [sflag:s0], s1  }
0x1e1: {  	s1 =	ssub.s32 @!p0 $0x0, s1;
	[sflag:s0] =	ssyncset.done @!p0 $0x0  }
0x1e2: {  	[sflag:s0] =	ssyncadd.s32 @!p0 s1  }
0x1e3: {  	[bflag:$0x3] =	sbarrier.arrive $0xFFFF  }
0x1e4: {  	_ =	shalt  }

// kernel: kernel.5.cloned.1.call-start
scs
__scs_entry_jumppad:
0x0: {  	(pc) =	sbr.rel $0x88, $3  }
0x1: {  	(tag) =	ssettag $0x0;
	lr =	simm.s32 $0x1  }
0x2: {  	[smem:$0x3F97] =	sst lr;
	_ =	strace $0xD0000000  }
0x3: {  	_ = 	snop  }
0x4: {  	_ = 	snop  }
0x5: {  	_ = 	snop  }
0x6: {  	_ = 	snop  }
0x7: {  	_ = 	snop  }
__scs_overlays_trampoline_lowered:
0x8: {  	[smem:$0x3FA6] =	sst s0  }
0x9: {  	[smem:$0x3FA7] =	sst s1  }
0xa: {  	[smem:$0x3FA8] =	sst s2  }
0xb: {  	[smem:$0x3FA9] =	sst s3  }
0xc: {  	[smem:$0x3FAA] =	sst s4  }
0xd: {  	[smem:$0x3FAB] =	sst s5  }
0xe: {  	[smem:$0x3FAC] =	sst s6  }
0xf: {  	[smem:$0x3FAD] =	sst s7  }
0x10: {  	[smem:$0x3FAE] =	sst s8  }
0x11: {  	[smem:$0x3FAF] =	sst s9;
	s0 =	simm.s32 @!p0 $0x0  }
0x12: {  	s1 =	sld [smem:$0x3F95];
	s0 =	simm.s32 @p0 $0x1  }
0x13: {  	[smem:$0x3FB0] =	sst s0;
	s0 =	simm.s32 @!p1 $0x0  }
0x14: {  	s2 =	sld [smem:$0x3F94];
	s0 =	simm.s32 @p1 $0x1  }
0x15: {  	[smem:$0x3FB1] =	sst s0;
	s0 =	simm.s32 @!p2 $0x0  }
0x16: {  	s3 =	sld [smem:$0x3FDB];
	s0 =	simm.s32 @p2 $0x1  }
0x17: {  	s4 =	simm.s32 $0x1BF5;
	[smem:$0x3FB3] =	sst s0  }
0x18: {  	s0 =	sld [smem:$0x3F96];
	_ =	swait.ge [sflag:s4], $0x0  }
0x19: {  	s7 =	sld [smem:$0x3F97]  }
0x1a: {  	s8 =	sadd.s32 $0xFFFFE003, lr  }
0x1b: {  	s9 =	sadd.s32 $0xFFFFFEF7, lr;
	s5 =	simm.s32 $0xFFFFFFFF;
	p2 =	slt.u32 s8, $0xFFFFF086  }
0x1c: {  	p1 =	slt.u32 s9, $0xF7A;
	s5 =	simm.s32 @!p2 $0x0  }
0x1d: {  	s5 =	simm.s32 @p1 $0x1;
	p0 =	seq.s32 s7, s2  }
0x1e: {  	s7 =	smul.u32 @!p0 $0xF7A, s2;
	p2 =	seq.s32 @!p0 s5, $0x0  }
0x1f: {  	s9 =	smul.u32 $0xF7A, s1;
	s8 =	simm.s32 @!p0 $0x1BF5;
	p2 =	por !p2, p0  }
0x20: {  	[sflag:s8] =	ssyncset.s32 @!p0 $0xFFFFF086;
	s6 =	sadd.s32 @!p0 s3, s7;
	s7 =	simm.s32 @!p0 $0x108  }
0x21: {  	s3 =	sadd.s32 s3, s9;
	s6 =	sadd.s32 @!p0 $0x88, s6;
	s7 =	simm.s32 @p2 $0x1082  }
0x22: {  	[simem:s7], [sflag:s8] =	dma.local @!p0 [hbm:s6], $0xF7A  }
0x23: {  	s9 =	sor.u32 $0xD0000000, s2;
	s6 =	simm.s32 $0x108;
	_ =	swait.ge @!p0 [sflag:s8], $0x0  }
0x24: {  	s3 =	sadd.s32 $0x88, s3;
	s6 =	simm.s32 @!p1 $0x1082;
	[sflag:s4] =	ssyncset.s32 $0xFFFFF086  }
0x25: {  	[simem:s6], [sflag:s4] =	dma.local [hbm:s3], $0xF7A  }
0x26: {  	[smem:$0x3F97] =	sst s1;
	(tag) =	ssettag s2;
	_ =	strace s9  }
0x27: {  	s1 =	sld [smem:$0x3FA7]  }
0x28: {  	s2 =	sld [smem:$0x3FA8]  }
0x29: {  	s4 =	sld [smem:$0x3FAA]  }
0x2a: {  	p0 =	seq.s32 s5, $0x0;
	s5 =	sld [smem:$0x3FAB]  }
0x2b: {  	s6 =	sld [smem:$0x3FAC]  }
0x2c: {  	s7 =	sld [smem:$0x3FAD]  }
0x2d: {  	s3 =	simm.s32 $0x108;
	s8 =	sld [smem:$0x3FAE]  }
0x2e: {  	s3 =	simm.s32 @!p0 $0x1082;
	s9 =	sld [smem:$0x3FAF]  }
0x2f: {  	lr =	sadd.s32 s0, s3;
	s0 =	sld [smem:$0x3FA6]  }
0x30: {  	s3 =	sld [smem:$0x3FA9]  }
0x31: {  	[smem:$0x3FB2] =	sst s10  }
0x32: {  	s10 =	sld [smem:$0x3FB0];
	_ =	sdelay $0x3  }
0x33: {  	p0 =	seq.s32 s10, $0x1;
	s10 =	sld [smem:$0x3FB2];
	_ =	sdelay $0x3  }
0x34: {  	[smem:$0x3FB2] =	sst s10  }
0x35: {  	s10 =	sld [smem:$0x3FB1];
	_ =	sdelay $0x3  }
0x36: {  	p1 =	seq.s32 s10, $0x1;
	s10 =	sld [smem:$0x3FB2];
	_ =	sdelay $0x3  }
0x37: {  	[smem:$0x3FB2] =	sst s10  }
0x38: {  	s10 =	sld [smem:$0x3FB3]  }
0x39: {  	_ = 	snop;
	(pc) =	sbr.ind lr, $3  }
0x3a: {  	_ = 	snop  }
0x3b: {  	_ = 	snop  }
0x3c: {  	p2 =	seq.s32 s10, $0x1;
	s10 =	sld [smem:$0x3FB2]  }
0x3d: {  	_ =	shalt  }
0x3e: {  	_ =	shalt  }
0x3f: {  	_ =	shalt  }
0x40: {  	_ =	shalt  }
0x41: {  	_ =	shalt  }
0x42: {  	_ =	shalt  }
0x43: {  	_ =	shalt  }
0x44: {  	_ =	shalt  }
0x45: {  	_ =	shalt  }
0x46: {  	_ =	shalt  }
0x47: {  	_ =	shalt  }
0x48: {  	_ =	shalt  }
0x49: {  	_ =	shalt  }
0x4a: {  	_ =	shalt  }
0x4b: {  	_ =	shalt  }
0x4c: {  	_ =	shalt  }
0x4d: {  	_ =	shalt  }
0x4e: {  	_ =	shalt  }
0x4f: {  	_ =	shalt  }
0x50: {  	_ =	shalt  }
0x51: {  	_ =	shalt  }
0x52: {  	_ =	shalt  }
0x53: {  	_ =	shalt  }
0x54: {  	_ =	shalt  }
0x55: {  	_ =	shalt  }
0x56: {  	_ =	shalt  }
0x57: {  	_ =	shalt  }
0x58: {  	_ =	shalt  }
0x59: {  	_ =	shalt  }
0x5a: {  	_ =	shalt  }
0x5b: {  	_ =	shalt  }
0x5c: {  	_ =	shalt  }
0x5d: {  	_ =	shalt  }
0x5e: {  	_ =	shalt  }
0x5f: {  	_ =	shalt  }
0x60: {  	_ =	shalt  }
0x61: {  	_ =	shalt  }
0x62: {  	_ =	shalt  }
0x63: {  	_ =	shalt  }
0x64: {  	_ =	shalt  }
0x65: {  	_ =	shalt  }
0x66: {  	_ =	shalt  }
0x67: {  	_ =	shalt  }
0x68: {  	_ =	shalt  }
0x69: {  	_ =	shalt  }
0x6a: {  	_ =	shalt  }
0x6b: {  	_ =	shalt  }
0x6c: {  	_ =	shalt  }
0x6d: {  	_ =	shalt  }
0x6e: {  	_ =	shalt  }
0x6f: {  	_ =	shalt  }
0x70: {  	_ =	shalt  }
0x71: {  	_ =	shalt  }
0x72: {  	_ =	shalt  }
0x73: {  	_ =	shalt  }
0x74: {  	_ =	shalt  }
0x75: {  	_ =	shalt  }
0x76: {  	_ =	shalt  }
0x77: {  	_ =	shalt  }
0x78: {  	_ =	shalt  }
0x79: {  	_ =	shalt  }
0x7a: {  	_ =	shalt  }
0x7b: {  	_ =	shalt  }
0x7c: {  	_ =	shalt  }
0x7d: {  	_ =	shalt  }
0x7e: {  	_ =	shalt  }
0x7f: {  	_ =	shalt  }
0x80: {  	_ =	shalt  }
0x81: {  	_ =	shalt  }
0x82: {  	_ =	shalt  }
0x83: {  	_ =	shalt  }
0x84: {  	_ =	shalt  }
0x85: {  	_ =	shalt  }
0x86: {  	_ =	shalt  }
0x87: {  	_ =	shalt  }
.Lfunc_end0:
.L_simem_size_0:
called_computation.1_lowered:
.L_overlay_start_0:
0x88: {  	s2 =	sld [smem:$0x3FD9]  }
0x89: {  	s3 =	sld [smem:$0x3FFE];
	_ =	sdelay $0x1  }
0x8a: {  	s1 =	srdreg.scid  }
0x8b: {  	s0 =	sand.u32 $0x1, s1  }
0x8c: {  	s17 =	sshll.u32 s0, $0xA;
	s2 =	sadd.s32 s3, s2  }
0x8d: {  	s2 =	sadd.s32 s2, s17  }
0x8e: {  	[smem:$0x3FBE] =	sst s2  }
0x8f: {  	_ = 	snop  }
0x90: {  	s2 =	sld [smem:$0x3FD0];
	(tm) =	ssettm $0x1  }
0x91: {  	s18 =	sld [smem:$0x3FFB];
	_ =	sdelay $0x3  }
0x92: {  	_ =	strace s18  }
0x93: {  	s3 =	sld [smem:$0x3FFC];
	_ =	sdelay $0x3  }
0x94: {  	_ =	strace s3  }
0x95: {  	s3 =	sld [smem:$0x3FFD];
	_ =	sdelay $0x3  }
0x96: {  	_ =	strace s3  }
0x97: {  	_ =	strace $0x8FFFFFFF  }
0x98: {  	s19 =	sld [smem:$0x3FDB];
	_ =	sdelay $0x1  }
0x99: {  	s4 =	simm.s32 $_scs_section_size  }
0x9a: {  	s5 =	simm.s32 $_size__tile_overlayer_lowered;
	s6 =	simm.s32 $_tile_overlayer_lowered  }
0x9b: {  	s22 =	simm.s32 $0x1BFF;
	s21 =	sshll.u32 s6, $0x1;
	s3 =	sadd.s32 s4, s19  }
0x9c: {  	s7 =	simm.s32 $0x0;
	s20 =	sshll.u32 s5, $0x1;
	s5 =	sadd.s32 s21, s3  }
0x9d: {  	[timem:s7], [sflag:s22] =	dma.local [hbm:s5], s20  }
0x9e: {  	_ =	swait.ge [sflag:s22], s20  }
0x9f: {  	s4 =	ssub.s32 $0x0, s20;
	[sflag:s22] =	ssyncset.done $0x0  }
0xa0: {  	[sflag:s22] =	ssyncadd.s32 s4;
	_ =	sdelay $0x1  }
0xa1: {  	s23 =	simm.s32 $0x1B8B  }
0xa2: {  	_ =	swait.ge [sflag:s23], $0x1  }
0xa3: {  	[sflag:s23] =	ssyncset.done $0x0  }
0xa4: {  	s25 =	simm.s32 $0x1B8E;
	s24 =	sld [smem:$0x3FFE];
	[sflag:s23] =	ssyncadd.s32 $0xFFFFFFFF  }
0xa5: {  	s26 =	simm.s32 $execute0_lowered;
	[smem:$0x3FD2] =	sst s25  }
0xa6: {  	s5 =	sshll.u32 s26, $0x1;
	_ =	strace $0x80000046;
	[dreg:$0x1] =	wrdreg $0xFFFFFFFF  }
0xa7: {  	s28 =	simm.s32 $_size_execute0_lowered;
	s3 =	sadd.s32 s3, s5;
	[dreg:$0x0] =	wrdreg $0x0  }
0xa8: {  	s5 =	sshll.u32 s28, $0x1;
	[dreg:$0x2] =	wrdreg s3  }
0xa9: {  	[dreg:$0x3] =	wrdreg s5  }
0xaa: {  	[dreg:$0x4] =	wrdreg $0xC0  }
0xab: {  	_ =	task [dreg:s7], $0x5FFFF  }
0xac: {  	[dreg:$0x1] =	wrdreg $0xFFFFFFFF  }
0xad: {  	[dreg:$0x0] =	wrdreg $0x60  }
0xae: {  	[dreg:$0x2] =	wrdreg s24  }
0xaf: {  	[dreg:$0x3] =	wrdreg s2  }
0xb0: {  	[dreg:$0x4] =	wrdreg $0xC000  }
0xb1: {  	[dreg:$0x5] =	wrdreg $0x9  }
0xb2: {  	_ =	task.clear_ibuf [dreg:s7], $0x6FFFF;
	_ =	strace $0x90000046  }
0xb3: {  	s29 =	simm.s32 $0x9;
	_ =	strace $0x80000048  }
0xb4: {  	_ =	swait.ge [sflag:s29], $0x1  }
0xb5: {  	[sflag:s29] =	ssyncadd.s32 $0xFFFFFFFF  }
0xb6: {  	_ =	strace $0x90000048  }
0xb7: {  	_ =	sfence  }
0xb8: {  	s30 =	sld [smem:$0x0];
	_ =	sdelay $0x2  }
0xb9: {  	s31 =	sshll.u32 s1, $0xD;
	s1 =	sshrl.u32 s1, $0x2  }
0xba: {  	s3 =	sand.u32 $0x4000, s31;
	s1 =	sadd.s32 s1, s30  }
0xbb: {  	s0 =	sor.u32 s3, s0;
	s1 =	sshll.u32 s1, $0x11  }
0xbc: {  	s0 =	sor.u32 s1, s0  }
0xbd: {  	s0 =	sadd.s32 $0x8F2B, s0  }
0xbe: {  	[sflag:s0] =	ssyncadd.remote.s32 $0x1  }
0xbf: {  	_ =	sfence.sel $0xFFFF  }
0xc0: {  	[dreg:$0x0] =	wrdreg $0xFFFFFFFF;
	(pc) =	sbr.abs _section_cstart, $3  }
0xc1: {  	[dreg:$0x1] =	wrdreg $0xFFFFFFFF  }
0xc2: {  	_ =	task.clear_ibuf [dreg:s7], $0x2FFFF;
	_ =	strace $0x9FFFFFFF  }
0xc3: {  	(tm) =	ssettm $0x7FFFFFFF  }
tec
execute0_lowered:
.L_overlay_start_1:
0x0: {  	(tag) =	ssettag $0x1  }
0x1: {  	s0 =	rddreg [dreg:$0x0]  }
0x2: {  	s2 =	rddreg [dreg:$0x1]  }
0x3: {  	s1 =	rddreg [dreg:$0x2];
	s4 =	srdreg.scid  }
0x4: {  	s3 =	simm.s32 $0x0;
	s25 =	stileid.u32;
	s19 =	simm.s32 $0x2  }
0x5: {  	s20 =	simm.s32 $0x800;
	s21 =	simm.s32 $0x80;
	s22 =	simm.s32 $0x100  }
0x6: {  	s23 =	simm.s32 $0x180;
	s24 =	simm.s32 $0x200;
	s28 =	simm.s32 $0x380  }
0x7: {  	s29 =	simm.s32 $0x1;
	s30 =	simm.s32 $0x0;
	s8 =	sand.u32 $0x1, s4  }
0x8: {  	[smem:$0x7FF] =	sst s3;
	s14 =	smul.u32 $0x13C0, s25;
	s7 =	sadd.s32 $0x2A00, s0  }
0x9: {  	s17 =	sadd.s32 $0x2C00, s0;
	p0 =	seq.s32 s25, $0xF;
	s9 =	smul.u32 $0x4F00, s25  }
0xa: {  	s31 =	smul.u32 $0x2800, s25;
	s25 =	simm.s32 $0x280;
	s5 =	ssub.s32 $0x2, s8  }
0xb: {  	_ =	strace $0x80000047;
	[dreg:$0x4] =	wrdreg s7;
	s15 =	smul.u32 $0x13880, s8  }
0xc: {  	s16 =	smul.u32 $0x28000, s8;
	s6 =	sshrl.u32 s5, $0x1;
	s26 =	sadd.s32 $0x1380, s14  }
0xd: {  	s9 =	sshrl.u32 s9, $0x2;
	s10 =	ssub.s32 s5, s6;
	s5 =	sadd.s32 $0x2A80, s0  }
0xe: {  	s6 =	simm.s32 $0x5;
	s7 =	sadd.s32 s26, s1;
	s0 =	sadd.s32 s15, s26  }
0xf: {  	s9 =	sadd.s32 s9, s1;
	s15 =	sadd.s32 s14, s15;
	s26 =	simm.s32 $0x300  }
0x10: {  	s6 =	simm.s32 @!p0 $0x6;
	s0 =	sshrl.u32 s0, $0x3;
	s10 =	smax.u32 s10, $0x1  }
0x11: {  	s11 =	sadd.s32 $0x340, s9;
	s12 =	sadd.s32 $0x680, s9;
	s13 =	sadd.s32 $0x9C0, s9  }
0x12: {  	s14 =	sadd.s32 $0xD00, s9;
	s8 =	sadd.s32 s17, s0;
	s0 =	sadd.s32 s31, s16  }
0x13: {  	s18 =	sshrl.u32 s15, $0x3;
	s15 =	sadd.s32 $0x1040, s9;
	s0 =	sshrl.u32 s0, $0x3  }
0x14: {  	s16 =	sadd.s32 s0, s2;
	s2 =	sadd.s32 s18, s17;
	s18 =	simm.s32 $0x400  }
.LBB2_1:
0x15: {  	s0 =	rddreg [dreg:$0x4]  }
0x16: {  	[tilespmem:s18], [sflag:$0x2] =	stream.linear.gather [hbm4b:s0+s3], $0x400, $0x38;
	[tilespmem:$0x1FC0] =	vst v63  }
0x17: {  	_ =	swait.ge [sflag:s19], $0x400  }
0x18: {  	[sflag:s19] =	ssyncset.done $0x0  }
0x19: {  	[sflag:s19] =	ssyncadd.s32 $0xFFFFFC00  }
0x1a: {  	[tilespmem:s20], [sflag:$0x2] =	stream.linear.gather [hbm4b:s5+s3], $0x400, $0x38;
	[tilespmem:$0x1FC0] =	vst v63  }
0x1b: {  	_ =	swait.ge [sflag:s19], $0x400  }
0x1c: {  	[sflag:s19] =	ssyncset.done $0x0  }
0x1d: {  	[sflag:s19] =	ssyncadd.s32 $0xFFFFFC00  }
0x1e: {  	[spmem:s9] =	stream.linear.scatter [tilespmem:s20], [sflag:$0x2], $0x340, $0x38;
	[tilespmem:$0x1FC0] =	vst v63  }
0x1f: {  	_ =	swait.ge [sflag:s19], $0x340  }
0x20: {  	[sflag:s19] =	ssyncset.done $0x0  }
0x21: {  	[sflag:s19] =	ssyncadd.s32 $0xFFFFFCC0  }
0x22: {  	[spmem:s11] =	stream.linear.scatter [tilespmem:s20], [sflag:$0x2], $0x340, $0x38;
	[tilespmem:$0x1FC0] =	vst v63  }
0x23: {  	_ =	swait.ge [sflag:s19], $0x340  }
0x24: {  	[sflag:s19] =	ssyncset.done $0x0  }
0x25: {  	[sflag:s19] =	ssyncadd.s32 $0xFFFFFCC0  }
0x26: {  	[spmem:s12] =	stream.linear.scatter [tilespmem:s20], [sflag:$0x2], $0x340, $0x38;
	[tilespmem:$0x1FC0] =	vst v63  }
0x27: {  	_ =	swait.ge [sflag:s19], $0x340  }
0x28: {  	[sflag:s19] =	ssyncset.done $0x0  }
0x29: {  	[sflag:s19] =	ssyncadd.s32 $0xFFFFFCC0  }
0x2a: {  	[spmem:s13] =	stream.linear.scatter [tilespmem:s20], [sflag:$0x2], $0x340, $0x38;
	[tilespmem:$0x1FC0] =	vst v63  }
0x2b: {  	_ =	swait.ge [sflag:s19], $0x340  }
0x2c: {  	[sflag:s19] =	ssyncset.done $0x0  }
0x2d: {  	[sflag:s19] =	ssyncadd.s32 $0xFFFFFCC0  }
0x2e: {  	[spmem:s14] =	stream.linear.scatter [tilespmem:s20], [sflag:$0x2], $0x340, $0x38;
	[tilespmem:$0x1FC0] =	vst v63  }
0x2f: {  	_ =	swait.ge [sflag:s19], $0x340  }
0x30: {  	[sflag:s19] =	ssyncset.done $0x0  }
0x31: {  	[sflag:s19] =	ssyncadd.s32 $0xFFFFFCC0  }
0x32: {  	[spmem:s15] =	stream.linear.scatter [tilespmem:s20], [sflag:$0x2], $0x340, $0x38;
	[tilespmem:$0x1FC0] =	vst v63  }
0x33: {  	_ =	swait.ge [sflag:s19], $0x340  }
0x34: {  	[sflag:s19] =	ssyncset.done $0x0  }
0x35: {  	[sflag:s19] =	ssyncadd.s32 $0xFFFFFCC0  }
0x36: {  	[spmem:s7] =	stream.linear.scatter [tilespmem:s20], [sflag:$0x2], $0x40, $0x38;
	[tilespmem:$0x1FC0] =	vst v63  }
0x37: {  	_ =	swait.ge [sflag:s19], $0x40  }
0x38: {  	[sflag:s19] =	ssyncset.done $0x0  }
0x39: {  	[sflag:s19] =	ssyncadd.s32 $0xFFFFFFC0  }
0x3a: {  	s17 =	sadd.s32 $0x0, s16;
	[bflag:$0x0] =	sbarrier.arrive $0xFFFF  }
0x3b: {  	[tilespmem:s3], [sflag:$0x2] =	stream.linear.gather [hbm4b:s17+s3], $0x400, $0x38;
	[tilespmem:$0x1FC0] =	vst v63  }
0x3c: {  	_ =	swait.ge [sflag:s19], $0x400  }
0x3d: {  	[sflag:s19] =	ssyncset.done $0x0  }
0x3e: {  	[sflag:s19] =	ssyncadd.s32 $0xFFFFFC00  }
0x3f: {  	[spmem:s1] =	stream.indirect.scatter.add.f32 [tilespmem:s18], [sflag:$0x1], $0x8, s3, s21, $0xb8;
	[tilespmem:$0x1FC0] =	vst v63  }
0x40: {  	_ = 	snop  }
0x41: {  	[spmem:s1] =	stream.indirect.scatter.add.f32 [tilespmem:s18], [sflag:$0x1], $0x8, s21, s21, $0xb8;
	[tilespmem:$0x1FC0] =	vst v63  }
0x42: {  	_ = 	snop  }
0x43: {  	[spmem:s1] =	stream.indirect.scatter.add.f32 [tilespmem:s18], [sflag:$0x1], $0x8, s22, s21, $0xb8;
	[tilespmem:$0x1FC0] =	vst v63  }
0x44: {  	_ = 	snop  }
0x45: {  	[spmem:s1] =	stream.indirect.scatter.add.f32 [tilespmem:s18], [sflag:$0x1], $0x8, s23, s21, $0xb8;
	[tilespmem:$0x1FC0] =	vst v63  }
0x46: {  	_ = 	snop  }
0x47: {  	[spmem:s1] =	stream.indirect.scatter.add.f32 [tilespmem:s18], [sflag:$0x1], $0x8, s24, s21, $0xb8;
	[tilespmem:$0x1FC0] =	vst v63  }
0x48: {  	_ = 	snop  }
0x49: {  	[spmem:s1] =	stream.indirect.scatter.add.f32 [tilespmem:s18], [sflag:$0x1], $0x8, s25, s21, $0xb8;
	[tilespmem:$0x1FC0] =	vst v63  }
0x4a: {  	_ = 	snop  }
0x4b: {  	[spmem:s1] =	stream.indirect.scatter.add.f32 [tilespmem:s18], [sflag:$0x1], $0x8, s26, s21, $0xb8;
	[tilespmem:$0x1FC0] =	vst v63  }
0x4c: {  	_ = 	snop  }
0x4d: {  	[spmem:s1] =	stream.indirect.scatter.add.f32 [tilespmem:s18], [sflag:$0x1], $0x8, s28, s21, $0xb8;
	[tilespmem:$0x1FC0] =	vst v63  }
0x4e: {  	_ =	swait.ge [sflag:s29], $0x400  }
0x4f: {  	[sflag:s29] =	ssyncset.done $0x0  }
0x50: {  	[sflag:s29] =	ssyncadd.s32 $0xFFFFFC00  }
0x51: {  	_ =	swait.ge [sflag:s29], $0x400  }
0x52: {  	[sflag:s29] =	ssyncset.done $0x0  }
0x53: {  	[sflag:s29] =	ssyncadd.s32 $0xFFFFFC00  }
0x54: {  	_ =	swait.ge [sflag:s29], $0x400  }
0x55: {  	[sflag:s29] =	ssyncset.done $0x0  }
0x56: {  	[sflag:s29] =	ssyncadd.s32 $0xFFFFFC00  }
0x57: {  	_ =	swait.ge [sflag:s29], $0x400  }
0x58: {  	[sflag:s29] =	ssyncset.done $0x0  }
0x59: {  	[sflag:s29] =	ssyncadd.s32 $0xFFFFFC00  }
0x5a: {  	_ =	swait.ge [sflag:s29], $0x400  }
0x5b: {  	[sflag:s29] =	ssyncset.done $0x0  }
0x5c: {  	[sflag:s29] =	ssyncadd.s32 $0xFFFFFC00  }
0x5d: {  	_ =	swait.ge [sflag:s29], $0x400  }
0x5e: {  	[sflag:s29] =	ssyncset.done $0x0  }
0x5f: {  	[sflag:s29] =	ssyncadd.s32 $0xFFFFFC00  }
0x60: {  	_ =	swait.ge [sflag:s29], $0x400  }
0x61: {  	[sflag:s29] =	ssyncset.done $0x0  }
0x62: {  	[sflag:s29] =	ssyncadd.s32 $0xFFFFFC00  }
0x63: {  	_ =	swait.ge [sflag:s29], $0x400  }
0x64: {  	s31 =	simm.s32 $0x80;
	s17 =	simm.s32 $0x100;
	[sflag:s29] =	ssyncset.done $0x0  }
.LBB2_2:
0x65: {  	s4 =	sadd.s32 s31, s16  }
0x66: {  	[sflag:s29] =	ssyncadd.s32 $0xFFFFFC00;
	s31 =	smov.u32 s17;
	s0 =	sadd.s32 $0x80, s17  }
0x67: {  	[tilespmem:s3], [sflag:$0x2] =	stream.linear.gather [hbm4b:s4+s3], $0x400, $0x38;
	[tilespmem:$0x1FC0] =	vst v63  }
0x68: {  	p1 =	sne.s32 s17, $0x480;
	_ =	swait.ge [sflag:s19], $0x400  }
0x69: {  	[sflag:s19] =	ssyncset.done $0x0  }
0x6a: {  	[sflag:s19] =	ssyncadd.s32 $0xFFFFFC00  }
0x6b: {  	[spmem:s1] =	stream.indirect.scatter.add.f32 [tilespmem:s18], [sflag:$0x1], $0x8, s3, s21, $0xb8;
	[tilespmem:$0x1FC0] =	vst v63  }
0x6c: {  	_ = 	snop  }
0x6d: {  	[spmem:s1] =	stream.indirect.scatter.add.f32 [tilespmem:s18], [sflag:$0x1], $0x8, s21, s21, $0xb8;
	[tilespmem:$0x1FC0] =	vst v63  }
0x6e: {  	_ = 	snop  }
0x6f: {  	[spmem:s1] =	stream.indirect.scatter.add.f32 [tilespmem:s18], [sflag:$0x1], $0x8, s22, s21, $0xb8;
	[tilespmem:$0x1FC0] =	vst v63  }
0x70: {  	_ = 	snop  }
0x71: {  	[spmem:s1] =	stream.indirect.scatter.add.f32 [tilespmem:s18], [sflag:$0x1], $0x8, s23, s21, $0xb8;
	[tilespmem:$0x1FC0] =	vst v63  }
0x72: {  	_ = 	snop  }
0x73: {  	[spmem:s1] =	stream.indirect.scatter.add.f32 [tilespmem:s18], [sflag:$0x1], $0x8, s24, s21, $0xb8;
	[tilespmem:$0x1FC0] =	vst v63  }
0x74: {  	_ = 	snop  }
0x75: {  	[spmem:s1] =	stream.indirect.scatter.add.f32 [tilespmem:s18], [sflag:$0x1], $0x8, s25, s21, $0xb8;
	[tilespmem:$0x1FC0] =	vst v63  }
0x76: {  	_ = 	snop  }
0x77: {  	[spmem:s1] =	stream.indirect.scatter.add.f32 [tilespmem:s18], [sflag:$0x1], $0x8, s26, s21, $0xb8;
	[tilespmem:$0x1FC0] =	vst v63  }
0x78: {  	_ = 	snop  }
0x79: {  	[spmem:s1] =	stream.indirect.scatter.add.f32 [tilespmem:s18], [sflag:$0x1], $0x8, s28, s21, $0xb8;
	[tilespmem:$0x1FC0] =	vst v63  }
0x7a: {  	_ =	swait.ge [sflag:s29], $0x400  }
0x7b: {  	[sflag:s29] =	ssyncset.done $0x0  }
0x7c: {  	[sflag:s29] =	ssyncadd.s32 $0xFFFFFC00  }
0x7d: {  	_ =	swait.ge [sflag:s29], $0x400  }
0x7e: {  	[sflag:s29] =	ssyncset.done $0x0  }
0x7f: {  	[sflag:s29] =	ssyncadd.s32 $0xFFFFFC00  }
0x80: {  	_ =	swait.ge [sflag:s29], $0x400  }
0x81: {  	[sflag:s29] =	ssyncset.done $0x0  }
0x82: {  	[sflag:s29] =	ssyncadd.s32 $0xFFFFFC00  }
0x83: {  	_ =	swait.ge [sflag:s29], $0x400  }
0x84: {  	[sflag:s29] =	ssyncset.done $0x0  }
0x85: {  	[sflag:s29] =	ssyncadd.s32 $0xFFFFFC00  }
0x86: {  	_ =	swait.ge [sflag:s29], $0x400  }
0x87: {  	[sflag:s29] =	ssyncset.done $0x0  }
0x88: {  	[sflag:s29] =	ssyncadd.s32 $0xFFFFFC00  }
0x89: {  	_ =	swait.ge [sflag:s29], $0x400  }
0x8a: {  	[sflag:s29] =	ssyncset.done $0x0  }
0x8b: {  	[sflag:s29] =	ssyncadd.s32 $0xFFFFFC00  }
.Ltmp0:
0x8c: {  	_ =	swait.ge [sflag:s29], $0x400;
	(pc) =	sbr.rel @p1 .LBB2_2-.Ltmp0, $4  }
0x8d: {  	[sflag:s29] =	ssyncset.done $0x0  }
0x8e: {  	[sflag:s29] =	ssyncadd.s32 $0xFFFFFC00  }
0x8f: {  	_ =	swait.ge [sflag:s29], $0x400  }
0x90: {  	s17 =	smov.u32 s0;
	[sflag:s29] =	ssyncset.done $0x0  }
0x91: {  	s0 =	sadd.s32 s31, s16;
	[sflag:s29] =	ssyncadd.s32 $0xFFFFFC00  }
0x92: {  	[tilespmem:s3], [sflag:$0x2] =	stream.linear.gather [hbm4b:s0+s3], $0x400, $0x38;
	[tilespmem:$0x1FC0] =	vst v63  }
0x93: {  	_ =	swait.ge [sflag:s19], $0x400  }
0x94: {  	[sflag:s19] =	ssyncset.done $0x0  }
0x95: {  	[sflag:s19] =	ssyncadd.s32 $0xFFFFFC00  }
0x96: {  	[spmem:s1] =	stream.indirect.scatter.add.f32 [tilespmem:s18], [sflag:$0x1], $0x8, s3, s21, $0xb8;
	[tilespmem:$0x1FC0] =	vst v63  }
0x97: {  	_ = 	snop  }
0x98: {  	[spmem:s1] =	stream.indirect.scatter.add.f32 [tilespmem:s18], [sflag:$0x1], $0x8, s21, s21, $0xb8;
	[tilespmem:$0x1FC0] =	vst v63  }
0x99: {  	_ = 	snop  }
0x9a: {  	[spmem:s1] =	stream.indirect.scatter.add.f32 [tilespmem:s18], [sflag:$0x1], $0x8, s22, s21, $0xb8;
	[tilespmem:$0x1FC0] =	vst v63  }
0x9b: {  	_ = 	snop  }
0x9c: {  	[spmem:s1] =	stream.indirect.scatter.add.f32 [tilespmem:s18], [sflag:$0x1], $0x8, s23, s21, $0xb8;
	[tilespmem:$0x1FC0] =	vst v63  }
0x9d: {  	_ = 	snop  }
0x9e: {  	[spmem:s1] =	stream.indirect.scatter.add.f32 [tilespmem:s18], [sflag:$0x1], $0x8, s24, s21, $0xb8;
	[tilespmem:$0x1FC0] =	vst v63  }
0x9f: {  	_ = 	snop  }
0xa0: {  	[spmem:s1] =	stream.indirect.scatter.add.f32 [tilespmem:s18], [sflag:$0x1], $0x8, s25, s21, $0xb8;
	[tilespmem:$0x1FC0] =	vst v63  }
0xa1: {  	_ = 	snop  }
0xa2: {  	[spmem:s1] =	stream.indirect.scatter.add.f32 [tilespmem:s18], [sflag:$0x1], $0x8, s26, s21, $0xb8;
	[tilespmem:$0x1FC0] =	vst v63  }
0xa3: {  	_ = 	snop  }
0xa4: {  	[spmem:s1] =	stream.indirect.scatter.add.f32 [tilespmem:s18], [sflag:$0x1], $0x8, s28, s21, $0xb8;
	[tilespmem:$0x1FC0] =	vst v63  }
0xa5: {  	_ =	swait.ge [sflag:s29], $0x400  }
0xa6: {  	[sflag:s29] =	ssyncset.done $0x0  }
0xa7: {  	[sflag:s29] =	ssyncadd.s32 $0xFFFFFC00  }
0xa8: {  	_ =	swait.ge [sflag:s29], $0x400  }
0xa9: {  	[sflag:s29] =	ssyncset.done $0x0  }
0xaa: {  	[sflag:s29] =	ssyncadd.s32 $0xFFFFFC00  }
0xab: {  	_ =	swait.ge [sflag:s29], $0x400  }
0xac: {  	[sflag:s29] =	ssyncset.done $0x0  }
0xad: {  	[sflag:s29] =	ssyncadd.s32 $0xFFFFFC00  }
0xae: {  	_ =	swait.ge [sflag:s29], $0x400  }
0xaf: {  	[sflag:s29] =	ssyncset.done $0x0  }
0xb0: {  	[sflag:s29] =	ssyncadd.s32 $0xFFFFFC00  }
0xb1: {  	_ =	swait.ge [sflag:s29], $0x400  }
0xb2: {  	[sflag:s29] =	ssyncset.done $0x0  }
0xb3: {  	[sflag:s29] =	ssyncadd.s32 $0xFFFFFC00  }
0xb4: {  	_ =	swait.ge [sflag:s29], $0x400  }
0xb5: {  	[sflag:s29] =	ssyncset.done $0x0  }
0xb6: {  	[sflag:s29] =	ssyncadd.s32 $0xFFFFFC00  }
0xb7: {  	_ =	swait.ge [sflag:s29], $0x400  }
0xb8: {  	[sflag:s29] =	ssyncset.done $0x0  }
0xb9: {  	[sflag:s29] =	ssyncadd.s32 $0xFFFFFC00  }
0xba: {  	_ =	swait.ge [sflag:s29], $0x400  }
0xbb: {  	[sflag:s29] =	ssyncset.done $0x0  }
0xbc: {  	[sflag:s29] =	ssyncadd.s32 $0xFFFFFC00  }
0xbd: {  	[bflag:$0x0] =	sbarrier.arrive $0xFFFF  }
0xbe: {  	[tilespmem:s20], [sflag:$0x2] =	stream.linear.gather [spmem:s9], $0x340, $0x38;
	[tilespmem:$0x1FC0] =	vst v63  }
0xbf: {  	p1 =	sne.s32 s6, $0x1;
	_ =	swait.ge [sflag:s19], $0x340  }
.Ltmp1:
0xc0: {  	[sflag:s19] =	ssyncset.done $0x0;
	(pc) =	sbr.rel @!p1 .LBB2_5-.Ltmp1, $4  }
0xc1: {  	[sflag:s19] =	ssyncadd.s32 $0xFFFFFCC0  }
0xc2: {  	[hbm4b:s2+s3] =	stream.linear.scatter [tilespmem:s20], [sflag:$0x2], $0x340, $0x38;
	[tilespmem:$0x1FC0] =	vst v63  }
0xc3: {  	s31 =	smov.u32 s9;
	_ =	swait.ge [sflag:s19], $0x340  }
0xc4: {  	s17 =	smov.u32 s2;
	s0 =	sadd.s32 $0xFFFFFFFF, s6;
	[sflag:s19] =	ssyncset.done $0x0  }
.LBB2_4:
0xc5: {  	[sflag:s19] =	ssyncadd.s32 $0xFFFFFCC0;
	s31 =	sadd.s32 $0x340, s31;
	s17 =	sadd.s32 $0x68, s17  }
0xc6: {  	[tilespmem:s20], [sflag:$0x2] =	stream.linear.gather [spmem:s31], $0x340, $0x38;
	[tilespmem:$0x1FC0] =	vst v63  }
0xc7: {  	p1 =	sne.s32 s0, $0x1;
	s0 =	sadd.s32 $0xFFFFFFFF, s0;
	_ =	swait.ge [sflag:s19], $0x340  }
.Ltmp2:
0xc8: {  	[sflag:s19] =	ssyncset.done $0x0;
	(pc) =	sbr.rel @p1 .LBB2_4-.Ltmp2, $4  }
0xc9: {  	[sflag:s19] =	ssyncadd.s32 $0xFFFFFCC0  }
0xca: {  	[hbm4b:s17+s3] =	stream.linear.scatter [tilespmem:s20], [sflag:$0x2], $0x340, $0x38;
	[tilespmem:$0x1FC0] =	vst v63  }
0xcb: {  	_ =	swait.ge [sflag:s19], $0x340  }
0xcc: {  	[sflag:s19] =	ssyncset.done $0x0  }
.LBB2_5:
0xcd: {  	[sflag:s19] =	ssyncadd.s32 $0xFFFFFCC0;
	s0 =	simm.s32 @!p0 $0x800;
	s4 =	simm.s32 @!p0 $0x2  }
0xce: {  	[tilespmem:s0], [sflag:$0x2] =	stream.linear.gather @!p0 [spmem:s7], $0x40, $0x38;
	[tilespmem:$0x1FC0] =	vst v63  }
0xcf: {  	s30 =	sadd.s32 $0x1, s30;
	_ =	swait.ge @!p0 [sflag:s4], $0x40  }
0xd0: {  	p1 =	sne.s32 s30, s10;
	[sflag:s4] =	ssyncset.done @!p0 $0x0  }
.Ltmp3:
0xd1: {  	s17 =	simm.s32 @!p0 $0x0;
	[sflag:s4] =	ssyncadd.s32 @!p0 $0xFFFFFFC0;
	(pc) =	sbr.rel @p1 .LBB2_1-.Ltmp3, $4  }
0xd2: {  	[hbm4b:s8+s17] =	stream.linear.scatter @!p0 [tilespmem:s0], [sflag:$0x2], $0x40, $0x38;
	[tilespmem:$0x1FC0] =	vst v63  }
0xd3: {  	_ =	swait.ge @!p0 [sflag:s4], $0x40  }
0xd4: {  	[sflag:s4] =	ssyncset.done @!p0 $0x0  }
0xd5: {  	[sflag:s4] =	ssyncadd.s32 @!p0 $0xFFFFFFC0  }
0xd6: {  	_ =	sfence.sel $0x180000  }
0xd7: {  	[bflag:$0x0] =	sbarrier.arrive $0xFFFF  }
0xd8: {  	_ =	strace $0x90000047  }
0xd9: {  	s0 =	stileid.u32;
	[bflag:$0x2] =	sbarrier.arrive $0xFFFF  }
0xda: {  	p0 =	sne.s32 s0, $0x0;
	s0 =	rddreg [dreg:$0x3]  }
0xdb: {  	s0 =	sadd.s32 @!p0 $0x100000, s0  }
0xdc: {  	[sflag:s0] =	ssyncadd.tile.s32 @!p0 $0x1;
	_ =	shalt  }
.Lfunc_end2:
_tile_overlayer_lowered:
.L_overlay_start_2:
0xdd: {  	(tag) =	ssettag $0x2  }
0xde: {  	s0 =	rddreg [dreg:$0x0];
	s2 =	stileid.u32  }
0xdf: {  	s1 =	rddreg [dreg:$0x1];
	p0 =	sne.s32 s2, $0x0  }
0xe0: {  	s3 =	rddreg [dreg:$0x2];
	[bflag:$0x3] =	sbarrier.arrive $0xFFFF;
	s2 =	simm.s32 @!p0 $0x1C02  }
0xe1: {  	[timem:s3], [sflag:s2] =	dma.local @!p0 [hbm:s0], s1  }
0xe2: {  	s0 =	simm.s32 @!p0 $0x2  }
0xe3: {  	_ =	swait.ge @!p0 [sflag:s0], s1  }
0xe4: {  	s1 =	ssub.s32 @!p0 $0x0, s1;
	[sflag:s0] =	ssyncset.done @!p0 $0x0  }
0xe5: {  	[sflag:s0] =	ssyncadd.s32 @!p0 s1  }
0xe6: {  	[bflag:$0x3] =	sbarrier.arrive $0xFFFF  }
0xe7: {  	_ =	shalt  }

</sc_bundles>
